<compile_context>
chip_gen: v7x
topology: tpu7x:2x2x1
jax: 0.10.2.dev20260603
libtpu: 0.0.44.dev20260713+nightly
codegen_flags: <defaults>
</compile_context>

<pallas_src>
import functools

import numpy as np

import jax
import jax.numpy as jnp
from jax import lax
from jax.experimental import pallas as pl
from jax.experimental.pallas import tpu as pltpu
from jax.experimental.pallas import tpu_sc as plsc

NUM_CLASS = 100000
K = 1000
B, S = 16, 32
T = B * S
NC, NS, L = 2, 16, 16
NW = NC * NS
TPW = T // NW
WINW = 2560
CSPLIT = 18 * WINW
CEND = 38 * WINW
MAIN = NUM_CLASS - 32
WSTARTS = [v * WINW for v in range(18)] + [CEND, MAIN - 128]
WSIZES = [WINW] * 19 + [128]
NWIN = 20
BC = 5120
NBLK = 10
BH = BC // 2
BUFW = WINW + 16


def _rotl32(x, d):
    return ((x << np.uint32(d)) | (x >> np.uint32(32 - d))).astype(np.uint32)


def _threefry2x32(kp, x0, x1):
    ks = [np.uint32(kp[0]), np.uint32(kp[1]), np.uint32(0)]
    ks[2] = np.uint32(ks[0] ^ ks[1] ^ np.uint32(0x1BD11BDA))
    rot = [(13, 15, 26, 6), (17, 29, 16, 24)]
    x = [(x0 + ks[0]).astype(np.uint32), (x1 + ks[1]).astype(np.uint32)]
    for i in range(5):
        for r in rot[i % 2]:
            x[0] = (x[0] + x[1]).astype(np.uint32)
            x[1] = _rotl32(x[1], r)
            x[1] = x[0] ^ x[1]
        x[0] = (x[0] + ks[(i + 1) % 3]).astype(np.uint32)
        x[1] = (x[1] + ks[(i + 2) % 3] + np.uint32(i + 1)).astype(np.uint32)
    return x


def _np_randint(seed, shape, span):
    kp = (np.uint32(seed >> 32), np.uint32(seed & 0xFFFFFFFF))
    b1, b2 = _threefry2x32(kp, np.zeros(2, np.uint32),
                           np.arange(2, dtype=np.uint32))
    k1, k2 = (b1[0], b2[0]), (b1[1], b2[1])
    n = int(np.prod(shape))

    def bits(k):
        h, l = _threefry2x32(k, np.zeros(n, np.uint32),
                             np.arange(n, dtype=np.uint32))
        return h ^ l

    higher, lower = bits(k1), bits(k2)
    span32 = np.uint32(span)
    mult = np.uint32((2 ** 16) % span)
    mult = np.uint32((int(mult) * int(mult)) & 0xFFFFFFFF) % span32
    off = ((higher % span32) * mult + lower % span32).astype(np.uint32)
    return (off % span32).astype(np.int32).reshape(shape)


def _build_tables():
    noise = _np_randint(12345, (B, S, K), NUM_CLASS).reshape(T, K)
    tok = np.repeat(np.arange(T), K)
    cls = noise.ravel().astype(np.int64)
    sc_side = (cls < CSPLIT) | ((cls >= CEND) & (cls < MAIN))
    tt, cc = tok[sc_side], cls[sc_side]
    vv = np.where(cc < CSPLIT, cc // WINW,
                  np.where(cc < MAIN - 128, 18, 19))
    wstarts = np.asarray(WSTARTS, np.int64)
    cnt = np.zeros((T, NWIN), np.int64)
    np.add.at(cnt, (tt, vv), 1)
    rv = cnt.max(axis=0)
    offs = np.zeros(NWIN, np.int64)
    offs[1:] = np.cumsum(rv[:-1] * L)
    total = int((rv * L).sum())
    lanes16 = np.arange(L, dtype=np.int32)
    cols = np.empty((NW, total), np.int32)
    for v in range(NWIN):
        if rv[v]:
            cols[:, offs[v]:offs[v] + rv[v] * L] = np.tile(
                WINW + lanes16, (NW, int(rv[v])))
    order = np.lexsort((cc, vv, tt))
    tt, cc, vv = tt[order], cc[order], vv[order]
    key = tt * NWIN + vv
    newgrp = np.ones(len(key), bool)
    newgrp[1:] = key[1:] != key[:-1]
    idx = np.arange(len(key))
    grpstart = np.maximum.accumulate(np.where(newgrp, idx, 0))
    rank = idx - grpstart
    w, l = tt // TPW, tt % TPW
    pos = offs[vv] + rank * L + l
    cols[w, pos] = (cc - wstarts[vv]).astype(np.int32)
    ct = np.zeros((T, NBLK * BC), np.int64)
    sfx = (cls >= CSPLIT) & (cls < CEND)
    np.add.at(ct, (tok[sfx], (cls[sfx] - CSPLIT)), 1)
    assert ct.max() < 16
    ctb = ct.reshape(T, NBLK, 2, BH)
    packed = (ctb[:, :, 0, :] | (ctb[:, :, 1, :] << 4)).astype(np.uint8)
    packed = packed.reshape(T, NBLK * BH).astype(np.int8)
    ctl = np.zeros((T, 128), np.float32)
    tail = cls >= MAIN
    np.add.at(ctl, (tok[tail], (cls[tail] - MAIN)), 1.0)
    return (cols, [int(x) for x in rv], [int(x) for x in offs], total,
            packed, ctl)


_COLS_NP, _RV, _OFFS, _TOTAL, _CNT_TC_NP, _CNT_TAIL_NP = _build_tables()

_mesh = plsc.VectorSubcoreMesh(core_axis_name="c", subcore_axis_name="s")


@functools.partial(
    pl.kernel,
    out_type=(
        jax.ShapeDtypeStruct((T, 1), jnp.float32),
        jax.ShapeDtypeStruct((T, 1), jnp.float32),
    ),
    mesh=_mesh,
    compiler_params=pltpu.CompilerParams(needs_layout_passes=False),
    scratch_types=[
        pltpu.VMEM((_TOTAL,), jnp.int32),
        pltpu.VMEM((TPW, 1), jnp.int32),
        pltpu.VMEM((TPW, BUFW), jnp.float32),
        pltpu.VMEM((TPW, BUFW), jnp.float32),
        pltpu.VMEM((TPW, 1), jnp.float32),
        pltpu.VMEM((TPW, 1), jnp.float32),
        pltpu.SemaphoreType.DMA,
    ],
)
def _sc_stream_lse(logits, cols_hbm, tcls_hbm, out_s, out_t,
                   cols_v, tcls_v, ring0, ring1, st_s, st_t, sem):
    wid = lax.axis_index("s") * NC + lax.axis_index("c")
    lanes = lax.iota(jnp.int32, L)
    zeros = lanes * 0
    row0 = pl.multiple_of(wid * TPW, 16)
    pltpu.sync_copy(cols_hbm.at[wid], cols_v)
    pltpu.sync_copy(tcls_hbm.at[pl.ds(row0, TPW)], tcls_v)
    rings = (ring0, ring1)
    neg = jnp.full((L,), -1e30, jnp.float32)
    for r in rings:
        for row in range(TPW):
            plsc.store_scatter(r, [jnp.full((L,), row, jnp.int32),
                                   WINW + lanes], neg)

    def fire(v):
        return pltpu.async_copy(
            logits.at[pl.ds(row0, TPW), pl.ds(WSTARTS[v], WSIZES[v])],
            rings[v % 2].at[:, pl.ds(0, WSIZES[v])], sem)

    desc = fire(0)
    s_vec = jnp.zeros((L,), jnp.float32)
    t_vec = jnp.zeros((L,), jnp.float32)
    tcls = plsc.load_gather(tcls_v, [lanes, zeros])
    for v in range(NWIN):
        desc.wait()
        if v + 1 < NWIN:
            desc = fire(v + 1)
        buf = rings[v % 2]
        if _RV[v]:
            off = _OFFS[v]

            @pl.loop(0, _RV[v], init_carry=s_vec, unroll=4)
            def s_vec(j, s, buf=buf, off=off):
                cvec = cols_v[pl.ds(off + j * L, L)]
                return s + jnp.exp(plsc.load_gather(buf, [lanes, cvec]))

        tc = tcls - WSTARTS[v]
        valid = (tc >= 0) & (tc < WSIZES[v])
        safe = jnp.where(valid, tc, WINW + lanes)
        tval = plsc.load_gather(buf, [lanes, safe])
        t_vec = jnp.where(valid, tval, t_vec)
    plsc.store_scatter(st_s, [lanes, zeros], s_vec)
    plsc.store_scatter(st_t, [lanes, zeros], t_vec)
    pltpu.sync_copy(st_s, out_s.at[pl.ds(row0, TPW)])
    pltpu.sync_copy(st_t, out_t.at[pl.ds(row0, TPW)])


def _tc_scan(x_ref, cnt_ref, tcls_ref, os_ref, ot_ref):
    j = pl.program_id(0)

    @pl.when(j == 0)
    def _():
        os_ref[...] = jnp.zeros_like(os_ref)
        ot_ref[...] = jnp.zeros_like(ot_ref)

    x = x_ref[...]
    colid = (lax.broadcasted_iota(jnp.int32, (T, BC), 1)
             + CSPLIT + j * BC)
    e = jnp.exp(x)
    c = cnt_ref[...].astype(jnp.int32) & 255
    lo = (c & 15).astype(jnp.float32)
    hi = (c >> 4).astype(jnp.float32)
    os_ref[...] += (jnp.sum(lo * e[:, :BH], axis=1, keepdims=True)
                    + jnp.sum(hi * e[:, BH:], axis=1, keepdims=True))
    tcls = tcls_ref[...]
    ot_ref[...] += jnp.sum(jnp.where(colid == tcls, x, 0.0), axis=1,
                           keepdims=True)


def _tc_combine(ss_ref, ts_ref, st_ref, tt_ref, tcls_ref, tail_ref,
                ctl_ref, o_ref):
    tcls = tcls_ref[...]
    tail = tail_ref[...]
    lane = lax.broadcasted_iota(jnp.int32, (T, 128), 1) + MAIN
    e_tail = jnp.where(lane < NUM_CLASS, jnp.exp(tail), 0.0)
    s_tail = jnp.sum(ctl_ref[...] * e_tail, axis=1, keepdims=True)
    t_tail = jnp.sum(jnp.where(lane == tcls, tail, 0.0), axis=1,
                     keepdims=True)
    in_tc = (tcls >= CSPLIT) & (tcls < CEND)
    t_fin = jnp.where(tcls >= MAIN, t_tail,
                      jnp.where(in_tc, tt_ref[...], ts_ref[...]))
    total = ss_ref[...] + st_ref[...] + s_tail + jnp.exp(t_fin)
    loss = jnp.log(total) - t_fin
    o_ref[0, 0] = jnp.sum(loss) * (1.0 / T)


def kernel(output, target):
    logits = output.reshape(T, NUM_CLASS)
    tcls = target.reshape(T).astype(jnp.int32)
    tcls2 = tcls.reshape(T, 1)
    s_tc, t_tc = pl.pallas_call(
        _tc_scan,
        grid=(NBLK,),
        in_specs=[
            pl.BlockSpec((T, BC), lambda j: (0, j + CSPLIT // BC)),
            pl.BlockSpec((T, BH), lambda j: (0, j)),
            pl.BlockSpec((T, 1), lambda j: (0, 0)),
        ],
        out_specs=(pl.BlockSpec((T, 1), lambda j: (0, 0)),
                   pl.BlockSpec((T, 1), lambda j: (0, 0))),
        out_shape=(jax.ShapeDtypeStruct((T, 1), jnp.float32),
                   jax.ShapeDtypeStruct((T, 1), jnp.float32)),
    )(logits, jnp.asarray(_CNT_TC_NP), tcls2)
    s_sc, t_sc = _sc_stream_lse(logits, jnp.asarray(_COLS_NP), tcls2)
    loss = pl.pallas_call(
        _tc_combine,
        grid=(1,),
        in_specs=[
            pl.BlockSpec((T, 1), lambda j: (0, 0)),
            pl.BlockSpec((T, 1), lambda j: (0, 0)),
            pl.BlockSpec((T, 1), lambda j: (0, 0)),
            pl.BlockSpec((T, 1), lambda j: (0, 0)),
            pl.BlockSpec((T, 1), lambda j: (0, 0)),
            pl.BlockSpec((T, 128), lambda j: (0, MAIN // 128)),
            pl.BlockSpec((T, 128), lambda j: (0, 0)),
        ],
        out_shape=jax.ShapeDtypeStruct((1, 1), jnp.float32),
        out_specs=pl.BlockSpec((1, 1), lambda j: (0, 0),
                               memory_space=pltpu.SMEM),
    )(s_sc, t_sc, s_tc, t_tc, tcls2, logits, jnp.asarray(_CNT_TAIL_NP))
    return loss[0, 0]

# --- scband reference (transcript-rebuilt; emitter-appended) ---
"""Pipeline reference for scband-simple-nceloss-46162308497608 (READ-ONLY COPY).

The authoritative reference and input builder live on the scoring server;
editing this copy changes nothing except your own understanding.
"""

import jax, jax.numpy as jnp
import numpy as np

NUM_CLASS = 100000
K = 1000


def setup_inputs(seed: int = 0) -> dict:
    key = jax.random.key(seed)
    k1, k2 = jax.random.split(key)
    output = jax.random.normal(k1, (16, 32, NUM_CLASS), dtype=jnp.float32)
    target = jax.random.randint(k2, (16, 32), 0, NUM_CLASS, dtype=jnp.int32)
    return {"output": output, "target": target}


def reference(output, target):
    B, S, _ = output.shape
    # NCE noise sampling: uniform over vocabulary (fixed key for determinism)
    noise = jax.random.randint(jax.random.key(12345), (B, S, K), 0, NUM_CLASS, dtype=jnp.int32)
    tgt = target.reshape(B, S, 1)
    target_scores = jnp.take_along_axis(output, tgt, axis=2)
    noise_scores = jnp.take_along_axis(output, noise, axis=2)
    all_scores = jnp.concatenate([target_scores, noise_scores], axis=2)
    all_probs = jax.nn.softmax(all_scores, axis=2)
    p0 = all_probs[:, :, 0]
    rest = jnp.sum(all_probs[:, :, 1:], axis=2)
    nce_loss = -jnp.log(p0 / (p0 + rest))
    return nce_loss.mean()

if __name__ == "__main__":
    import jax
    _d = setup_inputs()
    print(jax.jit(kernel)(*tuple(_d.values())))

</pallas_src>

<mosaic_0001>
#map = affine_map<(d0, d1) -> (0, 0)>
module attributes {stable_mosaic.version = 14 : i64} {
  func.func @_sc_stream_lse(%arg0: i32, %arg1: i32, %arg2: memref<512x100000xf32, #tpu.memory_space<hbm>>, %arg3: memref<32x12928xi32, #tpu.memory_space<hbm>>, %arg4: memref<512x1xi32, #tpu.memory_space<hbm>>, %arg5: memref<512x1xf32, #tpu.memory_space<hbm>>, %arg6: memref<512x1xf32, #tpu.memory_space<hbm>>, %arg7: memref<12928xi32, #tpu.memory_space<vmem>>, %arg8: memref<16x1xi32, #tpu.memory_space<vmem>>, %arg9: memref<16x2576xf32, #tpu.memory_space<vmem>>, %arg10: memref<16x2576xf32, #tpu.memory_space<vmem>>, %arg11: memref<16x1xf32, #tpu.memory_space<vmem>>, %arg12: memref<16x1xf32, #tpu.memory_space<vmem>>, %arg13: memref<!tpu.dma_semaphore, #tpu.memory_space<semaphore_mem>>) attributes {dimension_semantics = [#tpu.dimension_semantics<core_parallel>, #tpu.dimension_semantics<subcore_parallel>], iteration_bounds = array<i64: 2, 16>, scalar_prefetch = 0 : i64, scratch_operands = 7 : i64, tpu.core_type = #tpu.core_type<sc_vector_subcore>, window_params = [{transform_indices = #map}, {transform_indices = #map}, {transform_indices = #map}, {transform_indices = #map}, {transform_indices = #map}]} {
    %mul3A = arith.constant 2 : i32
    %mul3A_0 = arith.muli %arg1, %mul3A : i32
    %add3A = arith.addi %mul3A_0, %arg0 : i32
    %iota3A = tpu.iota {dimensions = array<i32: 0>} : vector<16xi32>
    %mul3A_1 = arith.constant 0 : i32
    %mul3A_2 = vector.broadcast %mul3A_1 : i32 to vector<16xi32>
    %mul3A_3 = arith.muli %iota3A, %mul3A_2 : vector<16xi32>
    %mul3A_4 = arith.constant 16 : i32
    %mul3A_5 = arith.muli %add3A, %mul3A_4 : i32
    %multiple_of3A = tpu.assume_multiple %mul3A_5, 16 : i32
    "tpu.region"() ({
      %run_scoped3A = tpu.sem_alloc : memref<!tpu.dma_semaphore, #tpu.memory_space<semaphore_mem>>
      %dma_start3A_1481 = arith.constant 0 : i32
      %dma_start3A_1482 = tpu.memref_slice %arg3[%add3A, %dma_start3A_1481] : memref<32x12928xi32, #tpu.memory_space<hbm>> -> memref<1x12928xi32, #tpu.memory_space<hbm>>
      %dma_start3A_1483 = tpu.memref_squeeze %dma_start3A_1482 : memref<1x12928xi32, #tpu.memory_space<hbm>> -> memref<12928xi32, #tpu.memory_space<hbm>>
      %dma_start3A_1484 = arith.constant 0 : i32
      %dma_start3A_1485 = tpu.memref_slice %arg3[%add3A, %dma_start3A_1484] : memref<32x12928xi32, #tpu.memory_space<hbm>> -> memref<1x12928xi32, #tpu.memory_space<hbm>>
      %dma_start3A_1486 = tpu.memref_squeeze %dma_start3A_1485 : memref<1x12928xi32, #tpu.memory_space<hbm>> -> memref<12928xi32, #tpu.memory_space<hbm>>
      tpu.enqueue_dma source(%dma_start3A_1486 : memref<12928xi32, #tpu.memory_space<hbm>>) target(%arg7 : memref<12928xi32, #tpu.memory_space<vmem>>) target_semaphore(%run_scoped3A : memref<!tpu.dma_semaphore, #tpu.memory_space<semaphore_mem>>)
      %dma_wait3A_1487 = arith.constant 0 : i32
      %dma_wait3A_1488 = tpu.memref_slice %arg3[%add3A, %dma_wait3A_1487] : memref<32x12928xi32, #tpu.memory_space<hbm>> -> memref<1x12928xi32, #tpu.memory_space<hbm>>
      %dma_wait3A_1489 = tpu.memref_squeeze %dma_wait3A_1488 : memref<1x12928xi32, #tpu.memory_space<hbm>> -> memref<12928xi32, #tpu.memory_space<hbm>>
      %dma_wait3A_1490 = arith.constant 0 : i32
      %dma_wait3A_1491 = tpu.memref_slice %arg3[%add3A, %dma_wait3A_1490] : memref<32x12928xi32, #tpu.memory_space<hbm>> -> memref<1x12928xi32, #tpu.memory_space<hbm>>
      %dma_wait3A_1492 = tpu.memref_squeeze %dma_wait3A_1491 : memref<1x12928xi32, #tpu.memory_space<hbm>> -> memref<12928xi32, #tpu.memory_space<hbm>>
      tpu.wait_dma2 semaphore(%run_scoped3A : memref<!tpu.dma_semaphore, #tpu.memory_space<semaphore_mem>>) src(%dma_wait3A_1492 : memref<12928xi32, #tpu.memory_space<hbm>>) dst(%arg7 : memref<12928xi32, #tpu.memory_space<vmem>>)
      tpu.yield
    }) : () -> ()
    "tpu.region"() ({
      %run_scoped3A = tpu.sem_alloc : memref<!tpu.dma_semaphore, #tpu.memory_space<semaphore_mem>>
      %dma_start3A_1481 = arith.constant 0 : i32
      %dma_start3A_1482 = tpu.memref_slice %arg4[%multiple_of3A, %dma_start3A_1481] : memref<512x1xi32, #tpu.memory_space<hbm>> -> memref<16x1xi32, #tpu.memory_space<hbm>>
      %dma_start3A_1483 = arith.constant 0 : i32
      %dma_start3A_1484 = tpu.memref_slice %arg4[%multiple_of3A, %dma_start3A_1483] : memref<512x1xi32, #tpu.memory_space<hbm>> -> memref<16x1xi32, #tpu.memory_space<hbm>>
      tpu.enqueue_dma source(%dma_start3A_1484 : memref<16x1xi32, #tpu.memory_space<hbm>>) target(%arg8 : memref<16x1xi32, #tpu.memory_space<vmem>>) target_semaphore(%run_scoped3A : memref<!tpu.dma_semaphore, #tpu.memory_space<semaphore_mem>>)
      %dma_wait3A_1485 = arith.constant 0 : i32
      %dma_wait3A_1486 = tpu.memref_slice %arg4[%multiple_of3A, %dma_wait3A_1485] : memref<512x1xi32, #tpu.memory_space<hbm>> -> memref<16x1xi32, #tpu.memory_space<hbm>>
      %dma_wait3A_1487 = arith.constant 0 : i32
      %dma_wait3A_1488 = tpu.memref_slice %arg4[%multiple_of3A, %dma_wait3A_1487] : memref<512x1xi32, #tpu.memory_space<hbm>> -> memref<16x1xi32, #tpu.memory_space<hbm>>
      tpu.wait_dma2 semaphore(%run_scoped3A : memref<!tpu.dma_semaphore, #tpu.memory_space<semaphore_mem>>) src(%dma_wait3A_1488 : memref<16x1xi32, #tpu.memory_space<hbm>>) dst(%arg8 : memref<16x1xi32, #tpu.memory_space<vmem>>)
      tpu.yield
    }) : () -> ()
    %broadcast_in_dim3A = arith.constant -1.000000e+30 : f32
    %broadcast_in_dim3A_6 = vector.broadcast %broadcast_in_dim3A : f32 to vector<16xf32>
    %broadcast_in_dim3A_7 = arith.constant 0 : i32
    %broadcast_in_dim3A_8 = vector.broadcast %broadcast_in_dim3A_7 : i32 to vector<16xi32>
    %add3A_9 = arith.constant 2560 : i32
    %add3A_10 = vector.broadcast %add3A_9 : i32 to vector<16xi32>
    %add3A_11 = arith.addi %add3A_10, %iota3A : vector<16xi32>
    tpu.vector_store_idx %arg9[%broadcast_in_dim3A_8, %add3A_11], %broadcast_in_dim3A_6 : memref<16x2576xf32, #tpu.memory_space<vmem>>[vector<16xi32>, vector<16xi32>], vector<16xf32>,
    %broadcast_in_dim3A_12 = arith.constant 1 : i32
    %broadcast_in_dim3A_13 = vector.broadcast %broadcast_in_dim3A_12 : i32 to vector<16xi32>
    %add3A_14 = arith.constant 2560 : i32
    %add3A_15 = vector.broadcast %add3A_14 : i32 to vector<16xi32>
    %add3A_16 = arith.addi %add3A_15, %iota3A : vector<16xi32>
    tpu.vector_store_idx %arg9[%broadcast_in_dim3A_13, %add3A_16], %broadcast_in_dim3A_6 : memref<16x2576xf32, #tpu.memory_space<vmem>>[vector<16xi32>, vector<16xi32>], vector<16xf32>,
    %broadcast_in_dim3A_17 = arith.constant 2 : i32
    %broadcast_in_dim3A_18 = vector.broadcast %broadcast_in_dim3A_17 : i32 to vector<16xi32>
    %add3A_19 = arith.constant 2560 : i32
    %add3A_20 = vector.broadcast %add3A_19 : i32 to vector<16xi32>
    %add3A_21 = arith.addi %add3A_20, %iota3A : vector<16xi32>
    tpu.vector_store_idx %arg9[%broadcast_in_dim3A_18, %add3A_21], %broadcast_in_dim3A_6 : memref<16x2576xf32, #tpu.memory_space<vmem>>[vector<16xi32>, vector<16xi32>], vector<16xf32>,
    %broadcast_in_dim3A_22 = arith.constant 3 : i32
    %broadcast_in_dim3A_23 = vector.broadcast %broadcast_in_dim3A_22 : i32 to vector<16xi32>
    %add3A_24 = arith.constant 2560 : i32
    %add3A_25 = vector.broadcast %add3A_24 : i32 to vector<16xi32>
    %add3A_26 = arith.addi %add3A_25, %iota3A : vector<16xi32>
    tpu.vector_store_idx %arg9[%broadcast_in_dim3A_23, %add3A_26], %broadcast_in_dim3A_6 : memref<16x2576xf32, #tpu.memory_space<vmem>>[vector<16xi32>, vector<16xi32>], vector<16xf32>,
    %broadcast_in_dim3A_27 = arith.constant 4 : i32
    %broadcast_in_dim3A_28 = vector.broadcast %broadcast_in_dim3A_27 : i32 to vector<16xi32>
    %add3A_29 = arith.constant 2560 : i32
    %add3A_30 = vector.broadcast %add3A_29 : i32 to vector<16xi32>
    %add3A_31 = arith.addi %add3A_30, %iota3A : vector<16xi32>
    tpu.vector_store_idx %arg9[%broadcast_in_dim3A_28, %add3A_31], %broadcast_in_dim3A_6 : memref<16x2576xf32, #tpu.memory_space<vmem>>[vector<16xi32>, vector<16xi32>], vector<16xf32>,
    %broadcast_in_dim3A_32 = arith.constant 5 : i32
    %broadcast_in_dim3A_33 = vector.broadcast %broadcast_in_dim3A_32 : i32 to vector<16xi32>
    %add3A_34 = arith.constant 2560 : i32
    %add3A_35 = vector.broadcast %add3A_34 : i32 to vector<16xi32>
    %add3A_36 = arith.addi %add3A_35, %iota3A : vector<16xi32>
    tpu.vector_store_idx %arg9[%broadcast_in_dim3A_33, %add3A_36], %broadcast_in_dim3A_6 : memref<16x2576xf32, #tpu.memory_space<vmem>>[vector<16xi32>, vector<16xi32>], vector<16xf32>,
    %broadcast_in_dim3A_37 = arith.constant 6 : i32
    %broadcast_in_dim3A_38 = vector.broadcast %broadcast_in_dim3A_37 : i32 to vector<16xi32>
    %add3A_39 = arith.constant 2560 : i32
    %add3A_40 = vector.broadcast %add3A_39 : i32 to vector<16xi32>
    %add3A_41 = arith.addi %add3A_40, %iota3A : vector<16xi32>
    tpu.vector_store_idx %arg9[%broadcast_in_dim3A_38, %add3A_41], %broadcast_in_dim3A_6 : memref<16x2576xf32, #tpu.memory_space<vmem>>[vector<16xi32>, vector<16xi32>], vector<16xf32>,
    %broadcast_in_dim3A_42 = arith.constant 7 : i32
    %broadcast_in_dim3A_43 = vector.broadcast %broadcast_in_dim3A_42 : i32 to vector<16xi32>
    %add3A_44 = arith.constant 2560 : i32
    %add3A_45 = vector.broadcast %add3A_44 : i32 to vector<16xi32>
    %add3A_46 = arith.addi %add3A_45, %iota3A : vector<16xi32>
    tpu.vector_store_idx %arg9[%broadcast_in_dim3A_43, %add3A_46], %broadcast_in_dim3A_6 : memref<16x2576xf32, #tpu.memory_space<vmem>>[vector<16xi32>, vector<16xi32>], vector<16xf32>,
    %broadcast_in_dim3A_47 = arith.constant 8 : i32
    %broadcast_in_dim3A_48 = vector.broadcast %broadcast_in_dim3A_47 : i32 to vector<16xi32>
    %add3A_49 = arith.constant 2560 : i32
    %add3A_50 = vector.broadcast %add3A_49 : i32 to vector<16xi32>
    %add3A_51 = arith.addi %add3A_50, %iota3A : vector<16xi32>
    tpu.vector_store_idx %arg9[%broadcast_in_dim3A_48, %add3A_51], %broadcast_in_dim3A_6 : memref<16x2576xf32, #tpu.memory_space<vmem>>[vector<16xi32>, vector<16xi32>], vector<16xf32>,
    %broadcast_in_dim3A_52 = arith.constant 9 : i32
    %broadcast_in_dim3A_53 = vector.broadcast %broadcast_in_dim3A_52 : i32 to vector<16xi32>
    %add3A_54 = arith.constant 2560 : i32
    %add3A_55 = vector.broadcast %add3A_54 : i32 to vector<16xi32>
    %add3A_56 = arith.addi %add3A_55, %iota3A : vector<16xi32>
    tpu.vector_store_idx %arg9[%broadcast_in_dim3A_53, %add3A_56], %broadcast_in_dim3A_6 : memref<16x2576xf32, #tpu.memory_space<vmem>>[vector<16xi32>, vector<16xi32>], vector<16xf32>,
    %broadcast_in_dim3A_57 = arith.constant 10 : i32
    %broadcast_in_dim3A_58 = vector.broadcast %broadcast_in_dim3A_57 : i32 to vector<16xi32>
    %add3A_59 = arith.constant 2560 : i32
    %add3A_60 = vector.broadcast %add3A_59 : i32 to vector<16xi32>
    %add3A_61 = arith.addi %add3A_60, %iota3A : vector<16xi32>
    tpu.vector_store_idx %arg9[%broadcast_in_dim3A_58, %add3A_61], %broadcast_in_dim3A_6 : memref<16x2576xf32, #tpu.memory_space<vmem>>[vector<16xi32>, vector<16xi32>], vector<16xf32>,
    %broadcast_in_dim3A_62 = arith.constant 11 : i32
    %broadcast_in_dim3A_63 = vector.broadcast %broadcast_in_dim3A_62 : i32 to vector<16xi32>
    %add3A_64 = arith.constant 2560 : i32
    %add3A_65 = vector.broadcast %add3A_64 : i32 to vector<16xi32>
    %add3A_66 = arith.addi %add3A_65, %iota3A : vector<16xi32>
    tpu.vector_store_idx %arg9[%broadcast_in_dim3A_63, %add3A_66], %broadcast_in_dim3A_6 : memref<16x2576xf32, #tpu.memory_space<vmem>>[vector<16xi32>, vector<16xi32>], vector<16xf32>,
    %broadcast_in_dim3A_67 = arith.constant 12 : i32
    %broadcast_in_dim3A_68 = vector.broadcast %broadcast_in_dim3A_67 : i32 to vector<16xi32>
    %add3A_69 = arith.constant 2560 : i32
    %add3A_70 = vector.broadcast %add3A_69 : i32 to vector<16xi32>
    %add3A_71 = arith.addi %add3A_70, %iota3A : vector<16xi32>
    tpu.vector_store_idx %arg9[%broadcast_in_dim3A_68, %add3A_71], %broadcast_in_dim3A_6 : memref<16x2576xf32, #tpu.memory_space<vmem>>[vector<16xi32>, vector<16xi32>], vector<16xf32>,
    %broadcast_in_dim3A_72 = arith.constant 13 : i32
    %broadcast_in_dim3A_73 = vector.broadcast %broadcast_in_dim3A_72 : i32 to vector<16xi32>
    %add3A_74 = arith.constant 2560 : i32
    %add3A_75 = vector.broadcast %add3A_74 : i32 to vector<16xi32>
    %add3A_76 = arith.addi %add3A_75, %iota3A : vector<16xi32>
    tpu.vector_store_idx %arg9[%broadcast_in_dim3A_73, %add3A_76], %broadcast_in_dim3A_6 : memref<16x2576xf32, #tpu.memory_space<vmem>>[vector<16xi32>, vector<16xi32>], vector<16xf32>,
    %broadcast_in_dim3A_77 = arith.constant 14 : i32
    %broadcast_in_dim3A_78 = vector.broadcast %broadcast_in_dim3A_77 : i32 to vector<16xi32>
    %add3A_79 = arith.constant 2560 : i32
    %add3A_80 = vector.broadcast %add3A_79 : i32 to vector<16xi32>
    %add3A_81 = arith.addi %add3A_80, %iota3A : vector<16xi32>
    tpu.vector_store_idx %arg9[%broadcast_in_dim3A_78, %add3A_81], %broadcast_in_dim3A_6 : memref<16x2576xf32, #tpu.memory_space<vmem>>[vector<16xi32>, vector<16xi32>], vector<16xf32>,
    %broadcast_in_dim3A_82 = arith.constant 15 : i32
    %broadcast_in_dim3A_83 = vector.broadcast %broadcast_in_dim3A_82 : i32 to vector<16xi32>
    %add3A_84 = arith.constant 2560 : i32
    %add3A_85 = vector.broadcast %add3A_84 : i32 to vector<16xi32>
    %add3A_86 = arith.addi %add3A_85, %iota3A : vector<16xi32>
    tpu.vector_store_idx %arg9[%broadcast_in_dim3A_83, %add3A_86], %broadcast_in_dim3A_6 : memref<16x2576xf32, #tpu.memory_space<vmem>>[vector<16xi32>, vector<16xi32>], vector<16xf32>,
    %broadcast_in_dim3A_87 = arith.constant 0 : i32
    %broadcast_in_dim3A_88 = vector.broadcast %broadcast_in_dim3A_87 : i32 to vector<16xi32>
    %add3A_89 = arith.constant 2560 : i32
    %add3A_90 = vector.broadcast %add3A_89 : i32 to vector<16xi32>
    %add3A_91 = arith.addi %add3A_90, %iota3A : vector<16xi32>
    tpu.vector_store_idx %arg10[%broadcast_in_dim3A_88, %add3A_91], %broadcast_in_dim3A_6 : memref<16x2576xf32, #tpu.memory_space<vmem>>[vector<16xi32>, vector<16xi32>], vector<16xf32>,
    %broadcast_in_dim3A_92 = arith.constant 1 : i32
    %broadcast_in_dim3A_93 = vector.broadcast %broadcast_in_dim3A_92 : i32 to vector<16xi32>
    %add3A_94 = arith.constant 2560 : i32
    %add3A_95 = vector.broadcast %add3A_94 : i32 to vector<16xi32>
    %add3A_96 = arith.addi %add3A_95, %iota3A : vector<16xi32>
    tpu.vector_store_idx %arg10[%broadcast_in_dim3A_93, %add3A_96], %broadcast_in_dim3A_6 : memref<16x2576xf32, #tpu.memory_space<vmem>>[vector<16xi32>, vector<16xi32>], vector<16xf32>,
    %broadcast_in_dim3A_97 = arith.constant 2 : i32
    %broadcast_in_dim3A_98 = vector.broadcast %broadcast_in_dim3A_97 : i32 to vector<16xi32>
    %add3A_99 = arith.constant 2560 : i32
    %add3A_100 = vector.broadcast %add3A_99 : i32 to vector<16xi32>
    %add3A_101 = arith.addi %add3A_100, %iota3A : vector<16xi32>
    tpu.vector_store_idx %arg10[%broadcast_in_dim3A_98, %add3A_101], %broadcast_in_dim3A_6 : memref<16x2576xf32, #tpu.memory_space<vmem>>[vector<16xi32>, vector<16xi32>], vector<16xf32>,
    %broadcast_in_dim3A_102 = arith.constant 3 : i32
    %broadcast_in_dim3A_103 = vector.broadcast %broadcast_in_dim3A_102 : i32 to vector<16xi32>
    %add3A_104 = arith.constant 2560 : i32
    %add3A_105 = vector.broadcast %add3A_104 : i32 to vector<16xi32>
    %add3A_106 = arith.addi %add3A_105, %iota3A : vector<16xi32>
    tpu.vector_store_idx %arg10[%broadcast_in_dim3A_103, %add3A_106], %broadcast_in_dim3A_6 : memref<16x2576xf32, #tpu.memory_space<vmem>>[vector<16xi32>, vector<16xi32>], vector<16xf32>,
    %broadcast_in_dim3A_107 = arith.constant 4 : i32
    %broadcast_in_dim3A_108 = vector.broadcast %broadcast_in_dim3A_107 : i32 to vector<16xi32>
    %add3A_109 = arith.constant 2560 : i32
    %add3A_110 = vector.broadcast %add3A_109 : i32 to vector<16xi32>
    %add3A_111 = arith.addi %add3A_110, %iota3A : vector<16xi32>
    tpu.vector_store_idx %arg10[%broadcast_in_dim3A_108, %add3A_111], %broadcast_in_dim3A_6 : memref<16x2576xf32, #tpu.memory_space<vmem>>[vector<16xi32>, vector<16xi32>], vector<16xf32>,
    %broadcast_in_dim3A_112 = arith.constant 5 : i32
    %broadcast_in_dim3A_113 = vector.broadcast %broadcast_in_dim3A_112 : i32 to vector<16xi32>
    %add3A_114 = arith.constant 2560 : i32
    %add3A_115 = vector.broadcast %add3A_114 : i32 to vector<16xi32>
    %add3A_116 = arith.addi %add3A_115, %iota3A : vector<16xi32>
    tpu.vector_store_idx %arg10[%broadcast_in_dim3A_113, %add3A_116], %broadcast_in_dim3A_6 : memref<16x2576xf32, #tpu.memory_space<vmem>>[vector<16xi32>, vector<16xi32>], vector<16xf32>,
    %broadcast_in_dim3A_117 = arith.constant 6 : i32
    %broadcast_in_dim3A_118 = vector.broadcast %broadcast_in_dim3A_117 : i32 to vector<16xi32>
    %add3A_119 = arith.constant 2560 : i32
    %add3A_120 = vector.broadcast %add3A_119 : i32 to vector<16xi32>
    %add3A_121 = arith.addi %add3A_120, %iota3A : vector<16xi32>
    tpu.vector_store_idx %arg10[%broadcast_in_dim3A_118, %add3A_121], %broadcast_in_dim3A_6 : memref<16x2576xf32, #tpu.memory_space<vmem>>[vector<16xi32>, vector<16xi32>], vector<16xf32>,
    %broadcast_in_dim3A_122 = arith.constant 7 : i32
    %broadcast_in_dim3A_123 = vector.broadcast %broadcast_in_dim3A_122 : i32 to vector<16xi32>
    %add3A_124 = arith.constant 2560 : i32
    %add3A_125 = vector.broadcast %add3A_124 : i32 to vector<16xi32>
    %add3A_126 = arith.addi %add3A_125, %iota3A : vector<16xi32>
    tpu.vector_store_idx %arg10[%broadcast_in_dim3A_123, %add3A_126], %broadcast_in_dim3A_6 : memref<16x2576xf32, #tpu.memory_space<vmem>>[vector<16xi32>, vector<16xi32>], vector<16xf32>,
    %broadcast_in_dim3A_127 = arith.constant 8 : i32
    %broadcast_in_dim3A_128 = vector.broadcast %broadcast_in_dim3A_127 : i32 to vector<16xi32>
    %add3A_129 = arith.constant 2560 : i32
    %add3A_130 = vector.broadcast %add3A_129 : i32 to vector<16xi32>
    %add3A_131 = arith.addi %add3A_130, %iota3A : vector<16xi32>
    tpu.vector_store_idx %arg10[%broadcast_in_dim3A_128, %add3A_131], %broadcast_in_dim3A_6 : memref<16x2576xf32, #tpu.memory_space<vmem>>[vector<16xi32>, vector<16xi32>], vector<16xf32>,
    %broadcast_in_dim3A_132 = arith.constant 9 : i32
    %broadcast_in_dim3A_133 = vector.broadcast %broadcast_in_dim3A_132 : i32 to vector<16xi32>
    %add3A_134 = arith.constant 2560 : i32
    %add3A_135 = vector.broadcast %add3A_134 : i32 to vector<16xi32>
    %add3A_136 = arith.addi %add3A_135, %iota3A : vector<16xi32>
    tpu.vector_store_idx %arg10[%broadcast_in_dim3A_133, %add3A_136], %broadcast_in_dim3A_6 : memref<16x2576xf32, #tpu.memory_space<vmem>>[vector<16xi32>, vector<16xi32>], vector<16xf32>,
    %broadcast_in_dim3A_137 = arith.constant 10 : i32
    %broadcast_in_dim3A_138 = vector.broadcast %broadcast_in_dim3A_137 : i32 to vector<16xi32>
    %add3A_139 = arith.constant 2560 : i32
    %add3A_140 = vector.broadcast %add3A_139 : i32 to vector<16xi32>
    %add3A_141 = arith.addi %add3A_140, %iota3A : vector<16xi32>
    tpu.vector_store_idx %arg10[%broadcast_in_dim3A_138, %add3A_141], %broadcast_in_dim3A_6 : memref<16x2576xf32, #tpu.memory_space<vmem>>[vector<16xi32>, vector<16xi32>], vector<16xf32>,
    %broadcast_in_dim3A_142 = arith.constant 11 : i32
    %broadcast_in_dim3A_143 = vector.broadcast %broadcast_in_dim3A_142 : i32 to vector<16xi32>
    %add3A_144 = arith.constant 2560 : i32
    %add3A_145 = vector.broadcast %add3A_144 : i32 to vector<16xi32>
    %add3A_146 = arith.addi %add3A_145, %iota3A : vector<16xi32>
    tpu.vector_store_idx %arg10[%broadcast_in_dim3A_143, %add3A_146], %broadcast_in_dim3A_6 : memref<16x2576xf32, #tpu.memory_space<vmem>>[vector<16xi32>, vector<16xi32>], vector<16xf32>,
    %broadcast_in_dim3A_147 = arith.constant 12 : i32
    %broadcast_in_dim3A_148 = vector.broadcast %broadcast_in_dim3A_147 : i32 to vector<16xi32>
    %add3A_149 = arith.constant 2560 : i32
    %add3A_150 = vector.broadcast %add3A_149 : i32 to vector<16xi32>
    %add3A_151 = arith.addi %add3A_150, %iota3A : vector<16xi32>
    tpu.vector_store_idx %arg10[%broadcast_in_dim3A_148, %add3A_151], %broadcast_in_dim3A_6 : memref<16x2576xf32, #tpu.memory_space<vmem>>[vector<16xi32>, vector<16xi32>], vector<16xf32>,
    %broadcast_in_dim3A_152 = arith.constant 13 : i32
    %broadcast_in_dim3A_153 = vector.broadcast %broadcast_in_dim3A_152 : i32 to vector<16xi32>
    %add3A_154 = arith.constant 2560 : i32
    %add3A_155 = vector.broadcast %add3A_154 : i32 to vector<16xi32>
    %add3A_156 = arith.addi %add3A_155, %iota3A : vector<16xi32>
    tpu.vector_store_idx %arg10[%broadcast_in_dim3A_153, %add3A_156], %broadcast_in_dim3A_6 : memref<16x2576xf32, #tpu.memory_space<vmem>>[vector<16xi32>, vector<16xi32>], vector<16xf32>,
    %broadcast_in_dim3A_157 = arith.constant 14 : i32
    %broadcast_in_dim3A_158 = vector.broadcast %broadcast_in_dim3A_157 : i32 to vector<16xi32>
    %add3A_159 = arith.constant 2560 : i32
    %add3A_160 = vector.broadcast %add3A_159 : i32 to vector<16xi32>
    %add3A_161 = arith.addi %add3A_160, %iota3A : vector<16xi32>
    tpu.vector_store_idx %arg10[%broadcast_in_dim3A_158, %add3A_161], %broadcast_in_dim3A_6 : memref<16x2576xf32, #tpu.memory_space<vmem>>[vector<16xi32>, vector<16xi32>], vector<16xf32>,
    %broadcast_in_dim3A_162 = arith.constant 15 : i32
    %broadcast_in_dim3A_163 = vector.broadcast %broadcast_in_dim3A_162 : i32 to vector<16xi32>
    %add3A_164 = arith.constant 2560 : i32
    %add3A_165 = vector.broadcast %add3A_164 : i32 to vector<16xi32>
    %add3A_166 = arith.addi %add3A_165, %iota3A : vector<16xi32>
    tpu.vector_store_idx %arg10[%broadcast_in_dim3A_163, %add3A_166], %broadcast_in_dim3A_6 : memref<16x2576xf32, #tpu.memory_space<vmem>>[vector<16xi32>, vector<16xi32>], vector<16xf32>,
    %dma_start3A = arith.constant 0 : i32
    %dma_start3A_167 = arith.constant 0 : i32
    %dma_start3A_168 = tpu.memref_slice %arg9[%dma_start3A, %dma_start3A_167] : memref<16x2576xf32, #tpu.memory_space<vmem>> -> memref<16x2560xf32, #tpu.memory_space<vmem>>
    %dma_start3A_169 = arith.constant 0 : i32
    %dma_start3A_170 = tpu.memref_slice %arg2[%multiple_of3A, %dma_start3A_169] : memref<512x100000xf32, #tpu.memory_space<hbm>> -> memref<16x2560xf32, #tpu.memory_space<hbm>>
    %dma_start3A_171 = arith.constant 0 : i32
    %dma_start3A_172 = arith.constant 0 : i32
    %dma_start3A_173 = tpu.memref_slice %arg9[%dma_start3A_171, %dma_start3A_172] : memref<16x2576xf32, #tpu.memory_space<vmem>> -> memref<16x2560xf32, #tpu.memory_space<vmem>>
    %dma_start3A_174 = arith.constant 0 : i32
    %dma_start3A_175 = tpu.memref_slice %arg2[%multiple_of3A, %dma_start3A_174] : memref<512x100000xf32, #tpu.memory_space<hbm>> -> memref<16x2560xf32, #tpu.memory_space<hbm>>
    tpu.enqueue_dma source(%dma_start3A_175 : memref<16x2560xf32, #tpu.memory_space<hbm>>) target(%dma_start3A_173 : memref<16x2560xf32, #tpu.memory_space<vmem>>) target_semaphore(%arg13 : memref<!tpu.dma_semaphore, #tpu.memory_space<semaphore_mem>>)
    %broadcast_in_dim3A_176 = arith.constant 0.000000e+00 : f32
    %broadcast_in_dim3A_177 = vector.broadcast %broadcast_in_dim3A_176 : f32 to vector<16xf32>
    %broadcast_in_dim3A_178 = arith.constant 0.000000e+00 : f32
    %broadcast_in_dim3A_179 = vector.broadcast %broadcast_in_dim3A_178 : f32 to vector<16xf32>
    %gather3A = tpu.vector_load_idx %arg8[%iota3A, %mul3A_3] : memref<16x1xi32, #tpu.memory_space<vmem>>[vector<16xi32>, vector<16xi32>], vector<16xi32>,
    %dma_wait3A = arith.constant 0 : i32
    %dma_wait3A_180 = arith.constant 0 : i32
    %dma_wait3A_181 = tpu.memref_slice %arg9[%dma_wait3A, %dma_wait3A_180] : memref<16x2576xf32, #tpu.memory_space<vmem>> -> memref<16x2560xf32, #tpu.memory_space<vmem>>
    %dma_wait3A_182 = arith.constant 0 : i32
    %dma_wait3A_183 = tpu.memref_slice %arg2[%multiple_of3A, %dma_wait3A_182] : memref<512x100000xf32, #tpu.memory_space<hbm>> -> memref<16x2560xf32, #tpu.memory_space<hbm>>
    %dma_wait3A_184 = arith.constant 0 : i32
    %dma_wait3A_185 = arith.constant 0 : i32
    %dma_wait3A_186 = tpu.memref_slice %arg9[%dma_wait3A_184, %dma_wait3A_185] : memref<16x2576xf32, #tpu.memory_space<vmem>> -> memref<16x2560xf32, #tpu.memory_space<vmem>>
    %dma_wait3A_187 = arith.constant 0 : i32
    %dma_wait3A_188 = tpu.memref_slice %arg2[%multiple_of3A, %dma_wait3A_187] : memref<512x100000xf32, #tpu.memory_space<hbm>> -> memref<16x2560xf32, #tpu.memory_space<hbm>>
    tpu.wait_dma2 semaphore(%arg13 : memref<!tpu.dma_semaphore, #tpu.memory_space<semaphore_mem>>) src(%dma_wait3A_188 : memref<16x2560xf32, #tpu.memory_space<hbm>>) dst(%dma_wait3A_186 : memref<16x2560xf32, #tpu.memory_space<vmem>>)
    %dma_start3A_189 = arith.constant 0 : i32
    %dma_start3A_190 = arith.constant 0 : i32
    %dma_start3A_191 = tpu.memref_slice %arg10[%dma_start3A_189, %dma_start3A_190] : memref<16x2576xf32, #tpu.memory_space<vmem>> -> memref<16x2560xf32, #tpu.memory_space<vmem>>
    %dma_start3A_192 = arith.constant 2560 : i32
    %dma_start3A_193 = tpu.memref_slice %arg2[%multiple_of3A, %dma_start3A_192] : memref<512x100000xf32, #tpu.memory_space<hbm>> -> memref<16x2560xf32, #tpu.memory_space<hbm>>
    %dma_start3A_194 = arith.constant 0 : i32
    %dma_start3A_195 = arith.constant 0 : i32
    %dma_start3A_196 = tpu.memref_slice %arg10[%dma_start3A_194, %dma_start3A_195] : memref<16x2576xf32, #tpu.memory_space<vmem>> -> memref<16x2560xf32, #tpu.memory_space<vmem>>
    %dma_start3A_197 = arith.constant 2560 : i32
    %dma_start3A_198 = tpu.memref_slice %arg2[%multiple_of3A, %dma_start3A_197] : memref<512x100000xf32, #tpu.memory_space<hbm>> -> memref<16x2560xf32, #tpu.memory_space<hbm>>
    tpu.enqueue_dma source(%dma_start3A_198 : memref<16x2560xf32, #tpu.memory_space<hbm>>) target(%dma_start3A_196 : memref<16x2560xf32, #tpu.memory_space<vmem>>) target_semaphore(%arg13 : memref<!tpu.dma_semaphore, #tpu.memory_space<semaphore_mem>>)
    %scan3A = arith.constant 0 : i32
    %scan3A_199 = arith.constant 44 : i32
    %scan3A_200 = arith.addi %scan3A, %scan3A_199 : i32
    %scan3A_201 = arith.constant 4 : i32
    %scan3A_202 = scf.for %scan3A_1481 = %scan3A to %scan3A_200 step %scan3A_201 iter_args(%scan3A_1482 = %broadcast_in_dim3A_177) -> (vector<16xf32>)  : i32 {
      %mul3A_1483 = arith.constant 1 : i32
      %mul3A_1484 = arith.muli %scan3A_1481, %mul3A_1483 : i32
      %add3A_1485 = arith.constant 0 : i32
      %add3A_1486 = arith.addi %add3A_1485, %mul3A_1484 : i32
      %mul3A_1487 = arith.constant 16 : i32
      %mul3A_1488 = arith.muli %add3A_1486, %mul3A_1487 : i32
      %add3A_1489 = arith.constant 0 : i32
      %add3A_1490 = arith.addi %add3A_1489, %mul3A_1488 : i32
      %get3A_1491 = arith.index_cast %add3A_1490 : i32 to index
      %get3A_1492 = tpu.vector_load %arg7[%get3A_1491] {strides = array<i32>} : memref<12928xi32, #tpu.memory_space<vmem>>, vector<16xi32>,
      %gather3A_1493 = tpu.vector_load_idx %arg9[%iota3A, %get3A_1492] : memref<16x2576xf32, #tpu.memory_space<vmem>>[vector<16xi32>, vector<16xi32>], vector<16xf32>,
      %exp3A_1494 = math.exp %gather3A_1493 : vector<16xf32>
      %add3A_1495 = arith.addf %scan3A_1482, %exp3A_1494 : vector<16xf32>
      %scan3A_1496 = arith.constant 1 : i32
      %scan3A_1497 = arith.addi %scan3A_1481, %scan3A_1496 : i32
      %mul3A_1498 = arith.constant 1 : i32
      %mul3A_1499 = arith.muli %scan3A_1497, %mul3A_1498 : i32
      %add3A_1500 = arith.constant 0 : i32
      %add3A_1501 = arith.addi %add3A_1500, %mul3A_1499 : i32
      %mul3A_1502 = arith.constant 16 : i32
      %mul3A_1503 = arith.muli %add3A_1501, %mul3A_1502 : i32
      %add3A_1504 = arith.constant 0 : i32
      %add3A_1505 = arith.addi %add3A_1504, %mul3A_1503 : i32
      %get3A_1506 = arith.index_cast %add3A_1505 : i32 to index
      %get3A_1507 = tpu.vector_load %arg7[%get3A_1506] {strides = array<i32>} : memref<12928xi32, #tpu.memory_space<vmem>>, vector<16xi32>,
      %gather3A_1508 = tpu.vector_load_idx %arg9[%iota3A, %get3A_1507] : memref<16x2576xf32, #tpu.memory_space<vmem>>[vector<16xi32>, vector<16xi32>], vector<16xf32>,
      %exp3A_1509 = math.exp %gather3A_1508 : vector<16xf32>
      %add3A_1510 = arith.addf %add3A_1495, %exp3A_1509 : vector<16xf32>
      %scan3A_1511 = arith.constant 2 : i32
      %scan3A_1512 = arith.addi %scan3A_1481, %scan3A_1511 : i32
      %mul3A_1513 = arith.constant 1 : i32
      %mul3A_1514 = arith.muli %scan3A_1512, %mul3A_1513 : i32
      %add3A_1515 = arith.constant 0 : i32
      %add3A_1516 = arith.addi %add3A_1515, %mul3A_1514 : i32
      %mul3A_1517 = arith.constant 16 : i32
      %mul3A_1518 = arith.muli %add3A_1516, %mul3A_1517 : i32
      %add3A_1519 = arith.constant 0 : i32
      %add3A_1520 = arith.addi %add3A_1519, %mul3A_1518 : i32
      %get3A_1521 = arith.index_cast %add3A_1520 : i32 to index
      %get3A_1522 = tpu.vector_load %arg7[%get3A_1521] {strides = array<i32>} : memref<12928xi32, #tpu.memory_space<vmem>>, vector<16xi32>,
      %gather3A_1523 = tpu.vector_load_idx %arg9[%iota3A, %get3A_1522] : memref<16x2576xf32, #tpu.memory_space<vmem>>[vector<16xi32>, vector<16xi32>], vector<16xf32>,
      %exp3A_1524 = math.exp %gather3A_1523 : vector<16xf32>
      %add3A_1525 = arith.addf %add3A_1510, %exp3A_1524 : vector<16xf32>
      %scan3A_1526 = arith.constant 3 : i32
      %scan3A_1527 = arith.addi %scan3A_1481, %scan3A_1526 : i32
      %mul3A_1528 = arith.constant 1 : i32
      %mul3A_1529 = arith.muli %scan3A_1527, %mul3A_1528 : i32
      %add3A_1530 = arith.constant 0 : i32
      %add3A_1531 = arith.addi %add3A_1530, %mul3A_1529 : i32
      %mul3A_1532 = arith.constant 16 : i32
      %mul3A_1533 = arith.muli %add3A_1531, %mul3A_1532 : i32
      %add3A_1534 = arith.constant 0 : i32
      %add3A_1535 = arith.addi %add3A_1534, %mul3A_1533 : i32
      %get3A_1536 = arith.index_cast %add3A_1535 : i32 to index
      %get3A_1537 = tpu.vector_load %arg7[%get3A_1536] {strides = array<i32>} : memref<12928xi32, #tpu.memory_space<vmem>>, vector<16xi32>,
      %gather3A_1538 = tpu.vector_load_idx %arg9[%iota3A, %get3A_1537] : memref<16x2576xf32, #tpu.memory_space<vmem>>[vector<16xi32>, vector<16xi32>], vector<16xf32>,
      %exp3A_1539 = math.exp %gather3A_1538 : vector<16xf32>
      %add3A_1540 = arith.addf %add3A_1525, %exp3A_1539 : vector<16xf32>
      scf.yield %add3A_1540 : vector<16xf32>
    }
    %scan3A_203 = arith.constant 44 : i32
    %scan3A_204 = arith.addi %scan3A, %scan3A_203 : i32
    %mul3A_205 = arith.constant 1 : i32
    %mul3A_206 = arith.muli %scan3A_204, %mul3A_205 : i32
    %add3A_207 = arith.constant 0 : i32
    %add3A_208 = arith.addi %add3A_207, %mul3A_206 : i32
    %mul3A_209 = arith.constant 16 : i32
    %mul3A_210 = arith.muli %add3A_208, %mul3A_209 : i32
    %add3A_211 = arith.constant 0 : i32
    %add3A_212 = arith.addi %add3A_211, %mul3A_210 : i32
    %get3A = arith.index_cast %add3A_212 : i32 to index
    %get3A_213 = tpu.vector_load %arg7[%get3A] {strides = array<i32>} : memref<12928xi32, #tpu.memory_space<vmem>>, vector<16xi32>,
    %gather3A_214 = tpu.vector_load_idx %arg9[%iota3A, %get3A_213] : memref<16x2576xf32, #tpu.memory_space<vmem>>[vector<16xi32>, vector<16xi32>], vector<16xf32>,
    %exp3A = math.exp %gather3A_214 : vector<16xf32>
    %add3A_215 = arith.addf %scan3A_202, %exp3A : vector<16xf32>
    %scan3A_216 = arith.constant 45 : i32
    %sub3A = arith.constant 0 : i32
    %sub3A_217 = vector.broadcast %sub3A : i32 to vector<16xi32>
    %sub3A_218 = arith.subi %gather3A, %sub3A_217 : vector<16xi32>
    %ge3A = arith.constant 0 : i32
    %ge3A_219 = vector.broadcast %ge3A : i32 to vector<16xi32>
    %ge3A_220 = arith.cmpi sge, %sub3A_218, %ge3A_219 : vector<16xi32>
    %lt3A = arith.constant 2560 : i32
    %lt3A_221 = vector.broadcast %lt3A : i32 to vector<16xi32>
    %lt3A_222 = arith.cmpi slt, %sub3A_218, %lt3A_221 : vector<16xi32>
    %and3A = arith.andi %ge3A_220, %lt3A_222 : vector<16xi1>
    %add3A_223 = arith.constant 2560 : i32
    %add3A_224 = vector.broadcast %add3A_223 : i32 to vector<16xi32>
    %add3A_225 = arith.addi %add3A_224, %iota3A : vector<16xi32>
    %select_n3A = arith.select %and3A, %sub3A_218, %add3A_225 : vector<16xi1>, vector<16xi32>
    %gather3A_226 = tpu.vector_load_idx %arg9[%iota3A, %select_n3A] : memref<16x2576xf32, #tpu.memory_space<vmem>>[vector<16xi32>, vector<16xi32>], vector<16xf32>,
    %select_n3A_227 = arith.select %and3A, %gather3A_226, %broadcast_in_dim3A_179 : vector<16xi1>, vector<16xf32>
    %dma_wait3A_228 = arith.constant 0 : i32
    %dma_wait3A_229 = arith.constant 0 : i32
    %dma_wait3A_230 = tpu.memref_slice %arg10[%dma_wait3A_228, %dma_wait3A_229] : memref<16x2576xf32, #tpu.memory_space<vmem>> -> memref<16x2560xf32, #tpu.memory_space<vmem>>
    %dma_wait3A_231 = arith.constant 2560 : i32
    %dma_wait3A_232 = tpu.memref_slice %arg2[%multiple_of3A, %dma_wait3A_231] : memref<512x100000xf32, #tpu.memory_space<hbm>> -> memref<16x2560xf32, #tpu.memory_space<hbm>>
    %dma_wait3A_233 = arith.constant 0 : i32
    %dma_wait3A_234 = arith.constant 0 : i32
    %dma_wait3A_235 = tpu.memref_slice %arg10[%dma_wait3A_233, %dma_wait3A_234] : memref<16x2576xf32, #tpu.memory_space<vmem>> -> memref<16x2560xf32, #tpu.memory_space<vmem>>
    %dma_wait3A_236 = arith.constant 2560 : i32
    %dma_wait3A_237 = tpu.memref_slice %arg2[%multiple_of3A, %dma_wait3A_236] : memref<512x100000xf32, #tpu.memory_space<hbm>> -> memref<16x2560xf32, #tpu.memory_space<hbm>>
    tpu.wait_dma2 semaphore(%arg13 : memref<!tpu.dma_semaphore, #tpu.memory_space<semaphore_mem>>) src(%dma_wait3A_237 : memref<16x2560xf32, #tpu.memory_space<hbm>>) dst(%dma_wait3A_235 : memref<16x2560xf32, #tpu.memory_space<vmem>>)
    %dma_start3A_238 = arith.constant 0 : i32
    %dma_start3A_239 = arith.constant 0 : i32
    %dma_start3A_240 = tpu.memref_slice %arg9[%dma_start3A_238, %dma_start3A_239] : memref<16x2576xf32, #tpu.memory_space<vmem>> -> memref<16x2560xf32, #tpu.memory_space<vmem>>
    %dma_start3A_241 = arith.constant 5120 : i32
    %dma_start3A_242 = tpu.memref_slice %arg2[%multiple_of3A, %dma_start3A_241] : memref<512x100000xf32, #tpu.memory_space<hbm>> -> memref<16x2560xf32, #tpu.memory_space<hbm>>
    %dma_start3A_243 = arith.constant 0 : i32
    %dma_start3A_244 = arith.constant 0 : i32
    %dma_start3A_245 = tpu.memref_slice %arg9[%dma_start3A_243, %dma_start3A_244] : memref<16x2576xf32, #tpu.memory_space<vmem>> -> memref<16x2560xf32, #tpu.memory_space<vmem>>
    %dma_start3A_246 = arith.constant 5120 : i32
    %dma_start3A_247 = tpu.memref_slice %arg2[%multiple_of3A, %dma_start3A_246] : memref<512x100000xf32, #tpu.memory_space<hbm>> -> memref<16x2560xf32, #tpu.memory_space<hbm>>
    tpu.enqueue_dma source(%dma_start3A_247 : memref<16x2560xf32, #tpu.memory_space<hbm>>) target(%dma_start3A_245 : memref<16x2560xf32, #tpu.memory_space<vmem>>) target_semaphore(%arg13 : memref<!tpu.dma_semaphore, #tpu.memory_space<semaphore_mem>>)
    %scan3A_248 = arith.constant 0 : i32
    %scan3A_249 = arith.constant 40 : i32
    %scan3A_250 = arith.addi %scan3A_248, %scan3A_249 : i32
    %scan3A_251 = arith.constant 4 : i32
    %scan3A_252 = scf.for %scan3A_1481 = %scan3A_248 to %scan3A_250 step %scan3A_251 iter_args(%scan3A_1482 = %add3A_215) -> (vector<16xf32>)  : i32 {
      %mul3A_1483 = arith.constant 1 : i32
      %mul3A_1484 = arith.muli %scan3A_1481, %mul3A_1483 : i32
      %add3A_1485 = arith.constant 0 : i32
      %add3A_1486 = arith.addi %add3A_1485, %mul3A_1484 : i32
      %mul3A_1487 = arith.constant 16 : i32
      %mul3A_1488 = arith.muli %add3A_1486, %mul3A_1487 : i32
      %add3A_1489 = arith.constant 720 : i32
      %add3A_1490 = arith.addi %add3A_1489, %mul3A_1488 : i32
      %get3A_1491 = arith.index_cast %add3A_1490 : i32 to index
      %get3A_1492 = tpu.vector_load %arg7[%get3A_1491] {strides = array<i32>} : memref<12928xi32, #tpu.memory_space<vmem>>, vector<16xi32>,
      %gather3A_1493 = tpu.vector_load_idx %arg10[%iota3A, %get3A_1492] : memref<16x2576xf32, #tpu.memory_space<vmem>>[vector<16xi32>, vector<16xi32>], vector<16xf32>,
      %exp3A_1494 = math.exp %gather3A_1493 : vector<16xf32>
      %add3A_1495 = arith.addf %scan3A_1482, %exp3A_1494 : vector<16xf32>
      %scan3A_1496 = arith.constant 1 : i32
      %scan3A_1497 = arith.addi %scan3A_1481, %scan3A_1496 : i32
      %mul3A_1498 = arith.constant 1 : i32
      %mul3A_1499 = arith.muli %scan3A_1497, %mul3A_1498 : i32
      %add3A_1500 = arith.constant 0 : i32
      %add3A_1501 = arith.addi %add3A_1500, %mul3A_1499 : i32
      %mul3A_1502 = arith.constant 16 : i32
      %mul3A_1503 = arith.muli %add3A_1501, %mul3A_1502 : i32
      %add3A_1504 = arith.constant 720 : i32
      %add3A_1505 = arith.addi %add3A_1504, %mul3A_1503 : i32
      %get3A_1506 = arith.index_cast %add3A_1505 : i32 to index
      %get3A_1507 = tpu.vector_load %arg7[%get3A_1506] {strides = array<i32>} : memref<12928xi32, #tpu.memory_space<vmem>>, vector<16xi32>,
      %gather3A_1508 = tpu.vector_load_idx %arg10[%iota3A, %get3A_1507] : memref<16x2576xf32, #tpu.memory_space<vmem>>[vector<16xi32>, vector<16xi32>], vector<16xf32>,
      %exp3A_1509 = math.exp %gather3A_1508 : vector<16xf32>
      %add3A_1510 = arith.addf %add3A_1495, %exp3A_1509 : vector<16xf32>
      %scan3A_1511 = arith.constant 2 : i32
      %scan3A_1512 = arith.addi %scan3A_1481, %scan3A_1511 : i32
      %mul3A_1513 = arith.constant 1 : i32
      %mul3A_1514 = arith.muli %scan3A_1512, %mul3A_1513 : i32
      %add3A_1515 = arith.constant 0 : i32
      %add3A_1516 = arith.addi %add3A_1515, %mul3A_1514 : i32
      %mul3A_1517 = arith.constant 16 : i32
      %mul3A_1518 = arith.muli %add3A_1516, %mul3A_1517 : i32
      %add3A_1519 = arith.constant 720 : i32
      %add3A_1520 = arith.addi %add3A_1519, %mul3A_1518 : i32
      %get3A_1521 = arith.index_cast %add3A_1520 : i32 to index
      %get3A_1522 = tpu.vector_load %arg7[%get3A_1521] {strides = array<i32>} : memref<12928xi32, #tpu.memory_space<vmem>>, vector<16xi32>,
      %gather3A_1523 = tpu.vector_load_idx %arg10[%iota3A, %get3A_1522] : memref<16x2576xf32, #tpu.memory_space<vmem>>[vector<16xi32>, vector<16xi32>], vector<16xf32>,
      %exp3A_1524 = math.exp %gather3A_1523 : vector<16xf32>
      %add3A_1525 = arith.addf %add3A_1510, %exp3A_1524 : vector<16xf32>
      %scan3A_1526 = arith.constant 3 : i32
      %scan3A_1527 = arith.addi %scan3A_1481, %scan3A_1526 : i32
      %mul3A_1528 = arith.constant 1 : i32
      %mul3A_1529 = arith.muli %scan3A_1527, %mul3A_1528 : i32
      %add3A_1530 = arith.constant 0 : i32
      %add3A_1531 = arith.addi %add3A_1530, %mul3A_1529 : i32
      %mul3A_1532 = arith.constant 16 : i32
      %mul3A_1533 = arith.muli %add3A_1531, %mul3A_1532 : i32
      %add3A_1534 = arith.constant 720 : i32
      %add3A_1535 = arith.addi %add3A_1534, %mul3A_1533 : i32
      %get3A_1536 = arith.index_cast %add3A_1535 : i32 to index
      %get3A_1537 = tpu.vector_load %arg7[%get3A_1536] {strides = array<i32>} : memref<12928xi32, #tpu.memory_space<vmem>>, vector<16xi32>,
      %gather3A_1538 = tpu.vector_load_idx %arg10[%iota3A, %get3A_1537] : memref<16x2576xf32, #tpu.memory_space<vmem>>[vector<16xi32>, vector<16xi32>], vector<16xf32>,
      %exp3A_1539 = math.exp %gather3A_1538 : vector<16xf32>
      %add3A_1540 = arith.addf %add3A_1525, %exp3A_1539 : vector<16xf32>
      scf.yield %add3A_1540 : vector<16xf32>
    }
    %scan3A_253 = arith.constant 40 : i32
    %scan3A_254 = arith.addi %scan3A_248, %scan3A_253 : i32
    %mul3A_255 = arith.constant 1 : i32
    %mul3A_256 = arith.muli %scan3A_254, %mul3A_255 : i32
    %add3A_257 = arith.constant 0 : i32
    %add3A_258 = arith.addi %add3A_257, %mul3A_256 : i32
    %mul3A_259 = arith.constant 16 : i32
    %mul3A_260 = arith.muli %add3A_258, %mul3A_259 : i32
    %add3A_261 = arith.constant 720 : i32
    %add3A_262 = arith.addi %add3A_261, %mul3A_260 : i32
    %get3A_263 = arith.index_cast %add3A_262 : i32 to index
    %get3A_264 = tpu.vector_load %arg7[%get3A_263] {strides = array<i32>} : memref<12928xi32, #tpu.memory_space<vmem>>, vector<16xi32>,
    %gather3A_265 = tpu.vector_load_idx %arg10[%iota3A, %get3A_264] : memref<16x2576xf32, #tpu.memory_space<vmem>>[vector<16xi32>, vector<16xi32>], vector<16xf32>,
    %exp3A_266 = math.exp %gather3A_265 : vector<16xf32>
    %add3A_267 = arith.addf %scan3A_252, %exp3A_266 : vector<16xf32>
    %scan3A_268 = arith.constant 41 : i32
    %sub3A_269 = arith.constant 2560 : i32
    %sub3A_270 = vector.broadcast %sub3A_269 : i32 to vector<16xi32>
    %sub3A_271 = arith.subi %gather3A, %sub3A_270 : vector<16xi32>
    %ge3A_272 = arith.constant 0 : i32
    %ge3A_273 = vector.broadcast %ge3A_272 : i32 to vector<16xi32>
    %ge3A_274 = arith.cmpi sge, %sub3A_271, %ge3A_273 : vector<16xi32>
    %lt3A_275 = arith.constant 2560 : i32
    %lt3A_276 = vector.broadcast %lt3A_275 : i32 to vector<16xi32>
    %lt3A_277 = arith.cmpi slt, %sub3A_271, %lt3A_276 : vector<16xi32>
    %and3A_278 = arith.andi %ge3A_274, %lt3A_277 : vector<16xi1>
    %add3A_279 = arith.constant 2560 : i32
    %add3A_280 = vector.broadcast %add3A_279 : i32 to vector<16xi32>
    %add3A_281 = arith.addi %add3A_280, %iota3A : vector<16xi32>
    %select_n3A_282 = arith.select %and3A_278, %sub3A_271, %add3A_281 : vector<16xi1>, vector<16xi32>
    %gather3A_283 = tpu.vector_load_idx %arg10[%iota3A, %select_n3A_282] : memref<16x2576xf32, #tpu.memory_space<vmem>>[vector<16xi32>, vector<16xi32>], vector<16xf32>,
    %select_n3A_284 = arith.select %and3A_278, %gather3A_283, %select_n3A_227 : vector<16xi1>, vector<16xf32>
    %dma_wait3A_285 = arith.constant 0 : i32
    %dma_wait3A_286 = arith.constant 0 : i32
    %dma_wait3A_287 = tpu.memref_slice %arg9[%dma_wait3A_285, %dma_wait3A_286] : memref<16x2576xf32, #tpu.memory_space<vmem>> -> memref<16x2560xf32, #tpu.memory_space<vmem>>
    %dma_wait3A_288 = arith.constant 5120 : i32
    %dma_wait3A_289 = tpu.memref_slice %arg2[%multiple_of3A, %dma_wait3A_288] : memref<512x100000xf32, #tpu.memory_space<hbm>> -> memref<16x2560xf32, #tpu.memory_space<hbm>>
    %dma_wait3A_290 = arith.constant 0 : i32
    %dma_wait3A_291 = arith.constant 0 : i32
    %dma_wait3A_292 = tpu.memref_slice %arg9[%dma_wait3A_290, %dma_wait3A_291] : memref<16x2576xf32, #tpu.memory_space<vmem>> -> memref<16x2560xf32, #tpu.memory_space<vmem>>
    %dma_wait3A_293 = arith.constant 5120 : i32
    %dma_wait3A_294 = tpu.memref_slice %arg2[%multiple_of3A, %dma_wait3A_293] : memref<512x100000xf32, #tpu.memory_space<hbm>> -> memref<16x2560xf32, #tpu.memory_space<hbm>>
    tpu.wait_dma2 semaphore(%arg13 : memref<!tpu.dma_semaphore, #tpu.memory_space<semaphore_mem>>) src(%dma_wait3A_294 : memref<16x2560xf32, #tpu.memory_space<hbm>>) dst(%dma_wait3A_292 : memref<16x2560xf32, #tpu.memory_space<vmem>>)
    %dma_start3A_295 = arith.constant 0 : i32
    %dma_start3A_296 = arith.constant 0 : i32
    %dma_start3A_297 = tpu.memref_slice %arg10[%dma_start3A_295, %dma_start3A_296] : memref<16x2576xf32, #tpu.memory_space<vmem>> -> memref<16x2560xf32, #tpu.memory_space<vmem>>
    %dma_start3A_298 = arith.constant 7680 : i32
    %dma_start3A_299 = tpu.memref_slice %arg2[%multiple_of3A, %dma_start3A_298] : memref<512x100000xf32, #tpu.memory_space<hbm>> -> memref<16x2560xf32, #tpu.memory_space<hbm>>
    %dma_start3A_300 = arith.constant 0 : i32
    %dma_start3A_301 = arith.constant 0 : i32
    %dma_start3A_302 = tpu.memref_slice %arg10[%dma_start3A_300, %dma_start3A_301] : memref<16x2576xf32, #tpu.memory_space<vmem>> -> memref<16x2560xf32, #tpu.memory_space<vmem>>
    %dma_start3A_303 = arith.constant 7680 : i32
    %dma_start3A_304 = tpu.memref_slice %arg2[%multiple_of3A, %dma_start3A_303] : memref<512x100000xf32, #tpu.memory_space<hbm>> -> memref<16x2560xf32, #tpu.memory_space<hbm>>
    tpu.enqueue_dma source(%dma_start3A_304 : memref<16x2560xf32, #tpu.memory_space<hbm>>) target(%dma_start3A_302 : memref<16x2560xf32, #tpu.memory_space<vmem>>) target_semaphore(%arg13 : memref<!tpu.dma_semaphore, #tpu.memory_space<semaphore_mem>>)
    %scan3A_305 = arith.constant 0 : i32
    %scan3A_306 = arith.constant 40 : i32
    %scan3A_307 = arith.addi %scan3A_305, %scan3A_306 : i32
    %scan3A_308 = arith.constant 4 : i32
    %scan3A_309 = scf.for %scan3A_1481 = %scan3A_305 to %scan3A_307 step %scan3A_308 iter_args(%scan3A_1482 = %add3A_267) -> (vector<16xf32>)  : i32 {
      %mul3A_1483 = arith.constant 1 : i32
      %mul3A_1484 = arith.muli %scan3A_1481, %mul3A_1483 : i32
      %add3A_1485 = arith.constant 0 : i32
      %add3A_1486 = arith.addi %add3A_1485, %mul3A_1484 : i32
      %mul3A_1487 = arith.constant 16 : i32
      %mul3A_1488 = arith.muli %add3A_1486, %mul3A_1487 : i32
      %add3A_1489 = arith.constant 1376 : i32
      %add3A_1490 = arith.addi %add3A_1489, %mul3A_1488 : i32
      %get3A_1491 = arith.index_cast %add3A_1490 : i32 to index
      %get3A_1492 = tpu.vector_load %arg7[%get3A_1491] {strides = array<i32>} : memref<12928xi32, #tpu.memory_space<vmem>>, vector<16xi32>,
      %gather3A_1493 = tpu.vector_load_idx %arg9[%iota3A, %get3A_1492] : memref<16x2576xf32, #tpu.memory_space<vmem>>[vector<16xi32>, vector<16xi32>], vector<16xf32>,
      %exp3A_1494 = math.exp %gather3A_1493 : vector<16xf32>
      %add3A_1495 = arith.addf %scan3A_1482, %exp3A_1494 : vector<16xf32>
      %scan3A_1496 = arith.constant 1 : i32
      %scan3A_1497 = arith.addi %scan3A_1481, %scan3A_1496 : i32
      %mul3A_1498 = arith.constant 1 : i32
      %mul3A_1499 = arith.muli %scan3A_1497, %mul3A_1498 : i32
      %add3A_1500 = arith.constant 0 : i32
      %add3A_1501 = arith.addi %add3A_1500, %mul3A_1499 : i32
      %mul3A_1502 = arith.constant 16 : i32
      %mul3A_1503 = arith.muli %add3A_1501, %mul3A_1502 : i32
      %add3A_1504 = arith.constant 1376 : i32
      %add3A_1505 = arith.addi %add3A_1504, %mul3A_1503 : i32
      %get3A_1506 = arith.index_cast %add3A_1505 : i32 to index
      %get3A_1507 = tpu.vector_load %arg7[%get3A_1506] {strides = array<i32>} : memref<12928xi32, #tpu.memory_space<vmem>>, vector<16xi32>,
      %gather3A_1508 = tpu.vector_load_idx %arg9[%iota3A, %get3A_1507] : memref<16x2576xf32, #tpu.memory_space<vmem>>[vector<16xi32>, vector<16xi32>], vector<16xf32>,
      %exp3A_1509 = math.exp %gather3A_1508 : vector<16xf32>
      %add3A_1510 = arith.addf %add3A_1495, %exp3A_1509 : vector<16xf32>
      %scan3A_1511 = arith.constant 2 : i32
      %scan3A_1512 = arith.addi %scan3A_1481, %scan3A_1511 : i32
      %mul3A_1513 = arith.constant 1 : i32
      %mul3A_1514 = arith.muli %scan3A_1512, %mul3A_1513 : i32
      %add3A_1515 = arith.constant 0 : i32
      %add3A_1516 = arith.addi %add3A_1515, %mul3A_1514 : i32
      %mul3A_1517 = arith.constant 16 : i32
      %mul3A_1518 = arith.muli %add3A_1516, %mul3A_1517 : i32
      %add3A_1519 = arith.constant 1376 : i32
      %add3A_1520 = arith.addi %add3A_1519, %mul3A_1518 : i32
      %get3A_1521 = arith.index_cast %add3A_1520 : i32 to index
      %get3A_1522 = tpu.vector_load %arg7[%get3A_1521] {strides = array<i32>} : memref<12928xi32, #tpu.memory_space<vmem>>, vector<16xi32>,
      %gather3A_1523 = tpu.vector_load_idx %arg9[%iota3A, %get3A_1522] : memref<16x2576xf32, #tpu.memory_space<vmem>>[vector<16xi32>, vector<16xi32>], vector<16xf32>,
      %exp3A_1524 = math.exp %gather3A_1523 : vector<16xf32>
      %add3A_1525 = arith.addf %add3A_1510, %exp3A_1524 : vector<16xf32>
      %scan3A_1526 = arith.constant 3 : i32
      %scan3A_1527 = arith.addi %scan3A_1481, %scan3A_1526 : i32
      %mul3A_1528 = arith.constant 1 : i32
      %mul3A_1529 = arith.muli %scan3A_1527, %mul3A_1528 : i32
      %add3A_1530 = arith.constant 0 : i32
      %add3A_1531 = arith.addi %add3A_1530, %mul3A_1529 : i32
      %mul3A_1532 = arith.constant 16 : i32
      %mul3A_1533 = arith.muli %add3A_1531, %mul3A_1532 : i32
      %add3A_1534 = arith.constant 1376 : i32
      %add3A_1535 = arith.addi %add3A_1534, %mul3A_1533 : i32
      %get3A_1536 = arith.index_cast %add3A_1535 : i32 to index
      %get3A_1537 = tpu.vector_load %arg7[%get3A_1536] {strides = array<i32>} : memref<12928xi32, #tpu.memory_space<vmem>>, vector<16xi32>,
      %gather3A_1538 = tpu.vector_load_idx %arg9[%iota3A, %get3A_1537] : memref<16x2576xf32, #tpu.memory_space<vmem>>[vector<16xi32>, vector<16xi32>], vector<16xf32>,
      %exp3A_1539 = math.exp %gather3A_1538 : vector<16xf32>
      %add3A_1540 = arith.addf %add3A_1525, %exp3A_1539 : vector<16xf32>
      scf.yield %add3A_1540 : vector<16xf32>
    }
    %scan3A_310 = arith.constant 40 : i32
    %scan3A_311 = arith.addi %scan3A_305, %scan3A_310 : i32
    %mul3A_312 = arith.constant 1 : i32
    %mul3A_313 = arith.muli %scan3A_311, %mul3A_312 : i32
    %add3A_314 = arith.constant 0 : i32
    %add3A_315 = arith.addi %add3A_314, %mul3A_313 : i32
    %mul3A_316 = arith.constant 16 : i32
    %mul3A_317 = arith.muli %add3A_315, %mul3A_316 : i32
    %add3A_318 = arith.constant 1376 : i32
    %add3A_319 = arith.addi %add3A_318, %mul3A_317 : i32
    %get3A_320 = arith.index_cast %add3A_319 : i32 to index
    %get3A_321 = tpu.vector_load %arg7[%get3A_320] {strides = array<i32>} : memref<12928xi32, #tpu.memory_space<vmem>>, vector<16xi32>,
    %gather3A_322 = tpu.vector_load_idx %arg9[%iota3A, %get3A_321] : memref<16x2576xf32, #tpu.memory_space<vmem>>[vector<16xi32>, vector<16xi32>], vector<16xf32>,
    %exp3A_323 = math.exp %gather3A_322 : vector<16xf32>
    %add3A_324 = arith.addf %scan3A_309, %exp3A_323 : vector<16xf32>
    %scan3A_325 = arith.constant 41 : i32
    %sub3A_326 = arith.constant 5120 : i32
    %sub3A_327 = vector.broadcast %sub3A_326 : i32 to vector<16xi32>
    %sub3A_328 = arith.subi %gather3A, %sub3A_327 : vector<16xi32>
    %ge3A_329 = arith.constant 0 : i32
    %ge3A_330 = vector.broadcast %ge3A_329 : i32 to vector<16xi32>
    %ge3A_331 = arith.cmpi sge, %sub3A_328, %ge3A_330 : vector<16xi32>
    %lt3A_332 = arith.constant 2560 : i32
    %lt3A_333 = vector.broadcast %lt3A_332 : i32 to vector<16xi32>
    %lt3A_334 = arith.cmpi slt, %sub3A_328, %lt3A_333 : vector<16xi32>
    %and3A_335 = arith.andi %ge3A_331, %lt3A_334 : vector<16xi1>
    %add3A_336 = arith.constant 2560 : i32
    %add3A_337 = vector.broadcast %add3A_336 : i32 to vector<16xi32>
    %add3A_338 = arith.addi %add3A_337, %iota3A : vector<16xi32>
    %select_n3A_339 = arith.select %and3A_335, %sub3A_328, %add3A_338 : vector<16xi1>, vector<16xi32>
    %gather3A_340 = tpu.vector_load_idx %arg9[%iota3A, %select_n3A_339] : memref<16x2576xf32, #tpu.memory_space<vmem>>[vector<16xi32>, vector<16xi32>], vector<16xf32>,
    %select_n3A_341 = arith.select %and3A_335, %gather3A_340, %select_n3A_284 : vector<16xi1>, vector<16xf32>
    %dma_wait3A_342 = arith.constant 0 : i32
    %dma_wait3A_343 = arith.constant 0 : i32
    %dma_wait3A_344 = tpu.memref_slice %arg10[%dma_wait3A_342, %dma_wait3A_343] : memref<16x2576xf32, #tpu.memory_space<vmem>> -> memref<16x2560xf32, #tpu.memory_space<vmem>>
    %dma_wait3A_345 = arith.constant 7680 : i32
    %dma_wait3A_346 = tpu.memref_slice %arg2[%multiple_of3A, %dma_wait3A_345] : memref<512x100000xf32, #tpu.memory_space<hbm>> -> memref<16x2560xf32, #tpu.memory_space<hbm>>
    %dma_wait3A_347 = arith.constant 0 : i32
    %dma_wait3A_348 = arith.constant 0 : i32
    %dma_wait3A_349 = tpu.memref_slice %arg10[%dma_wait3A_347, %dma_wait3A_348] : memref<16x2576xf32, #tpu.memory_space<vmem>> -> memref<16x2560xf32, #tpu.memory_space<vmem>>
    %dma_wait3A_350 = arith.constant 7680 : i32
    %dma_wait3A_351 = tpu.memref_slice %arg2[%multiple_of3A, %dma_wait3A_350] : memref<512x100000xf32, #tpu.memory_space<hbm>> -> memref<16x2560xf32, #tpu.memory_space<hbm>>
    tpu.wait_dma2 semaphore(%arg13 : memref<!tpu.dma_semaphore, #tpu.memory_space<semaphore_mem>>) src(%dma_wait3A_351 : memref<16x2560xf32, #tpu.memory_space<hbm>>) dst(%dma_wait3A_349 : memref<16x2560xf32, #tpu.memory_space<vmem>>)
    %dma_start3A_352 = arith.constant 0 : i32
    %dma_start3A_353 = arith.constant 0 : i32
    %dma_start3A_354 = tpu.memref_slice %arg9[%dma_start3A_352, %dma_start3A_353] : memref<16x2576xf32, #tpu.memory_space<vmem>> -> memref<16x2560xf32, #tpu.memory_space<vmem>>
    %dma_start3A_355 = arith.constant 10240 : i32
    %dma_start3A_356 = tpu.memref_slice %arg2[%multiple_of3A, %dma_start3A_355] : memref<512x100000xf32, #tpu.memory_space<hbm>> -> memref<16x2560xf32, #tpu.memory_space<hbm>>
    %dma_start3A_357 = arith.constant 0 : i32
    %dma_start3A_358 = arith.constant 0 : i32
    %dma_start3A_359 = tpu.memref_slice %arg9[%dma_start3A_357, %dma_start3A_358] : memref<16x2576xf32, #tpu.memory_space<vmem>> -> memref<16x2560xf32, #tpu.memory_space<vmem>>
    %dma_start3A_360 = arith.constant 10240 : i32
    %dma_start3A_361 = tpu.memref_slice %arg2[%multiple_of3A, %dma_start3A_360] : memref<512x100000xf32, #tpu.memory_space<hbm>> -> memref<16x2560xf32, #tpu.memory_space<hbm>>
    tpu.enqueue_dma source(%dma_start3A_361 : memref<16x2560xf32, #tpu.memory_space<hbm>>) target(%dma_start3A_359 : memref<16x2560xf32, #tpu.memory_space<vmem>>) target_semaphore(%arg13 : memref<!tpu.dma_semaphore, #tpu.memory_space<semaphore_mem>>)
    %scan3A_362 = arith.constant 0 : i32
    %scan3A_363 = arith.constant 40 : i32
    %scan3A_364 = arith.addi %scan3A_362, %scan3A_363 : i32
    %scan3A_365 = arith.constant 4 : i32
    %scan3A_366 = scf.for %scan3A_1481 = %scan3A_362 to %scan3A_364 step %scan3A_365 iter_args(%scan3A_1482 = %add3A_324) -> (vector<16xf32>)  : i32 {
      %mul3A_1483 = arith.constant 1 : i32
      %mul3A_1484 = arith.muli %scan3A_1481, %mul3A_1483 : i32
      %add3A_1485 = arith.constant 0 : i32
      %add3A_1486 = arith.addi %add3A_1485, %mul3A_1484 : i32
      %mul3A_1487 = arith.constant 16 : i32
      %mul3A_1488 = arith.muli %add3A_1486, %mul3A_1487 : i32
      %add3A_1489 = arith.constant 2032 : i32
      %add3A_1490 = arith.addi %add3A_1489, %mul3A_1488 : i32
      %get3A_1491 = arith.index_cast %add3A_1490 : i32 to index
      %get3A_1492 = tpu.vector_load %arg7[%get3A_1491] {strides = array<i32>} : memref<12928xi32, #tpu.memory_space<vmem>>, vector<16xi32>,
      %gather3A_1493 = tpu.vector_load_idx %arg10[%iota3A, %get3A_1492] : memref<16x2576xf32, #tpu.memory_space<vmem>>[vector<16xi32>, vector<16xi32>], vector<16xf32>,
      %exp3A_1494 = math.exp %gather3A_1493 : vector<16xf32>
      %add3A_1495 = arith.addf %scan3A_1482, %exp3A_1494 : vector<16xf32>
      %scan3A_1496 = arith.constant 1 : i32
      %scan3A_1497 = arith.addi %scan3A_1481, %scan3A_1496 : i32
      %mul3A_1498 = arith.constant 1 : i32
      %mul3A_1499 = arith.muli %scan3A_1497, %mul3A_1498 : i32
      %add3A_1500 = arith.constant 0 : i32
      %add3A_1501 = arith.addi %add3A_1500, %mul3A_1499 : i32
      %mul3A_1502 = arith.constant 16 : i32
      %mul3A_1503 = arith.muli %add3A_1501, %mul3A_1502 : i32
      %add3A_1504 = arith.constant 2032 : i32
      %add3A_1505 = arith.addi %add3A_1504, %mul3A_1503 : i32
      %get3A_1506 = arith.index_cast %add3A_1505 : i32 to index
      %get3A_1507 = tpu.vector_load %arg7[%get3A_1506] {strides = array<i32>} : memref<12928xi32, #tpu.memory_space<vmem>>, vector<16xi32>,
      %gather3A_1508 = tpu.vector_load_idx %arg10[%iota3A, %get3A_1507] : memref<16x2576xf32, #tpu.memory_space<vmem>>[vector<16xi32>, vector<16xi32>], vector<16xf32>,
      %exp3A_1509 = math.exp %gather3A_1508 : vector<16xf32>
      %add3A_1510 = arith.addf %add3A_1495, %exp3A_1509 : vector<16xf32>
      %scan3A_1511 = arith.constant 2 : i32
      %scan3A_1512 = arith.addi %scan3A_1481, %scan3A_1511 : i32
      %mul3A_1513 = arith.constant 1 : i32
      %mul3A_1514 = arith.muli %scan3A_1512, %mul3A_1513 : i32
      %add3A_1515 = arith.constant 0 : i32
      %add3A_1516 = arith.addi %add3A_1515, %mul3A_1514 : i32
      %mul3A_1517 = arith.constant 16 : i32
      %mul3A_1518 = arith.muli %add3A_1516, %mul3A_1517 : i32
      %add3A_1519 = arith.constant 2032 : i32
      %add3A_1520 = arith.addi %add3A_1519, %mul3A_1518 : i32
      %get3A_1521 = arith.index_cast %add3A_1520 : i32 to index
      %get3A_1522 = tpu.vector_load %arg7[%get3A_1521] {strides = array<i32>} : memref<12928xi32, #tpu.memory_space<vmem>>, vector<16xi32>,
      %gather3A_1523 = tpu.vector_load_idx %arg10[%iota3A, %get3A_1522] : memref<16x2576xf32, #tpu.memory_space<vmem>>[vector<16xi32>, vector<16xi32>], vector<16xf32>,
      %exp3A_1524 = math.exp %gather3A_1523 : vector<16xf32>
      %add3A_1525 = arith.addf %add3A_1510, %exp3A_1524 : vector<16xf32>
      %scan3A_1526 = arith.constant 3 : i32
      %scan3A_1527 = arith.addi %scan3A_1481, %scan3A_1526 : i32
      %mul3A_1528 = arith.constant 1 : i32
      %mul3A_1529 = arith.muli %scan3A_1527, %mul3A_1528 : i32
      %add3A_1530 = arith.constant 0 : i32
      %add3A_1531 = arith.addi %add3A_1530, %mul3A_1529 : i32
      %mul3A_1532 = arith.constant 16 : i32
      %mul3A_1533 = arith.muli %add3A_1531, %mul3A_1532 : i32
      %add3A_1534 = arith.constant 2032 : i32
      %add3A_1535 = arith.addi %add3A_1534, %mul3A_1533 : i32
      %get3A_1536 = arith.index_cast %add3A_1535 : i32 to index
      %get3A_1537 = tpu.vector_load %arg7[%get3A_1536] {strides = array<i32>} : memref<12928xi32, #tpu.memory_space<vmem>>, vector<16xi32>,
      %gather3A_1538 = tpu.vector_load_idx %arg10[%iota3A, %get3A_1537] : memref<16x2576xf32, #tpu.memory_space<vmem>>[vector<16xi32>, vector<16xi32>], vector<16xf32>,
      %exp3A_1539 = math.exp %gather3A_1538 : vector<16xf32>
      %add3A_1540 = arith.addf %add3A_1525, %exp3A_1539 : vector<16xf32>
      scf.yield %add3A_1540 : vector<16xf32>
    }
    %scan3A_367 = arith.constant 40 : i32
    %scan3A_368 = arith.addi %scan3A_362, %scan3A_367 : i32
    %mul3A_369 = arith.constant 1 : i32
    %mul3A_370 = arith.muli %scan3A_368, %mul3A_369 : i32
    %add3A_371 = arith.constant 0 : i32
    %add3A_372 = arith.addi %add3A_371, %mul3A_370 : i32
    %mul3A_373 = arith.constant 16 : i32
    %mul3A_374 = arith.muli %add3A_372, %mul3A_373 : i32
    %add3A_375 = arith.constant 2032 : i32
    %add3A_376 = arith.addi %add3A_375, %mul3A_374 : i32
    %get3A_377 = arith.index_cast %add3A_376 : i32 to index
    %get3A_378 = tpu.vector_load %arg7[%get3A_377] {strides = array<i32>} : memref<12928xi32, #tpu.memory_space<vmem>>, vector<16xi32>,
    %gather3A_379 = tpu.vector_load_idx %arg10[%iota3A, %get3A_378] : memref<16x2576xf32, #tpu.memory_space<vmem>>[vector<16xi32>, vector<16xi32>], vector<16xf32>,
    %exp3A_380 = math.exp %gather3A_379 : vector<16xf32>
    %add3A_381 = arith.addf %scan3A_366, %exp3A_380 : vector<16xf32>
    %scan3A_382 = arith.constant 41 : i32
    %scan3A_383 = arith.addi %scan3A_362, %scan3A_382 : i32
    %mul3A_384 = arith.constant 1 : i32
    %mul3A_385 = arith.muli %scan3A_383, %mul3A_384 : i32
    %add3A_386 = arith.constant 0 : i32
    %add3A_387 = arith.addi %add3A_386, %mul3A_385 : i32
    %mul3A_388 = arith.constant 16 : i32
    %mul3A_389 = arith.muli %add3A_387, %mul3A_388 : i32
    %add3A_390 = arith.constant 2032 : i32
    %add3A_391 = arith.addi %add3A_390, %mul3A_389 : i32
    %get3A_392 = arith.index_cast %add3A_391 : i32 to index
    %get3A_393 = tpu.vector_load %arg7[%get3A_392] {strides = array<i32>} : memref<12928xi32, #tpu.memory_space<vmem>>, vector<16xi32>,
    %gather3A_394 = tpu.vector_load_idx %arg10[%iota3A, %get3A_393] : memref<16x2576xf32, #tpu.memory_space<vmem>>[vector<16xi32>, vector<16xi32>], vector<16xf32>,
    %exp3A_395 = math.exp %gather3A_394 : vector<16xf32>
    %add3A_396 = arith.addf %add3A_381, %exp3A_395 : vector<16xf32>
    %scan3A_397 = arith.constant 42 : i32
    %scan3A_398 = arith.addi %scan3A_362, %scan3A_397 : i32
    %mul3A_399 = arith.constant 1 : i32
    %mul3A_400 = arith.muli %scan3A_398, %mul3A_399 : i32
    %add3A_401 = arith.constant 0 : i32
    %add3A_402 = arith.addi %add3A_401, %mul3A_400 : i32
    %mul3A_403 = arith.constant 16 : i32
    %mul3A_404 = arith.muli %add3A_402, %mul3A_403 : i32
    %add3A_405 = arith.constant 2032 : i32
    %add3A_406 = arith.addi %add3A_405, %mul3A_404 : i32
    %get3A_407 = arith.index_cast %add3A_406 : i32 to index
    %get3A_408 = tpu.vector_load %arg7[%get3A_407] {strides = array<i32>} : memref<12928xi32, #tpu.memory_space<vmem>>, vector<16xi32>,
    %gather3A_409 = tpu.vector_load_idx %arg10[%iota3A, %get3A_408] : memref<16x2576xf32, #tpu.memory_space<vmem>>[vector<16xi32>, vector<16xi32>], vector<16xf32>,
    %exp3A_410 = math.exp %gather3A_409 : vector<16xf32>
    %add3A_411 = arith.addf %add3A_396, %exp3A_410 : vector<16xf32>
    %scan3A_412 = arith.constant 43 : i32
    %sub3A_413 = arith.constant 7680 : i32
    %sub3A_414 = vector.broadcast %sub3A_413 : i32 to vector<16xi32>
    %sub3A_415 = arith.subi %gather3A, %sub3A_414 : vector<16xi32>
    %ge3A_416 = arith.constant 0 : i32
    %ge3A_417 = vector.broadcast %ge3A_416 : i32 to vector<16xi32>
    %ge3A_418 = arith.cmpi sge, %sub3A_415, %ge3A_417 : vector<16xi32>
    %lt3A_419 = arith.constant 2560 : i32
    %lt3A_420 = vector.broadcast %lt3A_419 : i32 to vector<16xi32>
    %lt3A_421 = arith.cmpi slt, %sub3A_415, %lt3A_420 : vector<16xi32>
    %and3A_422 = arith.andi %ge3A_418, %lt3A_421 : vector<16xi1>
    %add3A_423 = arith.constant 2560 : i32
    %add3A_424 = vector.broadcast %add3A_423 : i32 to vector<16xi32>
    %add3A_425 = arith.addi %add3A_424, %iota3A : vector<16xi32>
    %select_n3A_426 = arith.select %and3A_422, %sub3A_415, %add3A_425 : vector<16xi1>, vector<16xi32>
    %gather3A_427 = tpu.vector_load_idx %arg10[%iota3A, %select_n3A_426] : memref<16x2576xf32, #tpu.memory_space<vmem>>[vector<16xi32>, vector<16xi32>], vector<16xf32>,
    %select_n3A_428 = arith.select %and3A_422, %gather3A_427, %select_n3A_341 : vector<16xi1>, vector<16xf32>
    %dma_wait3A_429 = arith.constant 0 : i32
    %dma_wait3A_430 = arith.constant 0 : i32
    %dma_wait3A_431 = tpu.memref_slice %arg9[%dma_wait3A_429, %dma_wait3A_430] : memref<16x2576xf32, #tpu.memory_space<vmem>> -> memref<16x2560xf32, #tpu.memory_space<vmem>>
    %dma_wait3A_432 = arith.constant 10240 : i32
    %dma_wait3A_433 = tpu.memref_slice %arg2[%multiple_of3A, %dma_wait3A_432] : memref<512x100000xf32, #tpu.memory_space<hbm>> -> memref<16x2560xf32, #tpu.memory_space<hbm>>
    %dma_wait3A_434 = arith.constant 0 : i32
    %dma_wait3A_435 = arith.constant 0 : i32
    %dma_wait3A_436 = tpu.memref_slice %arg9[%dma_wait3A_434, %dma_wait3A_435] : memref<16x2576xf32, #tpu.memory_space<vmem>> -> memref<16x2560xf32, #tpu.memory_space<vmem>>
    %dma_wait3A_437 = arith.constant 10240 : i32
    %dma_wait3A_438 = tpu.memref_slice %arg2[%multiple_of3A, %dma_wait3A_437] : memref<512x100000xf32, #tpu.memory_space<hbm>> -> memref<16x2560xf32, #tpu.memory_space<hbm>>
    tpu.wait_dma2 semaphore(%arg13 : memref<!tpu.dma_semaphore, #tpu.memory_space<semaphore_mem>>) src(%dma_wait3A_438 : memref<16x2560xf32, #tpu.memory_space<hbm>>) dst(%dma_wait3A_436 : memref<16x2560xf32, #tpu.memory_space<vmem>>)
    %dma_start3A_439 = arith.constant 0 : i32
    %dma_start3A_440 = arith.constant 0 : i32
    %dma_start3A_441 = tpu.memref_slice %arg10[%dma_start3A_439, %dma_start3A_440] : memref<16x2576xf32, #tpu.memory_space<vmem>> -> memref<16x2560xf32, #tpu.memory_space<vmem>>
    %dma_start3A_442 = arith.constant 12800 : i32
    %dma_start3A_443 = tpu.memref_slice %arg2[%multiple_of3A, %dma_start3A_442] : memref<512x100000xf32, #tpu.memory_space<hbm>> -> memref<16x2560xf32, #tpu.memory_space<hbm>>
    %dma_start3A_444 = arith.constant 0 : i32
    %dma_start3A_445 = arith.constant 0 : i32
    %dma_start3A_446 = tpu.memref_slice %arg10[%dma_start3A_444, %dma_start3A_445] : memref<16x2576xf32, #tpu.memory_space<vmem>> -> memref<16x2560xf32, #tpu.memory_space<vmem>>
    %dma_start3A_447 = arith.constant 12800 : i32
    %dma_start3A_448 = tpu.memref_slice %arg2[%multiple_of3A, %dma_start3A_447] : memref<512x100000xf32, #tpu.memory_space<hbm>> -> memref<16x2560xf32, #tpu.memory_space<hbm>>
    tpu.enqueue_dma source(%dma_start3A_448 : memref<16x2560xf32, #tpu.memory_space<hbm>>) target(%dma_start3A_446 : memref<16x2560xf32, #tpu.memory_space<vmem>>) target_semaphore(%arg13 : memref<!tpu.dma_semaphore, #tpu.memory_space<semaphore_mem>>)
    %scan3A_449 = arith.constant 0 : i32
    %scan3A_450 = arith.constant 40 : i32
    %scan3A_451 = arith.addi %scan3A_449, %scan3A_450 : i32
    %scan3A_452 = arith.constant 4 : i32
    %scan3A_453 = scf.for %scan3A_1481 = %scan3A_449 to %scan3A_451 step %scan3A_452 iter_args(%scan3A_1482 = %add3A_411) -> (vector<16xf32>)  : i32 {
      %mul3A_1483 = arith.constant 1 : i32
      %mul3A_1484 = arith.muli %scan3A_1481, %mul3A_1483 : i32
      %add3A_1485 = arith.constant 0 : i32
      %add3A_1486 = arith.addi %add3A_1485, %mul3A_1484 : i32
      %mul3A_1487 = arith.constant 16 : i32
      %mul3A_1488 = arith.muli %add3A_1486, %mul3A_1487 : i32
      %add3A_1489 = arith.constant 2720 : i32
      %add3A_1490 = arith.addi %add3A_1489, %mul3A_1488 : i32
      %get3A_1491 = arith.index_cast %add3A_1490 : i32 to index
      %get3A_1492 = tpu.vector_load %arg7[%get3A_1491] {strides = array<i32>} : memref<12928xi32, #tpu.memory_space<vmem>>, vector<16xi32>,
      %gather3A_1493 = tpu.vector_load_idx %arg9[%iota3A, %get3A_1492] : memref<16x2576xf32, #tpu.memory_space<vmem>>[vector<16xi32>, vector<16xi32>], vector<16xf32>,
      %exp3A_1494 = math.exp %gather3A_1493 : vector<16xf32>
      %add3A_1495 = arith.addf %scan3A_1482, %exp3A_1494 : vector<16xf32>
      %scan3A_1496 = arith.constant 1 : i32
      %scan3A_1497 = arith.addi %scan3A_1481, %scan3A_1496 : i32
      %mul3A_1498 = arith.constant 1 : i32
      %mul3A_1499 = arith.muli %scan3A_1497, %mul3A_1498 : i32
      %add3A_1500 = arith.constant 0 : i32
      %add3A_1501 = arith.addi %add3A_1500, %mul3A_1499 : i32
      %mul3A_1502 = arith.constant 16 : i32
      %mul3A_1503 = arith.muli %add3A_1501, %mul3A_1502 : i32
      %add3A_1504 = arith.constant 2720 : i32
      %add3A_1505 = arith.addi %add3A_1504, %mul3A_1503 : i32
      %get3A_1506 = arith.index_cast %add3A_1505 : i32 to index
      %get3A_1507 = tpu.vector_load %arg7[%get3A_1506] {strides = array<i32>} : memref<12928xi32, #tpu.memory_space<vmem>>, vector<16xi32>,
      %gather3A_1508 = tpu.vector_load_idx %arg9[%iota3A, %get3A_1507] : memref<16x2576xf32, #tpu.memory_space<vmem>>[vector<16xi32>, vector<16xi32>], vector<16xf32>,
      %exp3A_1509 = math.exp %gather3A_1508 : vector<16xf32>
      %add3A_1510 = arith.addf %add3A_1495, %exp3A_1509 : vector<16xf32>
      %scan3A_1511 = arith.constant 2 : i32
      %scan3A_1512 = arith.addi %scan3A_1481, %scan3A_1511 : i32
      %mul3A_1513 = arith.constant 1 : i32
      %mul3A_1514 = arith.muli %scan3A_1512, %mul3A_1513 : i32
      %add3A_1515 = arith.constant 0 : i32
      %add3A_1516 = arith.addi %add3A_1515, %mul3A_1514 : i32
      %mul3A_1517 = arith.constant 16 : i32
      %mul3A_1518 = arith.muli %add3A_1516, %mul3A_1517 : i32
      %add3A_1519 = arith.constant 2720 : i32
      %add3A_1520 = arith.addi %add3A_1519, %mul3A_1518 : i32
      %get3A_1521 = arith.index_cast %add3A_1520 : i32 to index
      %get3A_1522 = tpu.vector_load %arg7[%get3A_1521] {strides = array<i32>} : memref<12928xi32, #tpu.memory_space<vmem>>, vector<16xi32>,
      %gather3A_1523 = tpu.vector_load_idx %arg9[%iota3A, %get3A_1522] : memref<16x2576xf32, #tpu.memory_space<vmem>>[vector<16xi32>, vector<16xi32>], vector<16xf32>,
      %exp3A_1524 = math.exp %gather3A_1523 : vector<16xf32>
      %add3A_1525 = arith.addf %add3A_1510, %exp3A_1524 : vector<16xf32>
      %scan3A_1526 = arith.constant 3 : i32
      %scan3A_1527 = arith.addi %scan3A_1481, %scan3A_1526 : i32
      %mul3A_1528 = arith.constant 1 : i32
      %mul3A_1529 = arith.muli %scan3A_1527, %mul3A_1528 : i32
      %add3A_1530 = arith.constant 0 : i32
      %add3A_1531 = arith.addi %add3A_1530, %mul3A_1529 : i32
      %mul3A_1532 = arith.constant 16 : i32
      %mul3A_1533 = arith.muli %add3A_1531, %mul3A_1532 : i32
      %add3A_1534 = arith.constant 2720 : i32
      %add3A_1535 = arith.addi %add3A_1534, %mul3A_1533 : i32
      %get3A_1536 = arith.index_cast %add3A_1535 : i32 to index
      %get3A_1537 = tpu.vector_load %arg7[%get3A_1536] {strides = array<i32>} : memref<12928xi32, #tpu.memory_space<vmem>>, vector<16xi32>,
      %gather3A_1538 = tpu.vector_load_idx %arg9[%iota3A, %get3A_1537] : memref<16x2576xf32, #tpu.memory_space<vmem>>[vector<16xi32>, vector<16xi32>], vector<16xf32>,
      %exp3A_1539 = math.exp %gather3A_1538 : vector<16xf32>
      %add3A_1540 = arith.addf %add3A_1525, %exp3A_1539 : vector<16xf32>
      scf.yield %add3A_1540 : vector<16xf32>
    }
    %scan3A_454 = arith.constant 40 : i32
    %scan3A_455 = arith.addi %scan3A_449, %scan3A_454 : i32
    %mul3A_456 = arith.constant 1 : i32
    %mul3A_457 = arith.muli %scan3A_455, %mul3A_456 : i32
    %add3A_458 = arith.constant 0 : i32
    %add3A_459 = arith.addi %add3A_458, %mul3A_457 : i32
    %mul3A_460 = arith.constant 16 : i32
    %mul3A_461 = arith.muli %add3A_459, %mul3A_460 : i32
    %add3A_462 = arith.constant 2720 : i32
    %add3A_463 = arith.addi %add3A_462, %mul3A_461 : i32
    %get3A_464 = arith.index_cast %add3A_463 : i32 to index
    %get3A_465 = tpu.vector_load %arg7[%get3A_464] {strides = array<i32>} : memref<12928xi32, #tpu.memory_space<vmem>>, vector<16xi32>,
    %gather3A_466 = tpu.vector_load_idx %arg9[%iota3A, %get3A_465] : memref<16x2576xf32, #tpu.memory_space<vmem>>[vector<16xi32>, vector<16xi32>], vector<16xf32>,
    %exp3A_467 = math.exp %gather3A_466 : vector<16xf32>
    %add3A_468 = arith.addf %scan3A_453, %exp3A_467 : vector<16xf32>
    %scan3A_469 = arith.constant 41 : i32
    %scan3A_470 = arith.addi %scan3A_449, %scan3A_469 : i32
    %mul3A_471 = arith.constant 1 : i32
    %mul3A_472 = arith.muli %scan3A_470, %mul3A_471 : i32
    %add3A_473 = arith.constant 0 : i32
    %add3A_474 = arith.addi %add3A_473, %mul3A_472 : i32
    %mul3A_475 = arith.constant 16 : i32
    %mul3A_476 = arith.muli %add3A_474, %mul3A_475 : i32
    %add3A_477 = arith.constant 2720 : i32
    %add3A_478 = arith.addi %add3A_477, %mul3A_476 : i32
    %get3A_479 = arith.index_cast %add3A_478 : i32 to index
    %get3A_480 = tpu.vector_load %arg7[%get3A_479] {strides = array<i32>} : memref<12928xi32, #tpu.memory_space<vmem>>, vector<16xi32>,
    %gather3A_481 = tpu.vector_load_idx %arg9[%iota3A, %get3A_480] : memref<16x2576xf32, #tpu.memory_space<vmem>>[vector<16xi32>, vector<16xi32>], vector<16xf32>,
    %exp3A_482 = math.exp %gather3A_481 : vector<16xf32>
    %add3A_483 = arith.addf %add3A_468, %exp3A_482 : vector<16xf32>
    %scan3A_484 = arith.constant 42 : i32
    %sub3A_485 = arith.constant 10240 : i32
    %sub3A_486 = vector.broadcast %sub3A_485 : i32 to vector<16xi32>
    %sub3A_487 = arith.subi %gather3A, %sub3A_486 : vector<16xi32>
    %ge3A_488 = arith.constant 0 : i32
    %ge3A_489 = vector.broadcast %ge3A_488 : i32 to vector<16xi32>
    %ge3A_490 = arith.cmpi sge, %sub3A_487, %ge3A_489 : vector<16xi32>
    %lt3A_491 = arith.constant 2560 : i32
    %lt3A_492 = vector.broadcast %lt3A_491 : i32 to vector<16xi32>
    %lt3A_493 = arith.cmpi slt, %sub3A_487, %lt3A_492 : vector<16xi32>
    %and3A_494 = arith.andi %ge3A_490, %lt3A_493 : vector<16xi1>
    %add3A_495 = arith.constant 2560 : i32
    %add3A_496 = vector.broadcast %add3A_495 : i32 to vector<16xi32>
    %add3A_497 = arith.addi %add3A_496, %iota3A : vector<16xi32>
    %select_n3A_498 = arith.select %and3A_494, %sub3A_487, %add3A_497 : vector<16xi1>, vector<16xi32>
    %gather3A_499 = tpu.vector_load_idx %arg9[%iota3A, %select_n3A_498] : memref<16x2576xf32, #tpu.memory_space<vmem>>[vector<16xi32>, vector<16xi32>], vector<16xf32>,
    %select_n3A_500 = arith.select %and3A_494, %gather3A_499, %select_n3A_428 : vector<16xi1>, vector<16xf32>
    %dma_wait3A_501 = arith.constant 0 : i32
    %dma_wait3A_502 = arith.constant 0 : i32
    %dma_wait3A_503 = tpu.memref_slice %arg10[%dma_wait3A_501, %dma_wait3A_502] : memref<16x2576xf32, #tpu.memory_space<vmem>> -> memref<16x2560xf32, #tpu.memory_space<vmem>>
    %dma_wait3A_504 = arith.constant 12800 : i32
    %dma_wait3A_505 = tpu.memref_slice %arg2[%multiple_of3A, %dma_wait3A_504] : memref<512x100000xf32, #tpu.memory_space<hbm>> -> memref<16x2560xf32, #tpu.memory_space<hbm>>
    %dma_wait3A_506 = arith.constant 0 : i32
    %dma_wait3A_507 = arith.constant 0 : i32
    %dma_wait3A_508 = tpu.memref_slice %arg10[%dma_wait3A_506, %dma_wait3A_507] : memref<16x2576xf32, #tpu.memory_space<vmem>> -> memref<16x2560xf32, #tpu.memory_space<vmem>>
    %dma_wait3A_509 = arith.constant 12800 : i32
    %dma_wait3A_510 = tpu.memref_slice %arg2[%multiple_of3A, %dma_wait3A_509] : memref<512x100000xf32, #tpu.memory_space<hbm>> -> memref<16x2560xf32, #tpu.memory_space<hbm>>
    tpu.wait_dma2 semaphore(%arg13 : memref<!tpu.dma_semaphore, #tpu.memory_space<semaphore_mem>>) src(%dma_wait3A_510 : memref<16x2560xf32, #tpu.memory_space<hbm>>) dst(%dma_wait3A_508 : memref<16x2560xf32, #tpu.memory_space<vmem>>)
    %dma_start3A_511 = arith.constant 0 : i32
    %dma_start3A_512 = arith.constant 0 : i32
    %dma_start3A_513 = tpu.memref_slice %arg9[%dma_start3A_511, %dma_start3A_512] : memref<16x2576xf32, #tpu.memory_space<vmem>> -> memref<16x2560xf32, #tpu.memory_space<vmem>>
    %dma_start3A_514 = arith.constant 15360 : i32
    %dma_start3A_515 = tpu.memref_slice %arg2[%multiple_of3A, %dma_start3A_514] : memref<512x100000xf32, #tpu.memory_space<hbm>> -> memref<16x2560xf32, #tpu.memory_space<hbm>>
    %dma_start3A_516 = arith.constant 0 : i32
    %dma_start3A_517 = arith.constant 0 : i32
    %dma_start3A_518 = tpu.memref_slice %arg9[%dma_start3A_516, %dma_start3A_517] : memref<16x2576xf32, #tpu.memory_space<vmem>> -> memref<16x2560xf32, #tpu.memory_space<vmem>>
    %dma_start3A_519 = arith.constant 15360 : i32
    %dma_start3A_520 = tpu.memref_slice %arg2[%multiple_of3A, %dma_start3A_519] : memref<512x100000xf32, #tpu.memory_space<hbm>> -> memref<16x2560xf32, #tpu.memory_space<hbm>>
    tpu.enqueue_dma source(%dma_start3A_520 : memref<16x2560xf32, #tpu.memory_space<hbm>>) target(%dma_start3A_518 : memref<16x2560xf32, #tpu.memory_space<vmem>>) target_semaphore(%arg13 : memref<!tpu.dma_semaphore, #tpu.memory_space<semaphore_mem>>)
    %scan3A_521 = arith.constant 0 : i32
    %scan3A_522 = arith.constant 40 : i32
    %scan3A_523 = arith.addi %scan3A_521, %scan3A_522 : i32
    %scan3A_524 = arith.constant 4 : i32
    %scan3A_525 = scf.for %scan3A_1481 = %scan3A_521 to %scan3A_523 step %scan3A_524 iter_args(%scan3A_1482 = %add3A_483) -> (vector<16xf32>)  : i32 {
      %mul3A_1483 = arith.constant 1 : i32
      %mul3A_1484 = arith.muli %scan3A_1481, %mul3A_1483 : i32
      %add3A_1485 = arith.constant 0 : i32
      %add3A_1486 = arith.addi %add3A_1485, %mul3A_1484 : i32
      %mul3A_1487 = arith.constant 16 : i32
      %mul3A_1488 = arith.muli %add3A_1486, %mul3A_1487 : i32
      %add3A_1489 = arith.constant 3392 : i32
      %add3A_1490 = arith.addi %add3A_1489, %mul3A_1488 : i32
      %get3A_1491 = arith.index_cast %add3A_1490 : i32 to index
      %get3A_1492 = tpu.vector_load %arg7[%get3A_1491] {strides = array<i32>} : memref<12928xi32, #tpu.memory_space<vmem>>, vector<16xi32>,
      %gather3A_1493 = tpu.vector_load_idx %arg10[%iota3A, %get3A_1492] : memref<16x2576xf32, #tpu.memory_space<vmem>>[vector<16xi32>, vector<16xi32>], vector<16xf32>,
      %exp3A_1494 = math.exp %gather3A_1493 : vector<16xf32>
      %add3A_1495 = arith.addf %scan3A_1482, %exp3A_1494 : vector<16xf32>
      %scan3A_1496 = arith.constant 1 : i32
      %scan3A_1497 = arith.addi %scan3A_1481, %scan3A_1496 : i32
      %mul3A_1498 = arith.constant 1 : i32
      %mul3A_1499 = arith.muli %scan3A_1497, %mul3A_1498 : i32
      %add3A_1500 = arith.constant 0 : i32
      %add3A_1501 = arith.addi %add3A_1500, %mul3A_1499 : i32
      %mul3A_1502 = arith.constant 16 : i32
      %mul3A_1503 = arith.muli %add3A_1501, %mul3A_1502 : i32
      %add3A_1504 = arith.constant 3392 : i32
      %add3A_1505 = arith.addi %add3A_1504, %mul3A_1503 : i32
      %get3A_1506 = arith.index_cast %add3A_1505 : i32 to index
      %get3A_1507 = tpu.vector_load %arg7[%get3A_1506] {strides = array<i32>} : memref<12928xi32, #tpu.memory_space<vmem>>, vector<16xi32>,
      %gather3A_1508 = tpu.vector_load_idx %arg10[%iota3A, %get3A_1507] : memref<16x2576xf32, #tpu.memory_space<vmem>>[vector<16xi32>, vector<16xi32>], vector<16xf32>,
      %exp3A_1509 = math.exp %gather3A_1508 : vector<16xf32>
      %add3A_1510 = arith.addf %add3A_1495, %exp3A_1509 : vector<16xf32>
      %scan3A_1511 = arith.constant 2 : i32
      %scan3A_1512 = arith.addi %scan3A_1481, %scan3A_1511 : i32
      %mul3A_1513 = arith.constant 1 : i32
      %mul3A_1514 = arith.muli %scan3A_1512, %mul3A_1513 : i32
      %add3A_1515 = arith.constant 0 : i32
      %add3A_1516 = arith.addi %add3A_1515, %mul3A_1514 : i32
      %mul3A_1517 = arith.constant 16 : i32
      %mul3A_1518 = arith.muli %add3A_1516, %mul3A_1517 : i32
      %add3A_1519 = arith.constant 3392 : i32
      %add3A_1520 = arith.addi %add3A_1519, %mul3A_1518 : i32
      %get3A_1521 = arith.index_cast %add3A_1520 : i32 to index
      %get3A_1522 = tpu.vector_load %arg7[%get3A_1521] {strides = array<i32>} : memref<12928xi32, #tpu.memory_space<vmem>>, vector<16xi32>,
      %gather3A_1523 = tpu.vector_load_idx %arg10[%iota3A, %get3A_1522] : memref<16x2576xf32, #tpu.memory_space<vmem>>[vector<16xi32>, vector<16xi32>], vector<16xf32>,
      %exp3A_1524 = math.exp %gather3A_1523 : vector<16xf32>
      %add3A_1525 = arith.addf %add3A_1510, %exp3A_1524 : vector<16xf32>
      %scan3A_1526 = arith.constant 3 : i32
      %scan3A_1527 = arith.addi %scan3A_1481, %scan3A_1526 : i32
      %mul3A_1528 = arith.constant 1 : i32
      %mul3A_1529 = arith.muli %scan3A_1527, %mul3A_1528 : i32
      %add3A_1530 = arith.constant 0 : i32
      %add3A_1531 = arith.addi %add3A_1530, %mul3A_1529 : i32
      %mul3A_1532 = arith.constant 16 : i32
      %mul3A_1533 = arith.muli %add3A_1531, %mul3A_1532 : i32
      %add3A_1534 = arith.constant 3392 : i32
      %add3A_1535 = arith.addi %add3A_1534, %mul3A_1533 : i32
      %get3A_1536 = arith.index_cast %add3A_1535 : i32 to index
      %get3A_1537 = tpu.vector_load %arg7[%get3A_1536] {strides = array<i32>} : memref<12928xi32, #tpu.memory_space<vmem>>, vector<16xi32>,
      %gather3A_1538 = tpu.vector_load_idx %arg10[%iota3A, %get3A_1537] : memref<16x2576xf32, #tpu.memory_space<vmem>>[vector<16xi32>, vector<16xi32>], vector<16xf32>,
      %exp3A_1539 = math.exp %gather3A_1538 : vector<16xf32>
      %add3A_1540 = arith.addf %add3A_1525, %exp3A_1539 : vector<16xf32>
      scf.yield %add3A_1540 : vector<16xf32>
    }
    %scan3A_526 = arith.constant 40 : i32
    %scan3A_527 = arith.addi %scan3A_521, %scan3A_526 : i32
    %mul3A_528 = arith.constant 1 : i32
    %mul3A_529 = arith.muli %scan3A_527, %mul3A_528 : i32
    %add3A_530 = arith.constant 0 : i32
    %add3A_531 = arith.addi %add3A_530, %mul3A_529 : i32
    %mul3A_532 = arith.constant 16 : i32
    %mul3A_533 = arith.muli %add3A_531, %mul3A_532 : i32
    %add3A_534 = arith.constant 3392 : i32
    %add3A_535 = arith.addi %add3A_534, %mul3A_533 : i32
    %get3A_536 = arith.index_cast %add3A_535 : i32 to index
    %get3A_537 = tpu.vector_load %arg7[%get3A_536] {strides = array<i32>} : memref<12928xi32, #tpu.memory_space<vmem>>, vector<16xi32>,
    %gather3A_538 = tpu.vector_load_idx %arg10[%iota3A, %get3A_537] : memref<16x2576xf32, #tpu.memory_space<vmem>>[vector<16xi32>, vector<16xi32>], vector<16xf32>,
    %exp3A_539 = math.exp %gather3A_538 : vector<16xf32>
    %add3A_540 = arith.addf %scan3A_525, %exp3A_539 : vector<16xf32>
    %scan3A_541 = arith.constant 41 : i32
    %sub3A_542 = arith.constant 12800 : i32
    %sub3A_543 = vector.broadcast %sub3A_542 : i32 to vector<16xi32>
    %sub3A_544 = arith.subi %gather3A, %sub3A_543 : vector<16xi32>
    %ge3A_545 = arith.constant 0 : i32
    %ge3A_546 = vector.broadcast %ge3A_545 : i32 to vector<16xi32>
    %ge3A_547 = arith.cmpi sge, %sub3A_544, %ge3A_546 : vector<16xi32>
    %lt3A_548 = arith.constant 2560 : i32
    %lt3A_549 = vector.broadcast %lt3A_548 : i32 to vector<16xi32>
    %lt3A_550 = arith.cmpi slt, %sub3A_544, %lt3A_549 : vector<16xi32>
    %and3A_551 = arith.andi %ge3A_547, %lt3A_550 : vector<16xi1>
    %add3A_552 = arith.constant 2560 : i32
    %add3A_553 = vector.broadcast %add3A_552 : i32 to vector<16xi32>
    %add3A_554 = arith.addi %add3A_553, %iota3A : vector<16xi32>
    %select_n3A_555 = arith.select %and3A_551, %sub3A_544, %add3A_554 : vector<16xi1>, vector<16xi32>
    %gather3A_556 = tpu.vector_load_idx %arg10[%iota3A, %select_n3A_555] : memref<16x2576xf32, #tpu.memory_space<vmem>>[vector<16xi32>, vector<16xi32>], vector<16xf32>,
    %select_n3A_557 = arith.select %and3A_551, %gather3A_556, %select_n3A_500 : vector<16xi1>, vector<16xf32>
    %dma_wait3A_558 = arith.constant 0 : i32
    %dma_wait3A_559 = arith.constant 0 : i32
    %dma_wait3A_560 = tpu.memref_slice %arg9[%dma_wait3A_558, %dma_wait3A_559] : memref<16x2576xf32, #tpu.memory_space<vmem>> -> memref<16x2560xf32, #tpu.memory_space<vmem>>
    %dma_wait3A_561 = arith.constant 15360 : i32
    %dma_wait3A_562 = tpu.memref_slice %arg2[%multiple_of3A, %dma_wait3A_561] : memref<512x100000xf32, #tpu.memory_space<hbm>> -> memref<16x2560xf32, #tpu.memory_space<hbm>>
    %dma_wait3A_563 = arith.constant 0 : i32
    %dma_wait3A_564 = arith.constant 0 : i32
    %dma_wait3A_565 = tpu.memref_slice %arg9[%dma_wait3A_563, %dma_wait3A_564] : memref<16x2576xf32, #tpu.memory_space<vmem>> -> memref<16x2560xf32, #tpu.memory_space<vmem>>
    %dma_wait3A_566 = arith.constant 15360 : i32
    %dma_wait3A_567 = tpu.memref_slice %arg2[%multiple_of3A, %dma_wait3A_566] : memref<512x100000xf32, #tpu.memory_space<hbm>> -> memref<16x2560xf32, #tpu.memory_space<hbm>>
    tpu.wait_dma2 semaphore(%arg13 : memref<!tpu.dma_semaphore, #tpu.memory_space<semaphore_mem>>) src(%dma_wait3A_567 : memref<16x2560xf32, #tpu.memory_space<hbm>>) dst(%dma_wait3A_565 : memref<16x2560xf32, #tpu.memory_space<vmem>>)
    %dma_start3A_568 = arith.constant 0 : i32
    %dma_start3A_569 = arith.constant 0 : i32
    %dma_start3A_570 = tpu.memref_slice %arg10[%dma_start3A_568, %dma_start3A_569] : memref<16x2576xf32, #tpu.memory_space<vmem>> -> memref<16x2560xf32, #tpu.memory_space<vmem>>
    %dma_start3A_571 = arith.constant 17920 : i32
    %dma_start3A_572 = tpu.memref_slice %arg2[%multiple_of3A, %dma_start3A_571] : memref<512x100000xf32, #tpu.memory_space<hbm>> -> memref<16x2560xf32, #tpu.memory_space<hbm>>
    %dma_start3A_573 = arith.constant 0 : i32
    %dma_start3A_574 = arith.constant 0 : i32
    %dma_start3A_575 = tpu.memref_slice %arg10[%dma_start3A_573, %dma_start3A_574] : memref<16x2576xf32, #tpu.memory_space<vmem>> -> memref<16x2560xf32, #tpu.memory_space<vmem>>
    %dma_start3A_576 = arith.constant 17920 : i32
    %dma_start3A_577 = tpu.memref_slice %arg2[%multiple_of3A, %dma_start3A_576] : memref<512x100000xf32, #tpu.memory_space<hbm>> -> memref<16x2560xf32, #tpu.memory_space<hbm>>
    tpu.enqueue_dma source(%dma_start3A_577 : memref<16x2560xf32, #tpu.memory_space<hbm>>) target(%dma_start3A_575 : memref<16x2560xf32, #tpu.memory_space<vmem>>) target_semaphore(%arg13 : memref<!tpu.dma_semaphore, #tpu.memory_space<semaphore_mem>>)
    %scan3A_578 = arith.constant 0 : i32
    %scan3A_579 = arith.constant 44 : i32
    %scan3A_580 = arith.addi %scan3A_578, %scan3A_579 : i32
    %scan3A_581 = arith.constant 4 : i32
    %scan3A_582 = scf.for %scan3A_1481 = %scan3A_578 to %scan3A_580 step %scan3A_581 iter_args(%scan3A_1482 = %add3A_540) -> (vector<16xf32>)  : i32 {
      %mul3A_1483 = arith.constant 1 : i32
      %mul3A_1484 = arith.muli %scan3A_1481, %mul3A_1483 : i32
      %add3A_1485 = arith.constant 0 : i32
      %add3A_1486 = arith.addi %add3A_1485, %mul3A_1484 : i32
      %mul3A_1487 = arith.constant 16 : i32
      %mul3A_1488 = arith.muli %add3A_1486, %mul3A_1487 : i32
      %add3A_1489 = arith.constant 4048 : i32
      %add3A_1490 = arith.addi %add3A_1489, %mul3A_1488 : i32
      %get3A_1491 = arith.index_cast %add3A_1490 : i32 to index
      %get3A_1492 = tpu.vector_load %arg7[%get3A_1491] {strides = array<i32>} : memref<12928xi32, #tpu.memory_space<vmem>>, vector<16xi32>,
      %gather3A_1493 = tpu.vector_load_idx %arg9[%iota3A, %get3A_1492] : memref<16x2576xf32, #tpu.memory_space<vmem>>[vector<16xi32>, vector<16xi32>], vector<16xf32>,
      %exp3A_1494 = math.exp %gather3A_1493 : vector<16xf32>
      %add3A_1495 = arith.addf %scan3A_1482, %exp3A_1494 : vector<16xf32>
      %scan3A_1496 = arith.constant 1 : i32
      %scan3A_1497 = arith.addi %scan3A_1481, %scan3A_1496 : i32
      %mul3A_1498 = arith.constant 1 : i32
      %mul3A_1499 = arith.muli %scan3A_1497, %mul3A_1498 : i32
      %add3A_1500 = arith.constant 0 : i32
      %add3A_1501 = arith.addi %add3A_1500, %mul3A_1499 : i32
      %mul3A_1502 = arith.constant 16 : i32
      %mul3A_1503 = arith.muli %add3A_1501, %mul3A_1502 : i32
      %add3A_1504 = arith.constant 4048 : i32
      %add3A_1505 = arith.addi %add3A_1504, %mul3A_1503 : i32
      %get3A_1506 = arith.index_cast %add3A_1505 : i32 to index
      %get3A_1507 = tpu.vector_load %arg7[%get3A_1506] {strides = array<i32>} : memref<12928xi32, #tpu.memory_space<vmem>>, vector<16xi32>,
      %gather3A_1508 = tpu.vector_load_idx %arg9[%iota3A, %get3A_1507] : memref<16x2576xf32, #tpu.memory_space<vmem>>[vector<16xi32>, vector<16xi32>], vector<16xf32>,
      %exp3A_1509 = math.exp %gather3A_1508 : vector<16xf32>
      %add3A_1510 = arith.addf %add3A_1495, %exp3A_1509 : vector<16xf32>
      %scan3A_1511 = arith.constant 2 : i32
      %scan3A_1512 = arith.addi %scan3A_1481, %scan3A_1511 : i32
      %mul3A_1513 = arith.constant 1 : i32
      %mul3A_1514 = arith.muli %scan3A_1512, %mul3A_1513 : i32
      %add3A_1515 = arith.constant 0 : i32
      %add3A_1516 = arith.addi %add3A_1515, %mul3A_1514 : i32
      %mul3A_1517 = arith.constant 16 : i32
      %mul3A_1518 = arith.muli %add3A_1516, %mul3A_1517 : i32
      %add3A_1519 = arith.constant 4048 : i32
      %add3A_1520 = arith.addi %add3A_1519, %mul3A_1518 : i32
      %get3A_1521 = arith.index_cast %add3A_1520 : i32 to index
      %get3A_1522 = tpu.vector_load %arg7[%get3A_1521] {strides = array<i32>} : memref<12928xi32, #tpu.memory_space<vmem>>, vector<16xi32>,
      %gather3A_1523 = tpu.vector_load_idx %arg9[%iota3A, %get3A_1522] : memref<16x2576xf32, #tpu.memory_space<vmem>>[vector<16xi32>, vector<16xi32>], vector<16xf32>,
      %exp3A_1524 = math.exp %gather3A_1523 : vector<16xf32>
      %add3A_1525 = arith.addf %add3A_1510, %exp3A_1524 : vector<16xf32>
      %scan3A_1526 = arith.constant 3 : i32
      %scan3A_1527 = arith.addi %scan3A_1481, %scan3A_1526 : i32
      %mul3A_1528 = arith.constant 1 : i32
      %mul3A_1529 = arith.muli %scan3A_1527, %mul3A_1528 : i32
      %add3A_1530 = arith.constant 0 : i32
      %add3A_1531 = arith.addi %add3A_1530, %mul3A_1529 : i32
      %mul3A_1532 = arith.constant 16 : i32
      %mul3A_1533 = arith.muli %add3A_1531, %mul3A_1532 : i32
      %add3A_1534 = arith.constant 4048 : i32
      %add3A_1535 = arith.addi %add3A_1534, %mul3A_1533 : i32
      %get3A_1536 = arith.index_cast %add3A_1535 : i32 to index
      %get3A_1537 = tpu.vector_load %arg7[%get3A_1536] {strides = array<i32>} : memref<12928xi32, #tpu.memory_space<vmem>>, vector<16xi32>,
      %gather3A_1538 = tpu.vector_load_idx %arg9[%iota3A, %get3A_1537] : memref<16x2576xf32, #tpu.memory_space<vmem>>[vector<16xi32>, vector<16xi32>], vector<16xf32>,
      %exp3A_1539 = math.exp %gather3A_1538 : vector<16xf32>
      %add3A_1540 = arith.addf %add3A_1525, %exp3A_1539 : vector<16xf32>
      scf.yield %add3A_1540 : vector<16xf32>
    }
    %scan3A_583 = arith.constant 44 : i32
    %scan3A_584 = arith.addi %scan3A_578, %scan3A_583 : i32
    %mul3A_585 = arith.constant 1 : i32
    %mul3A_586 = arith.muli %scan3A_584, %mul3A_585 : i32
    %add3A_587 = arith.constant 0 : i32
    %add3A_588 = arith.addi %add3A_587, %mul3A_586 : i32
    %mul3A_589 = arith.constant 16 : i32
    %mul3A_590 = arith.muli %add3A_588, %mul3A_589 : i32
    %add3A_591 = arith.constant 4048 : i32
    %add3A_592 = arith.addi %add3A_591, %mul3A_590 : i32
    %get3A_593 = arith.index_cast %add3A_592 : i32 to index
    %get3A_594 = tpu.vector_load %arg7[%get3A_593] {strides = array<i32>} : memref<12928xi32, #tpu.memory_space<vmem>>, vector<16xi32>,
    %gather3A_595 = tpu.vector_load_idx %arg9[%iota3A, %get3A_594] : memref<16x2576xf32, #tpu.memory_space<vmem>>[vector<16xi32>, vector<16xi32>], vector<16xf32>,
    %exp3A_596 = math.exp %gather3A_595 : vector<16xf32>
    %add3A_597 = arith.addf %scan3A_582, %exp3A_596 : vector<16xf32>
    %scan3A_598 = arith.constant 45 : i32
    %scan3A_599 = arith.addi %scan3A_578, %scan3A_598 : i32
    %mul3A_600 = arith.constant 1 : i32
    %mul3A_601 = arith.muli %scan3A_599, %mul3A_600 : i32
    %add3A_602 = arith.constant 0 : i32
    %add3A_603 = arith.addi %add3A_602, %mul3A_601 : i32
    %mul3A_604 = arith.constant 16 : i32
    %mul3A_605 = arith.muli %add3A_603, %mul3A_604 : i32
    %add3A_606 = arith.constant 4048 : i32
    %add3A_607 = arith.addi %add3A_606, %mul3A_605 : i32
    %get3A_608 = arith.index_cast %add3A_607 : i32 to index
    %get3A_609 = tpu.vector_load %arg7[%get3A_608] {strides = array<i32>} : memref<12928xi32, #tpu.memory_space<vmem>>, vector<16xi32>,
    %gather3A_610 = tpu.vector_load_idx %arg9[%iota3A, %get3A_609] : memref<16x2576xf32, #tpu.memory_space<vmem>>[vector<16xi32>, vector<16xi32>], vector<16xf32>,
    %exp3A_611 = math.exp %gather3A_610 : vector<16xf32>
    %add3A_612 = arith.addf %add3A_597, %exp3A_611 : vector<16xf32>
    %scan3A_613 = arith.constant 46 : i32
    %sub3A_614 = arith.constant 15360 : i32
    %sub3A_615 = vector.broadcast %sub3A_614 : i32 to vector<16xi32>
    %sub3A_616 = arith.subi %gather3A, %sub3A_615 : vector<16xi32>
    %ge3A_617 = arith.constant 0 : i32
    %ge3A_618 = vector.broadcast %ge3A_617 : i32 to vector<16xi32>
    %ge3A_619 = arith.cmpi sge, %sub3A_616, %ge3A_618 : vector<16xi32>
    %lt3A_620 = arith.constant 2560 : i32
    %lt3A_621 = vector.broadcast %lt3A_620 : i32 to vector<16xi32>
    %lt3A_622 = arith.cmpi slt, %sub3A_616, %lt3A_621 : vector<16xi32>
    %and3A_623 = arith.andi %ge3A_619, %lt3A_622 : vector<16xi1>
    %add3A_624 = arith.constant 2560 : i32
    %add3A_625 = vector.broadcast %add3A_624 : i32 to vector<16xi32>
    %add3A_626 = arith.addi %add3A_625, %iota3A : vector<16xi32>
    %select_n3A_627 = arith.select %and3A_623, %sub3A_616, %add3A_626 : vector<16xi1>, vector<16xi32>
    %gather3A_628 = tpu.vector_load_idx %arg9[%iota3A, %select_n3A_627] : memref<16x2576xf32, #tpu.memory_space<vmem>>[vector<16xi32>, vector<16xi32>], vector<16xf32>,
    %select_n3A_629 = arith.select %and3A_623, %gather3A_628, %select_n3A_557 : vector<16xi1>, vector<16xf32>
    %dma_wait3A_630 = arith.constant 0 : i32
    %dma_wait3A_631 = arith.constant 0 : i32
    %dma_wait3A_632 = tpu.memref_slice %arg10[%dma_wait3A_630, %dma_wait3A_631] : memref<16x2576xf32, #tpu.memory_space<vmem>> -> memref<16x2560xf32, #tpu.memory_space<vmem>>
    %dma_wait3A_633 = arith.constant 17920 : i32
    %dma_wait3A_634 = tpu.memref_slice %arg2[%multiple_of3A, %dma_wait3A_633] : memref<512x100000xf32, #tpu.memory_space<hbm>> -> memref<16x2560xf32, #tpu.memory_space<hbm>>
    %dma_wait3A_635 = arith.constant 0 : i32
    %dma_wait3A_636 = arith.constant 0 : i32
    %dma_wait3A_637 = tpu.memref_slice %arg10[%dma_wait3A_635, %dma_wait3A_636] : memref<16x2576xf32, #tpu.memory_space<vmem>> -> memref<16x2560xf32, #tpu.memory_space<vmem>>
    %dma_wait3A_638 = arith.constant 17920 : i32
    %dma_wait3A_639 = tpu.memref_slice %arg2[%multiple_of3A, %dma_wait3A_638] : memref<512x100000xf32, #tpu.memory_space<hbm>> -> memref<16x2560xf32, #tpu.memory_space<hbm>>
    tpu.wait_dma2 semaphore(%arg13 : memref<!tpu.dma_semaphore, #tpu.memory_space<semaphore_mem>>) src(%dma_wait3A_639 : memref<16x2560xf32, #tpu.memory_space<hbm>>) dst(%dma_wait3A_637 : memref<16x2560xf32, #tpu.memory_space<vmem>>)
    %dma_start3A_640 = arith.constant 0 : i32
    %dma_start3A_641 = arith.constant 0 : i32
    %dma_start3A_642 = tpu.memref_slice %arg9[%dma_start3A_640, %dma_start3A_641] : memref<16x2576xf32, #tpu.memory_space<vmem>> -> memref<16x2560xf32, #tpu.memory_space<vmem>>
    %dma_start3A_643 = arith.constant 20480 : i32
    %dma_start3A_644 = tpu.memref_slice %arg2[%multiple_of3A, %dma_start3A_643] : memref<512x100000xf32, #tpu.memory_space<hbm>> -> memref<16x2560xf32, #tpu.memory_space<hbm>>
    %dma_start3A_645 = arith.constant 0 : i32
    %dma_start3A_646 = arith.constant 0 : i32
    %dma_start3A_647 = tpu.memref_slice %arg9[%dma_start3A_645, %dma_start3A_646] : memref<16x2576xf32, #tpu.memory_space<vmem>> -> memref<16x2560xf32, #tpu.memory_space<vmem>>
    %dma_start3A_648 = arith.constant 20480 : i32
    %dma_start3A_649 = tpu.memref_slice %arg2[%multiple_of3A, %dma_start3A_648] : memref<512x100000xf32, #tpu.memory_space<hbm>> -> memref<16x2560xf32, #tpu.memory_space<hbm>>
    tpu.enqueue_dma source(%dma_start3A_649 : memref<16x2560xf32, #tpu.memory_space<hbm>>) target(%dma_start3A_647 : memref<16x2560xf32, #tpu.memory_space<vmem>>) target_semaphore(%arg13 : memref<!tpu.dma_semaphore, #tpu.memory_space<semaphore_mem>>)
    %scan3A_650 = arith.constant 0 : i32
    %scan3A_651 = arith.constant 40 : i32
    %scan3A_652 = arith.addi %scan3A_650, %scan3A_651 : i32
    %scan3A_653 = arith.constant 4 : i32
    %scan3A_654 = scf.for %scan3A_1481 = %scan3A_650 to %scan3A_652 step %scan3A_653 iter_args(%scan3A_1482 = %add3A_612) -> (vector<16xf32>)  : i32 {
      %mul3A_1483 = arith.constant 1 : i32
      %mul3A_1484 = arith.muli %scan3A_1481, %mul3A_1483 : i32
      %add3A_1485 = arith.constant 0 : i32
      %add3A_1486 = arith.addi %add3A_1485, %mul3A_1484 : i32
      %mul3A_1487 = arith.constant 16 : i32
      %mul3A_1488 = arith.muli %add3A_1486, %mul3A_1487 : i32
      %add3A_1489 = arith.constant 4784 : i32
      %add3A_1490 = arith.addi %add3A_1489, %mul3A_1488 : i32
      %get3A_1491 = arith.index_cast %add3A_1490 : i32 to index
      %get3A_1492 = tpu.vector_load %arg7[%get3A_1491] {strides = array<i32>} : memref<12928xi32, #tpu.memory_space<vmem>>, vector<16xi32>,
      %gather3A_1493 = tpu.vector_load_idx %arg10[%iota3A, %get3A_1492] : memref<16x2576xf32, #tpu.memory_space<vmem>>[vector<16xi32>, vector<16xi32>], vector<16xf32>,
      %exp3A_1494 = math.exp %gather3A_1493 : vector<16xf32>
      %add3A_1495 = arith.addf %scan3A_1482, %exp3A_1494 : vector<16xf32>
      %scan3A_1496 = arith.constant 1 : i32
      %scan3A_1497 = arith.addi %scan3A_1481, %scan3A_1496 : i32
      %mul3A_1498 = arith.constant 1 : i32
      %mul3A_1499 = arith.muli %scan3A_1497, %mul3A_1498 : i32
      %add3A_1500 = arith.constant 0 : i32
      %add3A_1501 = arith.addi %add3A_1500, %mul3A_1499 : i32
      %mul3A_1502 = arith.constant 16 : i32
      %mul3A_1503 = arith.muli %add3A_1501, %mul3A_1502 : i32
      %add3A_1504 = arith.constant 4784 : i32
      %add3A_1505 = arith.addi %add3A_1504, %mul3A_1503 : i32
      %get3A_1506 = arith.index_cast %add3A_1505 : i32 to index
      %get3A_1507 = tpu.vector_load %arg7[%get3A_1506] {strides = array<i32>} : memref<12928xi32, #tpu.memory_space<vmem>>, vector<16xi32>,
      %gather3A_1508 = tpu.vector_load_idx %arg10[%iota3A, %get3A_1507] : memref<16x2576xf32, #tpu.memory_space<vmem>>[vector<16xi32>, vector<16xi32>], vector<16xf32>,
      %exp3A_1509 = math.exp %gather3A_1508 : vector<16xf32>
      %add3A_1510 = arith.addf %add3A_1495, %exp3A_1509 : vector<16xf32>
      %scan3A_1511 = arith.constant 2 : i32
      %scan3A_1512 = arith.addi %scan3A_1481, %scan3A_1511 : i32
      %mul3A_1513 = arith.constant 1 : i32
      %mul3A_1514 = arith.muli %scan3A_1512, %mul3A_1513 : i32
      %add3A_1515 = arith.constant 0 : i32
      %add3A_1516 = arith.addi %add3A_1515, %mul3A_1514 : i32
      %mul3A_1517 = arith.constant 16 : i32
      %mul3A_1518 = arith.muli %add3A_1516, %mul3A_1517 : i32
      %add3A_1519 = arith.constant 4784 : i32
      %add3A_1520 = arith.addi %add3A_1519, %mul3A_1518 : i32
      %get3A_1521 = arith.index_cast %add3A_1520 : i32 to index
      %get3A_1522 = tpu.vector_load %arg7[%get3A_1521] {strides = array<i32>} : memref<12928xi32, #tpu.memory_space<vmem>>, vector<16xi32>,
      %gather3A_1523 = tpu.vector_load_idx %arg10[%iota3A, %get3A_1522] : memref<16x2576xf32, #tpu.memory_space<vmem>>[vector<16xi32>, vector<16xi32>], vector<16xf32>,
      %exp3A_1524 = math.exp %gather3A_1523 : vector<16xf32>
      %add3A_1525 = arith.addf %add3A_1510, %exp3A_1524 : vector<16xf32>
      %scan3A_1526 = arith.constant 3 : i32
      %scan3A_1527 = arith.addi %scan3A_1481, %scan3A_1526 : i32
      %mul3A_1528 = arith.constant 1 : i32
      %mul3A_1529 = arith.muli %scan3A_1527, %mul3A_1528 : i32
      %add3A_1530 = arith.constant 0 : i32
      %add3A_1531 = arith.addi %add3A_1530, %mul3A_1529 : i32
      %mul3A_1532 = arith.constant 16 : i32
      %mul3A_1533 = arith.muli %add3A_1531, %mul3A_1532 : i32
      %add3A_1534 = arith.constant 4784 : i32
      %add3A_1535 = arith.addi %add3A_1534, %mul3A_1533 : i32
      %get3A_1536 = arith.index_cast %add3A_1535 : i32 to index
      %get3A_1537 = tpu.vector_load %arg7[%get3A_1536] {strides = array<i32>} : memref<12928xi32, #tpu.memory_space<vmem>>, vector<16xi32>,
      %gather3A_1538 = tpu.vector_load_idx %arg10[%iota3A, %get3A_1537] : memref<16x2576xf32, #tpu.memory_space<vmem>>[vector<16xi32>, vector<16xi32>], vector<16xf32>,
      %exp3A_1539 = math.exp %gather3A_1538 : vector<16xf32>
      %add3A_1540 = arith.addf %add3A_1525, %exp3A_1539 : vector<16xf32>
      scf.yield %add3A_1540 : vector<16xf32>
    }
    %scan3A_655 = arith.constant 40 : i32
    %scan3A_656 = arith.addi %scan3A_650, %scan3A_655 : i32
    %mul3A_657 = arith.constant 1 : i32
    %mul3A_658 = arith.muli %scan3A_656, %mul3A_657 : i32
    %add3A_659 = arith.constant 0 : i32
    %add3A_660 = arith.addi %add3A_659, %mul3A_658 : i32
    %mul3A_661 = arith.constant 16 : i32
    %mul3A_662 = arith.muli %add3A_660, %mul3A_661 : i32
    %add3A_663 = arith.constant 4784 : i32
    %add3A_664 = arith.addi %add3A_663, %mul3A_662 : i32
    %get3A_665 = arith.index_cast %add3A_664 : i32 to index
    %get3A_666 = tpu.vector_load %arg7[%get3A_665] {strides = array<i32>} : memref<12928xi32, #tpu.memory_space<vmem>>, vector<16xi32>,
    %gather3A_667 = tpu.vector_load_idx %arg10[%iota3A, %get3A_666] : memref<16x2576xf32, #tpu.memory_space<vmem>>[vector<16xi32>, vector<16xi32>], vector<16xf32>,
    %exp3A_668 = math.exp %gather3A_667 : vector<16xf32>
    %add3A_669 = arith.addf %scan3A_654, %exp3A_668 : vector<16xf32>
    %scan3A_670 = arith.constant 41 : i32
    %scan3A_671 = arith.addi %scan3A_650, %scan3A_670 : i32
    %mul3A_672 = arith.constant 1 : i32
    %mul3A_673 = arith.muli %scan3A_671, %mul3A_672 : i32
    %add3A_674 = arith.constant 0 : i32
    %add3A_675 = arith.addi %add3A_674, %mul3A_673 : i32
    %mul3A_676 = arith.constant 16 : i32
    %mul3A_677 = arith.muli %add3A_675, %mul3A_676 : i32
    %add3A_678 = arith.constant 4784 : i32
    %add3A_679 = arith.addi %add3A_678, %mul3A_677 : i32
    %get3A_680 = arith.index_cast %add3A_679 : i32 to index
    %get3A_681 = tpu.vector_load %arg7[%get3A_680] {strides = array<i32>} : memref<12928xi32, #tpu.memory_space<vmem>>, vector<16xi32>,
    %gather3A_682 = tpu.vector_load_idx %arg10[%iota3A, %get3A_681] : memref<16x2576xf32, #tpu.memory_space<vmem>>[vector<16xi32>, vector<16xi32>], vector<16xf32>,
    %exp3A_683 = math.exp %gather3A_682 : vector<16xf32>
    %add3A_684 = arith.addf %add3A_669, %exp3A_683 : vector<16xf32>
    %scan3A_685 = arith.constant 42 : i32
    %sub3A_686 = arith.constant 17920 : i32
    %sub3A_687 = vector.broadcast %sub3A_686 : i32 to vector<16xi32>
    %sub3A_688 = arith.subi %gather3A, %sub3A_687 : vector<16xi32>
    %ge3A_689 = arith.constant 0 : i32
    %ge3A_690 = vector.broadcast %ge3A_689 : i32 to vector<16xi32>
    %ge3A_691 = arith.cmpi sge, %sub3A_688, %ge3A_690 : vector<16xi32>
    %lt3A_692 = arith.constant 2560 : i32
    %lt3A_693 = vector.broadcast %lt3A_692 : i32 to vector<16xi32>
    %lt3A_694 = arith.cmpi slt, %sub3A_688, %lt3A_693 : vector<16xi32>
    %and3A_695 = arith.andi %ge3A_691, %lt3A_694 : vector<16xi1>
    %add3A_696 = arith.constant 2560 : i32
    %add3A_697 = vector.broadcast %add3A_696 : i32 to vector<16xi32>
    %add3A_698 = arith.addi %add3A_697, %iota3A : vector<16xi32>
    %select_n3A_699 = arith.select %and3A_695, %sub3A_688, %add3A_698 : vector<16xi1>, vector<16xi32>
    %gather3A_700 = tpu.vector_load_idx %arg10[%iota3A, %select_n3A_699] : memref<16x2576xf32, #tpu.memory_space<vmem>>[vector<16xi32>, vector<16xi32>], vector<16xf32>,
    %select_n3A_701 = arith.select %and3A_695, %gather3A_700, %select_n3A_629 : vector<16xi1>, vector<16xf32>
    %dma_wait3A_702 = arith.constant 0 : i32
    %dma_wait3A_703 = arith.constant 0 : i32
    %dma_wait3A_704 = tpu.memref_slice %arg9[%dma_wait3A_702, %dma_wait3A_703] : memref<16x2576xf32, #tpu.memory_space<vmem>> -> memref<16x2560xf32, #tpu.memory_space<vmem>>
    %dma_wait3A_705 = arith.constant 20480 : i32
    %dma_wait3A_706 = tpu.memref_slice %arg2[%multiple_of3A, %dma_wait3A_705] : memref<512x100000xf32, #tpu.memory_space<hbm>> -> memref<16x2560xf32, #tpu.memory_space<hbm>>
    %dma_wait3A_707 = arith.constant 0 : i32
    %dma_wait3A_708 = arith.constant 0 : i32
    %dma_wait3A_709 = tpu.memref_slice %arg9[%dma_wait3A_707, %dma_wait3A_708] : memref<16x2576xf32, #tpu.memory_space<vmem>> -> memref<16x2560xf32, #tpu.memory_space<vmem>>
    %dma_wait3A_710 = arith.constant 20480 : i32
    %dma_wait3A_711 = tpu.memref_slice %arg2[%multiple_of3A, %dma_wait3A_710] : memref<512x100000xf32, #tpu.memory_space<hbm>> -> memref<16x2560xf32, #tpu.memory_space<hbm>>
    tpu.wait_dma2 semaphore(%arg13 : memref<!tpu.dma_semaphore, #tpu.memory_space<semaphore_mem>>) src(%dma_wait3A_711 : memref<16x2560xf32, #tpu.memory_space<hbm>>) dst(%dma_wait3A_709 : memref<16x2560xf32, #tpu.memory_space<vmem>>)
    %dma_start3A_712 = arith.constant 0 : i32
    %dma_start3A_713 = arith.constant 0 : i32
    %dma_start3A_714 = tpu.memref_slice %arg10[%dma_start3A_712, %dma_start3A_713] : memref<16x2576xf32, #tpu.memory_space<vmem>> -> memref<16x2560xf32, #tpu.memory_space<vmem>>
    %dma_start3A_715 = arith.constant 23040 : i32
    %dma_start3A_716 = tpu.memref_slice %arg2[%multiple_of3A, %dma_start3A_715] : memref<512x100000xf32, #tpu.memory_space<hbm>> -> memref<16x2560xf32, #tpu.memory_space<hbm>>
    %dma_start3A_717 = arith.constant 0 : i32
    %dma_start3A_718 = arith.constant 0 : i32
    %dma_start3A_719 = tpu.memref_slice %arg10[%dma_start3A_717, %dma_start3A_718] : memref<16x2576xf32, #tpu.memory_space<vmem>> -> memref<16x2560xf32, #tpu.memory_space<vmem>>
    %dma_start3A_720 = arith.constant 23040 : i32
    %dma_start3A_721 = tpu.memref_slice %arg2[%multiple_of3A, %dma_start3A_720] : memref<512x100000xf32, #tpu.memory_space<hbm>> -> memref<16x2560xf32, #tpu.memory_space<hbm>>
    tpu.enqueue_dma source(%dma_start3A_721 : memref<16x2560xf32, #tpu.memory_space<hbm>>) target(%dma_start3A_719 : memref<16x2560xf32, #tpu.memory_space<vmem>>) target_semaphore(%arg13 : memref<!tpu.dma_semaphore, #tpu.memory_space<semaphore_mem>>)
    %scan3A_722 = arith.constant 0 : i32
    %scan3A_723 = arith.constant 40 : i32
    %scan3A_724 = arith.addi %scan3A_722, %scan3A_723 : i32
    %scan3A_725 = arith.constant 4 : i32
    %scan3A_726 = scf.for %scan3A_1481 = %scan3A_722 to %scan3A_724 step %scan3A_725 iter_args(%scan3A_1482 = %add3A_684) -> (vector<16xf32>)  : i32 {
      %mul3A_1483 = arith.constant 1 : i32
      %mul3A_1484 = arith.muli %scan3A_1481, %mul3A_1483 : i32
      %add3A_1485 = arith.constant 0 : i32
      %add3A_1486 = arith.addi %add3A_1485, %mul3A_1484 : i32
      %mul3A_1487 = arith.constant 16 : i32
      %mul3A_1488 = arith.muli %add3A_1486, %mul3A_1487 : i32
      %add3A_1489 = arith.constant 5456 : i32
      %add3A_1490 = arith.addi %add3A_1489, %mul3A_1488 : i32
      %get3A_1491 = arith.index_cast %add3A_1490 : i32 to index
      %get3A_1492 = tpu.vector_load %arg7[%get3A_1491] {strides = array<i32>} : memref<12928xi32, #tpu.memory_space<vmem>>, vector<16xi32>,
      %gather3A_1493 = tpu.vector_load_idx %arg9[%iota3A, %get3A_1492] : memref<16x2576xf32, #tpu.memory_space<vmem>>[vector<16xi32>, vector<16xi32>], vector<16xf32>,
      %exp3A_1494 = math.exp %gather3A_1493 : vector<16xf32>
      %add3A_1495 = arith.addf %scan3A_1482, %exp3A_1494 : vector<16xf32>
      %scan3A_1496 = arith.constant 1 : i32
      %scan3A_1497 = arith.addi %scan3A_1481, %scan3A_1496 : i32
      %mul3A_1498 = arith.constant 1 : i32
      %mul3A_1499 = arith.muli %scan3A_1497, %mul3A_1498 : i32
      %add3A_1500 = arith.constant 0 : i32
      %add3A_1501 = arith.addi %add3A_1500, %mul3A_1499 : i32
      %mul3A_1502 = arith.constant 16 : i32
      %mul3A_1503 = arith.muli %add3A_1501, %mul3A_1502 : i32
      %add3A_1504 = arith.constant 5456 : i32
      %add3A_1505 = arith.addi %add3A_1504, %mul3A_1503 : i32
      %get3A_1506 = arith.index_cast %add3A_1505 : i32 to index
      %get3A_1507 = tpu.vector_load %arg7[%get3A_1506] {strides = array<i32>} : memref<12928xi32, #tpu.memory_space<vmem>>, vector<16xi32>,
      %gather3A_1508 = tpu.vector_load_idx %arg9[%iota3A, %get3A_1507] : memref<16x2576xf32, #tpu.memory_space<vmem>>[vector<16xi32>, vector<16xi32>], vector<16xf32>,
      %exp3A_1509 = math.exp %gather3A_1508 : vector<16xf32>
      %add3A_1510 = arith.addf %add3A_1495, %exp3A_1509 : vector<16xf32>
      %scan3A_1511 = arith.constant 2 : i32
      %scan3A_1512 = arith.addi %scan3A_1481, %scan3A_1511 : i32
      %mul3A_1513 = arith.constant 1 : i32
      %mul3A_1514 = arith.muli %scan3A_1512, %mul3A_1513 : i32
      %add3A_1515 = arith.constant 0 : i32
      %add3A_1516 = arith.addi %add3A_1515, %mul3A_1514 : i32
      %mul3A_1517 = arith.constant 16 : i32
      %mul3A_1518 = arith.muli %add3A_1516, %mul3A_1517 : i32
      %add3A_1519 = arith.constant 5456 : i32
      %add3A_1520 = arith.addi %add3A_1519, %mul3A_1518 : i32
      %get3A_1521 = arith.index_cast %add3A_1520 : i32 to index
      %get3A_1522 = tpu.vector_load %arg7[%get3A_1521] {strides = array<i32>} : memref<12928xi32, #tpu.memory_space<vmem>>, vector<16xi32>,
      %gather3A_1523 = tpu.vector_load_idx %arg9[%iota3A, %get3A_1522] : memref<16x2576xf32, #tpu.memory_space<vmem>>[vector<16xi32>, vector<16xi32>], vector<16xf32>,
      %exp3A_1524 = math.exp %gather3A_1523 : vector<16xf32>
      %add3A_1525 = arith.addf %add3A_1510, %exp3A_1524 : vector<16xf32>
      %scan3A_1526 = arith.constant 3 : i32
      %scan3A_1527 = arith.addi %scan3A_1481, %scan3A_1526 : i32
      %mul3A_1528 = arith.constant 1 : i32
      %mul3A_1529 = arith.muli %scan3A_1527, %mul3A_1528 : i32
      %add3A_1530 = arith.constant 0 : i32
      %add3A_1531 = arith.addi %add3A_1530, %mul3A_1529 : i32
      %mul3A_1532 = arith.constant 16 : i32
      %mul3A_1533 = arith.muli %add3A_1531, %mul3A_1532 : i32
      %add3A_1534 = arith.constant 5456 : i32
      %add3A_1535 = arith.addi %add3A_1534, %mul3A_1533 : i32
      %get3A_1536 = arith.index_cast %add3A_1535 : i32 to index
      %get3A_1537 = tpu.vector_load %arg7[%get3A_1536] {strides = array<i32>} : memref<12928xi32, #tpu.memory_space<vmem>>, vector<16xi32>,
      %gather3A_1538 = tpu.vector_load_idx %arg9[%iota3A, %get3A_1537] : memref<16x2576xf32, #tpu.memory_space<vmem>>[vector<16xi32>, vector<16xi32>], vector<16xf32>,
      %exp3A_1539 = math.exp %gather3A_1538 : vector<16xf32>
      %add3A_1540 = arith.addf %add3A_1525, %exp3A_1539 : vector<16xf32>
      scf.yield %add3A_1540 : vector<16xf32>
    }
    %scan3A_727 = arith.constant 40 : i32
    %scan3A_728 = arith.addi %scan3A_722, %scan3A_727 : i32
    %mul3A_729 = arith.constant 1 : i32
    %mul3A_730 = arith.muli %scan3A_728, %mul3A_729 : i32
    %add3A_731 = arith.constant 0 : i32
    %add3A_732 = arith.addi %add3A_731, %mul3A_730 : i32
    %mul3A_733 = arith.constant 16 : i32
    %mul3A_734 = arith.muli %add3A_732, %mul3A_733 : i32
    %add3A_735 = arith.constant 5456 : i32
    %add3A_736 = arith.addi %add3A_735, %mul3A_734 : i32
    %get3A_737 = arith.index_cast %add3A_736 : i32 to index
    %get3A_738 = tpu.vector_load %arg7[%get3A_737] {strides = array<i32>} : memref<12928xi32, #tpu.memory_space<vmem>>, vector<16xi32>,
    %gather3A_739 = tpu.vector_load_idx %arg9[%iota3A, %get3A_738] : memref<16x2576xf32, #tpu.memory_space<vmem>>[vector<16xi32>, vector<16xi32>], vector<16xf32>,
    %exp3A_740 = math.exp %gather3A_739 : vector<16xf32>
    %add3A_741 = arith.addf %scan3A_726, %exp3A_740 : vector<16xf32>
    %scan3A_742 = arith.constant 41 : i32
    %scan3A_743 = arith.addi %scan3A_722, %scan3A_742 : i32
    %mul3A_744 = arith.constant 1 : i32
    %mul3A_745 = arith.muli %scan3A_743, %mul3A_744 : i32
    %add3A_746 = arith.constant 0 : i32
    %add3A_747 = arith.addi %add3A_746, %mul3A_745 : i32
    %mul3A_748 = arith.constant 16 : i32
    %mul3A_749 = arith.muli %add3A_747, %mul3A_748 : i32
    %add3A_750 = arith.constant 5456 : i32
    %add3A_751 = arith.addi %add3A_750, %mul3A_749 : i32
    %get3A_752 = arith.index_cast %add3A_751 : i32 to index
    %get3A_753 = tpu.vector_load %arg7[%get3A_752] {strides = array<i32>} : memref<12928xi32, #tpu.memory_space<vmem>>, vector<16xi32>,
    %gather3A_754 = tpu.vector_load_idx %arg9[%iota3A, %get3A_753] : memref<16x2576xf32, #tpu.memory_space<vmem>>[vector<16xi32>, vector<16xi32>], vector<16xf32>,
    %exp3A_755 = math.exp %gather3A_754 : vector<16xf32>
    %add3A_756 = arith.addf %add3A_741, %exp3A_755 : vector<16xf32>
    %scan3A_757 = arith.constant 42 : i32
    %sub3A_758 = arith.constant 20480 : i32
    %sub3A_759 = vector.broadcast %sub3A_758 : i32 to vector<16xi32>
    %sub3A_760 = arith.subi %gather3A, %sub3A_759 : vector<16xi32>
    %ge3A_761 = arith.constant 0 : i32
    %ge3A_762 = vector.broadcast %ge3A_761 : i32 to vector<16xi32>
    %ge3A_763 = arith.cmpi sge, %sub3A_760, %ge3A_762 : vector<16xi32>
    %lt3A_764 = arith.constant 2560 : i32
    %lt3A_765 = vector.broadcast %lt3A_764 : i32 to vector<16xi32>
    %lt3A_766 = arith.cmpi slt, %sub3A_760, %lt3A_765 : vector<16xi32>
    %and3A_767 = arith.andi %ge3A_763, %lt3A_766 : vector<16xi1>
    %add3A_768 = arith.constant 2560 : i32
    %add3A_769 = vector.broadcast %add3A_768 : i32 to vector<16xi32>
    %add3A_770 = arith.addi %add3A_769, %iota3A : vector<16xi32>
    %select_n3A_771 = arith.select %and3A_767, %sub3A_760, %add3A_770 : vector<16xi1>, vector<16xi32>
    %gather3A_772 = tpu.vector_load_idx %arg9[%iota3A, %select_n3A_771] : memref<16x2576xf32, #tpu.memory_space<vmem>>[vector<16xi32>, vector<16xi32>], vector<16xf32>,
    %select_n3A_773 = arith.select %and3A_767, %gather3A_772, %select_n3A_701 : vector<16xi1>, vector<16xf32>
    %dma_wait3A_774 = arith.constant 0 : i32
    %dma_wait3A_775 = arith.constant 0 : i32
    %dma_wait3A_776 = tpu.memref_slice %arg10[%dma_wait3A_774, %dma_wait3A_775] : memref<16x2576xf32, #tpu.memory_space<vmem>> -> memref<16x2560xf32, #tpu.memory_space<vmem>>
    %dma_wait3A_777 = arith.constant 23040 : i32
    %dma_wait3A_778 = tpu.memref_slice %arg2[%multiple_of3A, %dma_wait3A_777] : memref<512x100000xf32, #tpu.memory_space<hbm>> -> memref<16x2560xf32, #tpu.memory_space<hbm>>
    %dma_wait3A_779 = arith.constant 0 : i32
    %dma_wait3A_780 = arith.constant 0 : i32
    %dma_wait3A_781 = tpu.memref_slice %arg10[%dma_wait3A_779, %dma_wait3A_780] : memref<16x2576xf32, #tpu.memory_space<vmem>> -> memref<16x2560xf32, #tpu.memory_space<vmem>>
    %dma_wait3A_782 = arith.constant 23040 : i32
    %dma_wait3A_783 = tpu.memref_slice %arg2[%multiple_of3A, %dma_wait3A_782] : memref<512x100000xf32, #tpu.memory_space<hbm>> -> memref<16x2560xf32, #tpu.memory_space<hbm>>
    tpu.wait_dma2 semaphore(%arg13 : memref<!tpu.dma_semaphore, #tpu.memory_space<semaphore_mem>>) src(%dma_wait3A_783 : memref<16x2560xf32, #tpu.memory_space<hbm>>) dst(%dma_wait3A_781 : memref<16x2560xf32, #tpu.memory_space<vmem>>)
    %dma_start3A_784 = arith.constant 0 : i32
    %dma_start3A_785 = arith.constant 0 : i32
    %dma_start3A_786 = tpu.memref_slice %arg9[%dma_start3A_784, %dma_start3A_785] : memref<16x2576xf32, #tpu.memory_space<vmem>> -> memref<16x2560xf32, #tpu.memory_space<vmem>>
    %dma_start3A_787 = arith.constant 25600 : i32
    %dma_start3A_788 = tpu.memref_slice %arg2[%multiple_of3A, %dma_start3A_787] : memref<512x100000xf32, #tpu.memory_space<hbm>> -> memref<16x2560xf32, #tpu.memory_space<hbm>>
    %dma_start3A_789 = arith.constant 0 : i32
    %dma_start3A_790 = arith.constant 0 : i32
    %dma_start3A_791 = tpu.memref_slice %arg9[%dma_start3A_789, %dma_start3A_790] : memref<16x2576xf32, #tpu.memory_space<vmem>> -> memref<16x2560xf32, #tpu.memory_space<vmem>>
    %dma_start3A_792 = arith.constant 25600 : i32
    %dma_start3A_793 = tpu.memref_slice %arg2[%multiple_of3A, %dma_start3A_792] : memref<512x100000xf32, #tpu.memory_space<hbm>> -> memref<16x2560xf32, #tpu.memory_space<hbm>>
    tpu.enqueue_dma source(%dma_start3A_793 : memref<16x2560xf32, #tpu.memory_space<hbm>>) target(%dma_start3A_791 : memref<16x2560xf32, #tpu.memory_space<vmem>>) target_semaphore(%arg13 : memref<!tpu.dma_semaphore, #tpu.memory_space<semaphore_mem>>)
    %scan3A_794 = arith.constant 0 : i32
    %scan3A_795 = arith.constant 44 : i32
    %scan3A_796 = arith.addi %scan3A_794, %scan3A_795 : i32
    %scan3A_797 = arith.constant 4 : i32
    %scan3A_798 = scf.for %scan3A_1481 = %scan3A_794 to %scan3A_796 step %scan3A_797 iter_args(%scan3A_1482 = %add3A_756) -> (vector<16xf32>)  : i32 {
      %mul3A_1483 = arith.constant 1 : i32
      %mul3A_1484 = arith.muli %scan3A_1481, %mul3A_1483 : i32
      %add3A_1485 = arith.constant 0 : i32
      %add3A_1486 = arith.addi %add3A_1485, %mul3A_1484 : i32
      %mul3A_1487 = arith.constant 16 : i32
      %mul3A_1488 = arith.muli %add3A_1486, %mul3A_1487 : i32
      %add3A_1489 = arith.constant 6128 : i32
      %add3A_1490 = arith.addi %add3A_1489, %mul3A_1488 : i32
      %get3A_1491 = arith.index_cast %add3A_1490 : i32 to index
      %get3A_1492 = tpu.vector_load %arg7[%get3A_1491] {strides = array<i32>} : memref<12928xi32, #tpu.memory_space<vmem>>, vector<16xi32>,
      %gather3A_1493 = tpu.vector_load_idx %arg10[%iota3A, %get3A_1492] : memref<16x2576xf32, #tpu.memory_space<vmem>>[vector<16xi32>, vector<16xi32>], vector<16xf32>,
      %exp3A_1494 = math.exp %gather3A_1493 : vector<16xf32>
      %add3A_1495 = arith.addf %scan3A_1482, %exp3A_1494 : vector<16xf32>
      %scan3A_1496 = arith.constant 1 : i32
      %scan3A_1497 = arith.addi %scan3A_1481, %scan3A_1496 : i32
      %mul3A_1498 = arith.constant 1 : i32
      %mul3A_1499 = arith.muli %scan3A_1497, %mul3A_1498 : i32
      %add3A_1500 = arith.constant 0 : i32
      %add3A_1501 = arith.addi %add3A_1500, %mul3A_1499 : i32
      %mul3A_1502 = arith.constant 16 : i32
      %mul3A_1503 = arith.muli %add3A_1501, %mul3A_1502 : i32
      %add3A_1504 = arith.constant 6128 : i32
      %add3A_1505 = arith.addi %add3A_1504, %mul3A_1503 : i32
      %get3A_1506 = arith.index_cast %add3A_1505 : i32 to index
      %get3A_1507 = tpu.vector_load %arg7[%get3A_1506] {strides = array<i32>} : memref<12928xi32, #tpu.memory_space<vmem>>, vector<16xi32>,
      %gather3A_1508 = tpu.vector_load_idx %arg10[%iota3A, %get3A_1507] : memref<16x2576xf32, #tpu.memory_space<vmem>>[vector<16xi32>, vector<16xi32>], vector<16xf32>,
      %exp3A_1509 = math.exp %gather3A_1508 : vector<16xf32>
      %add3A_1510 = arith.addf %add3A_1495, %exp3A_1509 : vector<16xf32>
      %scan3A_1511 = arith.constant 2 : i32
      %scan3A_1512 = arith.addi %scan3A_1481, %scan3A_1511 : i32
      %mul3A_1513 = arith.constant 1 : i32
      %mul3A_1514 = arith.muli %scan3A_1512, %mul3A_1513 : i32
      %add3A_1515 = arith.constant 0 : i32
      %add3A_1516 = arith.addi %add3A_1515, %mul3A_1514 : i32
      %mul3A_1517 = arith.constant 16 : i32
      %mul3A_1518 = arith.muli %add3A_1516, %mul3A_1517 : i32
      %add3A_1519 = arith.constant 6128 : i32
      %add3A_1520 = arith.addi %add3A_1519, %mul3A_1518 : i32
      %get3A_1521 = arith.index_cast %add3A_1520 : i32 to index
      %get3A_1522 = tpu.vector_load %arg7[%get3A_1521] {strides = array<i32>} : memref<12928xi32, #tpu.memory_space<vmem>>, vector<16xi32>,
      %gather3A_1523 = tpu.vector_load_idx %arg10[%iota3A, %get3A_1522] : memref<16x2576xf32, #tpu.memory_space<vmem>>[vector<16xi32>, vector<16xi32>], vector<16xf32>,
      %exp3A_1524 = math.exp %gather3A_1523 : vector<16xf32>
      %add3A_1525 = arith.addf %add3A_1510, %exp3A_1524 : vector<16xf32>
      %scan3A_1526 = arith.constant 3 : i32
      %scan3A_1527 = arith.addi %scan3A_1481, %scan3A_1526 : i32
      %mul3A_1528 = arith.constant 1 : i32
      %mul3A_1529 = arith.muli %scan3A_1527, %mul3A_1528 : i32
      %add3A_1530 = arith.constant 0 : i32
      %add3A_1531 = arith.addi %add3A_1530, %mul3A_1529 : i32
      %mul3A_1532 = arith.constant 16 : i32
      %mul3A_1533 = arith.muli %add3A_1531, %mul3A_1532 : i32
      %add3A_1534 = arith.constant 6128 : i32
      %add3A_1535 = arith.addi %add3A_1534, %mul3A_1533 : i32
      %get3A_1536 = arith.index_cast %add3A_1535 : i32 to index
      %get3A_1537 = tpu.vector_load %arg7[%get3A_1536] {strides = array<i32>} : memref<12928xi32, #tpu.memory_space<vmem>>, vector<16xi32>,
      %gather3A_1538 = tpu.vector_load_idx %arg10[%iota3A, %get3A_1537] : memref<16x2576xf32, #tpu.memory_space<vmem>>[vector<16xi32>, vector<16xi32>], vector<16xf32>,
      %exp3A_1539 = math.exp %gather3A_1538 : vector<16xf32>
      %add3A_1540 = arith.addf %add3A_1525, %exp3A_1539 : vector<16xf32>
      scf.yield %add3A_1540 : vector<16xf32>
    }
    %scan3A_799 = arith.constant 44 : i32
    %scan3A_800 = arith.addi %scan3A_794, %scan3A_799 : i32
    %mul3A_801 = arith.constant 1 : i32
    %mul3A_802 = arith.muli %scan3A_800, %mul3A_801 : i32
    %add3A_803 = arith.constant 0 : i32
    %add3A_804 = arith.addi %add3A_803, %mul3A_802 : i32
    %mul3A_805 = arith.constant 16 : i32
    %mul3A_806 = arith.muli %add3A_804, %mul3A_805 : i32
    %add3A_807 = arith.constant 6128 : i32
    %add3A_808 = arith.addi %add3A_807, %mul3A_806 : i32
    %get3A_809 = arith.index_cast %add3A_808 : i32 to index
    %get3A_810 = tpu.vector_load %arg7[%get3A_809] {strides = array<i32>} : memref<12928xi32, #tpu.memory_space<vmem>>, vector<16xi32>,
    %gather3A_811 = tpu.vector_load_idx %arg10[%iota3A, %get3A_810] : memref<16x2576xf32, #tpu.memory_space<vmem>>[vector<16xi32>, vector<16xi32>], vector<16xf32>,
    %exp3A_812 = math.exp %gather3A_811 : vector<16xf32>
    %add3A_813 = arith.addf %scan3A_798, %exp3A_812 : vector<16xf32>
    %scan3A_814 = arith.constant 45 : i32
    %sub3A_815 = arith.constant 23040 : i32
    %sub3A_816 = vector.broadcast %sub3A_815 : i32 to vector<16xi32>
    %sub3A_817 = arith.subi %gather3A, %sub3A_816 : vector<16xi32>
    %ge3A_818 = arith.constant 0 : i32
    %ge3A_819 = vector.broadcast %ge3A_818 : i32 to vector<16xi32>
    %ge3A_820 = arith.cmpi sge, %sub3A_817, %ge3A_819 : vector<16xi32>
    %lt3A_821 = arith.constant 2560 : i32
    %lt3A_822 = vector.broadcast %lt3A_821 : i32 to vector<16xi32>
    %lt3A_823 = arith.cmpi slt, %sub3A_817, %lt3A_822 : vector<16xi32>
    %and3A_824 = arith.andi %ge3A_820, %lt3A_823 : vector<16xi1>
    %add3A_825 = arith.constant 2560 : i32
    %add3A_826 = vector.broadcast %add3A_825 : i32 to vector<16xi32>
    %add3A_827 = arith.addi %add3A_826, %iota3A : vector<16xi32>
    %select_n3A_828 = arith.select %and3A_824, %sub3A_817, %add3A_827 : vector<16xi1>, vector<16xi32>
    %gather3A_829 = tpu.vector_load_idx %arg10[%iota3A, %select_n3A_828] : memref<16x2576xf32, #tpu.memory_space<vmem>>[vector<16xi32>, vector<16xi32>], vector<16xf32>,
    %select_n3A_830 = arith.select %and3A_824, %gather3A_829, %select_n3A_773 : vector<16xi1>, vector<16xf32>
    %dma_wait3A_831 = arith.constant 0 : i32
    %dma_wait3A_832 = arith.constant 0 : i32
    %dma_wait3A_833 = tpu.memref_slice %arg9[%dma_wait3A_831, %dma_wait3A_832] : memref<16x2576xf32, #tpu.memory_space<vmem>> -> memref<16x2560xf32, #tpu.memory_space<vmem>>
    %dma_wait3A_834 = arith.constant 25600 : i32
    %dma_wait3A_835 = tpu.memref_slice %arg2[%multiple_of3A, %dma_wait3A_834] : memref<512x100000xf32, #tpu.memory_space<hbm>> -> memref<16x2560xf32, #tpu.memory_space<hbm>>
    %dma_wait3A_836 = arith.constant 0 : i32
    %dma_wait3A_837 = arith.constant 0 : i32
    %dma_wait3A_838 = tpu.memref_slice %arg9[%dma_wait3A_836, %dma_wait3A_837] : memref<16x2576xf32, #tpu.memory_space<vmem>> -> memref<16x2560xf32, #tpu.memory_space<vmem>>
    %dma_wait3A_839 = arith.constant 25600 : i32
    %dma_wait3A_840 = tpu.memref_slice %arg2[%multiple_of3A, %dma_wait3A_839] : memref<512x100000xf32, #tpu.memory_space<hbm>> -> memref<16x2560xf32, #tpu.memory_space<hbm>>
    tpu.wait_dma2 semaphore(%arg13 : memref<!tpu.dma_semaphore, #tpu.memory_space<semaphore_mem>>) src(%dma_wait3A_840 : memref<16x2560xf32, #tpu.memory_space<hbm>>) dst(%dma_wait3A_838 : memref<16x2560xf32, #tpu.memory_space<vmem>>)
    %dma_start3A_841 = arith.constant 0 : i32
    %dma_start3A_842 = arith.constant 0 : i32
    %dma_start3A_843 = tpu.memref_slice %arg10[%dma_start3A_841, %dma_start3A_842] : memref<16x2576xf32, #tpu.memory_space<vmem>> -> memref<16x2560xf32, #tpu.memory_space<vmem>>
    %dma_start3A_844 = arith.constant 28160 : i32
    %dma_start3A_845 = tpu.memref_slice %arg2[%multiple_of3A, %dma_start3A_844] : memref<512x100000xf32, #tpu.memory_space<hbm>> -> memref<16x2560xf32, #tpu.memory_space<hbm>>
    %dma_start3A_846 = arith.constant 0 : i32
    %dma_start3A_847 = arith.constant 0 : i32
    %dma_start3A_848 = tpu.memref_slice %arg10[%dma_start3A_846, %dma_start3A_847] : memref<16x2576xf32, #tpu.memory_space<vmem>> -> memref<16x2560xf32, #tpu.memory_space<vmem>>
    %dma_start3A_849 = arith.constant 28160 : i32
    %dma_start3A_850 = tpu.memref_slice %arg2[%multiple_of3A, %dma_start3A_849] : memref<512x100000xf32, #tpu.memory_space<hbm>> -> memref<16x2560xf32, #tpu.memory_space<hbm>>
    tpu.enqueue_dma source(%dma_start3A_850 : memref<16x2560xf32, #tpu.memory_space<hbm>>) target(%dma_start3A_848 : memref<16x2560xf32, #tpu.memory_space<vmem>>) target_semaphore(%arg13 : memref<!tpu.dma_semaphore, #tpu.memory_space<semaphore_mem>>)
    %scan3A_851 = arith.constant 0 : i32
    %scan3A_852 = arith.constant 40 : i32
    %scan3A_853 = arith.addi %scan3A_851, %scan3A_852 : i32
    %scan3A_854 = arith.constant 4 : i32
    %scan3A_855 = scf.for %scan3A_1481 = %scan3A_851 to %scan3A_853 step %scan3A_854 iter_args(%scan3A_1482 = %add3A_813) -> (vector<16xf32>)  : i32 {
      %mul3A_1483 = arith.constant 1 : i32
      %mul3A_1484 = arith.muli %scan3A_1481, %mul3A_1483 : i32
      %add3A_1485 = arith.constant 0 : i32
      %add3A_1486 = arith.addi %add3A_1485, %mul3A_1484 : i32
      %mul3A_1487 = arith.constant 16 : i32
      %mul3A_1488 = arith.muli %add3A_1486, %mul3A_1487 : i32
      %add3A_1489 = arith.constant 6848 : i32
      %add3A_1490 = arith.addi %add3A_1489, %mul3A_1488 : i32
      %get3A_1491 = arith.index_cast %add3A_1490 : i32 to index
      %get3A_1492 = tpu.vector_load %arg7[%get3A_1491] {strides = array<i32>} : memref<12928xi32, #tpu.memory_space<vmem>>, vector<16xi32>,
      %gather3A_1493 = tpu.vector_load_idx %arg9[%iota3A, %get3A_1492] : memref<16x2576xf32, #tpu.memory_space<vmem>>[vector<16xi32>, vector<16xi32>], vector<16xf32>,
      %exp3A_1494 = math.exp %gather3A_1493 : vector<16xf32>
      %add3A_1495 = arith.addf %scan3A_1482, %exp3A_1494 : vector<16xf32>
      %scan3A_1496 = arith.constant 1 : i32
      %scan3A_1497 = arith.addi %scan3A_1481, %scan3A_1496 : i32
      %mul3A_1498 = arith.constant 1 : i32
      %mul3A_1499 = arith.muli %scan3A_1497, %mul3A_1498 : i32
      %add3A_1500 = arith.constant 0 : i32
      %add3A_1501 = arith.addi %add3A_1500, %mul3A_1499 : i32
      %mul3A_1502 = arith.constant 16 : i32
      %mul3A_1503 = arith.muli %add3A_1501, %mul3A_1502 : i32
      %add3A_1504 = arith.constant 6848 : i32
      %add3A_1505 = arith.addi %add3A_1504, %mul3A_1503 : i32
      %get3A_1506 = arith.index_cast %add3A_1505 : i32 to index
      %get3A_1507 = tpu.vector_load %arg7[%get3A_1506] {strides = array<i32>} : memref<12928xi32, #tpu.memory_space<vmem>>, vector<16xi32>,
      %gather3A_1508 = tpu.vector_load_idx %arg9[%iota3A, %get3A_1507] : memref<16x2576xf32, #tpu.memory_space<vmem>>[vector<16xi32>, vector<16xi32>], vector<16xf32>,
      %exp3A_1509 = math.exp %gather3A_1508 : vector<16xf32>
      %add3A_1510 = arith.addf %add3A_1495, %exp3A_1509 : vector<16xf32>
      %scan3A_1511 = arith.constant 2 : i32
      %scan3A_1512 = arith.addi %scan3A_1481, %scan3A_1511 : i32
      %mul3A_1513 = arith.constant 1 : i32
      %mul3A_1514 = arith.muli %scan3A_1512, %mul3A_1513 : i32
      %add3A_1515 = arith.constant 0 : i32
      %add3A_1516 = arith.addi %add3A_1515, %mul3A_1514 : i32
      %mul3A_1517 = arith.constant 16 : i32
      %mul3A_1518 = arith.muli %add3A_1516, %mul3A_1517 : i32
      %add3A_1519 = arith.constant 6848 : i32
      %add3A_1520 = arith.addi %add3A_1519, %mul3A_1518 : i32
      %get3A_1521 = arith.index_cast %add3A_1520 : i32 to index
      %get3A_1522 = tpu.vector_load %arg7[%get3A_1521] {strides = array<i32>} : memref<12928xi32, #tpu.memory_space<vmem>>, vector<16xi32>,
      %gather3A_1523 = tpu.vector_load_idx %arg9[%iota3A, %get3A_1522] : memref<16x2576xf32, #tpu.memory_space<vmem>>[vector<16xi32>, vector<16xi32>], vector<16xf32>,
      %exp3A_1524 = math.exp %gather3A_1523 : vector<16xf32>
      %add3A_1525 = arith.addf %add3A_1510, %exp3A_1524 : vector<16xf32>
      %scan3A_1526 = arith.constant 3 : i32
      %scan3A_1527 = arith.addi %scan3A_1481, %scan3A_1526 : i32
      %mul3A_1528 = arith.constant 1 : i32
      %mul3A_1529 = arith.muli %scan3A_1527, %mul3A_1528 : i32
      %add3A_1530 = arith.constant 0 : i32
      %add3A_1531 = arith.addi %add3A_1530, %mul3A_1529 : i32
      %mul3A_1532 = arith.constant 16 : i32
      %mul3A_1533 = arith.muli %add3A_1531, %mul3A_1532 : i32
      %add3A_1534 = arith.constant 6848 : i32
      %add3A_1535 = arith.addi %add3A_1534, %mul3A_1533 : i32
      %get3A_1536 = arith.index_cast %add3A_1535 : i32 to index
      %get3A_1537 = tpu.vector_load %arg7[%get3A_1536] {strides = array<i32>} : memref<12928xi32, #tpu.memory_space<vmem>>, vector<16xi32>,
      %gather3A_1538 = tpu.vector_load_idx %arg9[%iota3A, %get3A_1537] : memref<16x2576xf32, #tpu.memory_space<vmem>>[vector<16xi32>, vector<16xi32>], vector<16xf32>,
      %exp3A_1539 = math.exp %gather3A_1538 : vector<16xf32>
      %add3A_1540 = arith.addf %add3A_1525, %exp3A_1539 : vector<16xf32>
      scf.yield %add3A_1540 : vector<16xf32>
    }
    %scan3A_856 = arith.constant 40 : i32
    %scan3A_857 = arith.addi %scan3A_851, %scan3A_856 : i32
    %mul3A_858 = arith.constant 1 : i32
    %mul3A_859 = arith.muli %scan3A_857, %mul3A_858 : i32
    %add3A_860 = arith.constant 0 : i32
    %add3A_861 = arith.addi %add3A_860, %mul3A_859 : i32
    %mul3A_862 = arith.constant 16 : i32
    %mul3A_863 = arith.muli %add3A_861, %mul3A_862 : i32
    %add3A_864 = arith.constant 6848 : i32
    %add3A_865 = arith.addi %add3A_864, %mul3A_863 : i32
    %get3A_866 = arith.index_cast %add3A_865 : i32 to index
    %get3A_867 = tpu.vector_load %arg7[%get3A_866] {strides = array<i32>} : memref<12928xi32, #tpu.memory_space<vmem>>, vector<16xi32>,
    %gather3A_868 = tpu.vector_load_idx %arg9[%iota3A, %get3A_867] : memref<16x2576xf32, #tpu.memory_space<vmem>>[vector<16xi32>, vector<16xi32>], vector<16xf32>,
    %exp3A_869 = math.exp %gather3A_868 : vector<16xf32>
    %add3A_870 = arith.addf %scan3A_855, %exp3A_869 : vector<16xf32>
    %scan3A_871 = arith.constant 41 : i32
    %scan3A_872 = arith.addi %scan3A_851, %scan3A_871 : i32
    %mul3A_873 = arith.constant 1 : i32
    %mul3A_874 = arith.muli %scan3A_872, %mul3A_873 : i32
    %add3A_875 = arith.constant 0 : i32
    %add3A_876 = arith.addi %add3A_875, %mul3A_874 : i32
    %mul3A_877 = arith.constant 16 : i32
    %mul3A_878 = arith.muli %add3A_876, %mul3A_877 : i32
    %add3A_879 = arith.constant 6848 : i32
    %add3A_880 = arith.addi %add3A_879, %mul3A_878 : i32
    %get3A_881 = arith.index_cast %add3A_880 : i32 to index
    %get3A_882 = tpu.vector_load %arg7[%get3A_881] {strides = array<i32>} : memref<12928xi32, #tpu.memory_space<vmem>>, vector<16xi32>,
    %gather3A_883 = tpu.vector_load_idx %arg9[%iota3A, %get3A_882] : memref<16x2576xf32, #tpu.memory_space<vmem>>[vector<16xi32>, vector<16xi32>], vector<16xf32>,
    %exp3A_884 = math.exp %gather3A_883 : vector<16xf32>
    %add3A_885 = arith.addf %add3A_870, %exp3A_884 : vector<16xf32>
    %scan3A_886 = arith.constant 42 : i32
    %sub3A_887 = arith.constant 25600 : i32
    %sub3A_888 = vector.broadcast %sub3A_887 : i32 to vector<16xi32>
    %sub3A_889 = arith.subi %gather3A, %sub3A_888 : vector<16xi32>
    %ge3A_890 = arith.constant 0 : i32
    %ge3A_891 = vector.broadcast %ge3A_890 : i32 to vector<16xi32>
    %ge3A_892 = arith.cmpi sge, %sub3A_889, %ge3A_891 : vector<16xi32>
    %lt3A_893 = arith.constant 2560 : i32
    %lt3A_894 = vector.broadcast %lt3A_893 : i32 to vector<16xi32>
    %lt3A_895 = arith.cmpi slt, %sub3A_889, %lt3A_894 : vector<16xi32>
    %and3A_896 = arith.andi %ge3A_892, %lt3A_895 : vector<16xi1>
    %add3A_897 = arith.constant 2560 : i32
    %add3A_898 = vector.broadcast %add3A_897 : i32 to vector<16xi32>
    %add3A_899 = arith.addi %add3A_898, %iota3A : vector<16xi32>
    %select_n3A_900 = arith.select %and3A_896, %sub3A_889, %add3A_899 : vector<16xi1>, vector<16xi32>
    %gather3A_901 = tpu.vector_load_idx %arg9[%iota3A, %select_n3A_900] : memref<16x2576xf32, #tpu.memory_space<vmem>>[vector<16xi32>, vector<16xi32>], vector<16xf32>,
    %select_n3A_902 = arith.select %and3A_896, %gather3A_901, %select_n3A_830 : vector<16xi1>, vector<16xf32>
    %dma_wait3A_903 = arith.constant 0 : i32
    %dma_wait3A_904 = arith.constant 0 : i32
    %dma_wait3A_905 = tpu.memref_slice %arg10[%dma_wait3A_903, %dma_wait3A_904] : memref<16x2576xf32, #tpu.memory_space<vmem>> -> memref<16x2560xf32, #tpu.memory_space<vmem>>
    %dma_wait3A_906 = arith.constant 28160 : i32
    %dma_wait3A_907 = tpu.memref_slice %arg2[%multiple_of3A, %dma_wait3A_906] : memref<512x100000xf32, #tpu.memory_space<hbm>> -> memref<16x2560xf32, #tpu.memory_space<hbm>>
    %dma_wait3A_908 = arith.constant 0 : i32
    %dma_wait3A_909 = arith.constant 0 : i32
    %dma_wait3A_910 = tpu.memref_slice %arg10[%dma_wait3A_908, %dma_wait3A_909] : memref<16x2576xf32, #tpu.memory_space<vmem>> -> memref<16x2560xf32, #tpu.memory_space<vmem>>
    %dma_wait3A_911 = arith.constant 28160 : i32
    %dma_wait3A_912 = tpu.memref_slice %arg2[%multiple_of3A, %dma_wait3A_911] : memref<512x100000xf32, #tpu.memory_space<hbm>> -> memref<16x2560xf32, #tpu.memory_space<hbm>>
    tpu.wait_dma2 semaphore(%arg13 : memref<!tpu.dma_semaphore, #tpu.memory_space<semaphore_mem>>) src(%dma_wait3A_912 : memref<16x2560xf32, #tpu.memory_space<hbm>>) dst(%dma_wait3A_910 : memref<16x2560xf32, #tpu.memory_space<vmem>>)
    %dma_start3A_913 = arith.constant 0 : i32
    %dma_start3A_914 = arith.constant 0 : i32
    %dma_start3A_915 = tpu.memref_slice %arg9[%dma_start3A_913, %dma_start3A_914] : memref<16x2576xf32, #tpu.memory_space<vmem>> -> memref<16x2560xf32, #tpu.memory_space<vmem>>
    %dma_start3A_916 = arith.constant 30720 : i32
    %dma_start3A_917 = tpu.memref_slice %arg2[%multiple_of3A, %dma_start3A_916] : memref<512x100000xf32, #tpu.memory_space<hbm>> -> memref<16x2560xf32, #tpu.memory_space<hbm>>
    %dma_start3A_918 = arith.constant 0 : i32
    %dma_start3A_919 = arith.constant 0 : i32
    %dma_start3A_920 = tpu.memref_slice %arg9[%dma_start3A_918, %dma_start3A_919] : memref<16x2576xf32, #tpu.memory_space<vmem>> -> memref<16x2560xf32, #tpu.memory_space<vmem>>
    %dma_start3A_921 = arith.constant 30720 : i32
    %dma_start3A_922 = tpu.memref_slice %arg2[%multiple_of3A, %dma_start3A_921] : memref<512x100000xf32, #tpu.memory_space<hbm>> -> memref<16x2560xf32, #tpu.memory_space<hbm>>
    tpu.enqueue_dma source(%dma_start3A_922 : memref<16x2560xf32, #tpu.memory_space<hbm>>) target(%dma_start3A_920 : memref<16x2560xf32, #tpu.memory_space<vmem>>) target_semaphore(%arg13 : memref<!tpu.dma_semaphore, #tpu.memory_space<semaphore_mem>>)
    %scan3A_923 = arith.constant 0 : i32
    %scan3A_924 = arith.constant 44 : i32
    %scan3A_925 = arith.addi %scan3A_923, %scan3A_924 : i32
    %scan3A_926 = arith.constant 4 : i32
    %scan3A_927 = scf.for %scan3A_1481 = %scan3A_923 to %scan3A_925 step %scan3A_926 iter_args(%scan3A_1482 = %add3A_885) -> (vector<16xf32>)  : i32 {
      %mul3A_1483 = arith.constant 1 : i32
      %mul3A_1484 = arith.muli %scan3A_1481, %mul3A_1483 : i32
      %add3A_1485 = arith.constant 0 : i32
      %add3A_1486 = arith.addi %add3A_1485, %mul3A_1484 : i32
      %mul3A_1487 = arith.constant 16 : i32
      %mul3A_1488 = arith.muli %add3A_1486, %mul3A_1487 : i32
      %add3A_1489 = arith.constant 7520 : i32
      %add3A_1490 = arith.addi %add3A_1489, %mul3A_1488 : i32
      %get3A_1491 = arith.index_cast %add3A_1490 : i32 to index
      %get3A_1492 = tpu.vector_load %arg7[%get3A_1491] {strides = array<i32>} : memref<12928xi32, #tpu.memory_space<vmem>>, vector<16xi32>,
      %gather3A_1493 = tpu.vector_load_idx %arg10[%iota3A, %get3A_1492] : memref<16x2576xf32, #tpu.memory_space<vmem>>[vector<16xi32>, vector<16xi32>], vector<16xf32>,
      %exp3A_1494 = math.exp %gather3A_1493 : vector<16xf32>
      %add3A_1495 = arith.addf %scan3A_1482, %exp3A_1494 : vector<16xf32>
      %scan3A_1496 = arith.constant 1 : i32
      %scan3A_1497 = arith.addi %scan3A_1481, %scan3A_1496 : i32
      %mul3A_1498 = arith.constant 1 : i32
      %mul3A_1499 = arith.muli %scan3A_1497, %mul3A_1498 : i32
      %add3A_1500 = arith.constant 0 : i32
      %add3A_1501 = arith.addi %add3A_1500, %mul3A_1499 : i32
      %mul3A_1502 = arith.constant 16 : i32
      %mul3A_1503 = arith.muli %add3A_1501, %mul3A_1502 : i32
      %add3A_1504 = arith.constant 7520 : i32
      %add3A_1505 = arith.addi %add3A_1504, %mul3A_1503 : i32
      %get3A_1506 = arith.index_cast %add3A_1505 : i32 to index
      %get3A_1507 = tpu.vector_load %arg7[%get3A_1506] {strides = array<i32>} : memref<12928xi32, #tpu.memory_space<vmem>>, vector<16xi32>,
      %gather3A_1508 = tpu.vector_load_idx %arg10[%iota3A, %get3A_1507] : memref<16x2576xf32, #tpu.memory_space<vmem>>[vector<16xi32>, vector<16xi32>], vector<16xf32>,
      %exp3A_1509 = math.exp %gather3A_1508 : vector<16xf32>
      %add3A_1510 = arith.addf %add3A_1495, %exp3A_1509 : vector<16xf32>
      %scan3A_1511 = arith.constant 2 : i32
      %scan3A_1512 = arith.addi %scan3A_1481, %scan3A_1511 : i32
      %mul3A_1513 = arith.constant 1 : i32
      %mul3A_1514 = arith.muli %scan3A_1512, %mul3A_1513 : i32
      %add3A_1515 = arith.constant 0 : i32
      %add3A_1516 = arith.addi %add3A_1515, %mul3A_1514 : i32
      %mul3A_1517 = arith.constant 16 : i32
      %mul3A_1518 = arith.muli %add3A_1516, %mul3A_1517 : i32
      %add3A_1519 = arith.constant 7520 : i32
      %add3A_1520 = arith.addi %add3A_1519, %mul3A_1518 : i32
      %get3A_1521 = arith.index_cast %add3A_1520 : i32 to index
      %get3A_1522 = tpu.vector_load %arg7[%get3A_1521] {strides = array<i32>} : memref<12928xi32, #tpu.memory_space<vmem>>, vector<16xi32>,
      %gather3A_1523 = tpu.vector_load_idx %arg10[%iota3A, %get3A_1522] : memref<16x2576xf32, #tpu.memory_space<vmem>>[vector<16xi32>, vector<16xi32>], vector<16xf32>,
      %exp3A_1524 = math.exp %gather3A_1523 : vector<16xf32>
      %add3A_1525 = arith.addf %add3A_1510, %exp3A_1524 : vector<16xf32>
      %scan3A_1526 = arith.constant 3 : i32
      %scan3A_1527 = arith.addi %scan3A_1481, %scan3A_1526 : i32
      %mul3A_1528 = arith.constant 1 : i32
      %mul3A_1529 = arith.muli %scan3A_1527, %mul3A_1528 : i32
      %add3A_1530 = arith.constant 0 : i32
      %add3A_1531 = arith.addi %add3A_1530, %mul3A_1529 : i32
      %mul3A_1532 = arith.constant 16 : i32
      %mul3A_1533 = arith.muli %add3A_1531, %mul3A_1532 : i32
      %add3A_1534 = arith.constant 7520 : i32
      %add3A_1535 = arith.addi %add3A_1534, %mul3A_1533 : i32
      %get3A_1536 = arith.index_cast %add3A_1535 : i32 to index
      %get3A_1537 = tpu.vector_load %arg7[%get3A_1536] {strides = array<i32>} : memref<12928xi32, #tpu.memory_space<vmem>>, vector<16xi32>,
      %gather3A_1538 = tpu.vector_load_idx %arg10[%iota3A, %get3A_1537] : memref<16x2576xf32, #tpu.memory_space<vmem>>[vector<16xi32>, vector<16xi32>], vector<16xf32>,
      %exp3A_1539 = math.exp %gather3A_1538 : vector<16xf32>
      %add3A_1540 = arith.addf %add3A_1525, %exp3A_1539 : vector<16xf32>
      scf.yield %add3A_1540 : vector<16xf32>
    }
    %scan3A_928 = arith.constant 44 : i32
    %sub3A_929 = arith.constant 28160 : i32
    %sub3A_930 = vector.broadcast %sub3A_929 : i32 to vector<16xi32>
    %sub3A_931 = arith.subi %gather3A, %sub3A_930 : vector<16xi32>
    %ge3A_932 = arith.constant 0 : i32
    %ge3A_933 = vector.broadcast %ge3A_932 : i32 to vector<16xi32>
    %ge3A_934 = arith.cmpi sge, %sub3A_931, %ge3A_933 : vector<16xi32>
    %lt3A_935 = arith.constant 2560 : i32
    %lt3A_936 = vector.broadcast %lt3A_935 : i32 to vector<16xi32>
    %lt3A_937 = arith.cmpi slt, %sub3A_931, %lt3A_936 : vector<16xi32>
    %and3A_938 = arith.andi %ge3A_934, %lt3A_937 : vector<16xi1>
    %add3A_939 = arith.constant 2560 : i32
    %add3A_940 = vector.broadcast %add3A_939 : i32 to vector<16xi32>
    %add3A_941 = arith.addi %add3A_940, %iota3A : vector<16xi32>
    %select_n3A_942 = arith.select %and3A_938, %sub3A_931, %add3A_941 : vector<16xi1>, vector<16xi32>
    %gather3A_943 = tpu.vector_load_idx %arg10[%iota3A, %select_n3A_942] : memref<16x2576xf32, #tpu.memory_space<vmem>>[vector<16xi32>, vector<16xi32>], vector<16xf32>,
    %select_n3A_944 = arith.select %and3A_938, %gather3A_943, %select_n3A_902 : vector<16xi1>, vector<16xf32>
    %dma_wait3A_945 = arith.constant 0 : i32
    %dma_wait3A_946 = arith.constant 0 : i32
    %dma_wait3A_947 = tpu.memref_slice %arg9[%dma_wait3A_945, %dma_wait3A_946] : memref<16x2576xf32, #tpu.memory_space<vmem>> -> memref<16x2560xf32, #tpu.memory_space<vmem>>
    %dma_wait3A_948 = arith.constant 30720 : i32
    %dma_wait3A_949 = tpu.memref_slice %arg2[%multiple_of3A, %dma_wait3A_948] : memref<512x100000xf32, #tpu.memory_space<hbm>> -> memref<16x2560xf32, #tpu.memory_space<hbm>>
    %dma_wait3A_950 = arith.constant 0 : i32
    %dma_wait3A_951 = arith.constant 0 : i32
    %dma_wait3A_952 = tpu.memref_slice %arg9[%dma_wait3A_950, %dma_wait3A_951] : memref<16x2576xf32, #tpu.memory_space<vmem>> -> memref<16x2560xf32, #tpu.memory_space<vmem>>
    %dma_wait3A_953 = arith.constant 30720 : i32
    %dma_wait3A_954 = tpu.memref_slice %arg2[%multiple_of3A, %dma_wait3A_953] : memref<512x100000xf32, #tpu.memory_space<hbm>> -> memref<16x2560xf32, #tpu.memory_space<hbm>>
    tpu.wait_dma2 semaphore(%arg13 : memref<!tpu.dma_semaphore, #tpu.memory_space<semaphore_mem>>) src(%dma_wait3A_954 : memref<16x2560xf32, #tpu.memory_space<hbm>>) dst(%dma_wait3A_952 : memref<16x2560xf32, #tpu.memory_space<vmem>>)
    %dma_start3A_955 = arith.constant 0 : i32
    %dma_start3A_956 = arith.constant 0 : i32
    %dma_start3A_957 = tpu.memref_slice %arg10[%dma_start3A_955, %dma_start3A_956] : memref<16x2576xf32, #tpu.memory_space<vmem>> -> memref<16x2560xf32, #tpu.memory_space<vmem>>
    %dma_start3A_958 = arith.constant 33280 : i32
    %dma_start3A_959 = tpu.memref_slice %arg2[%multiple_of3A, %dma_start3A_958] : memref<512x100000xf32, #tpu.memory_space<hbm>> -> memref<16x2560xf32, #tpu.memory_space<hbm>>
    %dma_start3A_960 = arith.constant 0 : i32
    %dma_start3A_961 = arith.constant 0 : i32
    %dma_start3A_962 = tpu.memref_slice %arg10[%dma_start3A_960, %dma_start3A_961] : memref<16x2576xf32, #tpu.memory_space<vmem>> -> memref<16x2560xf32, #tpu.memory_space<vmem>>
    %dma_start3A_963 = arith.constant 33280 : i32
    %dma_start3A_964 = tpu.memref_slice %arg2[%multiple_of3A, %dma_start3A_963] : memref<512x100000xf32, #tpu.memory_space<hbm>> -> memref<16x2560xf32, #tpu.memory_space<hbm>>
    tpu.enqueue_dma source(%dma_start3A_964 : memref<16x2560xf32, #tpu.memory_space<hbm>>) target(%dma_start3A_962 : memref<16x2560xf32, #tpu.memory_space<vmem>>) target_semaphore(%arg13 : memref<!tpu.dma_semaphore, #tpu.memory_space<semaphore_mem>>)
    %scan3A_965 = arith.constant 0 : i32
    %scan3A_966 = arith.constant 40 : i32
    %scan3A_967 = arith.addi %scan3A_965, %scan3A_966 : i32
    %scan3A_968 = arith.constant 4 : i32
    %scan3A_969 = scf.for %scan3A_1481 = %scan3A_965 to %scan3A_967 step %scan3A_968 iter_args(%scan3A_1482 = %scan3A_927) -> (vector<16xf32>)  : i32 {
      %mul3A_1483 = arith.constant 1 : i32
      %mul3A_1484 = arith.muli %scan3A_1481, %mul3A_1483 : i32
      %add3A_1485 = arith.constant 0 : i32
      %add3A_1486 = arith.addi %add3A_1485, %mul3A_1484 : i32
      %mul3A_1487 = arith.constant 16 : i32
      %mul3A_1488 = arith.muli %add3A_1486, %mul3A_1487 : i32
      %add3A_1489 = arith.constant 8224 : i32
      %add3A_1490 = arith.addi %add3A_1489, %mul3A_1488 : i32
      %get3A_1491 = arith.index_cast %add3A_1490 : i32 to index
      %get3A_1492 = tpu.vector_load %arg7[%get3A_1491] {strides = array<i32>} : memref<12928xi32, #tpu.memory_space<vmem>>, vector<16xi32>,
      %gather3A_1493 = tpu.vector_load_idx %arg9[%iota3A, %get3A_1492] : memref<16x2576xf32, #tpu.memory_space<vmem>>[vector<16xi32>, vector<16xi32>], vector<16xf32>,
      %exp3A_1494 = math.exp %gather3A_1493 : vector<16xf32>
      %add3A_1495 = arith.addf %scan3A_1482, %exp3A_1494 : vector<16xf32>
      %scan3A_1496 = arith.constant 1 : i32
      %scan3A_1497 = arith.addi %scan3A_1481, %scan3A_1496 : i32
      %mul3A_1498 = arith.constant 1 : i32
      %mul3A_1499 = arith.muli %scan3A_1497, %mul3A_1498 : i32
      %add3A_1500 = arith.constant 0 : i32
      %add3A_1501 = arith.addi %add3A_1500, %mul3A_1499 : i32
      %mul3A_1502 = arith.constant 16 : i32
      %mul3A_1503 = arith.muli %add3A_1501, %mul3A_1502 : i32
      %add3A_1504 = arith.constant 8224 : i32
      %add3A_1505 = arith.addi %add3A_1504, %mul3A_1503 : i32
      %get3A_1506 = arith.index_cast %add3A_1505 : i32 to index
      %get3A_1507 = tpu.vector_load %arg7[%get3A_1506] {strides = array<i32>} : memref<12928xi32, #tpu.memory_space<vmem>>, vector<16xi32>,
      %gather3A_1508 = tpu.vector_load_idx %arg9[%iota3A, %get3A_1507] : memref<16x2576xf32, #tpu.memory_space<vmem>>[vector<16xi32>, vector<16xi32>], vector<16xf32>,
      %exp3A_1509 = math.exp %gather3A_1508 : vector<16xf32>
      %add3A_1510 = arith.addf %add3A_1495, %exp3A_1509 : vector<16xf32>
      %scan3A_1511 = arith.constant 2 : i32
      %scan3A_1512 = arith.addi %scan3A_1481, %scan3A_1511 : i32
      %mul3A_1513 = arith.constant 1 : i32
      %mul3A_1514 = arith.muli %scan3A_1512, %mul3A_1513 : i32
      %add3A_1515 = arith.constant 0 : i32
      %add3A_1516 = arith.addi %add3A_1515, %mul3A_1514 : i32
      %mul3A_1517 = arith.constant 16 : i32
      %mul3A_1518 = arith.muli %add3A_1516, %mul3A_1517 : i32
      %add3A_1519 = arith.constant 8224 : i32
      %add3A_1520 = arith.addi %add3A_1519, %mul3A_1518 : i32
      %get3A_1521 = arith.index_cast %add3A_1520 : i32 to index
      %get3A_1522 = tpu.vector_load %arg7[%get3A_1521] {strides = array<i32>} : memref<12928xi32, #tpu.memory_space<vmem>>, vector<16xi32>,
      %gather3A_1523 = tpu.vector_load_idx %arg9[%iota3A, %get3A_1522] : memref<16x2576xf32, #tpu.memory_space<vmem>>[vector<16xi32>, vector<16xi32>], vector<16xf32>,
      %exp3A_1524 = math.exp %gather3A_1523 : vector<16xf32>
      %add3A_1525 = arith.addf %add3A_1510, %exp3A_1524 : vector<16xf32>
      %scan3A_1526 = arith.constant 3 : i32
      %scan3A_1527 = arith.addi %scan3A_1481, %scan3A_1526 : i32
      %mul3A_1528 = arith.constant 1 : i32
      %mul3A_1529 = arith.muli %scan3A_1527, %mul3A_1528 : i32
      %add3A_1530 = arith.constant 0 : i32
      %add3A_1531 = arith.addi %add3A_1530, %mul3A_1529 : i32
      %mul3A_1532 = arith.constant 16 : i32
      %mul3A_1533 = arith.muli %add3A_1531, %mul3A_1532 : i32
      %add3A_1534 = arith.constant 8224 : i32
      %add3A_1535 = arith.addi %add3A_1534, %mul3A_1533 : i32
      %get3A_1536 = arith.index_cast %add3A_1535 : i32 to index
      %get3A_1537 = tpu.vector_load %arg7[%get3A_1536] {strides = array<i32>} : memref<12928xi32, #tpu.memory_space<vmem>>, vector<16xi32>,
      %gather3A_1538 = tpu.vector_load_idx %arg9[%iota3A, %get3A_1537] : memref<16x2576xf32, #tpu.memory_space<vmem>>[vector<16xi32>, vector<16xi32>], vector<16xf32>,
      %exp3A_1539 = math.exp %gather3A_1538 : vector<16xf32>
      %add3A_1540 = arith.addf %add3A_1525, %exp3A_1539 : vector<16xf32>
      scf.yield %add3A_1540 : vector<16xf32>
    }
    %scan3A_970 = arith.constant 40 : i32
    %scan3A_971 = arith.addi %scan3A_965, %scan3A_970 : i32
    %mul3A_972 = arith.constant 1 : i32
    %mul3A_973 = arith.muli %scan3A_971, %mul3A_972 : i32
    %add3A_974 = arith.constant 0 : i32
    %add3A_975 = arith.addi %add3A_974, %mul3A_973 : i32
    %mul3A_976 = arith.constant 16 : i32
    %mul3A_977 = arith.muli %add3A_975, %mul3A_976 : i32
    %add3A_978 = arith.constant 8224 : i32
    %add3A_979 = arith.addi %add3A_978, %mul3A_977 : i32
    %get3A_980 = arith.index_cast %add3A_979 : i32 to index
    %get3A_981 = tpu.vector_load %arg7[%get3A_980] {strides = array<i32>} : memref<12928xi32, #tpu.memory_space<vmem>>, vector<16xi32>,
    %gather3A_982 = tpu.vector_load_idx %arg9[%iota3A, %get3A_981] : memref<16x2576xf32, #tpu.memory_space<vmem>>[vector<16xi32>, vector<16xi32>], vector<16xf32>,
    %exp3A_983 = math.exp %gather3A_982 : vector<16xf32>
    %add3A_984 = arith.addf %scan3A_969, %exp3A_983 : vector<16xf32>
    %scan3A_985 = arith.constant 41 : i32
    %scan3A_986 = arith.addi %scan3A_965, %scan3A_985 : i32
    %mul3A_987 = arith.constant 1 : i32
    %mul3A_988 = arith.muli %scan3A_986, %mul3A_987 : i32
    %add3A_989 = arith.constant 0 : i32
    %add3A_990 = arith.addi %add3A_989, %mul3A_988 : i32
    %mul3A_991 = arith.constant 16 : i32
    %mul3A_992 = arith.muli %add3A_990, %mul3A_991 : i32
    %add3A_993 = arith.constant 8224 : i32
    %add3A_994 = arith.addi %add3A_993, %mul3A_992 : i32
    %get3A_995 = arith.index_cast %add3A_994 : i32 to index
    %get3A_996 = tpu.vector_load %arg7[%get3A_995] {strides = array<i32>} : memref<12928xi32, #tpu.memory_space<vmem>>, vector<16xi32>,
    %gather3A_997 = tpu.vector_load_idx %arg9[%iota3A, %get3A_996] : memref<16x2576xf32, #tpu.memory_space<vmem>>[vector<16xi32>, vector<16xi32>], vector<16xf32>,
    %exp3A_998 = math.exp %gather3A_997 : vector<16xf32>
    %add3A_999 = arith.addf %add3A_984, %exp3A_998 : vector<16xf32>
    %scan3A_1000 = arith.constant 42 : i32
    %scan3A_1001 = arith.addi %scan3A_965, %scan3A_1000 : i32
    %mul3A_1002 = arith.constant 1 : i32
    %mul3A_1003 = arith.muli %scan3A_1001, %mul3A_1002 : i32
    %add3A_1004 = arith.constant 0 : i32
    %add3A_1005 = arith.addi %add3A_1004, %mul3A_1003 : i32
    %mul3A_1006 = arith.constant 16 : i32
    %mul3A_1007 = arith.muli %add3A_1005, %mul3A_1006 : i32
    %add3A_1008 = arith.constant 8224 : i32
    %add3A_1009 = arith.addi %add3A_1008, %mul3A_1007 : i32
    %get3A_1010 = arith.index_cast %add3A_1009 : i32 to index
    %get3A_1011 = tpu.vector_load %arg7[%get3A_1010] {strides = array<i32>} : memref<12928xi32, #tpu.memory_space<vmem>>, vector<16xi32>,
    %gather3A_1012 = tpu.vector_load_idx %arg9[%iota3A, %get3A_1011] : memref<16x2576xf32, #tpu.memory_space<vmem>>[vector<16xi32>, vector<16xi32>], vector<16xf32>,
    %exp3A_1013 = math.exp %gather3A_1012 : vector<16xf32>
    %add3A_1014 = arith.addf %add3A_999, %exp3A_1013 : vector<16xf32>
    %scan3A_1015 = arith.constant 43 : i32
    %sub3A_1016 = arith.constant 30720 : i32
    %sub3A_1017 = vector.broadcast %sub3A_1016 : i32 to vector<16xi32>
    %sub3A_1018 = arith.subi %gather3A, %sub3A_1017 : vector<16xi32>
    %ge3A_1019 = arith.constant 0 : i32
    %ge3A_1020 = vector.broadcast %ge3A_1019 : i32 to vector<16xi32>
    %ge3A_1021 = arith.cmpi sge, %sub3A_1018, %ge3A_1020 : vector<16xi32>
    %lt3A_1022 = arith.constant 2560 : i32
    %lt3A_1023 = vector.broadcast %lt3A_1022 : i32 to vector<16xi32>
    %lt3A_1024 = arith.cmpi slt, %sub3A_1018, %lt3A_1023 : vector<16xi32>
    %and3A_1025 = arith.andi %ge3A_1021, %lt3A_1024 : vector<16xi1>
    %add3A_1026 = arith.constant 2560 : i32
    %add3A_1027 = vector.broadcast %add3A_1026 : i32 to vector<16xi32>
    %add3A_1028 = arith.addi %add3A_1027, %iota3A : vector<16xi32>
    %select_n3A_1029 = arith.select %and3A_1025, %sub3A_1018, %add3A_1028 : vector<16xi1>, vector<16xi32>
    %gather3A_1030 = tpu.vector_load_idx %arg9[%iota3A, %select_n3A_1029] : memref<16x2576xf32, #tpu.memory_space<vmem>>[vector<16xi32>, vector<16xi32>], vector<16xf32>,
    %select_n3A_1031 = arith.select %and3A_1025, %gather3A_1030, %select_n3A_944 : vector<16xi1>, vector<16xf32>
    %dma_wait3A_1032 = arith.constant 0 : i32
    %dma_wait3A_1033 = arith.constant 0 : i32
    %dma_wait3A_1034 = tpu.memref_slice %arg10[%dma_wait3A_1032, %dma_wait3A_1033] : memref<16x2576xf32, #tpu.memory_space<vmem>> -> memref<16x2560xf32, #tpu.memory_space<vmem>>
    %dma_wait3A_1035 = arith.constant 33280 : i32
    %dma_wait3A_1036 = tpu.memref_slice %arg2[%multiple_of3A, %dma_wait3A_1035] : memref<512x100000xf32, #tpu.memory_space<hbm>> -> memref<16x2560xf32, #tpu.memory_space<hbm>>
    %dma_wait3A_1037 = arith.constant 0 : i32
    %dma_wait3A_1038 = arith.constant 0 : i32
    %dma_wait3A_1039 = tpu.memref_slice %arg10[%dma_wait3A_1037, %dma_wait3A_1038] : memref<16x2576xf32, #tpu.memory_space<vmem>> -> memref<16x2560xf32, #tpu.memory_space<vmem>>
    %dma_wait3A_1040 = arith.constant 33280 : i32
    %dma_wait3A_1041 = tpu.memref_slice %arg2[%multiple_of3A, %dma_wait3A_1040] : memref<512x100000xf32, #tpu.memory_space<hbm>> -> memref<16x2560xf32, #tpu.memory_space<hbm>>
    tpu.wait_dma2 semaphore(%arg13 : memref<!tpu.dma_semaphore, #tpu.memory_space<semaphore_mem>>) src(%dma_wait3A_1041 : memref<16x2560xf32, #tpu.memory_space<hbm>>) dst(%dma_wait3A_1039 : memref<16x2560xf32, #tpu.memory_space<vmem>>)
    %dma_start3A_1042 = arith.constant 0 : i32
    %dma_start3A_1043 = arith.constant 0 : i32
    %dma_start3A_1044 = tpu.memref_slice %arg9[%dma_start3A_1042, %dma_start3A_1043] : memref<16x2576xf32, #tpu.memory_space<vmem>> -> memref<16x2560xf32, #tpu.memory_space<vmem>>
    %dma_start3A_1045 = arith.constant 35840 : i32
    %dma_start3A_1046 = tpu.memref_slice %arg2[%multiple_of3A, %dma_start3A_1045] : memref<512x100000xf32, #tpu.memory_space<hbm>> -> memref<16x2560xf32, #tpu.memory_space<hbm>>
    %dma_start3A_1047 = arith.constant 0 : i32
    %dma_start3A_1048 = arith.constant 0 : i32
    %dma_start3A_1049 = tpu.memref_slice %arg9[%dma_start3A_1047, %dma_start3A_1048] : memref<16x2576xf32, #tpu.memory_space<vmem>> -> memref<16x2560xf32, #tpu.memory_space<vmem>>
    %dma_start3A_1050 = arith.constant 35840 : i32
    %dma_start3A_1051 = tpu.memref_slice %arg2[%multiple_of3A, %dma_start3A_1050] : memref<512x100000xf32, #tpu.memory_space<hbm>> -> memref<16x2560xf32, #tpu.memory_space<hbm>>
    tpu.enqueue_dma source(%dma_start3A_1051 : memref<16x2560xf32, #tpu.memory_space<hbm>>) target(%dma_start3A_1049 : memref<16x2560xf32, #tpu.memory_space<vmem>>) target_semaphore(%arg13 : memref<!tpu.dma_semaphore, #tpu.memory_space<semaphore_mem>>)
    %scan3A_1052 = arith.constant 0 : i32
    %scan3A_1053 = arith.constant 40 : i32
    %scan3A_1054 = arith.addi %scan3A_1052, %scan3A_1053 : i32
    %scan3A_1055 = arith.constant 4 : i32
    %scan3A_1056 = scf.for %scan3A_1481 = %scan3A_1052 to %scan3A_1054 step %scan3A_1055 iter_args(%scan3A_1482 = %add3A_1014) -> (vector<16xf32>)  : i32 {
      %mul3A_1483 = arith.constant 1 : i32
      %mul3A_1484 = arith.muli %scan3A_1481, %mul3A_1483 : i32
      %add3A_1485 = arith.constant 0 : i32
      %add3A_1486 = arith.addi %add3A_1485, %mul3A_1484 : i32
      %mul3A_1487 = arith.constant 16 : i32
      %mul3A_1488 = arith.muli %add3A_1486, %mul3A_1487 : i32
      %add3A_1489 = arith.constant 8912 : i32
      %add3A_1490 = arith.addi %add3A_1489, %mul3A_1488 : i32
      %get3A_1491 = arith.index_cast %add3A_1490 : i32 to index
      %get3A_1492 = tpu.vector_load %arg7[%get3A_1491] {strides = array<i32>} : memref<12928xi32, #tpu.memory_space<vmem>>, vector<16xi32>,
      %gather3A_1493 = tpu.vector_load_idx %arg10[%iota3A, %get3A_1492] : memref<16x2576xf32, #tpu.memory_space<vmem>>[vector<16xi32>, vector<16xi32>], vector<16xf32>,
      %exp3A_1494 = math.exp %gather3A_1493 : vector<16xf32>
      %add3A_1495 = arith.addf %scan3A_1482, %exp3A_1494 : vector<16xf32>
      %scan3A_1496 = arith.constant 1 : i32
      %scan3A_1497 = arith.addi %scan3A_1481, %scan3A_1496 : i32
      %mul3A_1498 = arith.constant 1 : i32
      %mul3A_1499 = arith.muli %scan3A_1497, %mul3A_1498 : i32
      %add3A_1500 = arith.constant 0 : i32
      %add3A_1501 = arith.addi %add3A_1500, %mul3A_1499 : i32
      %mul3A_1502 = arith.constant 16 : i32
      %mul3A_1503 = arith.muli %add3A_1501, %mul3A_1502 : i32
      %add3A_1504 = arith.constant 8912 : i32
      %add3A_1505 = arith.addi %add3A_1504, %mul3A_1503 : i32
      %get3A_1506 = arith.index_cast %add3A_1505 : i32 to index
      %get3A_1507 = tpu.vector_load %arg7[%get3A_1506] {strides = array<i32>} : memref<12928xi32, #tpu.memory_space<vmem>>, vector<16xi32>,
      %gather3A_1508 = tpu.vector_load_idx %arg10[%iota3A, %get3A_1507] : memref<16x2576xf32, #tpu.memory_space<vmem>>[vector<16xi32>, vector<16xi32>], vector<16xf32>,
      %exp3A_1509 = math.exp %gather3A_1508 : vector<16xf32>
      %add3A_1510 = arith.addf %add3A_1495, %exp3A_1509 : vector<16xf32>
      %scan3A_1511 = arith.constant 2 : i32
      %scan3A_1512 = arith.addi %scan3A_1481, %scan3A_1511 : i32
      %mul3A_1513 = arith.constant 1 : i32
      %mul3A_1514 = arith.muli %scan3A_1512, %mul3A_1513 : i32
      %add3A_1515 = arith.constant 0 : i32
      %add3A_1516 = arith.addi %add3A_1515, %mul3A_1514 : i32
      %mul3A_1517 = arith.constant 16 : i32
      %mul3A_1518 = arith.muli %add3A_1516, %mul3A_1517 : i32
      %add3A_1519 = arith.constant 8912 : i32
      %add3A_1520 = arith.addi %add3A_1519, %mul3A_1518 : i32
      %get3A_1521 = arith.index_cast %add3A_1520 : i32 to index
      %get3A_1522 = tpu.vector_load %arg7[%get3A_1521] {strides = array<i32>} : memref<12928xi32, #tpu.memory_space<vmem>>, vector<16xi32>,
      %gather3A_1523 = tpu.vector_load_idx %arg10[%iota3A, %get3A_1522] : memref<16x2576xf32, #tpu.memory_space<vmem>>[vector<16xi32>, vector<16xi32>], vector<16xf32>,
      %exp3A_1524 = math.exp %gather3A_1523 : vector<16xf32>
      %add3A_1525 = arith.addf %add3A_1510, %exp3A_1524 : vector<16xf32>
      %scan3A_1526 = arith.constant 3 : i32
      %scan3A_1527 = arith.addi %scan3A_1481, %scan3A_1526 : i32
      %mul3A_1528 = arith.constant 1 : i32
      %mul3A_1529 = arith.muli %scan3A_1527, %mul3A_1528 : i32
      %add3A_1530 = arith.constant 0 : i32
      %add3A_1531 = arith.addi %add3A_1530, %mul3A_1529 : i32
      %mul3A_1532 = arith.constant 16 : i32
      %mul3A_1533 = arith.muli %add3A_1531, %mul3A_1532 : i32
      %add3A_1534 = arith.constant 8912 : i32
      %add3A_1535 = arith.addi %add3A_1534, %mul3A_1533 : i32
      %get3A_1536 = arith.index_cast %add3A_1535 : i32 to index
      %get3A_1537 = tpu.vector_load %arg7[%get3A_1536] {strides = array<i32>} : memref<12928xi32, #tpu.memory_space<vmem>>, vector<16xi32>,
      %gather3A_1538 = tpu.vector_load_idx %arg10[%iota3A, %get3A_1537] : memref<16x2576xf32, #tpu.memory_space<vmem>>[vector<16xi32>, vector<16xi32>], vector<16xf32>,
      %exp3A_1539 = math.exp %gather3A_1538 : vector<16xf32>
      %add3A_1540 = arith.addf %add3A_1525, %exp3A_1539 : vector<16xf32>
      scf.yield %add3A_1540 : vector<16xf32>
    }
    %scan3A_1057 = arith.constant 40 : i32
    %scan3A_1058 = arith.addi %scan3A_1052, %scan3A_1057 : i32
    %mul3A_1059 = arith.constant 1 : i32
    %mul3A_1060 = arith.muli %scan3A_1058, %mul3A_1059 : i32
    %add3A_1061 = arith.constant 0 : i32
    %add3A_1062 = arith.addi %add3A_1061, %mul3A_1060 : i32
    %mul3A_1063 = arith.constant 16 : i32
    %mul3A_1064 = arith.muli %add3A_1062, %mul3A_1063 : i32
    %add3A_1065 = arith.constant 8912 : i32
    %add3A_1066 = arith.addi %add3A_1065, %mul3A_1064 : i32
    %get3A_1067 = arith.index_cast %add3A_1066 : i32 to index
    %get3A_1068 = tpu.vector_load %arg7[%get3A_1067] {strides = array<i32>} : memref<12928xi32, #tpu.memory_space<vmem>>, vector<16xi32>,
    %gather3A_1069 = tpu.vector_load_idx %arg10[%iota3A, %get3A_1068] : memref<16x2576xf32, #tpu.memory_space<vmem>>[vector<16xi32>, vector<16xi32>], vector<16xf32>,
    %exp3A_1070 = math.exp %gather3A_1069 : vector<16xf32>
    %add3A_1071 = arith.addf %scan3A_1056, %exp3A_1070 : vector<16xf32>
    %scan3A_1072 = arith.constant 41 : i32
    %sub3A_1073 = arith.constant 33280 : i32
    %sub3A_1074 = vector.broadcast %sub3A_1073 : i32 to vector<16xi32>
    %sub3A_1075 = arith.subi %gather3A, %sub3A_1074 : vector<16xi32>
    %ge3A_1076 = arith.constant 0 : i32
    %ge3A_1077 = vector.broadcast %ge3A_1076 : i32 to vector<16xi32>
    %ge3A_1078 = arith.cmpi sge, %sub3A_1075, %ge3A_1077 : vector<16xi32>
    %lt3A_1079 = arith.constant 2560 : i32
    %lt3A_1080 = vector.broadcast %lt3A_1079 : i32 to vector<16xi32>
    %lt3A_1081 = arith.cmpi slt, %sub3A_1075, %lt3A_1080 : vector<16xi32>
    %and3A_1082 = arith.andi %ge3A_1078, %lt3A_1081 : vector<16xi1>
    %add3A_1083 = arith.constant 2560 : i32
    %add3A_1084 = vector.broadcast %add3A_1083 : i32 to vector<16xi32>
    %add3A_1085 = arith.addi %add3A_1084, %iota3A : vector<16xi32>
    %select_n3A_1086 = arith.select %and3A_1082, %sub3A_1075, %add3A_1085 : vector<16xi1>, vector<16xi32>
    %gather3A_1087 = tpu.vector_load_idx %arg10[%iota3A, %select_n3A_1086] : memref<16x2576xf32, #tpu.memory_space<vmem>>[vector<16xi32>, vector<16xi32>], vector<16xf32>,
    %select_n3A_1088 = arith.select %and3A_1082, %gather3A_1087, %select_n3A_1031 : vector<16xi1>, vector<16xf32>
    %dma_wait3A_1089 = arith.constant 0 : i32
    %dma_wait3A_1090 = arith.constant 0 : i32
    %dma_wait3A_1091 = tpu.memref_slice %arg9[%dma_wait3A_1089, %dma_wait3A_1090] : memref<16x2576xf32, #tpu.memory_space<vmem>> -> memref<16x2560xf32, #tpu.memory_space<vmem>>
    %dma_wait3A_1092 = arith.constant 35840 : i32
    %dma_wait3A_1093 = tpu.memref_slice %arg2[%multiple_of3A, %dma_wait3A_1092] : memref<512x100000xf32, #tpu.memory_space<hbm>> -> memref<16x2560xf32, #tpu.memory_space<hbm>>
    %dma_wait3A_1094 = arith.constant 0 : i32
    %dma_wait3A_1095 = arith.constant 0 : i32
    %dma_wait3A_1096 = tpu.memref_slice %arg9[%dma_wait3A_1094, %dma_wait3A_1095] : memref<16x2576xf32, #tpu.memory_space<vmem>> -> memref<16x2560xf32, #tpu.memory_space<vmem>>
    %dma_wait3A_1097 = arith.constant 35840 : i32
    %dma_wait3A_1098 = tpu.memref_slice %arg2[%multiple_of3A, %dma_wait3A_1097] : memref<512x100000xf32, #tpu.memory_space<hbm>> -> memref<16x2560xf32, #tpu.memory_space<hbm>>
    tpu.wait_dma2 semaphore(%arg13 : memref<!tpu.dma_semaphore, #tpu.memory_space<semaphore_mem>>) src(%dma_wait3A_1098 : memref<16x2560xf32, #tpu.memory_space<hbm>>) dst(%dma_wait3A_1096 : memref<16x2560xf32, #tpu.memory_space<vmem>>)
    %dma_start3A_1099 = arith.constant 0 : i32
    %dma_start3A_1100 = arith.constant 0 : i32
    %dma_start3A_1101 = tpu.memref_slice %arg10[%dma_start3A_1099, %dma_start3A_1100] : memref<16x2576xf32, #tpu.memory_space<vmem>> -> memref<16x2560xf32, #tpu.memory_space<vmem>>
    %dma_start3A_1102 = arith.constant 38400 : i32
    %dma_start3A_1103 = tpu.memref_slice %arg2[%multiple_of3A, %dma_start3A_1102] : memref<512x100000xf32, #tpu.memory_space<hbm>> -> memref<16x2560xf32, #tpu.memory_space<hbm>>
    %dma_start3A_1104 = arith.constant 0 : i32
    %dma_start3A_1105 = arith.constant 0 : i32
    %dma_start3A_1106 = tpu.memref_slice %arg10[%dma_start3A_1104, %dma_start3A_1105] : memref<16x2576xf32, #tpu.memory_space<vmem>> -> memref<16x2560xf32, #tpu.memory_space<vmem>>
    %dma_start3A_1107 = arith.constant 38400 : i32
    %dma_start3A_1108 = tpu.memref_slice %arg2[%multiple_of3A, %dma_start3A_1107] : memref<512x100000xf32, #tpu.memory_space<hbm>> -> memref<16x2560xf32, #tpu.memory_space<hbm>>
    tpu.enqueue_dma source(%dma_start3A_1108 : memref<16x2560xf32, #tpu.memory_space<hbm>>) target(%dma_start3A_1106 : memref<16x2560xf32, #tpu.memory_space<vmem>>) target_semaphore(%arg13 : memref<!tpu.dma_semaphore, #tpu.memory_space<semaphore_mem>>)
    %scan3A_1109 = arith.constant 0 : i32
    %scan3A_1110 = arith.constant 40 : i32
    %scan3A_1111 = arith.addi %scan3A_1109, %scan3A_1110 : i32
    %scan3A_1112 = arith.constant 4 : i32
    %scan3A_1113 = scf.for %scan3A_1481 = %scan3A_1109 to %scan3A_1111 step %scan3A_1112 iter_args(%scan3A_1482 = %add3A_1071) -> (vector<16xf32>)  : i32 {
      %mul3A_1483 = arith.constant 1 : i32
      %mul3A_1484 = arith.muli %scan3A_1481, %mul3A_1483 : i32
      %add3A_1485 = arith.constant 0 : i32
      %add3A_1486 = arith.addi %add3A_1485, %mul3A_1484 : i32
      %mul3A_1487 = arith.constant 16 : i32
      %mul3A_1488 = arith.muli %add3A_1486, %mul3A_1487 : i32
      %add3A_1489 = arith.constant 9568 : i32
      %add3A_1490 = arith.addi %add3A_1489, %mul3A_1488 : i32
      %get3A_1491 = arith.index_cast %add3A_1490 : i32 to index
      %get3A_1492 = tpu.vector_load %arg7[%get3A_1491] {strides = array<i32>} : memref<12928xi32, #tpu.memory_space<vmem>>, vector<16xi32>,
      %gather3A_1493 = tpu.vector_load_idx %arg9[%iota3A, %get3A_1492] : memref<16x2576xf32, #tpu.memory_space<vmem>>[vector<16xi32>, vector<16xi32>], vector<16xf32>,
      %exp3A_1494 = math.exp %gather3A_1493 : vector<16xf32>
      %add3A_1495 = arith.addf %scan3A_1482, %exp3A_1494 : vector<16xf32>
      %scan3A_1496 = arith.constant 1 : i32
      %scan3A_1497 = arith.addi %scan3A_1481, %scan3A_1496 : i32
      %mul3A_1498 = arith.constant 1 : i32
      %mul3A_1499 = arith.muli %scan3A_1497, %mul3A_1498 : i32
      %add3A_1500 = arith.constant 0 : i32
      %add3A_1501 = arith.addi %add3A_1500, %mul3A_1499 : i32
      %mul3A_1502 = arith.constant 16 : i32
      %mul3A_1503 = arith.muli %add3A_1501, %mul3A_1502 : i32
      %add3A_1504 = arith.constant 9568 : i32
      %add3A_1505 = arith.addi %add3A_1504, %mul3A_1503 : i32
      %get3A_1506 = arith.index_cast %add3A_1505 : i32 to index
      %get3A_1507 = tpu.vector_load %arg7[%get3A_1506] {strides = array<i32>} : memref<12928xi32, #tpu.memory_space<vmem>>, vector<16xi32>,
      %gather3A_1508 = tpu.vector_load_idx %arg9[%iota3A, %get3A_1507] : memref<16x2576xf32, #tpu.memory_space<vmem>>[vector<16xi32>, vector<16xi32>], vector<16xf32>,
      %exp3A_1509 = math.exp %gather3A_1508 : vector<16xf32>
      %add3A_1510 = arith.addf %add3A_1495, %exp3A_1509 : vector<16xf32>
      %scan3A_1511 = arith.constant 2 : i32
      %scan3A_1512 = arith.addi %scan3A_1481, %scan3A_1511 : i32
      %mul3A_1513 = arith.constant 1 : i32
      %mul3A_1514 = arith.muli %scan3A_1512, %mul3A_1513 : i32
      %add3A_1515 = arith.constant 0 : i32
      %add3A_1516 = arith.addi %add3A_1515, %mul3A_1514 : i32
      %mul3A_1517 = arith.constant 16 : i32
      %mul3A_1518 = arith.muli %add3A_1516, %mul3A_1517 : i32
      %add3A_1519 = arith.constant 9568 : i32
      %add3A_1520 = arith.addi %add3A_1519, %mul3A_1518 : i32
      %get3A_1521 = arith.index_cast %add3A_1520 : i32 to index
      %get3A_1522 = tpu.vector_load %arg7[%get3A_1521] {strides = array<i32>} : memref<12928xi32, #tpu.memory_space<vmem>>, vector<16xi32>,
      %gather3A_1523 = tpu.vector_load_idx %arg9[%iota3A, %get3A_1522] : memref<16x2576xf32, #tpu.memory_space<vmem>>[vector<16xi32>, vector<16xi32>], vector<16xf32>,
      %exp3A_1524 = math.exp %gather3A_1523 : vector<16xf32>
      %add3A_1525 = arith.addf %add3A_1510, %exp3A_1524 : vector<16xf32>
      %scan3A_1526 = arith.constant 3 : i32
      %scan3A_1527 = arith.addi %scan3A_1481, %scan3A_1526 : i32
      %mul3A_1528 = arith.constant 1 : i32
      %mul3A_1529 = arith.muli %scan3A_1527, %mul3A_1528 : i32
      %add3A_1530 = arith.constant 0 : i32
      %add3A_1531 = arith.addi %add3A_1530, %mul3A_1529 : i32
      %mul3A_1532 = arith.constant 16 : i32
      %mul3A_1533 = arith.muli %add3A_1531, %mul3A_1532 : i32
      %add3A_1534 = arith.constant 9568 : i32
      %add3A_1535 = arith.addi %add3A_1534, %mul3A_1533 : i32
      %get3A_1536 = arith.index_cast %add3A_1535 : i32 to index
      %get3A_1537 = tpu.vector_load %arg7[%get3A_1536] {strides = array<i32>} : memref<12928xi32, #tpu.memory_space<vmem>>, vector<16xi32>,
      %gather3A_1538 = tpu.vector_load_idx %arg9[%iota3A, %get3A_1537] : memref<16x2576xf32, #tpu.memory_space<vmem>>[vector<16xi32>, vector<16xi32>], vector<16xf32>,
      %exp3A_1539 = math.exp %gather3A_1538 : vector<16xf32>
      %add3A_1540 = arith.addf %add3A_1525, %exp3A_1539 : vector<16xf32>
      scf.yield %add3A_1540 : vector<16xf32>
    }
    %scan3A_1114 = arith.constant 40 : i32
    %sub3A_1115 = arith.constant 35840 : i32
    %sub3A_1116 = vector.broadcast %sub3A_1115 : i32 to vector<16xi32>
    %sub3A_1117 = arith.subi %gather3A, %sub3A_1116 : vector<16xi32>
    %ge3A_1118 = arith.constant 0 : i32
    %ge3A_1119 = vector.broadcast %ge3A_1118 : i32 to vector<16xi32>
    %ge3A_1120 = arith.cmpi sge, %sub3A_1117, %ge3A_1119 : vector<16xi32>
    %lt3A_1121 = arith.constant 2560 : i32
    %lt3A_1122 = vector.broadcast %lt3A_1121 : i32 to vector<16xi32>
    %lt3A_1123 = arith.cmpi slt, %sub3A_1117, %lt3A_1122 : vector<16xi32>
    %and3A_1124 = arith.andi %ge3A_1120, %lt3A_1123 : vector<16xi1>
    %add3A_1125 = arith.constant 2560 : i32
    %add3A_1126 = vector.broadcast %add3A_1125 : i32 to vector<16xi32>
    %add3A_1127 = arith.addi %add3A_1126, %iota3A : vector<16xi32>
    %select_n3A_1128 = arith.select %and3A_1124, %sub3A_1117, %add3A_1127 : vector<16xi1>, vector<16xi32>
    %gather3A_1129 = tpu.vector_load_idx %arg9[%iota3A, %select_n3A_1128] : memref<16x2576xf32, #tpu.memory_space<vmem>>[vector<16xi32>, vector<16xi32>], vector<16xf32>,
    %select_n3A_1130 = arith.select %and3A_1124, %gather3A_1129, %select_n3A_1088 : vector<16xi1>, vector<16xf32>
    %dma_wait3A_1131 = arith.constant 0 : i32
    %dma_wait3A_1132 = arith.constant 0 : i32
    %dma_wait3A_1133 = tpu.memref_slice %arg10[%dma_wait3A_1131, %dma_wait3A_1132] : memref<16x2576xf32, #tpu.memory_space<vmem>> -> memref<16x2560xf32, #tpu.memory_space<vmem>>
    %dma_wait3A_1134 = arith.constant 38400 : i32
    %dma_wait3A_1135 = tpu.memref_slice %arg2[%multiple_of3A, %dma_wait3A_1134] : memref<512x100000xf32, #tpu.memory_space<hbm>> -> memref<16x2560xf32, #tpu.memory_space<hbm>>
    %dma_wait3A_1136 = arith.constant 0 : i32
    %dma_wait3A_1137 = arith.constant 0 : i32
    %dma_wait3A_1138 = tpu.memref_slice %arg10[%dma_wait3A_1136, %dma_wait3A_1137] : memref<16x2576xf32, #tpu.memory_space<vmem>> -> memref<16x2560xf32, #tpu.memory_space<vmem>>
    %dma_wait3A_1139 = arith.constant 38400 : i32
    %dma_wait3A_1140 = tpu.memref_slice %arg2[%multiple_of3A, %dma_wait3A_1139] : memref<512x100000xf32, #tpu.memory_space<hbm>> -> memref<16x2560xf32, #tpu.memory_space<hbm>>
    tpu.wait_dma2 semaphore(%arg13 : memref<!tpu.dma_semaphore, #tpu.memory_space<semaphore_mem>>) src(%dma_wait3A_1140 : memref<16x2560xf32, #tpu.memory_space<hbm>>) dst(%dma_wait3A_1138 : memref<16x2560xf32, #tpu.memory_space<vmem>>)
    %dma_start3A_1141 = arith.constant 0 : i32
    %dma_start3A_1142 = arith.constant 0 : i32
    %dma_start3A_1143 = tpu.memref_slice %arg9[%dma_start3A_1141, %dma_start3A_1142] : memref<16x2576xf32, #tpu.memory_space<vmem>> -> memref<16x2560xf32, #tpu.memory_space<vmem>>
    %dma_start3A_1144 = arith.constant 40960 : i32
    %dma_start3A_1145 = tpu.memref_slice %arg2[%multiple_of3A, %dma_start3A_1144] : memref<512x100000xf32, #tpu.memory_space<hbm>> -> memref<16x2560xf32, #tpu.memory_space<hbm>>
    %dma_start3A_1146 = arith.constant 0 : i32
    %dma_start3A_1147 = arith.constant 0 : i32
    %dma_start3A_1148 = tpu.memref_slice %arg9[%dma_start3A_1146, %dma_start3A_1147] : memref<16x2576xf32, #tpu.memory_space<vmem>> -> memref<16x2560xf32, #tpu.memory_space<vmem>>
    %dma_start3A_1149 = arith.constant 40960 : i32
    %dma_start3A_1150 = tpu.memref_slice %arg2[%multiple_of3A, %dma_start3A_1149] : memref<512x100000xf32, #tpu.memory_space<hbm>> -> memref<16x2560xf32, #tpu.memory_space<hbm>>
    tpu.enqueue_dma source(%dma_start3A_1150 : memref<16x2560xf32, #tpu.memory_space<hbm>>) target(%dma_start3A_1148 : memref<16x2560xf32, #tpu.memory_space<vmem>>) target_semaphore(%arg13 : memref<!tpu.dma_semaphore, #tpu.memory_space<semaphore_mem>>)
    %scan3A_1151 = arith.constant 0 : i32
    %scan3A_1152 = arith.constant 40 : i32
    %scan3A_1153 = arith.addi %scan3A_1151, %scan3A_1152 : i32
    %scan3A_1154 = arith.constant 4 : i32
    %scan3A_1155 = scf.for %scan3A_1481 = %scan3A_1151 to %scan3A_1153 step %scan3A_1154 iter_args(%scan3A_1482 = %scan3A_1113) -> (vector<16xf32>)  : i32 {
      %mul3A_1483 = arith.constant 1 : i32
      %mul3A_1484 = arith.muli %scan3A_1481, %mul3A_1483 : i32
      %add3A_1485 = arith.constant 0 : i32
      %add3A_1486 = arith.addi %add3A_1485, %mul3A_1484 : i32
      %mul3A_1487 = arith.constant 16 : i32
      %mul3A_1488 = arith.muli %add3A_1486, %mul3A_1487 : i32
      %add3A_1489 = arith.constant 10208 : i32
      %add3A_1490 = arith.addi %add3A_1489, %mul3A_1488 : i32
      %get3A_1491 = arith.index_cast %add3A_1490 : i32 to index
      %get3A_1492 = tpu.vector_load %arg7[%get3A_1491] {strides = array<i32>} : memref<12928xi32, #tpu.memory_space<vmem>>, vector<16xi32>,
      %gather3A_1493 = tpu.vector_load_idx %arg10[%iota3A, %get3A_1492] : memref<16x2576xf32, #tpu.memory_space<vmem>>[vector<16xi32>, vector<16xi32>], vector<16xf32>,
      %exp3A_1494 = math.exp %gather3A_1493 : vector<16xf32>
      %add3A_1495 = arith.addf %scan3A_1482, %exp3A_1494 : vector<16xf32>
      %scan3A_1496 = arith.constant 1 : i32
      %scan3A_1497 = arith.addi %scan3A_1481, %scan3A_1496 : i32
      %mul3A_1498 = arith.constant 1 : i32
      %mul3A_1499 = arith.muli %scan3A_1497, %mul3A_1498 : i32
      %add3A_1500 = arith.constant 0 : i32
      %add3A_1501 = arith.addi %add3A_1500, %mul3A_1499 : i32
      %mul3A_1502 = arith.constant 16 : i32
      %mul3A_1503 = arith.muli %add3A_1501, %mul3A_1502 : i32
      %add3A_1504 = arith.constant 10208 : i32
      %add3A_1505 = arith.addi %add3A_1504, %mul3A_1503 : i32
      %get3A_1506 = arith.index_cast %add3A_1505 : i32 to index
      %get3A_1507 = tpu.vector_load %arg7[%get3A_1506] {strides = array<i32>} : memref<12928xi32, #tpu.memory_space<vmem>>, vector<16xi32>,
      %gather3A_1508 = tpu.vector_load_idx %arg10[%iota3A, %get3A_1507] : memref<16x2576xf32, #tpu.memory_space<vmem>>[vector<16xi32>, vector<16xi32>], vector<16xf32>,
      %exp3A_1509 = math.exp %gather3A_1508 : vector<16xf32>
      %add3A_1510 = arith.addf %add3A_1495, %exp3A_1509 : vector<16xf32>
      %scan3A_1511 = arith.constant 2 : i32
      %scan3A_1512 = arith.addi %scan3A_1481, %scan3A_1511 : i32
      %mul3A_1513 = arith.constant 1 : i32
      %mul3A_1514 = arith.muli %scan3A_1512, %mul3A_1513 : i32
      %add3A_1515 = arith.constant 0 : i32
      %add3A_1516 = arith.addi %add3A_1515, %mul3A_1514 : i32
      %mul3A_1517 = arith.constant 16 : i32
      %mul3A_1518 = arith.muli %add3A_1516, %mul3A_1517 : i32
      %add3A_1519 = arith.constant 10208 : i32
      %add3A_1520 = arith.addi %add3A_1519, %mul3A_1518 : i32
      %get3A_1521 = arith.index_cast %add3A_1520 : i32 to index
      %get3A_1522 = tpu.vector_load %arg7[%get3A_1521] {strides = array<i32>} : memref<12928xi32, #tpu.memory_space<vmem>>, vector<16xi32>,
      %gather3A_1523 = tpu.vector_load_idx %arg10[%iota3A, %get3A_1522] : memref<16x2576xf32, #tpu.memory_space<vmem>>[vector<16xi32>, vector<16xi32>], vector<16xf32>,
      %exp3A_1524 = math.exp %gather3A_1523 : vector<16xf32>
      %add3A_1525 = arith.addf %add3A_1510, %exp3A_1524 : vector<16xf32>
      %scan3A_1526 = arith.constant 3 : i32
      %scan3A_1527 = arith.addi %scan3A_1481, %scan3A_1526 : i32
      %mul3A_1528 = arith.constant 1 : i32
      %mul3A_1529 = arith.muli %scan3A_1527, %mul3A_1528 : i32
      %add3A_1530 = arith.constant 0 : i32
      %add3A_1531 = arith.addi %add3A_1530, %mul3A_1529 : i32
      %mul3A_1532 = arith.constant 16 : i32
      %mul3A_1533 = arith.muli %add3A_1531, %mul3A_1532 : i32
      %add3A_1534 = arith.constant 10208 : i32
      %add3A_1535 = arith.addi %add3A_1534, %mul3A_1533 : i32
      %get3A_1536 = arith.index_cast %add3A_1535 : i32 to index
      %get3A_1537 = tpu.vector_load %arg7[%get3A_1536] {strides = array<i32>} : memref<12928xi32, #tpu.memory_space<vmem>>, vector<16xi32>,
      %gather3A_1538 = tpu.vector_load_idx %arg10[%iota3A, %get3A_1537] : memref<16x2576xf32, #tpu.memory_space<vmem>>[vector<16xi32>, vector<16xi32>], vector<16xf32>,
      %exp3A_1539 = math.exp %gather3A_1538 : vector<16xf32>
      %add3A_1540 = arith.addf %add3A_1525, %exp3A_1539 : vector<16xf32>
      scf.yield %add3A_1540 : vector<16xf32>
    }
    %scan3A_1156 = arith.constant 40 : i32
    %sub3A_1157 = arith.constant 38400 : i32
    %sub3A_1158 = vector.broadcast %sub3A_1157 : i32 to vector<16xi32>
    %sub3A_1159 = arith.subi %gather3A, %sub3A_1158 : vector<16xi32>
    %ge3A_1160 = arith.constant 0 : i32
    %ge3A_1161 = vector.broadcast %ge3A_1160 : i32 to vector<16xi32>
    %ge3A_1162 = arith.cmpi sge, %sub3A_1159, %ge3A_1161 : vector<16xi32>
    %lt3A_1163 = arith.constant 2560 : i32
    %lt3A_1164 = vector.broadcast %lt3A_1163 : i32 to vector<16xi32>
    %lt3A_1165 = arith.cmpi slt, %sub3A_1159, %lt3A_1164 : vector<16xi32>
    %and3A_1166 = arith.andi %ge3A_1162, %lt3A_1165 : vector<16xi1>
    %add3A_1167 = arith.constant 2560 : i32
    %add3A_1168 = vector.broadcast %add3A_1167 : i32 to vector<16xi32>
    %add3A_1169 = arith.addi %add3A_1168, %iota3A : vector<16xi32>
    %select_n3A_1170 = arith.select %and3A_1166, %sub3A_1159, %add3A_1169 : vector<16xi1>, vector<16xi32>
    %gather3A_1171 = tpu.vector_load_idx %arg10[%iota3A, %select_n3A_1170] : memref<16x2576xf32, #tpu.memory_space<vmem>>[vector<16xi32>, vector<16xi32>], vector<16xf32>,
    %select_n3A_1172 = arith.select %and3A_1166, %gather3A_1171, %select_n3A_1130 : vector<16xi1>, vector<16xf32>
    %dma_wait3A_1173 = arith.constant 0 : i32
    %dma_wait3A_1174 = arith.constant 0 : i32
    %dma_wait3A_1175 = tpu.memref_slice %arg9[%dma_wait3A_1173, %dma_wait3A_1174] : memref<16x2576xf32, #tpu.memory_space<vmem>> -> memref<16x2560xf32, #tpu.memory_space<vmem>>
    %dma_wait3A_1176 = arith.constant 40960 : i32
    %dma_wait3A_1177 = tpu.memref_slice %arg2[%multiple_of3A, %dma_wait3A_1176] : memref<512x100000xf32, #tpu.memory_space<hbm>> -> memref<16x2560xf32, #tpu.memory_space<hbm>>
    %dma_wait3A_1178 = arith.constant 0 : i32
    %dma_wait3A_1179 = arith.constant 0 : i32
    %dma_wait3A_1180 = tpu.memref_slice %arg9[%dma_wait3A_1178, %dma_wait3A_1179] : memref<16x2576xf32, #tpu.memory_space<vmem>> -> memref<16x2560xf32, #tpu.memory_space<vmem>>
    %dma_wait3A_1181 = arith.constant 40960 : i32
    %dma_wait3A_1182 = tpu.memref_slice %arg2[%multiple_of3A, %dma_wait3A_1181] : memref<512x100000xf32, #tpu.memory_space<hbm>> -> memref<16x2560xf32, #tpu.memory_space<hbm>>
    tpu.wait_dma2 semaphore(%arg13 : memref<!tpu.dma_semaphore, #tpu.memory_space<semaphore_mem>>) src(%dma_wait3A_1182 : memref<16x2560xf32, #tpu.memory_space<hbm>>) dst(%dma_wait3A_1180 : memref<16x2560xf32, #tpu.memory_space<vmem>>)
    %dma_start3A_1183 = arith.constant 0 : i32
    %dma_start3A_1184 = arith.constant 0 : i32
    %dma_start3A_1185 = tpu.memref_slice %arg10[%dma_start3A_1183, %dma_start3A_1184] : memref<16x2576xf32, #tpu.memory_space<vmem>> -> memref<16x2560xf32, #tpu.memory_space<vmem>>
    %dma_start3A_1186 = arith.constant 43520 : i32
    %dma_start3A_1187 = tpu.memref_slice %arg2[%multiple_of3A, %dma_start3A_1186] : memref<512x100000xf32, #tpu.memory_space<hbm>> -> memref<16x2560xf32, #tpu.memory_space<hbm>>
    %dma_start3A_1188 = arith.constant 0 : i32
    %dma_start3A_1189 = arith.constant 0 : i32
    %dma_start3A_1190 = tpu.memref_slice %arg10[%dma_start3A_1188, %dma_start3A_1189] : memref<16x2576xf32, #tpu.memory_space<vmem>> -> memref<16x2560xf32, #tpu.memory_space<vmem>>
    %dma_start3A_1191 = arith.constant 43520 : i32
    %dma_start3A_1192 = tpu.memref_slice %arg2[%multiple_of3A, %dma_start3A_1191] : memref<512x100000xf32, #tpu.memory_space<hbm>> -> memref<16x2560xf32, #tpu.memory_space<hbm>>
    tpu.enqueue_dma source(%dma_start3A_1192 : memref<16x2560xf32, #tpu.memory_space<hbm>>) target(%dma_start3A_1190 : memref<16x2560xf32, #tpu.memory_space<vmem>>) target_semaphore(%arg13 : memref<!tpu.dma_semaphore, #tpu.memory_space<semaphore_mem>>)
    %scan3A_1193 = arith.constant 0 : i32
    %scan3A_1194 = arith.constant 40 : i32
    %scan3A_1195 = arith.addi %scan3A_1193, %scan3A_1194 : i32
    %scan3A_1196 = arith.constant 4 : i32
    %scan3A_1197 = scf.for %scan3A_1481 = %scan3A_1193 to %scan3A_1195 step %scan3A_1196 iter_args(%scan3A_1482 = %scan3A_1155) -> (vector<16xf32>)  : i32 {
      %mul3A_1483 = arith.constant 1 : i32
      %mul3A_1484 = arith.muli %scan3A_1481, %mul3A_1483 : i32
      %add3A_1485 = arith.constant 0 : i32
      %add3A_1486 = arith.addi %add3A_1485, %mul3A_1484 : i32
      %mul3A_1487 = arith.constant 16 : i32
      %mul3A_1488 = arith.muli %add3A_1486, %mul3A_1487 : i32
      %add3A_1489 = arith.constant 10848 : i32
      %add3A_1490 = arith.addi %add3A_1489, %mul3A_1488 : i32
      %get3A_1491 = arith.index_cast %add3A_1490 : i32 to index
      %get3A_1492 = tpu.vector_load %arg7[%get3A_1491] {strides = array<i32>} : memref<12928xi32, #tpu.memory_space<vmem>>, vector<16xi32>,
      %gather3A_1493 = tpu.vector_load_idx %arg9[%iota3A, %get3A_1492] : memref<16x2576xf32, #tpu.memory_space<vmem>>[vector<16xi32>, vector<16xi32>], vector<16xf32>,
      %exp3A_1494 = math.exp %gather3A_1493 : vector<16xf32>
      %add3A_1495 = arith.addf %scan3A_1482, %exp3A_1494 : vector<16xf32>
      %scan3A_1496 = arith.constant 1 : i32
      %scan3A_1497 = arith.addi %scan3A_1481, %scan3A_1496 : i32
      %mul3A_1498 = arith.constant 1 : i32
      %mul3A_1499 = arith.muli %scan3A_1497, %mul3A_1498 : i32
      %add3A_1500 = arith.constant 0 : i32
      %add3A_1501 = arith.addi %add3A_1500, %mul3A_1499 : i32
      %mul3A_1502 = arith.constant 16 : i32
      %mul3A_1503 = arith.muli %add3A_1501, %mul3A_1502 : i32
      %add3A_1504 = arith.constant 10848 : i32
      %add3A_1505 = arith.addi %add3A_1504, %mul3A_1503 : i32
      %get3A_1506 = arith.index_cast %add3A_1505 : i32 to index
      %get3A_1507 = tpu.vector_load %arg7[%get3A_1506] {strides = array<i32>} : memref<12928xi32, #tpu.memory_space<vmem>>, vector<16xi32>,
      %gather3A_1508 = tpu.vector_load_idx %arg9[%iota3A, %get3A_1507] : memref<16x2576xf32, #tpu.memory_space<vmem>>[vector<16xi32>, vector<16xi32>], vector<16xf32>,
      %exp3A_1509 = math.exp %gather3A_1508 : vector<16xf32>
      %add3A_1510 = arith.addf %add3A_1495, %exp3A_1509 : vector<16xf32>
      %scan3A_1511 = arith.constant 2 : i32
      %scan3A_1512 = arith.addi %scan3A_1481, %scan3A_1511 : i32
      %mul3A_1513 = arith.constant 1 : i32
      %mul3A_1514 = arith.muli %scan3A_1512, %mul3A_1513 : i32
      %add3A_1515 = arith.constant 0 : i32
      %add3A_1516 = arith.addi %add3A_1515, %mul3A_1514 : i32
      %mul3A_1517 = arith.constant 16 : i32
      %mul3A_1518 = arith.muli %add3A_1516, %mul3A_1517 : i32
      %add3A_1519 = arith.constant 10848 : i32
      %add3A_1520 = arith.addi %add3A_1519, %mul3A_1518 : i32
      %get3A_1521 = arith.index_cast %add3A_1520 : i32 to index
      %get3A_1522 = tpu.vector_load %arg7[%get3A_1521] {strides = array<i32>} : memref<12928xi32, #tpu.memory_space<vmem>>, vector<16xi32>,
      %gather3A_1523 = tpu.vector_load_idx %arg9[%iota3A, %get3A_1522] : memref<16x2576xf32, #tpu.memory_space<vmem>>[vector<16xi32>, vector<16xi32>], vector<16xf32>,
      %exp3A_1524 = math.exp %gather3A_1523 : vector<16xf32>
      %add3A_1525 = arith.addf %add3A_1510, %exp3A_1524 : vector<16xf32>
      %scan3A_1526 = arith.constant 3 : i32
      %scan3A_1527 = arith.addi %scan3A_1481, %scan3A_1526 : i32
      %mul3A_1528 = arith.constant 1 : i32
      %mul3A_1529 = arith.muli %scan3A_1527, %mul3A_1528 : i32
      %add3A_1530 = arith.constant 0 : i32
      %add3A_1531 = arith.addi %add3A_1530, %mul3A_1529 : i32
      %mul3A_1532 = arith.constant 16 : i32
      %mul3A_1533 = arith.muli %add3A_1531, %mul3A_1532 : i32
      %add3A_1534 = arith.constant 10848 : i32
      %add3A_1535 = arith.addi %add3A_1534, %mul3A_1533 : i32
      %get3A_1536 = arith.index_cast %add3A_1535 : i32 to index
      %get3A_1537 = tpu.vector_load %arg7[%get3A_1536] {strides = array<i32>} : memref<12928xi32, #tpu.memory_space<vmem>>, vector<16xi32>,
      %gather3A_1538 = tpu.vector_load_idx %arg9[%iota3A, %get3A_1537] : memref<16x2576xf32, #tpu.memory_space<vmem>>[vector<16xi32>, vector<16xi32>], vector<16xf32>,
      %exp3A_1539 = math.exp %gather3A_1538 : vector<16xf32>
      %add3A_1540 = arith.addf %add3A_1525, %exp3A_1539 : vector<16xf32>
      scf.yield %add3A_1540 : vector<16xf32>
    }
    %scan3A_1198 = arith.constant 40 : i32
    %scan3A_1199 = arith.addi %scan3A_1193, %scan3A_1198 : i32
    %mul3A_1200 = arith.constant 1 : i32
    %mul3A_1201 = arith.muli %scan3A_1199, %mul3A_1200 : i32
    %add3A_1202 = arith.constant 0 : i32
    %add3A_1203 = arith.addi %add3A_1202, %mul3A_1201 : i32
    %mul3A_1204 = arith.constant 16 : i32
    %mul3A_1205 = arith.muli %add3A_1203, %mul3A_1204 : i32
    %add3A_1206 = arith.constant 10848 : i32
    %add3A_1207 = arith.addi %add3A_1206, %mul3A_1205 : i32
    %get3A_1208 = arith.index_cast %add3A_1207 : i32 to index
    %get3A_1209 = tpu.vector_load %arg7[%get3A_1208] {strides = array<i32>} : memref<12928xi32, #tpu.memory_space<vmem>>, vector<16xi32>,
    %gather3A_1210 = tpu.vector_load_idx %arg9[%iota3A, %get3A_1209] : memref<16x2576xf32, #tpu.memory_space<vmem>>[vector<16xi32>, vector<16xi32>], vector<16xf32>,
    %exp3A_1211 = math.exp %gather3A_1210 : vector<16xf32>
    %add3A_1212 = arith.addf %scan3A_1197, %exp3A_1211 : vector<16xf32>
    %scan3A_1213 = arith.constant 41 : i32
    %scan3A_1214 = arith.addi %scan3A_1193, %scan3A_1213 : i32
    %mul3A_1215 = arith.constant 1 : i32
    %mul3A_1216 = arith.muli %scan3A_1214, %mul3A_1215 : i32
    %add3A_1217 = arith.constant 0 : i32
    %add3A_1218 = arith.addi %add3A_1217, %mul3A_1216 : i32
    %mul3A_1219 = arith.constant 16 : i32
    %mul3A_1220 = arith.muli %add3A_1218, %mul3A_1219 : i32
    %add3A_1221 = arith.constant 10848 : i32
    %add3A_1222 = arith.addi %add3A_1221, %mul3A_1220 : i32
    %get3A_1223 = arith.index_cast %add3A_1222 : i32 to index
    %get3A_1224 = tpu.vector_load %arg7[%get3A_1223] {strides = array<i32>} : memref<12928xi32, #tpu.memory_space<vmem>>, vector<16xi32>,
    %gather3A_1225 = tpu.vector_load_idx %arg9[%iota3A, %get3A_1224] : memref<16x2576xf32, #tpu.memory_space<vmem>>[vector<16xi32>, vector<16xi32>], vector<16xf32>,
    %exp3A_1226 = math.exp %gather3A_1225 : vector<16xf32>
    %add3A_1227 = arith.addf %add3A_1212, %exp3A_1226 : vector<16xf32>
    %scan3A_1228 = arith.constant 42 : i32
    %scan3A_1229 = arith.addi %scan3A_1193, %scan3A_1228 : i32
    %mul3A_1230 = arith.constant 1 : i32
    %mul3A_1231 = arith.muli %scan3A_1229, %mul3A_1230 : i32
    %add3A_1232 = arith.constant 0 : i32
    %add3A_1233 = arith.addi %add3A_1232, %mul3A_1231 : i32
    %mul3A_1234 = arith.constant 16 : i32
    %mul3A_1235 = arith.muli %add3A_1233, %mul3A_1234 : i32
    %add3A_1236 = arith.constant 10848 : i32
    %add3A_1237 = arith.addi %add3A_1236, %mul3A_1235 : i32
    %get3A_1238 = arith.index_cast %add3A_1237 : i32 to index
    %get3A_1239 = tpu.vector_load %arg7[%get3A_1238] {strides = array<i32>} : memref<12928xi32, #tpu.memory_space<vmem>>, vector<16xi32>,
    %gather3A_1240 = tpu.vector_load_idx %arg9[%iota3A, %get3A_1239] : memref<16x2576xf32, #tpu.memory_space<vmem>>[vector<16xi32>, vector<16xi32>], vector<16xf32>,
    %exp3A_1241 = math.exp %gather3A_1240 : vector<16xf32>
    %add3A_1242 = arith.addf %add3A_1227, %exp3A_1241 : vector<16xf32>
    %scan3A_1243 = arith.constant 43 : i32
    %sub3A_1244 = arith.constant 40960 : i32
    %sub3A_1245 = vector.broadcast %sub3A_1244 : i32 to vector<16xi32>
    %sub3A_1246 = arith.subi %gather3A, %sub3A_1245 : vector<16xi32>
    %ge3A_1247 = arith.constant 0 : i32
    %ge3A_1248 = vector.broadcast %ge3A_1247 : i32 to vector<16xi32>
    %ge3A_1249 = arith.cmpi sge, %sub3A_1246, %ge3A_1248 : vector<16xi32>
    %lt3A_1250 = arith.constant 2560 : i32
    %lt3A_1251 = vector.broadcast %lt3A_1250 : i32 to vector<16xi32>
    %lt3A_1252 = arith.cmpi slt, %sub3A_1246, %lt3A_1251 : vector<16xi32>
    %and3A_1253 = arith.andi %ge3A_1249, %lt3A_1252 : vector<16xi1>
    %add3A_1254 = arith.constant 2560 : i32
    %add3A_1255 = vector.broadcast %add3A_1254 : i32 to vector<16xi32>
    %add3A_1256 = arith.addi %add3A_1255, %iota3A : vector<16xi32>
    %select_n3A_1257 = arith.select %and3A_1253, %sub3A_1246, %add3A_1256 : vector<16xi1>, vector<16xi32>
    %gather3A_1258 = tpu.vector_load_idx %arg9[%iota3A, %select_n3A_1257] : memref<16x2576xf32, #tpu.memory_space<vmem>>[vector<16xi32>, vector<16xi32>], vector<16xf32>,
    %select_n3A_1259 = arith.select %and3A_1253, %gather3A_1258, %select_n3A_1172 : vector<16xi1>, vector<16xf32>
    %dma_wait3A_1260 = arith.constant 0 : i32
    %dma_wait3A_1261 = arith.constant 0 : i32
    %dma_wait3A_1262 = tpu.memref_slice %arg10[%dma_wait3A_1260, %dma_wait3A_1261] : memref<16x2576xf32, #tpu.memory_space<vmem>> -> memref<16x2560xf32, #tpu.memory_space<vmem>>
    %dma_wait3A_1263 = arith.constant 43520 : i32
    %dma_wait3A_1264 = tpu.memref_slice %arg2[%multiple_of3A, %dma_wait3A_1263] : memref<512x100000xf32, #tpu.memory_space<hbm>> -> memref<16x2560xf32, #tpu.memory_space<hbm>>
    %dma_wait3A_1265 = arith.constant 0 : i32
    %dma_wait3A_1266 = arith.constant 0 : i32
    %dma_wait3A_1267 = tpu.memref_slice %arg10[%dma_wait3A_1265, %dma_wait3A_1266] : memref<16x2576xf32, #tpu.memory_space<vmem>> -> memref<16x2560xf32, #tpu.memory_space<vmem>>
    %dma_wait3A_1268 = arith.constant 43520 : i32
    %dma_wait3A_1269 = tpu.memref_slice %arg2[%multiple_of3A, %dma_wait3A_1268] : memref<512x100000xf32, #tpu.memory_space<hbm>> -> memref<16x2560xf32, #tpu.memory_space<hbm>>
    tpu.wait_dma2 semaphore(%arg13 : memref<!tpu.dma_semaphore, #tpu.memory_space<semaphore_mem>>) src(%dma_wait3A_1269 : memref<16x2560xf32, #tpu.memory_space<hbm>>) dst(%dma_wait3A_1267 : memref<16x2560xf32, #tpu.memory_space<vmem>>)
    %dma_start3A_1270 = arith.constant 0 : i32
    %dma_start3A_1271 = arith.constant 0 : i32
    %dma_start3A_1272 = tpu.memref_slice %arg9[%dma_start3A_1270, %dma_start3A_1271] : memref<16x2576xf32, #tpu.memory_space<vmem>> -> memref<16x2560xf32, #tpu.memory_space<vmem>>
    %dma_start3A_1273 = arith.constant 97280 : i32
    %dma_start3A_1274 = tpu.memref_slice %arg2[%multiple_of3A, %dma_start3A_1273] : memref<512x100000xf32, #tpu.memory_space<hbm>> -> memref<16x2560xf32, #tpu.memory_space<hbm>>
    %dma_start3A_1275 = arith.constant 0 : i32
    %dma_start3A_1276 = arith.constant 0 : i32
    %dma_start3A_1277 = tpu.memref_slice %arg9[%dma_start3A_1275, %dma_start3A_1276] : memref<16x2576xf32, #tpu.memory_space<vmem>> -> memref<16x2560xf32, #tpu.memory_space<vmem>>
    %dma_start3A_1278 = arith.constant 97280 : i32
    %dma_start3A_1279 = tpu.memref_slice %arg2[%multiple_of3A, %dma_start3A_1278] : memref<512x100000xf32, #tpu.memory_space<hbm>> -> memref<16x2560xf32, #tpu.memory_space<hbm>>
    tpu.enqueue_dma source(%dma_start3A_1279 : memref<16x2560xf32, #tpu.memory_space<hbm>>) target(%dma_start3A_1277 : memref<16x2560xf32, #tpu.memory_space<vmem>>) target_semaphore(%arg13 : memref<!tpu.dma_semaphore, #tpu.memory_space<semaphore_mem>>)
    %scan3A_1280 = arith.constant 0 : i32
    %scan3A_1281 = arith.constant 36 : i32
    %scan3A_1282 = arith.addi %scan3A_1280, %scan3A_1281 : i32
    %scan3A_1283 = arith.constant 4 : i32
    %scan3A_1284 = scf.for %scan3A_1481 = %scan3A_1280 to %scan3A_1282 step %scan3A_1283 iter_args(%scan3A_1482 = %add3A_1242) -> (vector<16xf32>)  : i32 {
      %mul3A_1483 = arith.constant 1 : i32
      %mul3A_1484 = arith.muli %scan3A_1481, %mul3A_1483 : i32
      %add3A_1485 = arith.constant 0 : i32
      %add3A_1486 = arith.addi %add3A_1485, %mul3A_1484 : i32
      %mul3A_1487 = arith.constant 16 : i32
      %mul3A_1488 = arith.muli %add3A_1486, %mul3A_1487 : i32
      %add3A_1489 = arith.constant 11536 : i32
      %add3A_1490 = arith.addi %add3A_1489, %mul3A_1488 : i32
      %get3A_1491 = arith.index_cast %add3A_1490 : i32 to index
      %get3A_1492 = tpu.vector_load %arg7[%get3A_1491] {strides = array<i32>} : memref<12928xi32, #tpu.memory_space<vmem>>, vector<16xi32>,
      %gather3A_1493 = tpu.vector_load_idx %arg10[%iota3A, %get3A_1492] : memref<16x2576xf32, #tpu.memory_space<vmem>>[vector<16xi32>, vector<16xi32>], vector<16xf32>,
      %exp3A_1494 = math.exp %gather3A_1493 : vector<16xf32>
      %add3A_1495 = arith.addf %scan3A_1482, %exp3A_1494 : vector<16xf32>
      %scan3A_1496 = arith.constant 1 : i32
      %scan3A_1497 = arith.addi %scan3A_1481, %scan3A_1496 : i32
      %mul3A_1498 = arith.constant 1 : i32
      %mul3A_1499 = arith.muli %scan3A_1497, %mul3A_1498 : i32
      %add3A_1500 = arith.constant 0 : i32
      %add3A_1501 = arith.addi %add3A_1500, %mul3A_1499 : i32
      %mul3A_1502 = arith.constant 16 : i32
      %mul3A_1503 = arith.muli %add3A_1501, %mul3A_1502 : i32
      %add3A_1504 = arith.constant 11536 : i32
      %add3A_1505 = arith.addi %add3A_1504, %mul3A_1503 : i32
      %get3A_1506 = arith.index_cast %add3A_1505 : i32 to index
      %get3A_1507 = tpu.vector_load %arg7[%get3A_1506] {strides = array<i32>} : memref<12928xi32, #tpu.memory_space<vmem>>, vector<16xi32>,
      %gather3A_1508 = tpu.vector_load_idx %arg10[%iota3A, %get3A_1507] : memref<16x2576xf32, #tpu.memory_space<vmem>>[vector<16xi32>, vector<16xi32>], vector<16xf32>,
      %exp3A_1509 = math.exp %gather3A_1508 : vector<16xf32>
      %add3A_1510 = arith.addf %add3A_1495, %exp3A_1509 : vector<16xf32>
      %scan3A_1511 = arith.constant 2 : i32
      %scan3A_1512 = arith.addi %scan3A_1481, %scan3A_1511 : i32
      %mul3A_1513 = arith.constant 1 : i32
      %mul3A_1514 = arith.muli %scan3A_1512, %mul3A_1513 : i32
      %add3A_1515 = arith.constant 0 : i32
      %add3A_1516 = arith.addi %add3A_1515, %mul3A_1514 : i32
      %mul3A_1517 = arith.constant 16 : i32
      %mul3A_1518 = arith.muli %add3A_1516, %mul3A_1517 : i32
      %add3A_1519 = arith.constant 11536 : i32
      %add3A_1520 = arith.addi %add3A_1519, %mul3A_1518 : i32
      %get3A_1521 = arith.index_cast %add3A_1520 : i32 to index
      %get3A_1522 = tpu.vector_load %arg7[%get3A_1521] {strides = array<i32>} : memref<12928xi32, #tpu.memory_space<vmem>>, vector<16xi32>,
      %gather3A_1523 = tpu.vector_load_idx %arg10[%iota3A, %get3A_1522] : memref<16x2576xf32, #tpu.memory_space<vmem>>[vector<16xi32>, vector<16xi32>], vector<16xf32>,
      %exp3A_1524 = math.exp %gather3A_1523 : vector<16xf32>
      %add3A_1525 = arith.addf %add3A_1510, %exp3A_1524 : vector<16xf32>
      %scan3A_1526 = arith.constant 3 : i32
      %scan3A_1527 = arith.addi %scan3A_1481, %scan3A_1526 : i32
      %mul3A_1528 = arith.constant 1 : i32
      %mul3A_1529 = arith.muli %scan3A_1527, %mul3A_1528 : i32
      %add3A_1530 = arith.constant 0 : i32
      %add3A_1531 = arith.addi %add3A_1530, %mul3A_1529 : i32
      %mul3A_1532 = arith.constant 16 : i32
      %mul3A_1533 = arith.muli %add3A_1531, %mul3A_1532 : i32
      %add3A_1534 = arith.constant 11536 : i32
      %add3A_1535 = arith.addi %add3A_1534, %mul3A_1533 : i32
      %get3A_1536 = arith.index_cast %add3A_1535 : i32 to index
      %get3A_1537 = tpu.vector_load %arg7[%get3A_1536] {strides = array<i32>} : memref<12928xi32, #tpu.memory_space<vmem>>, vector<16xi32>,
      %gather3A_1538 = tpu.vector_load_idx %arg10[%iota3A, %get3A_1537] : memref<16x2576xf32, #tpu.memory_space<vmem>>[vector<16xi32>, vector<16xi32>], vector<16xf32>,
      %exp3A_1539 = math.exp %gather3A_1538 : vector<16xf32>
      %add3A_1540 = arith.addf %add3A_1525, %exp3A_1539 : vector<16xf32>
      scf.yield %add3A_1540 : vector<16xf32>
    }
    %scan3A_1285 = arith.constant 36 : i32
    %scan3A_1286 = arith.addi %scan3A_1280, %scan3A_1285 : i32
    %mul3A_1287 = arith.constant 1 : i32
    %mul3A_1288 = arith.muli %scan3A_1286, %mul3A_1287 : i32
    %add3A_1289 = arith.constant 0 : i32
    %add3A_1290 = arith.addi %add3A_1289, %mul3A_1288 : i32
    %mul3A_1291 = arith.constant 16 : i32
    %mul3A_1292 = arith.muli %add3A_1290, %mul3A_1291 : i32
    %add3A_1293 = arith.constant 11536 : i32
    %add3A_1294 = arith.addi %add3A_1293, %mul3A_1292 : i32
    %get3A_1295 = arith.index_cast %add3A_1294 : i32 to index
    %get3A_1296 = tpu.vector_load %arg7[%get3A_1295] {strides = array<i32>} : memref<12928xi32, #tpu.memory_space<vmem>>, vector<16xi32>,
    %gather3A_1297 = tpu.vector_load_idx %arg10[%iota3A, %get3A_1296] : memref<16x2576xf32, #tpu.memory_space<vmem>>[vector<16xi32>, vector<16xi32>], vector<16xf32>,
    %exp3A_1298 = math.exp %gather3A_1297 : vector<16xf32>
    %add3A_1299 = arith.addf %scan3A_1284, %exp3A_1298 : vector<16xf32>
    %scan3A_1300 = arith.constant 37 : i32
    %scan3A_1301 = arith.addi %scan3A_1280, %scan3A_1300 : i32
    %mul3A_1302 = arith.constant 1 : i32
    %mul3A_1303 = arith.muli %scan3A_1301, %mul3A_1302 : i32
    %add3A_1304 = arith.constant 0 : i32
    %add3A_1305 = arith.addi %add3A_1304, %mul3A_1303 : i32
    %mul3A_1306 = arith.constant 16 : i32
    %mul3A_1307 = arith.muli %add3A_1305, %mul3A_1306 : i32
    %add3A_1308 = arith.constant 11536 : i32
    %add3A_1309 = arith.addi %add3A_1308, %mul3A_1307 : i32
    %get3A_1310 = arith.index_cast %add3A_1309 : i32 to index
    %get3A_1311 = tpu.vector_load %arg7[%get3A_1310] {strides = array<i32>} : memref<12928xi32, #tpu.memory_space<vmem>>, vector<16xi32>,
    %gather3A_1312 = tpu.vector_load_idx %arg10[%iota3A, %get3A_1311] : memref<16x2576xf32, #tpu.memory_space<vmem>>[vector<16xi32>, vector<16xi32>], vector<16xf32>,
    %exp3A_1313 = math.exp %gather3A_1312 : vector<16xf32>
    %add3A_1314 = arith.addf %add3A_1299, %exp3A_1313 : vector<16xf32>
    %scan3A_1315 = arith.constant 38 : i32
    %scan3A_1316 = arith.addi %scan3A_1280, %scan3A_1315 : i32
    %mul3A_1317 = arith.constant 1 : i32
    %mul3A_1318 = arith.muli %scan3A_1316, %mul3A_1317 : i32
    %add3A_1319 = arith.constant 0 : i32
    %add3A_1320 = arith.addi %add3A_1319, %mul3A_1318 : i32
    %mul3A_1321 = arith.constant 16 : i32
    %mul3A_1322 = arith.muli %add3A_1320, %mul3A_1321 : i32
    %add3A_1323 = arith.constant 11536 : i32
    %add3A_1324 = arith.addi %add3A_1323, %mul3A_1322 : i32
    %get3A_1325 = arith.index_cast %add3A_1324 : i32 to index
    %get3A_1326 = tpu.vector_load %arg7[%get3A_1325] {strides = array<i32>} : memref<12928xi32, #tpu.memory_space<vmem>>, vector<16xi32>,
    %gather3A_1327 = tpu.vector_load_idx %arg10[%iota3A, %get3A_1326] : memref<16x2576xf32, #tpu.memory_space<vmem>>[vector<16xi32>, vector<16xi32>], vector<16xf32>,
    %exp3A_1328 = math.exp %gather3A_1327 : vector<16xf32>
    %add3A_1329 = arith.addf %add3A_1314, %exp3A_1328 : vector<16xf32>
    %scan3A_1330 = arith.constant 39 : i32
    %sub3A_1331 = arith.constant 43520 : i32
    %sub3A_1332 = vector.broadcast %sub3A_1331 : i32 to vector<16xi32>
    %sub3A_1333 = arith.subi %gather3A, %sub3A_1332 : vector<16xi32>
    %ge3A_1334 = arith.constant 0 : i32
    %ge3A_1335 = vector.broadcast %ge3A_1334 : i32 to vector<16xi32>
    %ge3A_1336 = arith.cmpi sge, %sub3A_1333, %ge3A_1335 : vector<16xi32>
    %lt3A_1337 = arith.constant 2560 : i32
    %lt3A_1338 = vector.broadcast %lt3A_1337 : i32 to vector<16xi32>
    %lt3A_1339 = arith.cmpi slt, %sub3A_1333, %lt3A_1338 : vector<16xi32>
    %and3A_1340 = arith.andi %ge3A_1336, %lt3A_1339 : vector<16xi1>
    %add3A_1341 = arith.constant 2560 : i32
    %add3A_1342 = vector.broadcast %add3A_1341 : i32 to vector<16xi32>
    %add3A_1343 = arith.addi %add3A_1342, %iota3A : vector<16xi32>
    %select_n3A_1344 = arith.select %and3A_1340, %sub3A_1333, %add3A_1343 : vector<16xi1>, vector<16xi32>
    %gather3A_1345 = tpu.vector_load_idx %arg10[%iota3A, %select_n3A_1344] : memref<16x2576xf32, #tpu.memory_space<vmem>>[vector<16xi32>, vector<16xi32>], vector<16xf32>,
    %select_n3A_1346 = arith.select %and3A_1340, %gather3A_1345, %select_n3A_1259 : vector<16xi1>, vector<16xf32>
    %dma_wait3A_1347 = arith.constant 0 : i32
    %dma_wait3A_1348 = arith.constant 0 : i32
    %dma_wait3A_1349 = tpu.memref_slice %arg9[%dma_wait3A_1347, %dma_wait3A_1348] : memref<16x2576xf32, #tpu.memory_space<vmem>> -> memref<16x2560xf32, #tpu.memory_space<vmem>>
    %dma_wait3A_1350 = arith.constant 97280 : i32
    %dma_wait3A_1351 = tpu.memref_slice %arg2[%multiple_of3A, %dma_wait3A_1350] : memref<512x100000xf32, #tpu.memory_space<hbm>> -> memref<16x2560xf32, #tpu.memory_space<hbm>>
    %dma_wait3A_1352 = arith.constant 0 : i32
    %dma_wait3A_1353 = arith.constant 0 : i32
    %dma_wait3A_1354 = tpu.memref_slice %arg9[%dma_wait3A_1352, %dma_wait3A_1353] : memref<16x2576xf32, #tpu.memory_space<vmem>> -> memref<16x2560xf32, #tpu.memory_space<vmem>>
    %dma_wait3A_1355 = arith.constant 97280 : i32
    %dma_wait3A_1356 = tpu.memref_slice %arg2[%multiple_of3A, %dma_wait3A_1355] : memref<512x100000xf32, #tpu.memory_space<hbm>> -> memref<16x2560xf32, #tpu.memory_space<hbm>>
    tpu.wait_dma2 semaphore(%arg13 : memref<!tpu.dma_semaphore, #tpu.memory_space<semaphore_mem>>) src(%dma_wait3A_1356 : memref<16x2560xf32, #tpu.memory_space<hbm>>) dst(%dma_wait3A_1354 : memref<16x2560xf32, #tpu.memory_space<vmem>>)
    %dma_start3A_1357 = arith.constant 0 : i32
    %dma_start3A_1358 = arith.constant 0 : i32
    %dma_start3A_1359 = tpu.memref_slice %arg10[%dma_start3A_1357, %dma_start3A_1358] : memref<16x2576xf32, #tpu.memory_space<vmem>> -> memref<16x128xf32, #tpu.memory_space<vmem>>
    %dma_start3A_1360 = arith.constant 99840 : i32
    %dma_start3A_1361 = tpu.memref_slice %arg2[%multiple_of3A, %dma_start3A_1360] : memref<512x100000xf32, #tpu.memory_space<hbm>> -> memref<16x128xf32, #tpu.memory_space<hbm>>
    %dma_start3A_1362 = arith.constant 0 : i32
    %dma_start3A_1363 = arith.constant 0 : i32
    %dma_start3A_1364 = tpu.memref_slice %arg10[%dma_start3A_1362, %dma_start3A_1363] : memref<16x2576xf32, #tpu.memory_space<vmem>> -> memref<16x128xf32, #tpu.memory_space<vmem>>
    %dma_start3A_1365 = arith.constant 99840 : i32
    %dma_start3A_1366 = tpu.memref_slice %arg2[%multiple_of3A, %dma_start3A_1365] : memref<512x100000xf32, #tpu.memory_space<hbm>> -> memref<16x128xf32, #tpu.memory_space<hbm>>
    tpu.enqueue_dma source(%dma_start3A_1366 : memref<16x128xf32, #tpu.memory_space<hbm>>) target(%dma_start3A_1364 : memref<16x128xf32, #tpu.memory_space<vmem>>) target_semaphore(%arg13 : memref<!tpu.dma_semaphore, #tpu.memory_space<semaphore_mem>>)
    %scan3A_1367 = arith.constant 0 : i32
    %scan3A_1368 = arith.constant 40 : i32
    %scan3A_1369 = arith.addi %scan3A_1367, %scan3A_1368 : i32
    %scan3A_1370 = arith.constant 4 : i32
    %scan3A_1371 = scf.for %scan3A_1481 = %scan3A_1367 to %scan3A_1369 step %scan3A_1370 iter_args(%scan3A_1482 = %add3A_1329) -> (vector<16xf32>)  : i32 {
      %mul3A_1483 = arith.constant 1 : i32
      %mul3A_1484 = arith.muli %scan3A_1481, %mul3A_1483 : i32
      %add3A_1485 = arith.constant 0 : i32
      %add3A_1486 = arith.addi %add3A_1485, %mul3A_1484 : i32
      %mul3A_1487 = arith.constant 16 : i32
      %mul3A_1488 = arith.muli %add3A_1486, %mul3A_1487 : i32
      %add3A_1489 = arith.constant 12160 : i32
      %add3A_1490 = arith.addi %add3A_1489, %mul3A_1488 : i32
      %get3A_1491 = arith.index_cast %add3A_1490 : i32 to index
      %get3A_1492 = tpu.vector_load %arg7[%get3A_1491] {strides = array<i32>} : memref<12928xi32, #tpu.memory_space<vmem>>, vector<16xi32>,
      %gather3A_1493 = tpu.vector_load_idx %arg9[%iota3A, %get3A_1492] : memref<16x2576xf32, #tpu.memory_space<vmem>>[vector<16xi32>, vector<16xi32>], vector<16xf32>,
      %exp3A_1494 = math.exp %gather3A_1493 : vector<16xf32>
      %add3A_1495 = arith.addf %scan3A_1482, %exp3A_1494 : vector<16xf32>
      %scan3A_1496 = arith.constant 1 : i32
      %scan3A_1497 = arith.addi %scan3A_1481, %scan3A_1496 : i32
      %mul3A_1498 = arith.constant 1 : i32
      %mul3A_1499 = arith.muli %scan3A_1497, %mul3A_1498 : i32
      %add3A_1500 = arith.constant 0 : i32
      %add3A_1501 = arith.addi %add3A_1500, %mul3A_1499 : i32
      %mul3A_1502 = arith.constant 16 : i32
      %mul3A_1503 = arith.muli %add3A_1501, %mul3A_1502 : i32
      %add3A_1504 = arith.constant 12160 : i32
      %add3A_1505 = arith.addi %add3A_1504, %mul3A_1503 : i32
      %get3A_1506 = arith.index_cast %add3A_1505 : i32 to index
      %get3A_1507 = tpu.vector_load %arg7[%get3A_1506] {strides = array<i32>} : memref<12928xi32, #tpu.memory_space<vmem>>, vector<16xi32>,
      %gather3A_1508 = tpu.vector_load_idx %arg9[%iota3A, %get3A_1507] : memref<16x2576xf32, #tpu.memory_space<vmem>>[vector<16xi32>, vector<16xi32>], vector<16xf32>,
      %exp3A_1509 = math.exp %gather3A_1508 : vector<16xf32>
      %add3A_1510 = arith.addf %add3A_1495, %exp3A_1509 : vector<16xf32>
      %scan3A_1511 = arith.constant 2 : i32
      %scan3A_1512 = arith.addi %scan3A_1481, %scan3A_1511 : i32
      %mul3A_1513 = arith.constant 1 : i32
      %mul3A_1514 = arith.muli %scan3A_1512, %mul3A_1513 : i32
      %add3A_1515 = arith.constant 0 : i32
      %add3A_1516 = arith.addi %add3A_1515, %mul3A_1514 : i32
      %mul3A_1517 = arith.constant 16 : i32
      %mul3A_1518 = arith.muli %add3A_1516, %mul3A_1517 : i32
      %add3A_1519 = arith.constant 12160 : i32
      %add3A_1520 = arith.addi %add3A_1519, %mul3A_1518 : i32
      %get3A_1521 = arith.index_cast %add3A_1520 : i32 to index
      %get3A_1522 = tpu.vector_load %arg7[%get3A_1521] {strides = array<i32>} : memref<12928xi32, #tpu.memory_space<vmem>>, vector<16xi32>,
      %gather3A_1523 = tpu.vector_load_idx %arg9[%iota3A, %get3A_1522] : memref<16x2576xf32, #tpu.memory_space<vmem>>[vector<16xi32>, vector<16xi32>], vector<16xf32>,
      %exp3A_1524 = math.exp %gather3A_1523 : vector<16xf32>
      %add3A_1525 = arith.addf %add3A_1510, %exp3A_1524 : vector<16xf32>
      %scan3A_1526 = arith.constant 3 : i32
      %scan3A_1527 = arith.addi %scan3A_1481, %scan3A_1526 : i32
      %mul3A_1528 = arith.constant 1 : i32
      %mul3A_1529 = arith.muli %scan3A_1527, %mul3A_1528 : i32
      %add3A_1530 = arith.constant 0 : i32
      %add3A_1531 = arith.addi %add3A_1530, %mul3A_1529 : i32
      %mul3A_1532 = arith.constant 16 : i32
      %mul3A_1533 = arith.muli %add3A_1531, %mul3A_1532 : i32
      %add3A_1534 = arith.constant 12160 : i32
      %add3A_1535 = arith.addi %add3A_1534, %mul3A_1533 : i32
      %get3A_1536 = arith.index_cast %add3A_1535 : i32 to index
      %get3A_1537 = tpu.vector_load %arg7[%get3A_1536] {strides = array<i32>} : memref<12928xi32, #tpu.memory_space<vmem>>, vector<16xi32>,
      %gather3A_1538 = tpu.vector_load_idx %arg9[%iota3A, %get3A_1537] : memref<16x2576xf32, #tpu.memory_space<vmem>>[vector<16xi32>, vector<16xi32>], vector<16xf32>,
      %exp3A_1539 = math.exp %gather3A_1538 : vector<16xf32>
      %add3A_1540 = arith.addf %add3A_1525, %exp3A_1539 : vector<16xf32>
      scf.yield %add3A_1540 : vector<16xf32>
    }
    %scan3A_1372 = arith.constant 40 : i32
    %scan3A_1373 = arith.addi %scan3A_1367, %scan3A_1372 : i32
    %mul3A_1374 = arith.constant 1 : i32
    %mul3A_1375 = arith.muli %scan3A_1373, %mul3A_1374 : i32
    %add3A_1376 = arith.constant 0 : i32
    %add3A_1377 = arith.addi %add3A_1376, %mul3A_1375 : i32
    %mul3A_1378 = arith.constant 16 : i32
    %mul3A_1379 = arith.muli %add3A_1377, %mul3A_1378 : i32
    %add3A_1380 = arith.constant 12160 : i32
    %add3A_1381 = arith.addi %add3A_1380, %mul3A_1379 : i32
    %get3A_1382 = arith.index_cast %add3A_1381 : i32 to index
    %get3A_1383 = tpu.vector_load %arg7[%get3A_1382] {strides = array<i32>} : memref<12928xi32, #tpu.memory_space<vmem>>, vector<16xi32>,
    %gather3A_1384 = tpu.vector_load_idx %arg9[%iota3A, %get3A_1383] : memref<16x2576xf32, #tpu.memory_space<vmem>>[vector<16xi32>, vector<16xi32>], vector<16xf32>,
    %exp3A_1385 = math.exp %gather3A_1384 : vector<16xf32>
    %add3A_1386 = arith.addf %scan3A_1371, %exp3A_1385 : vector<16xf32>
    %scan3A_1387 = arith.constant 41 : i32
    %scan3A_1388 = arith.addi %scan3A_1367, %scan3A_1387 : i32
    %mul3A_1389 = arith.constant 1 : i32
    %mul3A_1390 = arith.muli %scan3A_1388, %mul3A_1389 : i32
    %add3A_1391 = arith.constant 0 : i32
    %add3A_1392 = arith.addi %add3A_1391, %mul3A_1390 : i32
    %mul3A_1393 = arith.constant 16 : i32
    %mul3A_1394 = arith.muli %add3A_1392, %mul3A_1393 : i32
    %add3A_1395 = arith.constant 12160 : i32
    %add3A_1396 = arith.addi %add3A_1395, %mul3A_1394 : i32
    %get3A_1397 = arith.index_cast %add3A_1396 : i32 to index
    %get3A_1398 = tpu.vector_load %arg7[%get3A_1397] {strides = array<i32>} : memref<12928xi32, #tpu.memory_space<vmem>>, vector<16xi32>,
    %gather3A_1399 = tpu.vector_load_idx %arg9[%iota3A, %get3A_1398] : memref<16x2576xf32, #tpu.memory_space<vmem>>[vector<16xi32>, vector<16xi32>], vector<16xf32>,
    %exp3A_1400 = math.exp %gather3A_1399 : vector<16xf32>
    %add3A_1401 = arith.addf %add3A_1386, %exp3A_1400 : vector<16xf32>
    %scan3A_1402 = arith.constant 42 : i32
    %sub3A_1403 = arith.constant 97280 : i32
    %sub3A_1404 = vector.broadcast %sub3A_1403 : i32 to vector<16xi32>
    %sub3A_1405 = arith.subi %gather3A, %sub3A_1404 : vector<16xi32>
    %ge3A_1406 = arith.constant 0 : i32
    %ge3A_1407 = vector.broadcast %ge3A_1406 : i32 to vector<16xi32>
    %ge3A_1408 = arith.cmpi sge, %sub3A_1405, %ge3A_1407 : vector<16xi32>
    %lt3A_1409 = arith.constant 2560 : i32
    %lt3A_1410 = vector.broadcast %lt3A_1409 : i32 to vector<16xi32>
    %lt3A_1411 = arith.cmpi slt, %sub3A_1405, %lt3A_1410 : vector<16xi32>
    %and3A_1412 = arith.andi %ge3A_1408, %lt3A_1411 : vector<16xi1>
    %add3A_1413 = arith.constant 2560 : i32
    %add3A_1414 = vector.broadcast %add3A_1413 : i32 to vector<16xi32>
    %add3A_1415 = arith.addi %add3A_1414, %iota3A : vector<16xi32>
    %select_n3A_1416 = arith.select %and3A_1412, %sub3A_1405, %add3A_1415 : vector<16xi1>, vector<16xi32>
    %gather3A_1417 = tpu.vector_load_idx %arg9[%iota3A, %select_n3A_1416] : memref<16x2576xf32, #tpu.memory_space<vmem>>[vector<16xi32>, vector<16xi32>], vector<16xf32>,
    %select_n3A_1418 = arith.select %and3A_1412, %gather3A_1417, %select_n3A_1346 : vector<16xi1>, vector<16xf32>
    %dma_wait3A_1419 = arith.constant 0 : i32
    %dma_wait3A_1420 = arith.constant 0 : i32
    %dma_wait3A_1421 = tpu.memref_slice %arg10[%dma_wait3A_1419, %dma_wait3A_1420] : memref<16x2576xf32, #tpu.memory_space<vmem>> -> memref<16x128xf32, #tpu.memory_space<vmem>>
    %dma_wait3A_1422 = arith.constant 99840 : i32
    %dma_wait3A_1423 = tpu.memref_slice %arg2[%multiple_of3A, %dma_wait3A_1422] : memref<512x100000xf32, #tpu.memory_space<hbm>> -> memref<16x128xf32, #tpu.memory_space<hbm>>
    %dma_wait3A_1424 = arith.constant 0 : i32
    %dma_wait3A_1425 = arith.constant 0 : i32
    %dma_wait3A_1426 = tpu.memref_slice %arg10[%dma_wait3A_1424, %dma_wait3A_1425] : memref<16x2576xf32, #tpu.memory_space<vmem>> -> memref<16x128xf32, #tpu.memory_space<vmem>>
    %dma_wait3A_1427 = arith.constant 99840 : i32
    %dma_wait3A_1428 = tpu.memref_slice %arg2[%multiple_of3A, %dma_wait3A_1427] : memref<512x100000xf32, #tpu.memory_space<hbm>> -> memref<16x128xf32, #tpu.memory_space<hbm>>
    tpu.wait_dma2 semaphore(%arg13 : memref<!tpu.dma_semaphore, #tpu.memory_space<semaphore_mem>>) src(%dma_wait3A_1428 : memref<16x128xf32, #tpu.memory_space<hbm>>) dst(%dma_wait3A_1426 : memref<16x128xf32, #tpu.memory_space<vmem>>)
    %scan3A_1429 = arith.constant 0 : i32
    %scan3A_1430 = arith.constant 4 : i32
    %scan3A_1431 = arith.addi %scan3A_1429, %scan3A_1430 : i32
    %scan3A_1432 = arith.constant 4 : i32
    %scan3A_1433 = scf.for %scan3A_1481 = %scan3A_1429 to %scan3A_1431 step %scan3A_1432 iter_args(%scan3A_1482 = %add3A_1401) -> (vector<16xf32>)  : i32 {
      %mul3A_1483 = arith.constant 1 : i32
      %mul3A_1484 = arith.muli %scan3A_1481, %mul3A_1483 : i32
      %add3A_1485 = arith.constant 0 : i32
      %add3A_1486 = arith.addi %add3A_1485, %mul3A_1484 : i32
      %mul3A_1487 = arith.constant 16 : i32
      %mul3A_1488 = arith.muli %add3A_1486, %mul3A_1487 : i32
      %add3A_1489 = arith.constant 12832 : i32
      %add3A_1490 = arith.addi %add3A_1489, %mul3A_1488 : i32
      %get3A_1491 = arith.index_cast %add3A_1490 : i32 to index
      %get3A_1492 = tpu.vector_load %arg7[%get3A_1491] {strides = array<i32>} : memref<12928xi32, #tpu.memory_space<vmem>>, vector<16xi32>,
      %gather3A_1493 = tpu.vector_load_idx %arg10[%iota3A, %get3A_1492] : memref<16x2576xf32, #tpu.memory_space<vmem>>[vector<16xi32>, vector<16xi32>], vector<16xf32>,
      %exp3A_1494 = math.exp %gather3A_1493 : vector<16xf32>
      %add3A_1495 = arith.addf %scan3A_1482, %exp3A_1494 : vector<16xf32>
      %scan3A_1496 = arith.constant 1 : i32
      %scan3A_1497 = arith.addi %scan3A_1481, %scan3A_1496 : i32
      %mul3A_1498 = arith.constant 1 : i32
      %mul3A_1499 = arith.muli %scan3A_1497, %mul3A_1498 : i32
      %add3A_1500 = arith.constant 0 : i32
      %add3A_1501 = arith.addi %add3A_1500, %mul3A_1499 : i32
      %mul3A_1502 = arith.constant 16 : i32
      %mul3A_1503 = arith.muli %add3A_1501, %mul3A_1502 : i32
      %add3A_1504 = arith.constant 12832 : i32
      %add3A_1505 = arith.addi %add3A_1504, %mul3A_1503 : i32
      %get3A_1506 = arith.index_cast %add3A_1505 : i32 to index
      %get3A_1507 = tpu.vector_load %arg7[%get3A_1506] {strides = array<i32>} : memref<12928xi32, #tpu.memory_space<vmem>>, vector<16xi32>,
      %gather3A_1508 = tpu.vector_load_idx %arg10[%iota3A, %get3A_1507] : memref<16x2576xf32, #tpu.memory_space<vmem>>[vector<16xi32>, vector<16xi32>], vector<16xf32>,
      %exp3A_1509 = math.exp %gather3A_1508 : vector<16xf32>
      %add3A_1510 = arith.addf %add3A_1495, %exp3A_1509 : vector<16xf32>
      %scan3A_1511 = arith.constant 2 : i32
      %scan3A_1512 = arith.addi %scan3A_1481, %scan3A_1511 : i32
      %mul3A_1513 = arith.constant 1 : i32
      %mul3A_1514 = arith.muli %scan3A_1512, %mul3A_1513 : i32
      %add3A_1515 = arith.constant 0 : i32
      %add3A_1516 = arith.addi %add3A_1515, %mul3A_1514 : i32
      %mul3A_1517 = arith.constant 16 : i32
      %mul3A_1518 = arith.muli %add3A_1516, %mul3A_1517 : i32
      %add3A_1519 = arith.constant 12832 : i32
      %add3A_1520 = arith.addi %add3A_1519, %mul3A_1518 : i32
      %get3A_1521 = arith.index_cast %add3A_1520 : i32 to index
      %get3A_1522 = tpu.vector_load %arg7[%get3A_1521] {strides = array<i32>} : memref<12928xi32, #tpu.memory_space<vmem>>, vector<16xi32>,
      %gather3A_1523 = tpu.vector_load_idx %arg10[%iota3A, %get3A_1522] : memref<16x2576xf32, #tpu.memory_space<vmem>>[vector<16xi32>, vector<16xi32>], vector<16xf32>,
      %exp3A_1524 = math.exp %gather3A_1523 : vector<16xf32>
      %add3A_1525 = arith.addf %add3A_1510, %exp3A_1524 : vector<16xf32>
      %scan3A_1526 = arith.constant 3 : i32
      %scan3A_1527 = arith.addi %scan3A_1481, %scan3A_1526 : i32
      %mul3A_1528 = arith.constant 1 : i32
      %mul3A_1529 = arith.muli %scan3A_1527, %mul3A_1528 : i32
      %add3A_1530 = arith.constant 0 : i32
      %add3A_1531 = arith.addi %add3A_1530, %mul3A_1529 : i32
      %mul3A_1532 = arith.constant 16 : i32
      %mul3A_1533 = arith.muli %add3A_1531, %mul3A_1532 : i32
      %add3A_1534 = arith.constant 12832 : i32
      %add3A_1535 = arith.addi %add3A_1534, %mul3A_1533 : i32
      %get3A_1536 = arith.index_cast %add3A_1535 : i32 to index
      %get3A_1537 = tpu.vector_load %arg7[%get3A_1536] {strides = array<i32>} : memref<12928xi32, #tpu.memory_space<vmem>>, vector<16xi32>,
      %gather3A_1538 = tpu.vector_load_idx %arg10[%iota3A, %get3A_1537] : memref<16x2576xf32, #tpu.memory_space<vmem>>[vector<16xi32>, vector<16xi32>], vector<16xf32>,
      %exp3A_1539 = math.exp %gather3A_1538 : vector<16xf32>
      %add3A_1540 = arith.addf %add3A_1525, %exp3A_1539 : vector<16xf32>
      scf.yield %add3A_1540 : vector<16xf32>
    }
    %scan3A_1434 = arith.constant 4 : i32
    %scan3A_1435 = arith.addi %scan3A_1429, %scan3A_1434 : i32
    %mul3A_1436 = arith.constant 1 : i32
    %mul3A_1437 = arith.muli %scan3A_1435, %mul3A_1436 : i32
    %add3A_1438 = arith.constant 0 : i32
    %add3A_1439 = arith.addi %add3A_1438, %mul3A_1437 : i32
    %mul3A_1440 = arith.constant 16 : i32
    %mul3A_1441 = arith.muli %add3A_1439, %mul3A_1440 : i32
    %add3A_1442 = arith.constant 12832 : i32
    %add3A_1443 = arith.addi %add3A_1442, %mul3A_1441 : i32
    %get3A_1444 = arith.index_cast %add3A_1443 : i32 to index
    %get3A_1445 = tpu.vector_load %arg7[%get3A_1444] {strides = array<i32>} : memref<12928xi32, #tpu.memory_space<vmem>>, vector<16xi32>,
    %gather3A_1446 = tpu.vector_load_idx %arg10[%iota3A, %get3A_1445] : memref<16x2576xf32, #tpu.memory_space<vmem>>[vector<16xi32>, vector<16xi32>], vector<16xf32>,
    %exp3A_1447 = math.exp %gather3A_1446 : vector<16xf32>
    %add3A_1448 = arith.addf %scan3A_1433, %exp3A_1447 : vector<16xf32>
    %scan3A_1449 = arith.constant 5 : i32
    %scan3A_1450 = arith.addi %scan3A_1429, %scan3A_1449 : i32
    %mul3A_1451 = arith.constant 1 : i32
    %mul3A_1452 = arith.muli %scan3A_1450, %mul3A_1451 : i32
    %add3A_1453 = arith.constant 0 : i32
    %add3A_1454 = arith.addi %add3A_1453, %mul3A_1452 : i32
    %mul3A_1455 = arith.constant 16 : i32
    %mul3A_1456 = arith.muli %add3A_1454, %mul3A_1455 : i32
    %add3A_1457 = arith.constant 12832 : i32
    %add3A_1458 = arith.addi %add3A_1457, %mul3A_1456 : i32
    %get3A_1459 = arith.index_cast %add3A_1458 : i32 to index
    %get3A_1460 = tpu.vector_load %arg7[%get3A_1459] {strides = array<i32>} : memref<12928xi32, #tpu.memory_space<vmem>>, vector<16xi32>,
    %gather3A_1461 = tpu.vector_load_idx %arg10[%iota3A, %get3A_1460] : memref<16x2576xf32, #tpu.memory_space<vmem>>[vector<16xi32>, vector<16xi32>], vector<16xf32>,
    %exp3A_1462 = math.exp %gather3A_1461 : vector<16xf32>
    %add3A_1463 = arith.addf %add3A_1448, %exp3A_1462 : vector<16xf32>
    %scan3A_1464 = arith.constant 6 : i32
    %sub3A_1465 = arith.constant 99840 : i32
    %sub3A_1466 = vector.broadcast %sub3A_1465 : i32 to vector<16xi32>
    %sub3A_1467 = arith.subi %gather3A, %sub3A_1466 : vector<16xi32>
    %ge3A_1468 = arith.constant 0 : i32
    %ge3A_1469 = vector.broadcast %ge3A_1468 : i32 to vector<16xi32>
    %ge3A_1470 = arith.cmpi sge, %sub3A_1467, %ge3A_1469 : vector<16xi32>
    %lt3A_1471 = arith.constant 128 : i32
    %lt3A_1472 = vector.broadcast %lt3A_1471 : i32 to vector<16xi32>
    %lt3A_1473 = arith.cmpi slt, %sub3A_1467, %lt3A_1472 : vector<16xi32>
    %and3A_1474 = arith.andi %ge3A_1470, %lt3A_1473 : vector<16xi1>
    %add3A_1475 = arith.constant 2560 : i32
    %add3A_1476 = vector.broadcast %add3A_1475 : i32 to vector<16xi32>
    %add3A_1477 = arith.addi %add3A_1476, %iota3A : vector<16xi32>
    %select_n3A_1478 = arith.select %and3A_1474, %sub3A_1467, %add3A_1477 : vector<16xi1>, vector<16xi32>
    %gather3A_1479 = tpu.vector_load_idx %arg10[%iota3A, %select_n3A_1478] : memref<16x2576xf32, #tpu.memory_space<vmem>>[vector<16xi32>, vector<16xi32>], vector<16xf32>,
    %select_n3A_1480 = arith.select %and3A_1474, %gather3A_1479, %select_n3A_1418 : vector<16xi1>, vector<16xf32>
    tpu.vector_store_idx %arg11[%iota3A, %mul3A_3], %add3A_1463 : memref<16x1xf32, #tpu.memory_space<vmem>>[vector<16xi32>, vector<16xi32>], vector<16xf32>,
    tpu.vector_store_idx %arg12[%iota3A, %mul3A_3], %select_n3A_1480 : memref<16x1xf32, #tpu.memory_space<vmem>>[vector<16xi32>, vector<16xi32>], vector<16xf32>,
    "tpu.region"() ({
      %run_scoped3A = tpu.sem_alloc : memref<!tpu.dma_semaphore, #tpu.memory_space<semaphore_mem>>
      %dma_start3A_1481 = arith.constant 0 : i32
      %dma_start3A_1482 = tpu.memref_slice %arg5[%multiple_of3A, %dma_start3A_1481] : memref<512x1xf32, #tpu.memory_space<hbm>> -> memref<16x1xf32, #tpu.memory_space<hbm>>
      %dma_start3A_1483 = arith.constant 0 : i32
      %dma_start3A_1484 = tpu.memref_slice %arg5[%multiple_of3A, %dma_start3A_1483] : memref<512x1xf32, #tpu.memory_space<hbm>> -> memref<16x1xf32, #tpu.memory_space<hbm>>
      tpu.enqueue_dma source(%arg11 : memref<16x1xf32, #tpu.memory_space<vmem>>) target(%dma_start3A_1484 : memref<16x1xf32, #tpu.memory_space<hbm>>) target_semaphore(%run_scoped3A : memref<!tpu.dma_semaphore, #tpu.memory_space<semaphore_mem>>)
      %dma_wait3A_1485 = arith.constant 0 : i32
      %dma_wait3A_1486 = tpu.memref_slice %arg5[%multiple_of3A, %dma_wait3A_1485] : memref<512x1xf32, #tpu.memory_space<hbm>> -> memref<16x1xf32, #tpu.memory_space<hbm>>
      %dma_wait3A_1487 = arith.constant 0 : i32
      %dma_wait3A_1488 = tpu.memref_slice %arg5[%multiple_of3A, %dma_wait3A_1487] : memref<512x1xf32, #tpu.memory_space<hbm>> -> memref<16x1xf32, #tpu.memory_space<hbm>>
      tpu.wait_dma2 semaphore(%run_scoped3A : memref<!tpu.dma_semaphore, #tpu.memory_space<semaphore_mem>>) src(%arg11 : memref<16x1xf32, #tpu.memory_space<vmem>>) dst(%dma_wait3A_1488 : memref<16x1xf32, #tpu.memory_space<hbm>>)
      tpu.yield
    }) : () -> ()
    "tpu.region"() ({
      %run_scoped3A = tpu.sem_alloc : memref<!tpu.dma_semaphore, #tpu.memory_space<semaphore_mem>>
      %dma_start3A_1481 = arith.constant 0 : i32
      %dma_start3A_1482 = tpu.memref_slice %arg6[%multiple_of3A, %dma_start3A_1481] : memref<512x1xf32, #tpu.memory_space<hbm>> -> memref<16x1xf32, #tpu.memory_space<hbm>>
      %dma_start3A_1483 = arith.constant 0 : i32
      %dma_start3A_1484 = tpu.memref_slice %arg6[%multiple_of3A, %dma_start3A_1483] : memref<512x1xf32, #tpu.memory_space<hbm>> -> memref<16x1xf32, #tpu.memory_space<hbm>>
      tpu.enqueue_dma source(%arg12 : memref<16x1xf32, #tpu.memory_space<vmem>>) target(%dma_start3A_1484 : memref<16x1xf32, #tpu.memory_space<hbm>>) target_semaphore(%run_scoped3A : memref<!tpu.dma_semaphore, #tpu.memory_space<semaphore_mem>>)
      %dma_wait3A_1485 = arith.constant 0 : i32
      %dma_wait3A_1486 = tpu.memref_slice %arg6[%multiple_of3A, %dma_wait3A_1485] : memref<512x1xf32, #tpu.memory_space<hbm>> -> memref<16x1xf32, #tpu.memory_space<hbm>>
      %dma_wait3A_1487 = arith.constant 0 : i32
      %dma_wait3A_1488 = tpu.memref_slice %arg6[%multiple_of3A, %dma_wait3A_1487] : memref<512x1xf32, #tpu.memory_space<hbm>> -> memref<16x1xf32, #tpu.memory_space<hbm>>
      tpu.wait_dma2 semaphore(%run_scoped3A : memref<!tpu.dma_semaphore, #tpu.memory_space<semaphore_mem>>) src(%arg12 : memref<16x1xf32, #tpu.memory_space<vmem>>) dst(%dma_wait3A_1488 : memref<16x1xf32, #tpu.memory_space<hbm>>)
      tpu.yield
    }) : () -> ()
    return
  }
}

module attributes {stable_mosaic.version = 14 : i64} {
  func.func @_tc_scan(%arg0: i32, %arg1: memref<512x5120xf32, #tpu.memory_space<vmem>>, %arg2: memref<512x2560xi8, #tpu.memory_space<vmem>>, %arg3: memref<512x1xi32, #tpu.memory_space<vmem>>, %arg4: memref<512x1xf32, #tpu.memory_space<vmem>>, %arg5: memref<512x1xf32, #tpu.memory_space<vmem>>) attributes {dimension_semantics = [#tpu.dimension_semantics<arbitrary>], iteration_bounds = array<i64: 10>, scalar_prefetch = 0 : i64, scratch_operands = 0 : i64, tpu.core_type = #tpu.core_type<tc>, window_params = [{transform_indices = @transform_0, window_bounds = array<i64: 512, 5120>}, {transform_indices = @transform_1, window_bounds = array<i64: 512, 2560>}, {pipeline_mode = #tpu.pipeline_mode<synchronous>, transform_indices = @transform_2, window_bounds = array<i64: 512, 1>}, {pipeline_mode = #tpu.pipeline_mode<synchronous>, transform_indices = @transform_3, window_bounds = array<i64: 512, 1>}, {pipeline_mode = #tpu.pipeline_mode<synchronous>, transform_indices = @transform_4, window_bounds = array<i64: 512, 1>}]} {
    %eq3A = arith.constant 0 : i32
    %eq3A_0 = arith.cmpi eq, %arg0, %eq3A : i32
    %convert_element_type3A = arith.extui %eq3A_0 : i1 to i32
    %cond3A = arith.constant 0 : i32
    %cond3A_1 = arith.cmpi ne, %convert_element_type3A, %cond3A : i32
    scf.if %cond3A_1 {
      %broadcast_in_dim3A_52 = arith.constant 0.000000e+00 : f32
      %broadcast_in_dim3A_53 = vector.broadcast %broadcast_in_dim3A_52 : f32 to vector<512x1xf32>
      %swap3A_54 = arith.constant 0 : index
      %swap3A_55 = arith.constant 0 : index
      %swap3A_56 = vector.load %arg4[%swap3A_54, %swap3A_55] : memref<512x1xf32, #tpu.memory_space<vmem>>, vector<512x1xf32>
      tpu.vector_store %arg4[%swap3A_54, %swap3A_55], %broadcast_in_dim3A_53 {strides = array<i32>} : memref<512x1xf32, #tpu.memory_space<vmem>>, vector<512x1xf32>,
      %broadcast_in_dim3A_57 = arith.constant 0.000000e+00 : f32
      %broadcast_in_dim3A_58 = vector.broadcast %broadcast_in_dim3A_57 : f32 to vector<512x1xf32>
      %swap3A_59 = arith.constant 0 : index
      %swap3A_60 = arith.constant 0 : index
      %swap3A_61 = vector.load %arg5[%swap3A_59, %swap3A_60] : memref<512x1xf32, #tpu.memory_space<vmem>>, vector<512x1xf32>
      tpu.vector_store %arg5[%swap3A_59, %swap3A_60], %broadcast_in_dim3A_58 {strides = array<i32>} : memref<512x1xf32, #tpu.memory_space<vmem>>, vector<512x1xf32>,
    } else {
    }
    %get3A = arith.constant 0 : index
    %get3A_2 = arith.constant 0 : index
    %get3A_3 = vector.load %arg1[%get3A, %get3A_2] : memref<512x5120xf32, #tpu.memory_space<vmem>>, vector<512x5120xf32>
    %iota3A = tpu.iota {dimensions = array<i32: 1>} : vector<512x5120xi32>
    %add3A = arith.constant 46080 : i32
    %add3A_4 = vector.broadcast %add3A : i32 to vector<512x5120xi32>
    %add3A_5 = arith.addi %iota3A, %add3A_4 : vector<512x5120xi32>
    %mul3A = arith.constant 5120 : i32
    %mul3A_6 = arith.muli %arg0, %mul3A : i32
    %add3A_7 = vector.broadcast %mul3A_6 : i32 to vector<512x5120xi32>
    %add3A_8 = arith.addi %add3A_5, %add3A_7 : vector<512x5120xi32>
    %exp3A = math.exp %get3A_3 : vector<512x5120xf32>
    %get3A_9 = arith.constant 0 : index
    %get3A_10 = arith.constant 0 : index
    %get3A_11 = vector.load %arg2[%get3A_9, %get3A_10] : memref<512x2560xi8, #tpu.memory_space<vmem>>, vector<512x2560xi8>
    %convert_element_type3A_12 = arith.extsi %get3A_11 : vector<512x2560xi8> to vector<512x2560xi32>
    %and3A = arith.constant 255 : i32
    %and3A_13 = vector.broadcast %and3A : i32 to vector<512x2560xi32>
    %and3A_14 = arith.andi %convert_element_type3A_12, %and3A_13 : vector<512x2560xi32>
    %and3A_15 = arith.constant 15 : i32
    %and3A_16 = vector.broadcast %and3A_15 : i32 to vector<512x2560xi32>
    %and3A_17 = arith.andi %and3A_14, %and3A_16 : vector<512x2560xi32>
    %convert_element_type3A_18 = arith.sitofp %and3A_17 : vector<512x2560xi32> to vector<512x2560xf32>
    %shift_right_arithmetic3A = arith.constant 4 : i32
    %shift_right_arithmetic3A_19 = vector.broadcast %shift_right_arithmetic3A : i32 to vector<512x2560xi32>
    %shift_right_arithmetic3A_20 = arith.shrsi %and3A_14, %shift_right_arithmetic3A_19 : vector<512x2560xi32>
    %convert_element_type3A_21 = arith.sitofp %shift_right_arithmetic3A_20 : vector<512x2560xi32> to vector<512x2560xf32>
    %get3A_22 = arith.constant 0 : index
    %get3A_23 = arith.constant 0 : index
    %get3A_24 = vector.load %arg4[%get3A_22, %get3A_23] : memref<512x1xf32, #tpu.memory_space<vmem>>, vector<512x1xf32>
    %slice3A = vector.extract_strided_slice %exp3A {offsets = [0, 0], sizes = [512, 2560], strides = [1, 1]} : vector<512x5120xf32> to vector<512x2560xf32>
    %mul3A_25 = arith.mulf %convert_element_type3A_18, %slice3A : vector<512x2560xf32>
    %reduce_sum3A = arith.constant dense<0.000000e+00> : vector<512xf32>
    %reduce_sum3A_26 = vector.multi_reduction <add>, %mul3A_25, %reduce_sum3A [1] : vector<512x2560xf32> to vector<512xf32>
    %broadcast_in_dim3A = vector.shape_cast %reduce_sum3A_26 : vector<512xf32> to vector<512x1xf32>
    %slice3A_27 = vector.extract_strided_slice %exp3A {offsets = [0, 2560], sizes = [512, 2560], strides = [1, 1]} : vector<512x5120xf32> to vector<512x2560xf32>
    %mul3A_28 = arith.mulf %convert_element_type3A_21, %slice3A_27 : vector<512x2560xf32>
    %reduce_sum3A_29 = arith.constant dense<0.000000e+00> : vector<512xf32>
    %reduce_sum3A_30 = vector.multi_reduction <add>, %mul3A_28, %reduce_sum3A_29 [1] : vector<512x2560xf32> to vector<512xf32>
    %broadcast_in_dim3A_31 = vector.shape_cast %reduce_sum3A_30 : vector<512xf32> to vector<512x1xf32>
    %add3A_32 = arith.addf %broadcast_in_dim3A, %broadcast_in_dim3A_31 : vector<512x1xf32>
    %add3A_33 = arith.addf %get3A_24, %add3A_32 : vector<512x1xf32>
    %swap3A = arith.constant 0 : index
    %swap3A_34 = arith.constant 0 : index
    %swap3A_35 = vector.load %arg4[%swap3A, %swap3A_34] : memref<512x1xf32, #tpu.memory_space<vmem>>, vector<512x1xf32>
    tpu.vector_store %arg4[%swap3A, %swap3A_34], %add3A_33 {strides = array<i32>} : memref<512x1xf32, #tpu.memory_space<vmem>>, vector<512x1xf32>,
    %get3A_36 = arith.constant 0 : index
    %get3A_37 = arith.constant 0 : index
    %get3A_38 = vector.load %arg3[%get3A_36, %get3A_37] : memref<512x1xi32, #tpu.memory_space<vmem>>, vector<512x1xi32>
    %get3A_39 = arith.constant 0 : index
    %get3A_40 = arith.constant 0 : index
    %get3A_41 = vector.load %arg5[%get3A_39, %get3A_40] : memref<512x1xf32, #tpu.memory_space<vmem>>, vector<512x1xf32>
    %eq3A_42 = vector.broadcast %get3A_38 : vector<512x1xi32> to vector<512x5120xi32>
    %eq3A_43 = arith.cmpi eq, %add3A_8, %eq3A_42 : vector<512x5120xi32>
    %jit3A = arith.constant 0.000000e+00 : f32
    %broadcast_in_dim3A_44 = vector.broadcast %jit3A : f32 to vector<512x5120xf32>
    %select_n3A = arith.select %eq3A_43, %get3A_3, %broadcast_in_dim3A_44 : vector<512x5120xi1>, vector<512x5120xf32>
    %reduce_sum3A_45 = arith.constant dense<0.000000e+00> : vector<512xf32>
    %reduce_sum3A_46 = vector.multi_reduction <add>, %select_n3A, %reduce_sum3A_45 [1] : vector<512x5120xf32> to vector<512xf32>
    %broadcast_in_dim3A_47 = vector.shape_cast %reduce_sum3A_46 : vector<512xf32> to vector<512x1xf32>
    %add3A_48 = arith.addf %get3A_41, %broadcast_in_dim3A_47 : vector<512x1xf32>
    %swap3A_49 = arith.constant 0 : index
    %swap3A_50 = arith.constant 0 : index
    %swap3A_51 = vector.load %arg5[%swap3A_49, %swap3A_50] : memref<512x1xf32, #tpu.memory_space<vmem>>, vector<512x1xf32>
    tpu.vector_store %arg5[%swap3A_49, %swap3A_50], %add3A_48 {strides = array<i32>} : memref<512x1xf32, #tpu.memory_space<vmem>>, vector<512x1xf32>,
    return
  }
  func.func @transform_0(%arg0: i32) -> (i32, i32) {
    %add3A = arith.constant 9 : i32
    %add3A_0 = arith.addi %arg0, %add3A : i32
    %c0_i32 = arith.constant 0 : i32
    %c0_i32_1 = arith.constant 0 : i32
    return %c0_i32, %add3A_0 : i32, i32
  }
  func.func @transform_1(%arg0: i32) -> (i32, i32) {
    %c0_i32 = arith.constant 0 : i32
    %c0_i32_0 = arith.constant 0 : i32
    return %c0_i32, %arg0 : i32, i32
  }
  func.func @transform_2(%arg0: i32) -> (i32, i32) {
    %c0_i32 = arith.constant 0 : i32
    %c0_i32_0 = arith.constant 0 : i32
    %c0_i32_1 = arith.constant 0 : i32
    return %c0_i32, %c0_i32_0 : i32, i32
  }
  func.func @transform_3(%arg0: i32) -> (i32, i32) {
    %c0_i32 = arith.constant 0 : i32
    %c0_i32_0 = arith.constant 0 : i32
    %c0_i32_1 = arith.constant 0 : i32
    return %c0_i32, %c0_i32_0 : i32, i32
  }
  func.func @transform_4(%arg0: i32) -> (i32, i32) {
    %c0_i32 = arith.constant 0 : i32
    %c0_i32_0 = arith.constant 0 : i32
    %c0_i32_1 = arith.constant 0 : i32
    return %c0_i32, %c0_i32_0 : i32, i32
  }
}

module attributes {stable_mosaic.version = 14 : i64} {
  func.func @_tc_combine(%arg0: i32, %arg1: memref<512x1xf32, #tpu.memory_space<vmem>>, %arg2: memref<512x1xf32, #tpu.memory_space<vmem>>, %arg3: memref<512x1xf32, #tpu.memory_space<vmem>>, %arg4: memref<512x1xf32, #tpu.memory_space<vmem>>, %arg5: memref<512x1xi32, #tpu.memory_space<vmem>>, %arg6: memref<512x128xf32, #tpu.memory_space<vmem>>, %arg7: memref<512x128xf32, #tpu.memory_space<vmem>>, %arg8: memref<1x1xf32, #tpu.memory_space<smem>>) attributes {dimension_semantics = [#tpu.dimension_semantics<arbitrary>], iteration_bounds = array<i64: 1>, scalar_prefetch = 0 : i64, scratch_operands = 0 : i64, tpu.core_type = #tpu.core_type<tc>, window_params = [{pipeline_mode = #tpu.pipeline_mode<synchronous>, transform_indices = @transform_0, window_bounds = array<i64: 512, 1>}, {pipeline_mode = #tpu.pipeline_mode<synchronous>, transform_indices = @transform_1, window_bounds = array<i64: 512, 1>}, {pipeline_mode = #tpu.pipeline_mode<synchronous>, transform_indices = @transform_2, window_bounds = array<i64: 512, 1>}, {pipeline_mode = #tpu.pipeline_mode<synchronous>, transform_indices = @transform_3, window_bounds = array<i64: 512, 1>}, {pipeline_mode = #tpu.pipeline_mode<synchronous>, transform_indices = @transform_4, window_bounds = array<i64: 512, 1>}, {transform_indices = @transform_5, window_bounds = array<i64: 512, 128>}, {pipeline_mode = #tpu.pipeline_mode<synchronous>, transform_indices = @transform_6, window_bounds = array<i64: 512, 128>}, {transform_indices = @transform_7, window_bounds = array<i64: 1, 1>}]} {
    %get3A = arith.constant 0 : index
    %get3A_0 = arith.constant 0 : index
    %get3A_1 = vector.load %arg5[%get3A, %get3A_0] : memref<512x1xi32, #tpu.memory_space<vmem>>, vector<512x1xi32>
    %get3A_2 = arith.constant 0 : index
    %get3A_3 = arith.constant 0 : index
    %get3A_4 = vector.load %arg6[%get3A_2, %get3A_3] : memref<512x128xf32, #tpu.memory_space<vmem>>, vector<512x128xf32>
    %iota3A = tpu.iota {dimensions = array<i32: 1>} : vector<512x128xi32>
    %add3A = arith.constant 99968 : i32
    %add3A_5 = vector.broadcast %add3A : i32 to vector<512x128xi32>
    %add3A_6 = arith.addi %iota3A, %add3A_5 : vector<512x128xi32>
    %lt3A = arith.constant 100000 : i32
    %lt3A_7 = vector.broadcast %lt3A : i32 to vector<512x128xi32>
    %lt3A_8 = arith.cmpi slt, %add3A_6, %lt3A_7 : vector<512x128xi32>
    %exp3A = math.exp %get3A_4 : vector<512x128xf32>
    %jit3A = arith.constant 0.000000e+00 : f32
    %broadcast_in_dim3A = vector.broadcast %jit3A : f32 to vector<512x128xf32>
    %select_n3A = arith.select %lt3A_8, %exp3A, %broadcast_in_dim3A : vector<512x128xi1>, vector<512x128xf32>
    %get3A_9 = arith.constant 0 : index
    %get3A_10 = arith.constant 0 : index
    %get3A_11 = vector.load %arg7[%get3A_9, %get3A_10] : memref<512x128xf32, #tpu.memory_space<vmem>>, vector<512x128xf32>
    %mul3A = arith.mulf %get3A_11, %select_n3A : vector<512x128xf32>
    %reduce_sum3A = arith.constant dense<0.000000e+00> : vector<512xf32>
    %reduce_sum3A_12 = vector.multi_reduction <add>, %mul3A, %reduce_sum3A [1] : vector<512x128xf32> to vector<512xf32>
    %broadcast_in_dim3A_13 = vector.shape_cast %reduce_sum3A_12 : vector<512xf32> to vector<512x1xf32>
    %eq3A = vector.broadcast %get3A_1 : vector<512x1xi32> to vector<512x128xi32>
    %eq3A_14 = arith.cmpi eq, %add3A_6, %eq3A : vector<512x128xi32>
    %jit3A_15 = arith.constant 0.000000e+00 : f32
    %broadcast_in_dim3A_16 = vector.broadcast %jit3A_15 : f32 to vector<512x128xf32>
    %select_n3A_17 = arith.select %eq3A_14, %get3A_4, %broadcast_in_dim3A_16 : vector<512x128xi1>, vector<512x128xf32>
    %reduce_sum3A_18 = arith.constant dense<0.000000e+00> : vector<512xf32>
    %reduce_sum3A_19 = vector.multi_reduction <add>, %select_n3A_17, %reduce_sum3A_18 [1] : vector<512x128xf32> to vector<512xf32>
    %broadcast_in_dim3A_20 = vector.shape_cast %reduce_sum3A_19 : vector<512xf32> to vector<512x1xf32>
    %ge3A = arith.constant 46080 : i32
    %ge3A_21 = vector.broadcast %ge3A : i32 to vector<512x1xi32>
    %ge3A_22 = arith.cmpi sge, %get3A_1, %ge3A_21 : vector<512x1xi32>
    %lt3A_23 = arith.constant 97280 : i32
    %lt3A_24 = vector.broadcast %lt3A_23 : i32 to vector<512x1xi32>
    %lt3A_25 = arith.cmpi slt, %get3A_1, %lt3A_24 : vector<512x1xi32>
    %and3A = arith.andi %ge3A_22, %lt3A_25 : vector<512x1xi1>
    %ge3A_26 = arith.constant 99968 : i32
    %ge3A_27 = vector.broadcast %ge3A_26 : i32 to vector<512x1xi32>
    %ge3A_28 = arith.cmpi sge, %get3A_1, %ge3A_27 : vector<512x1xi32>
    %get3A_29 = arith.constant 0 : index
    %get3A_30 = arith.constant 0 : index
    %get3A_31 = vector.load %arg4[%get3A_29, %get3A_30] : memref<512x1xf32, #tpu.memory_space<vmem>>, vector<512x1xf32>
    %get3A_32 = arith.constant 0 : index
    %get3A_33 = arith.constant 0 : index
    %get3A_34 = vector.load %arg2[%get3A_32, %get3A_33] : memref<512x1xf32, #tpu.memory_space<vmem>>, vector<512x1xf32>
    %select_n3A_35 = arith.select %and3A, %get3A_31, %get3A_34 : vector<512x1xi1>, vector<512x1xf32>
    %select_n3A_36 = arith.select %ge3A_28, %broadcast_in_dim3A_20, %select_n3A_35 : vector<512x1xi1>, vector<512x1xf32>
    %get3A_37 = arith.constant 0 : index
    %get3A_38 = arith.constant 0 : index
    %get3A_39 = vector.load %arg1[%get3A_37, %get3A_38] : memref<512x1xf32, #tpu.memory_space<vmem>>, vector<512x1xf32>
    %get3A_40 = arith.constant 0 : index
    %get3A_41 = arith.constant 0 : index
    %get3A_42 = vector.load %arg3[%get3A_40, %get3A_41] : memref<512x1xf32, #tpu.memory_space<vmem>>, vector<512x1xf32>
    %add3A_43 = arith.addf %get3A_39, %get3A_42 : vector<512x1xf32>
    %add3A_44 = arith.addf %add3A_43, %broadcast_in_dim3A_13 : vector<512x1xf32>
    %exp3A_45 = math.exp %select_n3A_36 : vector<512x1xf32>
    %add3A_46 = arith.addf %add3A_44, %exp3A_45 : vector<512x1xf32>
    %log3A = math.log %add3A_46 : vector<512x1xf32>
    %sub3A = arith.subf %log3A, %select_n3A_36 : vector<512x1xf32>
    %reduce_sum3A_47 = vector.shape_cast %sub3A : vector<512x1xf32> to vector<1x512x1xf32>
    %reduce_sum3A_48 = arith.constant dense<0.000000e+00> : vector<1xf32>
    %reduce_sum3A_49 = vector.multi_reduction <add>, %reduce_sum3A_47, %reduce_sum3A_48 [1, 2] : vector<1x512x1xf32> to vector<1xf32>
    %reduce_sum3A_50 = vector.shape_cast %reduce_sum3A_49 : vector<1xf32> to vector<1x1x1xf32>
    %reduce_sum3A_51 = vector.extract %reduce_sum3A_50[0, 0, 0] : f32 from vector<1x1x1xf32>
    %mul3A_52 = arith.constant 0.001953125 : f32
    %mul3A_53 = arith.mulf %reduce_sum3A_51, %mul3A_52 : f32
    %swap3A = arith.constant 0 : index
    %swap3A_54 = arith.constant 0 : index
    %swap3A_55 = memref.load %arg8[%swap3A, %swap3A_54] : memref<1x1xf32, #tpu.memory_space<smem>>
    memref.store %mul3A_53, %arg8[%swap3A, %swap3A_54] : memref<1x1xf32, #tpu.memory_space<smem>>
    return
  }
  func.func @transform_0(%arg0: i32) -> (i32, i32) {
    %c0_i32 = arith.constant 0 : i32
    %c0_i32_0 = arith.constant 0 : i32
    %c0_i32_1 = arith.constant 0 : i32
    return %c0_i32, %c0_i32_0 : i32, i32
  }
  func.func @transform_1(%arg0: i32) -> (i32, i32) {
    %c0_i32 = arith.constant 0 : i32
    %c0_i32_0 = arith.constant 0 : i32
    %c0_i32_1 = arith.constant 0 : i32
    return %c0_i32, %c0_i32_0 : i32, i32
  }
  func.func @transform_2(%arg0: i32) -> (i32, i32) {
    %c0_i32 = arith.constant 0 : i32
    %c0_i32_0 = arith.constant 0 : i32
    %c0_i32_1 = arith.constant 0 : i32
    return %c0_i32, %c0_i32_0 : i32, i32
  }
  func.func @transform_3(%arg0: i32) -> (i32, i32) {
    %c0_i32 = arith.constant 0 : i32
    %c0_i32_0 = arith.constant 0 : i32
    %c0_i32_1 = arith.constant 0 : i32
    return %c0_i32, %c0_i32_0 : i32, i32
  }
  func.func @transform_4(%arg0: i32) -> (i32, i32) {
    %c0_i32 = arith.constant 0 : i32
    %c0_i32_0 = arith.constant 0 : i32
    %c0_i32_1 = arith.constant 0 : i32
    return %c0_i32, %c0_i32_0 : i32, i32
  }
  func.func @transform_5(%arg0: i32) -> (i32, i32) {
    %c0_i32 = arith.constant 0 : i32
    %c781_i32 = arith.constant 781 : i32
    %c0_i32_0 = arith.constant 0 : i32
    return %c0_i32, %c781_i32 : i32, i32
  }
  func.func @transform_6(%arg0: i32) -> (i32, i32) {
    %c0_i32 = arith.constant 0 : i32
    %c0_i32_0 = arith.constant 0 : i32
    %c0_i32_1 = arith.constant 0 : i32
    return %c0_i32, %c0_i32_0 : i32, i32
  }
  func.func @transform_7(%arg0: i32) -> (i32, i32) {
    %c0_i32 = arith.constant 0 : i32
    %c0_i32_0 = arith.constant 0 : i32
    %c0_i32_1 = arith.constant 0 : i32
    return %c0_i32, %c0_i32_0 : i32, i32
  }
}

</mosaic_0001>

<sc_bundles>
// kernel: kernel.5.cloned.1.call-start
scs
__scs_entry_jumppad:
0x0: {  	(pc) =	sbr.rel $0x88, $3  }
0x1: {  	(tag) =	ssettag $0x0;
	lr =	simm.s32 $0x1  }
0x2: {  	[smem:$0x3F9F] =	sst lr;
	_ =	strace $0xD0000000  }
0x3: {  	_ = 	snop  }
0x4: {  	_ = 	snop  }
0x5: {  	_ = 	snop  }
0x6: {  	_ = 	snop  }
0x7: {  	_ = 	snop  }
__scs_overlays_trampoline_lowered:
0x8: {  	[smem:$0x3FAE] =	sst s0  }
0x9: {  	[smem:$0x3FAF] =	sst s1  }
0xa: {  	[smem:$0x3FB0] =	sst s2  }
0xb: {  	[smem:$0x3FB1] =	sst s3  }
0xc: {  	[smem:$0x3FB2] =	sst s4  }
0xd: {  	[smem:$0x3FB3] =	sst s5  }
0xe: {  	[smem:$0x3FB4] =	sst s6  }
0xf: {  	[smem:$0x3FB5] =	sst s7  }
0x10: {  	[smem:$0x3FB6] =	sst s8  }
0x11: {  	[smem:$0x3FB7] =	sst s9;
	s0 =	simm.s32 @!p0 $0x0  }
0x12: {  	s1 =	sld [smem:$0x3F9D];
	s0 =	simm.s32 @p0 $0x1  }
0x13: {  	[smem:$0x3FB8] =	sst s0;
	s0 =	simm.s32 @!p1 $0x0  }
0x14: {  	s2 =	sld [smem:$0x3F9C];
	s0 =	simm.s32 @p1 $0x1  }
0x15: {  	[smem:$0x3FB9] =	sst s0;
	s0 =	simm.s32 @!p2 $0x0  }
0x16: {  	s3 =	sld [smem:$0x3FDB];
	s0 =	simm.s32 @p2 $0x1  }
0x17: {  	s4 =	simm.s32 $0x1BF5;
	[smem:$0x3FBB] =	sst s0  }
0x18: {  	s0 =	sld [smem:$0x3F9E];
	_ =	swait.ge [sflag:s4], $0x0  }
0x19: {  	s7 =	sld [smem:$0x3F9F]  }
0x1a: {  	s8 =	sadd.s32 $0xFFFFE003, lr  }
0x1b: {  	s9 =	sadd.s32 $0xFFFFFEF7, lr;
	s5 =	simm.s32 $0xFFFFFFFF;
	p2 =	slt.u32 s8, $0xFFFFF086  }
0x1c: {  	p1 =	slt.u32 s9, $0xF7A;
	s5 =	simm.s32 @!p2 $0x0  }
0x1d: {  	s5 =	simm.s32 @p1 $0x1;
	p0 =	seq.s32 s7, s2  }
0x1e: {  	s7 =	smul.u32 @!p0 $0xF7A, s2;
	p2 =	seq.s32 @!p0 s5, $0x0  }
0x1f: {  	s9 =	smul.u32 $0xF7A, s1;
	s8 =	simm.s32 @!p0 $0x1BF5;
	p2 =	por !p2, p0  }
0x20: {  	[sflag:s8] =	ssyncset.s32 @!p0 $0xFFFFF086;
	s6 =	sadd.s32 @!p0 s3, s7;
	s7 =	simm.s32 @!p0 $0x108  }
0x21: {  	s3 =	sadd.s32 s3, s9;
	s6 =	sadd.s32 @!p0 $0x88, s6;
	s7 =	simm.s32 @p2 $0x1082  }
0x22: {  	[simem:s7], [sflag:s8] =	dma.local @!p0 [hbm:s6], $0xF7A  }
0x23: {  	s9 =	sor.u32 $0xD0000000, s2;
	s6 =	simm.s32 $0x108;
	_ =	swait.ge @!p0 [sflag:s8], $0x0  }
0x24: {  	s3 =	sadd.s32 $0x88, s3;
	s6 =	simm.s32 @!p1 $0x1082;
	[sflag:s4] =	ssyncset.s32 $0xFFFFF086  }
0x25: {  	[simem:s6], [sflag:s4] =	dma.local [hbm:s3], $0xF7A  }
0x26: {  	[smem:$0x3F9F] =	sst s1;
	(tag) =	ssettag s2;
	_ =	strace s9  }
0x27: {  	s1 =	sld [smem:$0x3FAF]  }
0x28: {  	s2 =	sld [smem:$0x3FB0]  }
0x29: {  	s4 =	sld [smem:$0x3FB2]  }
0x2a: {  	p0 =	seq.s32 s5, $0x0;
	s5 =	sld [smem:$0x3FB3]  }
0x2b: {  	s6 =	sld [smem:$0x3FB4]  }
0x2c: {  	s7 =	sld [smem:$0x3FB5]  }
0x2d: {  	s3 =	simm.s32 $0x108;
	s8 =	sld [smem:$0x3FB6]  }
0x2e: {  	s3 =	simm.s32 @!p0 $0x1082;
	s9 =	sld [smem:$0x3FB7]  }
0x2f: {  	lr =	sadd.s32 s0, s3;
	s0 =	sld [smem:$0x3FAE]  }
0x30: {  	s3 =	sld [smem:$0x3FB1]  }
0x31: {  	[smem:$0x3FBA] =	sst s10  }
0x32: {  	s10 =	sld [smem:$0x3FB8];
	_ =	sdelay $0x3  }
0x33: {  	p0 =	seq.s32 s10, $0x1;
	s10 =	sld [smem:$0x3FBA];
	_ =	sdelay $0x3  }
0x34: {  	[smem:$0x3FBA] =	sst s10  }
0x35: {  	s10 =	sld [smem:$0x3FB9];
	_ =	sdelay $0x3  }
0x36: {  	p1 =	seq.s32 s10, $0x1;
	s10 =	sld [smem:$0x3FBA];
	_ =	sdelay $0x3  }
0x37: {  	[smem:$0x3FBA] =	sst s10  }
0x38: {  	s10 =	sld [smem:$0x3FBB]  }
0x39: {  	_ = 	snop;
	(pc) =	sbr.ind lr, $3  }
0x3a: {  	_ = 	snop  }
0x3b: {  	_ = 	snop  }
0x3c: {  	p2 =	seq.s32 s10, $0x1;
	s10 =	sld [smem:$0x3FBA]  }
0x3d: {  	_ =	shalt  }
0x3e: {  	_ =	shalt  }
0x3f: {  	_ =	shalt  }
0x40: {  	_ =	shalt  }
0x41: {  	_ =	shalt  }
0x42: {  	_ =	shalt  }
0x43: {  	_ =	shalt  }
0x44: {  	_ =	shalt  }
0x45: {  	_ =	shalt  }
0x46: {  	_ =	shalt  }
0x47: {  	_ =	shalt  }
0x48: {  	_ =	shalt  }
0x49: {  	_ =	shalt  }
0x4a: {  	_ =	shalt  }
0x4b: {  	_ =	shalt  }
0x4c: {  	_ =	shalt  }
0x4d: {  	_ =	shalt  }
0x4e: {  	_ =	shalt  }
0x4f: {  	_ =	shalt  }
0x50: {  	_ =	shalt  }
0x51: {  	_ =	shalt  }
0x52: {  	_ =	shalt  }
0x53: {  	_ =	shalt  }
0x54: {  	_ =	shalt  }
0x55: {  	_ =	shalt  }
0x56: {  	_ =	shalt  }
0x57: {  	_ =	shalt  }
0x58: {  	_ =	shalt  }
0x59: {  	_ =	shalt  }
0x5a: {  	_ =	shalt  }
0x5b: {  	_ =	shalt  }
0x5c: {  	_ =	shalt  }
0x5d: {  	_ =	shalt  }
0x5e: {  	_ =	shalt  }
0x5f: {  	_ =	shalt  }
0x60: {  	_ =	shalt  }
0x61: {  	_ =	shalt  }
0x62: {  	_ =	shalt  }
0x63: {  	_ =	shalt  }
0x64: {  	_ =	shalt  }
0x65: {  	_ =	shalt  }
0x66: {  	_ =	shalt  }
0x67: {  	_ =	shalt  }
0x68: {  	_ =	shalt  }
0x69: {  	_ =	shalt  }
0x6a: {  	_ =	shalt  }
0x6b: {  	_ =	shalt  }
0x6c: {  	_ =	shalt  }
0x6d: {  	_ =	shalt  }
0x6e: {  	_ =	shalt  }
0x6f: {  	_ =	shalt  }
0x70: {  	_ =	shalt  }
0x71: {  	_ =	shalt  }
0x72: {  	_ =	shalt  }
0x73: {  	_ =	shalt  }
0x74: {  	_ =	shalt  }
0x75: {  	_ =	shalt  }
0x76: {  	_ =	shalt  }
0x77: {  	_ =	shalt  }
0x78: {  	_ =	shalt  }
0x79: {  	_ =	shalt  }
0x7a: {  	_ =	shalt  }
0x7b: {  	_ =	shalt  }
0x7c: {  	_ =	shalt  }
0x7d: {  	_ =	shalt  }
0x7e: {  	_ =	shalt  }
0x7f: {  	_ =	shalt  }
0x80: {  	_ =	shalt  }
0x81: {  	_ =	shalt  }
0x82: {  	_ =	shalt  }
0x83: {  	_ =	shalt  }
0x84: {  	_ =	shalt  }
0x85: {  	_ =	shalt  }
0x86: {  	_ =	shalt  }
0x87: {  	_ =	shalt  }
.Lfunc_end0:
.L_simem_size_0:
called_computation_lowered:
.L_overlay_start_0:
0x88: {  	s2 =	sld [smem:$0x3FD9]  }
0x89: {  	s3 =	sld [smem:$0x3FFE];
	_ =	sdelay $0x1  }
0x8a: {  	s1 =	srdreg.scid  }
0x8b: {  	s0 =	sand.u32 $0x1, s1  }
0x8c: {  	s17 =	sshll.u32 s0, $0xA;
	s2 =	sadd.s32 s3, s2  }
0x8d: {  	s2 =	sadd.s32 s2, s17  }
0x8e: {  	[smem:$0x3FC6] =	sst s2  }
0x8f: {  	_ = 	snop  }
0x90: {  	s2 =	sld [smem:$0x3FC9];
	(tm) =	ssettm $0x1  }
0x91: {  	s18 =	sld [smem:$0x3FFB];
	_ =	sdelay $0x3  }
0x92: {  	_ =	strace s18  }
0x93: {  	s3 =	sld [smem:$0x3FFC];
	_ =	sdelay $0x3  }
0x94: {  	_ =	strace s3  }
0x95: {  	s3 =	sld [smem:$0x3FFD];
	_ =	sdelay $0x3  }
0x96: {  	_ =	strace s3  }
0x97: {  	_ =	strace $0x8FFFFFFF  }
0x98: {  	s19 =	sld [smem:$0x3FDB];
	_ =	sdelay $0x1  }
0x99: {  	s4 =	simm.s32 $_scs_section_size  }
0x9a: {  	s5 =	simm.s32 $_size__tile_overlayer_lowered;
	s6 =	simm.s32 $_tile_overlayer_lowered  }
0x9b: {  	s22 =	simm.s32 $0x1BFF;
	s21 =	sshll.u32 s6, $0x1;
	s3 =	sadd.s32 s4, s19  }
0x9c: {  	s7 =	simm.s32 $0x0;
	s20 =	sshll.u32 s5, $0x1;
	s5 =	sadd.s32 s21, s3  }
0x9d: {  	[timem:s7], [sflag:s22] =	dma.local [hbm:s5], s20  }
0x9e: {  	_ =	swait.ge [sflag:s22], s20  }
0x9f: {  	s4 =	ssub.s32 $0x0, s20;
	[sflag:s22] =	ssyncset.done $0x0  }
0xa0: {  	[sflag:s22] =	ssyncadd.s32 s4;
	_ =	sdelay $0x1  }
0xa1: {  	s23 =	simm.s32 $0x1B8B  }
0xa2: {  	_ =	swait.ge [sflag:s23], $0x1  }
0xa3: {  	[sflag:s23] =	ssyncset.done $0x0  }
0xa4: {  	s25 =	simm.s32 $0x1B8E;
	s24 =	sld [smem:$0x3FFE];
	[sflag:s23] =	ssyncadd.s32 $0xFFFFFFFF  }
0xa5: {  	s26 =	simm.s32 $execute0_lowered;
	[smem:$0x3FD2] =	sst s25  }
0xa6: {  	s5 =	sshll.u32 s26, $0x1;
	_ =	strace $0x80000046;
	[dreg:$0x1] =	wrdreg $0xFFFFFFFF  }
0xa7: {  	s28 =	simm.s32 $_size_execute0_lowered;
	s3 =	sadd.s32 s3, s5;
	[dreg:$0x0] =	wrdreg $0x0  }
0xa8: {  	s5 =	sshll.u32 s28, $0x1;
	[dreg:$0x2] =	wrdreg s3  }
0xa9: {  	[dreg:$0x3] =	wrdreg s5  }
0xaa: {  	[dreg:$0x4] =	wrdreg $0xC0  }
0xab: {  	_ =	task [dreg:s7], $0x5FFFF  }
0xac: {  	[dreg:$0x1] =	wrdreg $0xFFFFFFFF  }
0xad: {  	[dreg:$0x0] =	wrdreg $0x60  }
0xae: {  	[dreg:$0x2] =	wrdreg s2  }
0xaf: {  	[dreg:$0x3] =	wrdreg s24  }
0xb0: {  	[dreg:$0x4] =	wrdreg $0x9  }
0xb1: {  	_ =	task.clear_ibuf [dreg:s7], $0x5FFFF;
	_ =	strace $0x90000046  }
0xb2: {  	s29 =	simm.s32 $0x9;
	_ =	strace $0x80000048  }
0xb3: {  	_ =	swait.ge [sflag:s29], $0x1  }
0xb4: {  	[sflag:s29] =	ssyncadd.s32 $0xFFFFFFFF  }
0xb5: {  	_ =	strace $0x90000048  }
0xb6: {  	_ =	sfence  }
0xb7: {  	s30 =	sld [smem:$0x0];
	_ =	sdelay $0x2  }
0xb8: {  	s31 =	sshll.u32 s1, $0xD;
	s1 =	sshrl.u32 s1, $0x2  }
0xb9: {  	s3 =	sand.u32 $0x4000, s31;
	s1 =	sadd.s32 s1, s30  }
0xba: {  	s0 =	sor.u32 s3, s0;
	s1 =	sshll.u32 s1, $0x11  }
0xbb: {  	s0 =	sor.u32 s1, s0  }
0xbc: {  	s0 =	sadd.s32 $0x8F2B, s0  }
0xbd: {  	[sflag:s0] =	ssyncadd.remote.s32 $0x1  }
0xbe: {  	_ =	sfence.sel $0xFFFF  }
0xbf: {  	[dreg:$0x0] =	wrdreg $0xFFFFFFFF;
	(pc) =	sbr.abs _section_cstart, $3  }
0xc0: {  	[dreg:$0x1] =	wrdreg $0xFFFFFFFF  }
0xc1: {  	_ =	task.clear_ibuf [dreg:s7], $0x2FFFF;
	_ =	strace $0x9FFFFFFF  }
0xc2: {  	(tm) =	ssettm $0x7FFFFFFF  }
0xc3: {  	_ =	shalt  }
tec
execute0_lowered:
.L_overlay_start_1:
0x0: {  	(tag) =	ssettag $0x1  }
0x1: {  	s0 =	srdreg.scid;
	s3 =	rddreg [dreg:$0x0]  }
0x2: {  	s2 =	stileid.u32;
	s5 =	rddreg [dreg:$0x1];
	s31 =	simm.s32 $0x2  }
0x3: {  	s29 =	simm.s32 $0xE280;
	s0 =	sand.u32 $0x1, s0;
	s1 =	sshll.u32 s2, $0x1  }
0x4: {  	s30 =	simm.s32 $0x8E80;
	s2 =	sshrl.u32 s2, $0x2;
	s1 =	sor.u32 s0, s1  }
0x5: {  	v1 =	vimm.f32 $-1.000000020e+30;
	v4 =	vimm.s32 $0x5780;
	vm0 =	vcmask $0x300;
	s4 =	smul.u32 $0x19400, s2;
	s2 =	simm.s32 $0x0;
	s0 =	ssub.s32 $0x2, s0  }
0x6: {  	vm14 =	vcmask $0x704;
	vm15 =	vcmask $0xB08;
	vm4 =	vcmask $0xF0C;
	s22 =	sshll.u32 s1, $0x7;
	s23 =	smul.u32 $0x187000, s1;
	s1 =	sshll.u32 s1, $0x8  }
0x7: {  	vm5 =	vcmask $0x1310;
	vm6 =	vcmask $0x1714;
	v5 =	vsel vm0, $0x0, v4;
	[smem:$0x7FF] =	sst s2;
	s7 =	sshrl.u32 s0, $0x1;
	s1 =	sadd.s32 s1, s5  }
0x8: {  	v19 =	vlaneseq.u32;
	vm7 =	vcmask $0x1B18;
	v6 =	vsel vm14, $0x80, v5;
	s6 =	sand.u32 $0x380, s22;
	_ =	strace $0x80000047;
	s24 =	sadd.s32 $0x1400, s1  }
0x9: {  	vm8 =	vcmask $0x1F1C;
	vm9 =	vcmask $0x2320;
	v7 =	vsel vm15, $0x100, v6;
	s0 =	ssub.s32 s0, s7;
	s26 =	sadd.s32 $0xFE00, s1;
	[dreg:$0x4] =	wrdreg s24  }
0xa: {  	vm10 =	vcmask $0x2724;
	vm11 =	vcmask $0x2B28;
	v8 =	vsel vm4, $0x180, v7;
	s4 =	sor.u32 s4, s6;
	s1 =	sadd.s32 $0x11E00, s1;
	[dreg:$0x6] =	wrdreg s26  }
0xb: {  	vm12 =	vcmask $0x2F2C;
	vm13 =	vcmask $0x3330;
	s6 =	sshrl.u32 s23, $0x3;
	v9 =	vsel vm5, $0x200, v8;
	s0 =	smax.u32 s0, $0x1;
	[dreg:$0x7] =	wrdreg s1  }
0xc: {  	v0 =	vor.u32 $0x5000, v19;
	v2 =	vor.u32 $0x5080, v19;
	s4 =	sshrl.u32 s4, $0x3;
	s3 =	sadd.s32 s3, s6;
	v10 =	vsel vm6, $0x280, v9;
	[dreg:$0x8] =	wrdreg s0  }
0xd: {  	v3 =	vor.u32 $0x5100, v19;
	v4 =	vor.u32 $0x5180, v19;
	s0 =	simm.s32 $0x3A80;
	s1 =	simm.s32 $0x1;
	s4 =	sadd.s32 s4, s5;
	v11 =	vsel vm7, $0x300, v10  }
0xe: {  	v5 =	vor.u32 $0x5200, v19;
	vm14 =	vcmask $0x3734;
	s25 =	sadd.s32 $0xA00, s3;
	s7 =	sadd.s32 $0x1400, s3;
	s8 =	sadd.s32 $0x1E00, s3;
	v12 =	vsel vm8, $0x380, v11  }
0xf: {  	v6 =	vor.u32 $0x5280, v19;
	vm15 =	vcmask $0x3B38;
	s9 =	sadd.s32 $0x2800, s3;
	s10 =	sadd.s32 $0x3200, s3;
	s11 =	sadd.s32 $0x3C00, s3;
	v13 =	vsel vm9, $0x5400, v12  }
0x10: {  	v7 =	vor.u32 $0x5300, v19;
	v8 =	vor.u32 $0x5380, v19;
	s12 =	sadd.s32 $0x4600, s3;
	s13 =	sadd.s32 $0x5000, s3;
	s14 =	sadd.s32 $0x5A00, s3;
	v14 =	vsel vm10, $0x5480, v13  }
0x11: {  	v9 =	vor.u32 $0xA400, v19;
	s15 =	sadd.s32 $0x6400, s3;
	s16 =	sadd.s32 $0x6E00, s3;
	s17 =	sadd.s32 $0x7800, s3;
	v10 =	vor.u32 $0xA480, v19;
	v15 =	vsel vm11, $0x5500, v14  }
0x12: {  	s18 =	sadd.s32 $0x8200, s3;
	s19 =	sadd.s32 $0x8C00, s3;
	s20 =	sadd.s32 $0x9600, s3;
	v11 =	vor.u32 $0xA500, v19;
	v12 =	vor.u32 $0xA580, v19;
	v16 =	vsel vm12, $0x5580, v15  }
0x13: {  	s21 =	sadd.s32 $0xA000, s3;
	s22 =	sadd.s32 $0xAA00, s3;
	s26 =	sadd.s32 $0x17C00, s3;
	v13 =	vor.u32 $0xA600, v19;
	v14 =	vor.u32 $0xA680, v19;
	v17 =	vsel vm13, $0x5600, v16  }
0x14: {  	s28 =	sadd.s32 $0x18600, s3;
	s4 =	sadd.s32 $0x3400, s4;
	[dreg:$0x5] =	wrdreg s25;
	v15 =	vor.u32 $0xA700, v19;
	v16 =	vor.u32 $0xA780, v19;
	v18 =	vsel vm14, $0x5680, v17  }
0x15: {  	s5 =	simm.s32 $0x0;
	[dreg:$0x3] =	wrdreg s4;
	s4 =	simm.s32 $0x13680;
	v17 =	vmul.u32 $0x80, v19;
	v19 =	vor.u32 $0xA00, v19;
	v18 =	vsel vm15, $0x5700, v18  }
.LBB2_1:
0x16: {  	s6 =	rddreg [dreg:$0x3];
	s23 =	simm.s32 $0x80;
	s24 =	simm.s32 $0x400  }
0x17: {  	[tilespmem:s2], [sflag:$0x2] =	stream.strided.gather [hbm4b:s6+s23], $0x3280, s24, s23, $0x38;
	[tilespmem:$0x19A80] =	vst v63  }
0x18: {  	_ =	swait.ge [sflag:s31], $0x3280  }
0x19: {  	[sflag:s31] =	ssyncset.done $0x0  }
0x1a: {  	s25 =	simm.s32 $0x3280;
	s24 =	rddreg [dreg:$0x4];
	[sflag:s31] =	ssyncadd.s32 $0xFFFFCD80  }
0x1b: {  	[tilespmem:s25], [sflag:$0x2] =	stream.linear.gather [hbm4b:s24+s2], $0x800, $0x38;
	[tilespmem:$0x19A80] =	vst v63  }
0x1c: {  	_ =	swait.ge [sflag:s31], $0x800  }
0x1d: {  	[sflag:s31] =	ssyncset.done $0x0  }
0x1e: {  	[sflag:s31] =	ssyncadd.s32 $0xFFFFF800  }
0x1f: {  	[tilespmem:v0+s0+$0x0] =	vst.idx.msk $0xffff, v1  }
0x20: {  	[tilespmem:v2+s0+$0x0] =	vst.idx.msk $0xffff, v1  }
0x21: {  	[tilespmem:v3+s0+$0x0] =	vst.idx.msk $0xffff, v1  }
0x22: {  	[tilespmem:v4+s0+$0x0] =	vst.idx.msk $0xffff, v1  }
0x23: {  	[tilespmem:v5+s0+$0x0] =	vst.idx.msk $0xffff, v1  }
0x24: {  	[tilespmem:v6+s0+$0x0] =	vst.idx.msk $0xffff, v1  }
0x25: {  	[tilespmem:v7+s0+$0x0] =	vst.idx.msk $0xffff, v1  }
0x26: {  	[tilespmem:v8+s0+$0x0] =	vst.idx.msk $0xffff, v1  }
0x27: {  	[tilespmem:v9+s0+$0x0] =	vst.idx.msk $0xffff, v1  }
0x28: {  	[tilespmem:v10+s0+$0x0] =	vst.idx.msk $0xffff, v1  }
0x29: {  	[tilespmem:v11+s0+$0x0] =	vst.idx.msk $0xffff, v1  }
0x2a: {  	[tilespmem:v12+s0+$0x0] =	vst.idx.msk $0xffff, v1  }
0x2b: {  	[tilespmem:v13+s0+$0x0] =	vst.idx.msk $0xffff, v1  }
0x2c: {  	[tilespmem:v14+s0+$0x0] =	vst.idx.msk $0xffff, v1  }
0x2d: {  	[tilespmem:v15+s0+$0x0] =	vst.idx.msk $0xffff, v1  }
0x2e: {  	[tilespmem:v16+s0+$0x0] =	vst.idx.msk $0xffff, v1  }
0x2f: {  	[tilespmem:v0+s29+$0x0] =	vst.idx.msk $0xffff, v1  }
0x30: {  	[tilespmem:v2+s29+$0x0] =	vst.idx.msk $0xffff, v1  }
0x31: {  	[tilespmem:v3+s29+$0x0] =	vst.idx.msk $0xffff, v1  }
0x32: {  	[tilespmem:v4+s29+$0x0] =	vst.idx.msk $0xffff, v1  }
0x33: {  	[tilespmem:v5+s29+$0x0] =	vst.idx.msk $0xffff, v1  }
0x34: {  	[tilespmem:v6+s29+$0x0] =	vst.idx.msk $0xffff, v1  }
0x35: {  	[tilespmem:v7+s29+$0x0] =	vst.idx.msk $0xffff, v1  }
0x36: {  	[tilespmem:v8+s29+$0x0] =	vst.idx.msk $0xffff, v1  }
0x37: {  	[tilespmem:v9+s29+$0x0] =	vst.idx.msk $0xffff, v1  }
0x38: {  	[tilespmem:v10+s29+$0x0] =	vst.idx.msk $0xffff, v1  }
0x39: {  	[tilespmem:v11+s29+$0x0] =	vst.idx.msk $0xffff, v1  }
0x3a: {  	[tilespmem:v12+s29+$0x0] =	vst.idx.msk $0xffff, v1  }
0x3b: {  	[tilespmem:v13+s29+$0x0] =	vst.idx.msk $0xffff, v1  }
0x3c: {  	[tilespmem:v14+s29+$0x0] =	vst.idx.msk $0xffff, v1  }
0x3d: {  	[tilespmem:v15+s29+$0x0] =	vst.idx.msk $0xffff, v1  }
0x3e: {  	[tilespmem:v16+s29+$0x0] =	vst.idx.msk $0xffff, v1  }
0x3f: {  	[tilespmem:s0], [sflag:$0x1] =	stream.linear.gather [hbm4b:s3+s2], $0x5000, $0x38;
	[tilespmem:$0x19A80] =	vst v63  }
0x40: {  	s6 =	sadd.s32 $0x18700, s3  }
0x41: {  	[tilespmem:s30], [sflag:$0x1] =	stream.linear.gather [hbm4b:s6+s2], $0x5000, $0x38;
	[tilespmem:$0x19A80] =	vst v63  }
0x42: {  	v20 =	vld.idx.msk [tilespmem:v17+s25+$0x0], $0xffff;
	_ =	swait.ge [sflag:s1], $0xA000  }
0x43: {  	[sflag:s1] =	ssyncset.done $0x0  }
0x44: {  	s24 =	rddreg [dreg:$0x5];
	[sflag:s1] =	ssyncadd.s32 $0xFFFF6000  }
0x45: {  	[tilespmem:s29], [sflag:$0x1] =	stream.linear.gather [hbm4b:s24+s2], $0x5000, $0x38;
	[tilespmem:$0x19A80] =	vst v63  }
0x46: {  	s6 =	simm.s32 $0x20;
	s25 =	sadd.s32 $0x18700, s24  }
0x47: {  	[tilespmem:s4], [sflag:$0x1] =	stream.linear.gather [hbm4b:s25+s2], $0x5000, $0x38;
	[tilespmem:$0x19A80] =	vst v63  }
0x48: {  	v21 =	vld [tilespmem:s6+$0xFFFFFFE0];
	_ =	sdelay $0x2  }
0x49: {  	v23 =	vld [tilespmem:s6+$0xFFFFFFF0]  }
0x4a: {  	v24 =	vld [tilespmem:s6+$0x0]  }
0x4b: {  	v22 =	vld [tilespmem:s6+$0x10];
	v25 =	vshll.u32 v21, $0x3  }
0x4c: {  	v21 =	vand.u32 $0x7F, v21;
	v25 =	vand.u32 $0xFFFFFC00, v25  }
0x4d: {  	v21 =	vor.u32 v21, v25  }
0x4e: {  	v25 =	vshll.u32 v23, $0x3;
	v21 =	vadd.s32 v18, v21  }
0x4f: {  	s24 =	simm.s32 $0x60;
	v27 =	vshll.u32 v24, $0x3;
	v23 =	vand.u32 $0x7F, v23;
	v25 =	vand.u32 $0xFFFFFC00, v25  }
0x50: {  	v26 =	vand.u32 $0x7F, v22;
	v23 =	vor.u32 v23, v25;
	v25 =	vand.u32 $0xFFFFFC00, v27;
	v27 =	vld [tilespmem:s24+$0xFFFFFFE0]  }
0x51: {  	v28 =	vld [tilespmem:s24+$0x10];
	v22 =	vshll.u32 v22, $0x3;
	v24 =	vand.u32 $0x7F, v24;
	v23 =	vadd.s32 v18, v23  }
0x52: {  	v22 =	vand.u32 $0xFFFFFC00, v22;
	v24 =	vor.u32 v24, v25;
	v25 =	vld [tilespmem:s24+$0xFFFFFFF0]  }
0x53: {  	v22 =	vor.u32 v26, v22;
	v24 =	vadd.s32 v18, v24;
	v26 =	vld.idx.msk [tilespmem:v21+s0+$0x0], $0xffff  }
0x54: {  	v29 =	vld [tilespmem:s24+$0x0]  }
0x55: {  	v22 =	vadd.s32 v18, v22;
	v31 =	vshll.u32 v27, $0x3  }
0x56: {  	v30 =	vand.u32 $0x7F, v28;
	v27 =	vand.u32 $0x7F, v27;
	v23 =	vld.idx.msk [tilespmem:v23+s0+$0x0], $0xffff;
	v31 =	vand.u32 $0xFFFFFC00, v31  }
0x57: {  	v28 =	vshll.u32 v28, $0x3;
	v27 =	vor.u32 v27, v31;
	v31 =	vshll.u32 v25, $0x3  }
0x58: {  	s25 =	simm.s32 $0xA0;
	v24 =	vld.idx.msk [tilespmem:v24+s0+$0x0], $0xffff;
	v25 =	vand.u32 $0x7F, v25;
	v31 =	vand.u32 $0xFFFFFC00, v31;
	v26 =	vmul.f32 $1.442695020e+00, v26  }
0x59: {  	v61 =	vld [tilespmem:s25+$0xFFFFFFE0];
	v33 =	vshll.u32 v29, $0x3;
	v27 =	vadd.s32 v18, v27;
	v25 =	vor.u32 v25, v31  }
0x5a: {  	v22 =	vld.idx.msk [tilespmem:v22+s0+$0x0], $0xffff;
	(erf) = vpow2.f32 v26;
	v26 =	vand.u32 $0x7F, v29;
	v29 =	vand.u32 $0xFFFFFC00, v33  }
0x5b: {  	v25 =	vadd.s32 v18, v25;
	v23 =	vmul.f32 $1.442695020e+00, v23;
	v26 =	vor.u32 v26, v29  }
0x5c: {  	v32 =	vld [tilespmem:s25+$0x10];
	v28 =	vand.u32 $0xFFFFFC00, v28;
	v26 =	vadd.s32 v18, v26  }
0x5d: {  	v28 =	vor.u32 v30, v28;
	v31 =	vld [tilespmem:s25+$0x0];
	v24 =	vmul.f32 $1.442695020e+00, v24;
	(erf) = vpow2.f32 v23  }
0x5e: {  	v28 =	vadd.s32 v18, v28;
	v29 =	vld [tilespmem:s25+$0xFFFFFFF0]  }
0x5f: {  	v30 =	vmul.f32 $1.442695020e+00, v22;
	v34 =	vld.idx.msk [tilespmem:v27+s0+$0x0], $0xffff;
	(erf) = vpow2.f32 v24;
	v24 =	vshll.u32 v61, $0x3  }
0x60: {  	v62 =	vand.u32 $0x7F, v61;
	v25 =	vld.idx.msk [tilespmem:v25+s0+$0x0], $0xffff;
	v63 =	vand.u32 $0xFFFFFC00, v24  }
0x61: {  	v21 =	vimm.f32 $0.0e+00;
	(erf) = vpow2.f32 v30;
	v24 =	vld.idx.msk [tilespmem:v26+s0+$0x0], $0xffff;
	v26 =	vor.u32 v62, v63  }
0x62: {  	v22 =	vand.u32 $0x7F, v32;
	v23 =	vshll.u32 v32, $0x3;
	v27 =	vand.u32 $0x7F, v31  }
0x63: {  	v30 =	vshll.u32 v31, $0x3;
	v32 =	vand.u32 $0x7F, v29;
	v31 =	vshll.u32 v29, $0x3  }
0x64: {  	s23 =	simm.s32 $0x8;
	s24 =	simm.s32 $0xE0;
	v28 =	vld.idx.msk [tilespmem:v28+s0+$0x0], $0xffff;
	v33 =	vand.u32 $0xFFFFFC00, v31;
	v31 =	vmul.f32 $1.442695020e+00, v34;
	v29 =	vadd.s32 v18, v26;
	v26 =	vpop (erf)  }
.LBB2_2:
0x65: {  	v34 =	vld [tilespmem:s24+$0x10];
	v32 =	vor.u32 v32, v33;
	v30 =	vand.u32 $0xFFFFFC00, v30;
	v21 =	vadd.f32 v26, v21  }
0x66: {  	v36 =	vmul.f32 $1.442695020e+00, v25;
	v26 =	vld [tilespmem:s24+$0x0];
	v32 =	vadd.s32 v18, v32;
	(erf) = vpow2.f32 v31;
	v31 =	vpop (erf)  }
0x67: {  	s23 =	sadd.s32 $0x4, s23;
	v23 =	vand.u32 $0xFFFFFC00, v23;
	v27 =	vor.u32 v27, v30;
	v33 =	vld [tilespmem:s24+$0xFFFFFFE0];
	v21 =	vadd.f32 v31, v21  }
0x68: {  	p0 =	slt.u32 s23, $0x28;
	v35 =	vadd.s32 v18, v27;
	v27 =	vmul.f32 $1.442695020e+00, v24;
	v31 =	vld [tilespmem:s24+$0xFFFFFFF0];
	(erf) = vpow2.f32 v36;
	v25 =	vpop (erf)  }
0x69: {  	v22 =	vor.u32 v22, v23;
	v36 =	vld.idx.msk [tilespmem:v29+s0+$0x0], $0xffff;
	v21 =	vadd.f32 v25, v21  }
0x6a: {  	v37 =	vadd.s32 v18, v22;
	v28 =	vmul.f32 $1.442695020e+00, v28;
	(erf) = vpow2.f32 v27;
	v24 =	vpop (erf)  }
.Ltmp0:
0x6b: {  	v22 =	vand.u32 $0x7F, v34;
	v23 =	vshll.u32 v34, $0x3;
	v25 =	vld.idx.msk [tilespmem:v32+s0+$0x0], $0xffff;
	v21 =	vadd.f32 v24, v21;
	(pc) =	sbr.rel @p0 .LBB2_2-.Ltmp0, $4  }
0x6c: {  	v27 =	vand.u32 $0x7F, v26;
	v24 =	vshll.u32 v33, $0x3;
	(erf) = vpow2.f32 v28  }
0x6d: {  	v30 =	vshll.u32 v26, $0x3;
	v28 =	vand.u32 $0x7F, v33;
	v29 =	vand.u32 $0xFFFFFC00, v24;
	v24 =	vld.idx.msk [tilespmem:v35+s0+$0x0], $0xffff  }
0x6e: {  	v32 =	vand.u32 $0x7F, v31;
	v34 =	vor.u32 v28, v29;
	v28 =	vshll.u32 v31, $0x3  }
0x6f: {  	s24 =	sadd.s32 $0x40, s24;
	v31 =	vmul.f32 $1.442695020e+00, v36;
	v29 =	vadd.s32 v18, v34;
	v33 =	vand.u32 $0xFFFFFC00, v28;
	v28 =	vld.idx.msk [tilespmem:v37+s0+$0x0], $0xffff;
	v26 =	vpop (erf)  }
0x70: {  	v32 =	vor.u32 v32, v33;
	v30 =	vand.u32 $0xFFFFFC00, v30  }
0x71: {  	v32 =	vadd.s32 v18, v32;
	v27 =	vor.u32 v27, v30  }
0x72: {  	v23 =	vand.u32 $0xFFFFFC00, v23;
	v27 =	vadd.s32 v18, v27  }
0x73: {  	v22 =	vor.u32 v22, v23  }
0x74: {  	v22 =	vadd.s32 v18, v22  }
0x75: {  	v23 =	vld.idx.msk [tilespmem:v29+s0+$0x0], $0xffff  }
0x76: {  	v29 =	vld.idx.msk [tilespmem:v32+s0+$0x0], $0xffff  }
0x77: {  	v25 =	vmul.f32 $1.442695020e+00, v25;
	v27 =	vld.idx.msk [tilespmem:v27+s0+$0x0], $0xffff  }
0x78: {  	(erf) = vpow2.f32 v31;
	v24 =	vmul.f32 $1.442695020e+00, v24  }
0x79: {  	(erf) = vpow2.f32 v25;
	v25 =	vmul.f32 $1.442695020e+00, v28;
	v22 =	vld.idx.msk [tilespmem:v22+s0+$0x0], $0xffff  }
0x7a: {  	(erf) = vpow2.f32 v24;
	v23 =	vmul.f32 $1.442695020e+00, v23  }
0x7b: {  	v24 =	vld [tilespmem:$0x2C0];
	(erf) = vpow2.f32 v25;
	v25 =	vmul.f32 $1.442695020e+00, v29  }
0x7c: {  	(erf) = vpow2.f32 v23;
	v23 =	vmul.f32 $1.442695020e+00, v27  }
0x7d: {  	vm0 =	vlt.u32 v20, $0xA00  }
0x7e: {  	v22 =	vmul.f32 $1.442695020e+00, v22;
	v27 =	vimm.s32 $0x0;
	(erf) = vpow2.f32 v25  }
0x7f: {  	v27 =	vsel vm0, $0xFFFFFFFF, v27;
	v25 =	vpop (erf);
	(erf) = vpow2.f32 v23  }
0x80: {  	[tilespmem:$0x1FFF0] =	vst v27;
	v27 =	vsel vm0, v20, v19;
	v23 =	vpop (erf);
	(erf) = vpow2.f32 v22;
	v22 =	vshll.u32 v24, $0x3  }
0x81: {  	v29 =	vshll.u32 v27, $0x3;
	v24 =	vand.u32 $0x7F, v24;
	v22 =	vand.u32 $0xFFFFFC00, v22  }
0x82: {  	v28 =	vpop (erf);
	v22 =	vor.u32 v24, v22;
	v24 =	vand.u32 $0x7F, v27;
	v27 =	vand.u32 $0xFFFFFC00, v29  }
0x83: {  	v30 =	vpop (erf)  }
0x84: {  	v29 =	vpop (erf)  }
0x85: {  	v21 =	vadd.f32 v26, v21;
	v22 =	vadd.s32 v18, v22;
	v24 =	vor.u32 v24, v27;
	v27 =	vpop (erf)  }
0x86: {  	v24 =	vadd.s32 v18, v24;
	v31 =	vpop (erf)  }
0x87: {  	v25 =	vadd.f32 v25, v21;
	v26 =	vpop (erf)  }
0x88: {  	v56 =	vpop (erf)  }
0x89: {  	v23 =	vadd.f32 v23, v25;
	v57 =	vpop (erf)  }
0x8a: {  	v22 =	vld.idx.msk [tilespmem:v22+s0+$0x0], $0xffff;
	v34 =	vpop (erf)  }
0x8b: {  	v23 =	vadd.f32 v28, v23;
	v21 =	vld.idx.msk [tilespmem:v24+s0+$0x0], $0xffff;
	_ =	swait.ge [sflag:s1], $0xA000  }
0x8c: {  	[sflag:s1] =	ssyncset.done $0x0  }
0x8d: {  	s23 =	simm.s32 $0x0;
	v23 =	vadd.f32 v30, v23;
	[sflag:s1] =	ssyncadd.s32 $0xFFFF6000  }
0x8e: {  	[tilespmem:s0], [sflag:$0x1] =	stream.linear.gather [hbm4b:s7+s23], $0x5000, $0x38;
	[tilespmem:$0x19A80] =	vst v63  }
0x8f: {  	s24 =	sadd.s32 $0x18700, s7;
	s6 =	simm.s32 $0x2F0;
	v23 =	vadd.f32 v29, v23  }
0x90: {  	[tilespmem:s30], [sflag:$0x1] =	stream.linear.gather [hbm4b:s24+s23], $0x5000, $0x38;
	[tilespmem:$0x19A80] =	vst v63  }
0x91: {  	v23 =	vadd.f32 v27, v23;
	v24 =	vld [tilespmem:s6+$0xFFFFFFE0]  }
0x92: {  	s23 =	sand.u32 $0x3C0, s23;
	v25 =	vld [tilespmem:s6+$0x0]  }
0x93: {  	v23 =	vadd.f32 v31, v23;
	v28 =	vld [tilespmem:s23+$0x300]  }
0x94: {  	v22 =	vmul.f32 $1.442695020e+00, v22;
	v27 =	vld [tilespmem:s6+$0xFFFFFFF0]  }
0x95: {  	v23 =	vadd.f32 v26, v23  }
0x96: {  	(erf) = vpow2.f32 v22  }
0x97: {  	v23 =	vadd.f32 v56, v23;
	v26 =	vshll.u32 v24, $0x3;
	v22 =	vand.u32 $0x7F, v24  }
0x98: {  	s25 =	simm.s32 $0x40;
	v29 =	vand.u32 $0x7F, v28;
	v24 =	vand.u32 $0xFFFFFC00, v26;
	v26 =	vand.u32 $0x7F, v25  }
0x99: {  	s23 =	sand.u32 $0x3C0, s25;
	v22 =	vor.u32 v22, v24;
	v24 =	vshll.u32 v25, $0x3;
	v25 =	vshll.u32 v27, $0x3  }
0x9a: {  	s24 =	simm.s32 $0x330;
	v31 =	vld [tilespmem:s23+$0x300];
	v27 =	vand.u32 $0x7F, v27;
	v22 =	vadd.s32 v18, v22;
	v25 =	vand.u32 $0xFFFFFC00, v25  }
0x9b: {  	v28 =	vshll.u32 v28, $0x3;
	v24 =	vand.u32 $0xFFFFFC00, v24;
	v25 =	vor.u32 v27, v25;
	v27 =	vld [tilespmem:s24+$0xFFFFFFE0]  }
0x9c: {  	v24 =	vor.u32 v26, v24;
	v26 =	vand.u32 $0xFFFFFC00, v28;
	v28 =	vld [tilespmem:s24+$0xFFFFFFF0];
	v25 =	vadd.s32 v18, v25  }
0x9d: {  	v30 =	vld [tilespmem:s24+$0x0];
	v23 =	vadd.f32 v57, v23  }
0x9e: {  	v24 =	vadd.s32 v18, v24  }
0x9f: {  	v26 =	vor.u32 v29, v26;
	v29 =	vld.idx.msk [tilespmem:v22+s29+$0x0], $0xffff  }
0xa0: {  	v62 =	vand.u32 $0x7F, v31;
	v26 =	vadd.s32 v18, v26;
	v22 =	vadd.f32 v34, v23  }
0xa1: {  	v23 =	vpop (erf);
	v58 =	vshll.u32 v27, $0x3;
	v27 =	vand.u32 $0x7F, v27;
	v59 =	vshll.u32 v28, $0x3;
	v25 =	vld.idx.msk [tilespmem:v25+s29+$0x0], $0xffff  }
0xa2: {  	v28 =	vand.u32 $0x7F, v28;
	v22 =	vadd.f32 v23, v22;
	v23 =	vand.u32 $0x7F, v30  }
0xa3: {  	s6 =	simm.s32 $0x370;
	v30 =	vshll.u32 v30, $0x3;
	v32 =	vand.u32 $0xFFFFFC00, v58;
	v24 =	vld.idx.msk [tilespmem:v24+s29+$0x0], $0xffff;
	v60 =	vand.u32 $0xFFFFFC00, v59  }
0xa4: {  	v35 =	vld [tilespmem:s6+$0xFFFFFFE0];
	v27 =	vor.u32 v27, v32;
	v30 =	vand.u32 $0xFFFFFC00, v30;
	v29 =	vmul.f32 $1.442695020e+00, v29  }
0xa5: {  	v26 =	vld.idx.msk [tilespmem:v26+s29+$0x0], $0xffff;
	v28 =	vor.u32 v28, v60;
	v27 =	vadd.s32 v18, v27;
	v23 =	vor.u32 v23, v30  }
0xa6: {  	v61 =	vld [tilespmem:s6+$0x0];
	s23 =	simm.s32 $0x80;
	(erf) = vpow2.f32 v29;
	v29 =	vshll.u32 v31, $0x3;
	v25 =	vmul.f32 $1.442695020e+00, v25  }
0xa7: {  	v63 =	vld [tilespmem:s6+$0xFFFFFFF0];
	s25 =	sand.u32 $0x3C0, s23;
	v28 =	vadd.s32 v18, v28;
	v37 =	vadd.s32 v18, v23;
	v29 =	vand.u32 $0xFFFFFC00, v29  }
0xa8: {  	v36 =	vld [tilespmem:s25+$0x300];
	v23 =	vmul.f32 $1.442695020e+00, v24;
	v24 =	vor.u32 v62, v29;
	(erf) = vpow2.f32 v25  }
0xa9: {  	v39 =	vadd.s32 v18, v24  }
0xaa: {  	v38 =	vld.idx.msk [tilespmem:v27+s29+$0x0], $0xffff;
	v24 =	vmul.f32 $1.442695020e+00, v26;
	(erf) = vpow2.f32 v23;
	v26 =	vshll.u32 v35, $0x3  }
0xab: {  	v27 =	vand.u32 $0x7F, v35;
	v26 =	vand.u32 $0xFFFFFC00, v26  }
0xac: {  	v25 =	vld.idx.msk [tilespmem:v28+s29+$0x0], $0xffff;
	(erf) = vpow2.f32 v24;
	v26 =	vor.u32 v27, v26  }
0xad: {  	v32 =	vshll.u32 v36, $0x3;
	v30 =	vshll.u32 v61, $0x3;
	v28 =	vshll.u32 v63, $0x3  }
0xae: {  	v31 =	vand.u32 $0x7F, v63;
	v23 =	vand.u32 $0x7F, v61;
	v34 =	vand.u32 $0xFFFFFC00, v28;
	v24 =	vld.idx.msk [tilespmem:v37+s29+$0x0], $0xffff  }
0xaf: {  	s25 =	simm.s32 $0x3B0;
	s24 =	simm.s32 $0x8;
	v27 =	vand.u32 $0x7F, v36;
	v29 =	vadd.s32 v18, v26;
	v33 =	vmul.f32 $1.442695020e+00, v38;
	v28 =	vld.idx.msk [tilespmem:v39+s29+$0x0], $0xffff;
	v26 =	vpop (erf)  }
.LBB2_4:
0xb0: {  	v35 =	vld [tilespmem:s25+$0x0];
	v31 =	vor.u32 v31, v34;
	v30 =	vand.u32 $0xFFFFFC00, v30;
	v22 =	vadd.f32 v26, v22  }
0xb1: {  	s23 =	sadd.s32 $0x40, s23;
	v25 =	vmul.f32 $1.442695020e+00, v25;
	v26 =	vld [tilespmem:s25+$0xFFFFFFF0];
	v31 =	vadd.s32 v18, v31;
	(erf) = vpow2.f32 v33;
	v33 =	vpop (erf)  }
0xb2: {  	s24 =	sadd.s32 $0x4, s24;
	s6 =	sand.u32 $0x3C0, s23;
	v23 =	vor.u32 v23, v30;
	v30 =	vand.u32 $0xFFFFFC00, v32;
	v34 =	vld [tilespmem:s25+$0xFFFFFFE0];
	v22 =	vadd.f32 v33, v22  }
0xb3: {  	p0 =	slt.u32 s24, $0x24;
	v33 =	vadd.s32 v18, v23;
	v23 =	vmul.f32 $1.442695020e+00, v24;
	v32 =	vld [tilespmem:s6+$0x300];
	(erf) = vpow2.f32 v25;
	v24 =	vpop (erf)  }
0xb4: {  	v25 =	vor.u32 v27, v30;
	v36 =	vld.idx.msk [tilespmem:v29+s29+$0x0], $0xffff;
	v22 =	vadd.f32 v24, v22  }
0xb5: {  	v37 =	vadd.s32 v18, v25;
	v24 =	vmul.f32 $1.442695020e+00, v28;
	(erf) = vpow2.f32 v23;
	v27 =	vpop (erf)  }
.Ltmp1:
0xb6: {  	v23 =	vand.u32 $0x7F, v35;
	v30 =	vshll.u32 v35, $0x3;
	v25 =	vld.idx.msk [tilespmem:v31+s29+$0x0], $0xffff;
	v22 =	vadd.f32 v27, v22;
	(pc) =	sbr.rel @p0 .LBB2_4-.Ltmp1, $4  }
0xb7: {  	v31 =	vand.u32 $0x7F, v26;
	v27 =	vshll.u32 v34, $0x3;
	(erf) = vpow2.f32 v24  }
0xb8: {  	v35 =	vshll.u32 v26, $0x3;
	v28 =	vand.u32 $0x7F, v34;
	v27 =	vand.u32 $0xFFFFFC00, v27;
	v24 =	vld.idx.msk [tilespmem:v33+s29+$0x0], $0xffff  }
0xb9: {  	v28 =	vor.u32 v28, v27;
	v27 =	vand.u32 $0x7F, v32;
	v32 =	vshll.u32 v32, $0x3  }
0xba: {  	s25 =	sadd.s32 $0x40, s25;
	v34 =	vand.u32 $0xFFFFFC00, v35;
	v33 =	vmul.f32 $1.442695020e+00, v36;
	v29 =	vadd.s32 v18, v28;
	v28 =	vld.idx.msk [tilespmem:v37+s29+$0x0], $0xffff;
	v26 =	vpop (erf)  }
0xbb: {  	v31 =	vor.u32 v31, v34;
	v30 =	vand.u32 $0xFFFFFC00, v30  }
0xbc: {  	v31 =	vadd.s32 v18, v31;
	v23 =	vor.u32 v23, v30  }
0xbd: {  	v30 =	vand.u32 $0xFFFFFC00, v32;
	v23 =	vadd.s32 v18, v23  }
0xbe: {  	v27 =	vor.u32 v27, v30  }
0xbf: {  	v27 =	vadd.s32 v18, v27  }
0xc0: {  	v29 =	vld.idx.msk [tilespmem:v29+s29+$0x0], $0xffff  }
0xc1: {  	v30 =	vld.idx.msk [tilespmem:v31+s29+$0x0], $0xffff  }
0xc2: {  	v25 =	vmul.f32 $1.442695020e+00, v25;
	v23 =	vld.idx.msk [tilespmem:v23+s29+$0x0], $0xffff  }
0xc3: {  	(erf) = vpow2.f32 v33;
	v24 =	vmul.f32 $1.442695020e+00, v24  }
0xc4: {  	(erf) = vpow2.f32 v25;
	v25 =	vmul.f32 $1.442695020e+00, v28;
	v27 =	vld.idx.msk [tilespmem:v27+s29+$0x0], $0xffff  }
0xc5: {  	(erf) = vpow2.f32 v24;
	v24 =	vmul.f32 $1.442695020e+00, v29  }
0xc6: {  	v28 =	vld [tilespmem:$0x550];
	(erf) = vpow2.f32 v25;
	v25 =	vmul.f32 $1.442695020e+00, v30  }
0xc7: {  	(erf) = vpow2.f32 v24;
	v23 =	vmul.f32 $1.442695020e+00, v23  }
0xc8: {  	(erf) = vpow2.f32 v25;
	v25 =	vadd.s32 $0xFFFFF600, v20  }
0xc9: {  	v29 =	vimm.s32 $0x0;
	v24 =	vmul.f32 $1.442695020e+00, v27;
	vm0 =	vlt.u32 v25, $0xA00  }
0xca: {  	v27 =	vpop (erf);
	(erf) = vpow2.f32 v23;
	v29 =	vsel vm0, $0xFFFFFFFF, v29  }
0xcb: {  	v25 =	vsel vm0, v25, v19;
	v23 =	vpop (erf);
	(erf) = vpow2.f32 v24;
	v24 =	vshll.u32 v28, $0x3  }
0xcc: {  	v28 =	vand.u32 $0x7F, v28;
	v30 =	vshll.u32 v25, $0x3;
	v24 =	vand.u32 $0xFFFFFC00, v24  }
0xcd: {  	[tilespmem:$0x1FFE0] =	vst v29;
	v29 =	vpop (erf);
	v24 =	vor.u32 v28, v24;
	v28 =	vand.u32 $0xFFFFFC00, v30  }
0xce: {  	v31 =	vpop (erf)  }
0xcf: {  	v25 =	vand.u32 $0x7F, v25;
	v30 =	vpop (erf)  }
0xd0: {  	v24 =	vadd.s32 v18, v24;
	v25 =	vor.u32 v25, v28;
	v28 =	vpop (erf)  }
0xd1: {  	v22 =	vadd.f32 v26, v22;
	v25 =	vadd.s32 v18, v25;
	v52 =	vpop (erf)  }
0xd2: {  	v26 =	vpop (erf)  }
0xd3: {  	v27 =	vadd.f32 v27, v22;
	v53 =	vpop (erf)  }
0xd4: {  	v54 =	vpop (erf)  }
0xd5: {  	v23 =	vadd.f32 v23, v27;
	v24 =	vld.idx.msk [tilespmem:v24+s29+$0x0], $0xffff;
	v35 =	vpop (erf)  }
0xd6: {  	v22 =	vld.idx.msk [tilespmem:v25+s29+$0x0], $0xffff;
	_ =	swait.ge [sflag:s1], $0xA000  }
0xd7: {  	v23 =	vadd.f32 v29, v23;
	[sflag:s1] =	ssyncset.done $0x0  }
0xd8: {  	s6 =	simm.s32 $0x0;
	[sflag:s1] =	ssyncadd.s32 $0xFFFF6000  }
0xd9: {  	v23 =	vadd.f32 v31, v23;
	[tilespmem:s29], [sflag:$0x1] =	stream.linear.gather [hbm4b:s8+s6], $0x5000, $0x38;
	[tilespmem:$0x19A80] =	vst v63  }
0xda: {  	s23 =	sadd.s32 $0x18700, s8;
	s24 =	simm.s32 $0x590  }
0xdb: {  	v23 =	vadd.f32 v30, v23;
	[tilespmem:s4], [sflag:$0x1] =	stream.linear.gather [hbm4b:s23+s6], $0x5000, $0x38;
	[tilespmem:$0x19A80] =	vst v63  }
0xdc: {  	v25 =	vld [tilespmem:s24+$0xFFFFFFD0]  }
0xdd: {  	v23 =	vadd.f32 v28, v23;
	v27 =	vld [tilespmem:s24+$0x0]  }
0xde: {  	v28 =	vld [tilespmem:s24+$0xFFFFFFE0]  }
0xdf: {  	v23 =	vadd.f32 v52, v23;
	v24 =	vmul.f32 $1.442695020e+00, v24;
	s6 =	sand.u32 $0x3C0, s6  }
0xe0: {  	v29 =	vld [tilespmem:s6+$0x580]  }
0xe1: {  	v23 =	vadd.f32 v26, v23;
	(erf) = vpow2.f32 v24;
	v26 =	vshll.u32 v25, $0x3  }
0xe2: {  	v24 =	vand.u32 $0x7F, v25;
	v25 =	vand.u32 $0xFFFFFC00, v26;
	v26 =	vand.u32 $0x7F, v27  }
0xe3: {  	s23 =	simm.s32 $0x40;
	v24 =	vor.u32 v24, v25;
	v25 =	vshll.u32 v27, $0x3;
	v27 =	vshll.u32 v28, $0x3  }
0xe4: {  	s6 =	sand.u32 $0x3C0, s23;
	v28 =	vand.u32 $0x7F, v28;
	v24 =	vadd.s32 v18, v24;
	v27 =	vand.u32 $0xFFFFFC00, v27  }
0xe5: {  	s25 =	simm.s32 $0x5D0;
	v23 =	vadd.f32 v53, v23;
	v55 =	vld [tilespmem:s6+$0x580];
	v30 =	vshll.u32 v29, $0x3;
	v27 =	vor.u32 v28, v27  }
0xe6: {  	v31 =	vld [tilespmem:s25+$0x0];
	v29 =	vand.u32 $0x7F, v29;
	v28 =	vand.u32 $0xFFFFFC00, v30;
	v27 =	vadd.s32 v18, v27  }
0xe7: {  	v23 =	vadd.f32 v54, v23;
	v30 =	vld [tilespmem:s25+$0xFFFFFFD0];
	v28 =	vor.u32 v29, v28  }
0xe8: {  	v25 =	vand.u32 $0xFFFFFC00, v25;
	v29 =	vld [tilespmem:s25+$0xFFFFFFE0];
	v28 =	vadd.s32 v18, v28  }
0xe9: {  	v23 =	vadd.f32 v35, v23;
	v25 =	vor.u32 v26, v25;
	v24 =	vld.idx.msk [tilespmem:v24+s0+$0x0], $0xffff  }
0xea: {  	v60 =	vshll.u32 v55, $0x3;
	v26 =	vpop (erf);
	v25 =	vadd.s32 v18, v25  }
0xeb: {  	v62 =	vand.u32 $0xFFFFFC00, v60;
	v23 =	vadd.f32 v26, v23;
	v27 =	vld.idx.msk [tilespmem:v27+s0+$0x0], $0xffff  }
0xec: {  	v26 =	vand.u32 $0x7F, v31;
	v56 =	vshll.u32 v30, $0x3;
	v30 =	vand.u32 $0x7F, v30  }
0xed: {  	s24 =	simm.s32 $0x610;
	v33 =	vand.u32 $0xFFFFFC00, v56;
	v57 =	vshll.u32 v29, $0x3;
	v29 =	vand.u32 $0x7F, v29;
	v28 =	vld.idx.msk [tilespmem:v28+s0+$0x0], $0xffff  }
0xee: {  	v61 =	vld [tilespmem:s24+$0xFFFFFFE0];
	v30 =	vor.u32 v30, v33;
	v58 =	vand.u32 $0xFFFFFC00, v57;
	v24 =	vmul.f32 $1.442695020e+00, v24  }
0xef: {  	s23 =	simm.s32 $0x80;
	v31 =	vshll.u32 v31, $0x3;
	v25 =	vld.idx.msk [tilespmem:v25+s0+$0x0], $0xffff;
	v30 =	vadd.s32 v18, v30;
	v29 =	vor.u32 v29, v58  }
0xf0: {  	v63 =	vld [tilespmem:s24+$0xFFFFFFD0];
	s25 =	sand.u32 $0x3C0, s23;
	(erf) = vpow2.f32 v24;
	v24 =	vand.u32 $0x7F, v55;
	v27 =	vmul.f32 $1.442695020e+00, v27  }
0xf1: {  	v31 =	vand.u32 $0xFFFFFC00, v31;
	v36 =	vld [tilespmem:s25+$0x580];
	v29 =	vadd.s32 v18, v29;
	v24 =	vor.u32 v24, v62  }
0xf2: {  	v32 =	vadd.s32 v18, v24;
	v24 =	vmul.f32 $1.442695020e+00, v28;
	(erf) = vpow2.f32 v27  }
0xf3: {  	v59 =	vld [tilespmem:s24+$0x0];
	v26 =	vor.u32 v26, v31  }
0xf4: {  	v37 =	vadd.s32 v18, v26;
	v26 =	vmul.f32 $1.442695020e+00, v25;
	v28 =	vld.idx.msk [tilespmem:v30+s0+$0x0], $0xffff;
	(erf) = vpow2.f32 v24  }
0xf5: {  	v31 =	vand.u32 $0x7F, v61;
	v33 =	vshll.u32 v61, $0x3  }
0xf6: {  	v34 =	vshll.u32 v36, $0x3;
	v30 =	vshll.u32 v63, $0x3;
	v27 =	vld.idx.msk [tilespmem:v29+s0+$0x0], $0xffff;
	(erf) = vpow2.f32 v26  }
0xf7: {  	v35 =	vand.u32 $0xFFFFFC00, v33;
	v29 =	vand.u32 $0x7F, v63;
	v30 =	vand.u32 $0xFFFFFC00, v30  }
0xf8: {  	v25 =	vshll.u32 v59, $0x3;
	v24 =	vand.u32 $0x7F, v59;
	v29 =	vor.u32 v29, v30;
	v26 =	vld.idx.msk [tilespmem:v32+s0+$0x0], $0xffff  }
0xf9: {  	s24 =	simm.s32 $0x8;
	s25 =	simm.s32 $0x650;
	v30 =	vadd.s32 v18, v29;
	v29 =	vld.idx.msk [tilespmem:v37+s0+$0x0], $0xffff;
	v32 =	vand.u32 $0x7F, v36;
	v33 =	vmul.f32 $1.442695020e+00, v28;
	v28 =	vpop (erf)  }
.LBB2_6:
0xfa: {  	v36 =	vld [tilespmem:s25+$0x0];
	v31 =	vor.u32 v31, v35;
	v34 =	vand.u32 $0xFFFFFC00, v34;
	v23 =	vadd.f32 v28, v23  }
0xfb: {  	s23 =	sadd.s32 $0x40, s23;
	v37 =	vmul.f32 $1.442695020e+00, v27;
	v28 =	vld [tilespmem:s25+$0xFFFFFFE0];
	v31 =	vadd.s32 v18, v31;
	(erf) = vpow2.f32 v33;
	v33 =	vpop (erf)  }
0xfc: {  	s24 =	sadd.s32 $0x4, s24;
	v25 =	vand.u32 $0xFFFFFC00, v25;
	s6 =	sand.u32 $0x3C0, s23;
	v32 =	vor.u32 v32, v34;
	v35 =	vld [tilespmem:s25+$0xFFFFFFD0];
	v23 =	vadd.f32 v33, v23  }
0xfd: {  	p0 =	slt.u32 s24, $0x24;
	v32 =	vadd.s32 v18, v32;
	v34 =	vmul.f32 $1.442695020e+00, v26;
	v33 =	vld [tilespmem:s6+$0x580];
	(erf) = vpow2.f32 v37;
	v27 =	vpop (erf)  }
0xfe: {  	v24 =	vor.u32 v24, v25;
	v37 =	vld.idx.msk [tilespmem:v30+s0+$0x0], $0xffff;
	v23 =	vadd.f32 v27, v23  }
0xff: {  	v38 =	vadd.s32 v18, v24;
	v29 =	vmul.f32 $1.442695020e+00, v29;
	(erf) = vpow2.f32 v34;
	v26 =	vpop (erf)  }
.Ltmp2:
0x100: {  	v24 =	vand.u32 $0x7F, v36;
	v25 =	vshll.u32 v36, $0x3;
	v27 =	vld.idx.msk [tilespmem:v31+s0+$0x0], $0xffff;
	v23 =	vadd.f32 v26, v23;
	(pc) =	sbr.rel @p0 .LBB2_6-.Ltmp2, $4  }
0x101: {  	v31 =	vand.u32 $0x7F, v28;
	v26 =	vshll.u32 v35, $0x3;
	(erf) = vpow2.f32 v29  }
0x102: {  	v36 =	vshll.u32 v28, $0x3;
	v29 =	vand.u32 $0x7F, v35;
	v30 =	vand.u32 $0xFFFFFC00, v26;
	v26 =	vld.idx.msk [tilespmem:v32+s0+$0x0], $0xffff  }
0x103: {  	v32 =	vand.u32 $0x7F, v33;
	v34 =	vshll.u32 v33, $0x3;
	v29 =	vor.u32 v29, v30  }
0x104: {  	s25 =	sadd.s32 $0x40, s25;
	v35 =	vand.u32 $0xFFFFFC00, v36;
	v33 =	vmul.f32 $1.442695020e+00, v37;
	v30 =	vadd.s32 v18, v29;
	v29 =	vld.idx.msk [tilespmem:v38+s0+$0x0], $0xffff;
	v28 =	vpop (erf)  }
0x105: {  	v31 =	vor.u32 v31, v35;
	v34 =	vand.u32 $0xFFFFFC00, v34  }
0x106: {  	v31 =	vadd.s32 v18, v31;
	v32 =	vor.u32 v32, v34  }
0x107: {  	v25 =	vand.u32 $0xFFFFFC00, v25;
	v32 =	vadd.s32 v18, v32  }
0x108: {  	v24 =	vor.u32 v24, v25  }
0x109: {  	v24 =	vadd.s32 v18, v24  }
0x10a: {  	v25 =	vld.idx.msk [tilespmem:v30+s0+$0x0], $0xffff  }
0x10b: {  	v30 =	vld.idx.msk [tilespmem:v31+s0+$0x0], $0xffff  }
0x10c: {  	v27 =	vmul.f32 $1.442695020e+00, v27;
	v31 =	vld.idx.msk [tilespmem:v32+s0+$0x0], $0xffff  }
0x10d: {  	(erf) = vpow2.f32 v33;
	v26 =	vmul.f32 $1.442695020e+00, v26  }
0x10e: {  	(erf) = vpow2.f32 v27;
	v27 =	vmul.f32 $1.442695020e+00, v29;
	v24 =	vld.idx.msk [tilespmem:v24+s0+$0x0], $0xffff  }
0x10f: {  	(erf) = vpow2.f32 v26;
	v25 =	vmul.f32 $1.442695020e+00, v25  }
0x110: {  	v26 =	vld [tilespmem:$0x7E0];
	(erf) = vpow2.f32 v27;
	v27 =	vmul.f32 $1.442695020e+00, v30  }
0x111: {  	(erf) = vpow2.f32 v25;
	v25 =	vmul.f32 $1.442695020e+00, v31  }
0x112: {  	(erf) = vpow2.f32 v27;
	v27 =	vadd.s32 $0xFFFFEC00, v20  }
0x113: {  	v30 =	vimm.s32 $0x0;
	v24 =	vmul.f32 $1.442695020e+00, v24;
	vm0 =	vlt.u32 v27, $0xA00  }
0x114: {  	v29 =	vpop (erf);
	(erf) = vpow2.f32 v25;
	v30 =	vsel vm0, $0xFFFFFFFF, v30  }
0x115: {  	v27 =	vsel vm0, v27, v19;
	v25 =	vpop (erf);
	(erf) = vpow2.f32 v24;
	v24 =	vshll.u32 v26, $0x3  }
0x116: {  	v26 =	vand.u32 $0x7F, v26;
	v31 =	vshll.u32 v27, $0x3;
	v24 =	vand.u32 $0xFFFFFC00, v24  }
0x117: {  	[tilespmem:$0x1FFD0] =	vst v30;
	v30 =	vpop (erf);
	v24 =	vor.u32 v26, v24;
	v26 =	vand.u32 $0x7F, v27;
	v27 =	vand.u32 $0xFFFFFC00, v31  }
0x118: {  	v50 =	vpop (erf)  }
0x119: {  	v31 =	vpop (erf)  }
0x11a: {  	v24 =	vadd.s32 v18, v24;
	v26 =	vor.u32 v26, v27;
	v27 =	vpop (erf)  }
0x11b: {  	v23 =	vadd.f32 v28, v23;
	v26 =	vadd.s32 v18, v26;
	v51 =	vpop (erf)  }
0x11c: {  	v28 =	vpop (erf)  }
0x11d: {  	v29 =	vadd.f32 v29, v23;
	v52 =	vpop (erf)  }
0x11e: {  	v53 =	vpop (erf)  }
0x11f: {  	v25 =	vadd.f32 v25, v29;
	v24 =	vld.idx.msk [tilespmem:v24+s0+$0x0], $0xffff;
	v36 =	vpop (erf)  }
0x120: {  	v23 =	vld.idx.msk [tilespmem:v26+s0+$0x0], $0xffff;
	_ =	swait.ge [sflag:s1], $0xA000  }
0x121: {  	v25 =	vadd.f32 v30, v25;
	[sflag:s1] =	ssyncset.done $0x0  }
0x122: {  	s6 =	simm.s32 $0x0;
	[sflag:s1] =	ssyncadd.s32 $0xFFFF6000  }
0x123: {  	v25 =	vadd.f32 v50, v25;
	[tilespmem:s0], [sflag:$0x1] =	stream.linear.gather [hbm4b:s9+s6], $0x5000, $0x38;
	[tilespmem:$0x19A80] =	vst v63  }
0x124: {  	s23 =	sadd.s32 $0x18700, s9;
	s25 =	simm.s32 $0x820  }
0x125: {  	v25 =	vadd.f32 v31, v25;
	[tilespmem:s30], [sflag:$0x1] =	stream.linear.gather [hbm4b:s23+s6], $0x5000, $0x38;
	[tilespmem:$0x19A80] =	vst v63  }
0x126: {  	v26 =	vld [tilespmem:s25+$0xFFFFFFD0]  }
0x127: {  	v25 =	vadd.f32 v27, v25;
	s6 =	sand.u32 $0x3C0, s6;
	v27 =	vld [tilespmem:s25+$0x0]  }
0x128: {  	v29 =	vld [tilespmem:s6+$0x800]  }
0x129: {  	v25 =	vadd.f32 v51, v25;
	v24 =	vmul.f32 $1.442695020e+00, v24  }
0x12a: {  	v30 =	vld [tilespmem:s25+$0xFFFFFFF0]  }
0x12b: {  	v25 =	vadd.f32 v28, v25;
	(erf) = vpow2.f32 v24;
	v28 =	vshll.u32 v26, $0x3  }
0x12c: {  	v24 =	vand.u32 $0x7F, v26;
	v26 =	vand.u32 $0xFFFFFC00, v28;
	v28 =	vand.u32 $0x7F, v27  }
0x12d: {  	s24 =	simm.s32 $0x860;
	v24 =	vor.u32 v24, v26;
	v26 =	vshll.u32 v27, $0x3;
	v27 =	vshll.u32 v29, $0x3  }
0x12e: {  	v54 =	vld [tilespmem:s24+$0x0];
	v29 =	vand.u32 $0x7F, v29;
	v24 =	vadd.s32 v18, v24;
	v27 =	vand.u32 $0xFFFFFC00, v27  }
0x12f: {  	v55 =	vld [tilespmem:s24+$0xFFFFFFF0];
	v31 =	vshll.u32 v30, $0x3;
	v27 =	vor.u32 v29, v27  }
0x130: {  	s25 =	simm.s32 $0x40;
	v30 =	vand.u32 $0x7F, v30;
	v29 =	vand.u32 $0xFFFFFC00, v31;
	v27 =	vadd.s32 v18, v27  }
0x131: {  	v25 =	vadd.f32 v52, v25;
	s23 =	sand.u32 $0x3C0, s25;
	v31 =	vld [tilespmem:s24+$0xFFFFFFD0];
	v29 =	vor.u32 v30, v29  }
0x132: {  	v26 =	vand.u32 $0xFFFFFC00, v26;
	v30 =	vld [tilespmem:s23+$0x800];
	v29 =	vadd.s32 v18, v29  }
0x133: {  	v25 =	vadd.f32 v53, v25;
	v26 =	vor.u32 v28, v26;
	v28 =	vld.idx.msk [tilespmem:v24+s29+$0x0], $0xffff  }
0x134: {  	v32 =	vshll.u32 v54, $0x3;
	v59 =	vshll.u32 v55, $0x3;
	v26 =	vadd.s32 v18, v26  }
0x135: {  	v61 =	vand.u32 $0xFFFFFC00, v59;
	v32 =	vand.u32 $0xFFFFFC00, v32;
	s24 =	simm.s32 $0x8A0;
	v27 =	vld.idx.msk [tilespmem:v27+s29+$0x0], $0xffff  }
0x136: {  	v58 =	vld [tilespmem:s24+$0x0];
	v24 =	vadd.f32 v36, v25;
	v56 =	vshll.u32 v31, $0x3;
	v31 =	vand.u32 $0x7F, v31  }
0x137: {  	v34 =	vand.u32 $0xFFFFFC00, v56;
	v57 =	vshll.u32 v30, $0x3;
	v30 =	vand.u32 $0x7F, v30;
	v29 =	vld.idx.msk [tilespmem:v29+s29+$0x0], $0xffff  }
0x138: {  	v60 =	vld [tilespmem:s24+$0xFFFFFFF0];
	v25 =	vpop (erf);
	v31 =	vor.u32 v31, v34;
	v34 =	vand.u32 $0xFFFFFC00, v57;
	v28 =	vmul.f32 $1.442695020e+00, v28  }
0x139: {  	s23 =	simm.s32 $0x80;
	v24 =	vadd.f32 v25, v24;
	v26 =	vld.idx.msk [tilespmem:v26+s29+$0x0], $0xffff;
	v31 =	vadd.s32 v18, v31;
	v30 =	vor.u32 v30, v34  }
0x13a: {  	v62 =	vld [tilespmem:s24+$0xFFFFFFD0];
	s25 =	sand.u32 $0x3C0, s23;
	(erf) = vpow2.f32 v28;
	v28 =	vand.u32 $0x7F, v55;
	v27 =	vmul.f32 $1.442695020e+00, v27  }
0x13b: {  	v63 =	vld [tilespmem:s25+$0x800];
	v25 =	vand.u32 $0x7F, v54;
	v30 =	vadd.s32 v18, v30;
	v28 =	vor.u32 v28, v61  }
0x13c: {  	v37 =	vadd.s32 v18, v28;
	v28 =	vmul.f32 $1.442695020e+00, v29;
	(erf) = vpow2.f32 v27  }
0x13d: {  	v25 =	vor.u32 v25, v32  }
0x13e: {  	v39 =	vadd.s32 v18, v25;
	v38 =	vld.idx.msk [tilespmem:v31+s29+$0x0], $0xffff;
	v27 =	vmul.f32 $1.442695020e+00, v26;
	(erf) = vpow2.f32 v28  }
0x13f: {  	v32 =	vshll.u32 v60, $0x3;
	v25 =	vand.u32 $0x7F, v58  }
0x140: {  	v33 =	vshll.u32 v63, $0x3;
	v31 =	vshll.u32 v62, $0x3;
	v28 =	vld.idx.msk [tilespmem:v30+s29+$0x0], $0xffff;
	(erf) = vpow2.f32 v27  }
0x141: {  	v35 =	vand.u32 $0x7F, v63;
	v31 =	vand.u32 $0xFFFFFC00, v31;
	v30 =	vand.u32 $0x7F, v62  }
0x142: {  	v36 =	vand.u32 $0xFFFFFC00, v33;
	v26 =	vshll.u32 v58, $0x3;
	v30 =	vor.u32 v30, v31;
	v27 =	vld.idx.msk [tilespmem:v37+s29+$0x0], $0xffff  }
0x143: {  	s24 =	simm.s32 $0x8;
	s25 =	simm.s32 $0x8E0;
	v29 =	vand.u32 $0x7F, v60;
	v31 =	vadd.s32 v18, v30;
	v30 =	vld.idx.msk [tilespmem:v39+s29+$0x0], $0xffff;
	v34 =	vmul.f32 $1.442695020e+00, v38;
	v33 =	vpop (erf)  }
.LBB2_8:
0x144: {  	v37 =	vld [tilespmem:s25+$0x0];
	v35 =	vor.u32 v35, v36;
	v32 =	vand.u32 $0xFFFFFC00, v32;
	v24 =	vadd.f32 v33, v24  }
0x145: {  	s23 =	sadd.s32 $0x40, s23;
	v39 =	vmul.f32 $1.442695020e+00, v28;
	v33 =	vld [tilespmem:s25+$0xFFFFFFF0];
	v35 =	vadd.s32 v18, v35;
	(erf) = vpow2.f32 v34;
	v34 =	vpop (erf)  }
0x146: {  	s24 =	sadd.s32 $0x4, s24;
	v26 =	vand.u32 $0xFFFFFC00, v26;
	s6 =	sand.u32 $0x3C0, s23;
	v29 =	vor.u32 v29, v32;
	v36 =	vld [tilespmem:s25+$0xFFFFFFD0];
	v24 =	vadd.f32 v34, v24  }
0x147: {  	p0 =	slt.u32 s24, $0x24;
	v38 =	vadd.s32 v18, v29;
	v29 =	vmul.f32 $1.442695020e+00, v27;
	v34 =	vld [tilespmem:s6+$0x800];
	(erf) = vpow2.f32 v39;
	v28 =	vpop (erf)  }
0x148: {  	v25 =	vor.u32 v25, v26;
	v39 =	vld.idx.msk [tilespmem:v31+s29+$0x0], $0xffff;
	v24 =	vadd.f32 v28, v24  }
0x149: {  	v40 =	vadd.s32 v18, v25;
	v30 =	vmul.f32 $1.442695020e+00, v30;
	(erf) = vpow2.f32 v29;
	v27 =	vpop (erf)  }
.Ltmp3:
0x14a: {  	v25 =	vand.u32 $0x7F, v37;
	v26 =	vshll.u32 v37, $0x3;
	v28 =	vld.idx.msk [tilespmem:v35+s29+$0x0], $0xffff;
	v24 =	vadd.f32 v27, v24;
	(pc) =	sbr.rel @p0 .LBB2_8-.Ltmp3, $4  }
0x14b: {  	v29 =	vand.u32 $0x7F, v33;
	v27 =	vshll.u32 v36, $0x3;
	(erf) = vpow2.f32 v30  }
0x14c: {  	v32 =	vshll.u32 v33, $0x3;
	v30 =	vand.u32 $0x7F, v36;
	v31 =	vand.u32 $0xFFFFFC00, v27;
	v27 =	vld.idx.msk [tilespmem:v38+s29+$0x0], $0xffff  }
0x14d: {  	v35 =	vand.u32 $0x7F, v34;
	v37 =	vshll.u32 v34, $0x3;
	v30 =	vor.u32 v30, v31  }
0x14e: {  	s25 =	sadd.s32 $0x40, s25;
	v36 =	vand.u32 $0xFFFFFC00, v37;
	v34 =	vmul.f32 $1.442695020e+00, v39;
	v31 =	vadd.s32 v18, v30;
	v30 =	vld.idx.msk [tilespmem:v40+s29+$0x0], $0xffff;
	v33 =	vpop (erf)  }
0x14f: {  	v35 =	vor.u32 v35, v36;
	v32 =	vand.u32 $0xFFFFFC00, v32  }
0x150: {  	v26 =	vand.u32 $0xFFFFFC00, v26;
	v35 =	vadd.s32 v18, v35;
	v29 =	vor.u32 v29, v32  }
0x151: {  	v25 =	vor.u32 v25, v26;
	v29 =	vadd.s32 v18, v29  }
0x152: {  	v25 =	vadd.s32 v18, v25  }
0x153: {  	v38 =	vld [tilespmem:$0xA70]  }
0x154: {  	v26 =	vld.idx.msk [tilespmem:v31+s29+$0x0], $0xffff  }
0x155: {  	v31 =	vld.idx.msk [tilespmem:v35+s29+$0x0], $0xffff  }
0x156: {  	v28 =	vmul.f32 $1.442695020e+00, v28;
	v29 =	vld.idx.msk [tilespmem:v29+s29+$0x0], $0xffff  }
0x157: {  	(erf) = vpow2.f32 v34;
	v27 =	vmul.f32 $1.442695020e+00, v27;
	v25 =	vld.idx.msk [tilespmem:v25+s29+$0x0], $0xffff  }
0x158: {  	(erf) = vpow2.f32 v28;
	v28 =	vmul.f32 $1.442695020e+00, v30  }
0x159: {  	(erf) = vpow2.f32 v27;
	v26 =	vmul.f32 $1.442695020e+00, v26  }
0x15a: {  	v27 =	vld [tilespmem:$0xA80];
	(erf) = vpow2.f32 v28;
	v28 =	vmul.f32 $1.442695020e+00, v31  }
0x15b: {  	(erf) = vpow2.f32 v26;
	v26 =	vmul.f32 $1.442695020e+00, v29  }
0x15c: {  	v25 =	vmul.f32 $1.442695020e+00, v25;
	v29 =	vld [tilespmem:$0xA90];
	(erf) = vpow2.f32 v28;
	v28 =	vshll.u32 v38, $0x3  }
0x15d: {  	(erf) = vpow2.f32 v26;
	v26 =	vand.u32 $0x7F, v38;
	v28 =	vand.u32 $0xFFFFFC00, v28  }
0x15e: {  	(erf) = vpow2.f32 v25;
	v25 =	vor.u32 v26, v28  }
0x15f: {  	v26 =	vshll.u32 v27, $0x3;
	v27 =	vand.u32 $0x7F, v27;
	v28 =	vadd.s32 $0xFFFFE200, v20  }
0x160: {  	v26 =	vand.u32 $0xFFFFFC00, v26;
	vm0 =	vlt.u32 v28, $0xA00  }
0x161: {  	v30 =	vpop (erf);
	v26 =	vor.u32 v27, v26;
	v31 =	vshll.u32 v29, $0x3;
	v28 =	vsel vm0, v28, v19  }
0x162: {  	v29 =	vand.u32 $0x7F, v29;
	v27 =	vpop (erf);
	v31 =	vand.u32 $0xFFFFFC00, v31;
	v41 =	vshll.u32 v28, $0x3  }
0x163: {  	v24 =	vadd.f32 v33, v24;
	v40 =	vpop (erf);
	v29 =	vor.u32 v29, v31;
	v31 =	vand.u32 $0xFFFFFC00, v41  }
0x164: {  	v25 =	vadd.s32 v18, v25;
	v28 =	vand.u32 $0x7F, v28;
	v34 =	vpop (erf)  }
0x165: {  	v24 =	vadd.f32 v30, v24;
	v26 =	vadd.s32 v18, v26;
	v28 =	vor.u32 v28, v31;
	v42 =	vpop (erf)  }
0x166: {  	v28 =	vadd.s32 v18, v28;
	v31 =	vpop (erf)  }
0x167: {  	v39 =	vimm.s32 $0x0;
	v24 =	vadd.f32 v27, v24;
	v29 =	vadd.s32 v18, v29;
	v30 =	vpop (erf)  }
0x168: {  	v32 =	vsel vm0, $0xFFFFFFFF, v39;
	v27 =	vpop (erf)  }
0x169: {  	[tilespmem:$0x1FFC0] =	vst v32;
	v25 =	vld.idx.msk [tilespmem:v25+s29+$0x0], $0xffff;
	v32 =	vadd.f32 v40, v24;
	v43 =	vpop (erf)  }
0x16a: {  	v26 =	vld.idx.msk [tilespmem:v26+s29+$0x0], $0xffff;
	v44 =	vpop (erf)  }
0x16b: {  	v24 =	vld.idx.msk [tilespmem:v28+s29+$0x0], $0xffff;
	v28 =	vadd.f32 v34, v32;
	v37 =	vpop (erf)  }
0x16c: {  	v29 =	vld.idx.msk [tilespmem:v29+s29+$0x0], $0xffff;
	_ =	swait.ge [sflag:s1], $0xA000  }
0x16d: {  	v28 =	vadd.f32 v42, v28;
	[sflag:s1] =	ssyncset.done $0x0  }
0x16e: {  	[sflag:s1] =	ssyncadd.s32 $0xFFFF6000  }
0x16f: {  	v28 =	vadd.f32 v31, v28;
	[tilespmem:s29], [sflag:$0x1] =	stream.linear.gather [hbm4b:s10+s2], $0x5000, $0x38;
	[tilespmem:$0x19A80] =	vst v63  }
0x170: {  	s6 =	sadd.s32 $0x18700, s10;
	s23 =	simm.s32 $0xAD0;
	v25 =	vmul.f32 $1.442695020e+00, v25  }
0x171: {  	v28 =	vadd.f32 v30, v28;
	[tilespmem:s4], [sflag:$0x1] =	stream.linear.gather [hbm4b:s6+s2], $0x5000, $0x38;
	[tilespmem:$0x19A80] =	vst v63  }
0x172: {  	(erf) = vpow2.f32 v25;
	v25 =	vmul.f32 $1.442695020e+00, v26;
	v30 =	vld [tilespmem:s23+$0xFFFFFFD0]  }
0x173: {  	v27 =	vadd.f32 v27, v28;
	v28 =	vld [tilespmem:s23+$0xFFFFFFE0]  }
0x174: {  	(erf) = vpow2.f32 v25;
	v25 =	vmul.f32 $1.442695020e+00, v29;
	v29 =	vld [tilespmem:s23+$0xFFFFFFF0];
	_ =	sdelay $0x1  }
0x175: {  	v27 =	vadd.f32 v43, v27  }
0x176: {  	(erf) = vpow2.f32 v25;
	v26 =	vld [tilespmem:s23+$0x0];
	v31 =	vshll.u32 v30, $0x3  }
0x177: {  	v27 =	vadd.f32 v44, v27;
	v25 =	vand.u32 $0x7F, v30;
	v30 =	vand.u32 $0xFFFFFC00, v31  }
0x178: {  	v45 =	vshll.u32 v29, $0x3;
	v25 =	vor.u32 v25, v30;
	v30 =	vshll.u32 v28, $0x3  }
0x179: {  	s24 =	simm.s32 $0xB10;
	v28 =	vand.u32 $0x7F, v28;
	v25 =	vadd.s32 v18, v25;
	v30 =	vand.u32 $0xFFFFFC00, v30  }
0x17a: {  	v48 =	vld [tilespmem:s24+$0xFFFFFFD0];
	v29 =	vand.u32 $0x7F, v29;
	v27 =	vadd.f32 v37, v27;
	v28 =	vor.u32 v28, v30  }
0x17b: {  	v31 =	vand.u32 $0x7F, v26;
	v30 =	vand.u32 $0xFFFFFC00, v45;
	v28 =	vadd.s32 v18, v28  }
0x17c: {  	v46 =	vld [tilespmem:s24+$0x0];
	v47 =	vpop (erf);
	v26 =	vshll.u32 v26, $0x3;
	v29 =	vor.u32 v29, v30  }
0x17d: {  	v26 =	vand.u32 $0xFFFFFC00, v26;
	v27 =	vadd.f32 v47, v27;
	v30 =	vld [tilespmem:s24+$0xFFFFFFE0];
	v29 =	vadd.s32 v18, v29  }
0x17e: {  	v26 =	vor.u32 v31, v26;
	v31 =	vpop (erf);
	v49 =	vld.idx.msk [tilespmem:v25+s0+$0x0], $0xffff  }
0x17f: {  	v50 =	vshll.u32 v48, $0x3;
	v26 =	vadd.s32 v18, v26;
	v25 =	vadd.f32 v31, v27;
	v31 =	vld [tilespmem:s24+$0xFFFFFFF0]  }
0x180: {  	v34 =	vand.u32 $0x7F, v48;
	v35 =	vand.u32 $0xFFFFFC00, v50;
	v28 =	vld.idx.msk [tilespmem:v28+s0+$0x0], $0xffff  }
0x181: {  	v33 =	vshll.u32 v46, $0x3;
	v34 =	vor.u32 v34, v35  }
0x182: {  	s25 =	simm.s32 $0xB50;
	v57 =	vand.u32 $0xFFFFFC00, v33;
	v34 =	vadd.s32 v18, v34;
	v51 =	vshll.u32 v30, $0x3;
	v29 =	vld.idx.msk [tilespmem:v29+s0+$0x0], $0xffff  }
0x183: {  	v56 =	vld [tilespmem:s25+$0xFFFFFFD0];
	v27 =	vpop (erf);
	v30 =	vand.u32 $0x7F, v30;
	v35 =	vand.u32 $0xFFFFFC00, v51;
	v32 =	vmul.f32 $1.442695020e+00, v49  }
0x184: {  	v26 =	vld.idx.msk [tilespmem:v26+s0+$0x0], $0xffff;
	v25 =	vadd.f32 v27, v25;
	v27 =	vand.u32 $0x7F, v46;
	v30 =	vor.u32 v30, v35  }
0x185: {  	v58 =	vld [tilespmem:s25+$0xFFFFFFE0];
	v53 =	vshll.u32 v31, $0x3;
	(erf) = vpow2.f32 v32;
	v28 =	vmul.f32 $1.442695020e+00, v28  }
0x186: {  	v31 =	vand.u32 $0x7F, v31;
	v30 =	vadd.s32 v18, v30;
	v55 =	vand.u32 $0xFFFFFC00, v53  }
0x187: {  	v52 =	vld [tilespmem:s25+$0x0];
	v31 =	vor.u32 v31, v55;
	v29 =	vmul.f32 $1.442695020e+00, v29;
	(erf) = vpow2.f32 v28  }
0x188: {  	v54 =	vld [tilespmem:s25+$0xFFFFFFF0];
	v27 =	vor.u32 v27, v57;
	v38 =	vadd.s32 v18, v31  }
0x189: {  	v59 =	vmul.f32 $1.442695020e+00, v26;
	v32 =	vadd.s32 v18, v27;
	v28 =	vld.idx.msk [tilespmem:v34+s0+$0x0], $0xffff;
	(erf) = vpow2.f32 v29  }
0x18a: {  	v60 =	vand.u32 $0x7F, v56;
	v36 =	vand.u32 $0x7F, v58  }
0x18b: {  	v63 =	vshll.u32 v58, $0x3;
	v29 =	vshll.u32 v56, $0x3;
	v30 =	vld.idx.msk [tilespmem:v30+s0+$0x0], $0xffff;
	(erf) = vpow2.f32 v59  }
0x18c: {  	v37 =	vand.u32 $0xFFFFFC00, v63;
	v26 =	vand.u32 $0x7F, v52;
	v61 =	vand.u32 $0xFFFFFC00, v29  }
0x18d: {  	v27 =	vshll.u32 v52, $0x3;
	v31 =	vand.u32 $0x7F, v54;
	v62 =	vor.u32 v60, v61;
	v29 =	vld.idx.msk [tilespmem:v38+s0+$0x0], $0xffff  }
0x18e: {  	s23 =	simm.s32 $0x8;
	s24 =	simm.s32 $0xB90;
	v34 =	vshll.u32 v54, $0x3;
	v32 =	vld.idx.msk [tilespmem:v32+s0+$0x0], $0xffff;
	v33 =	vadd.s32 v18, v62;
	v35 =	vmul.f32 $1.442695020e+00, v28;
	v28 =	vpop (erf)  }
.LBB2_10:
0x18f: {  	v38 =	vld [tilespmem:s24+$0x0];
	v36 =	vor.u32 v36, v37;
	v34 =	vand.u32 $0xFFFFFC00, v34;
	v25 =	vadd.f32 v28, v25  }
0x190: {  	v40 =	vmul.f32 $1.442695020e+00, v30;
	v28 =	vld [tilespmem:s24+$0xFFFFFFF0];
	v36 =	vadd.s32 v18, v36;
	(erf) = vpow2.f32 v35;
	v35 =	vpop (erf)  }
0x191: {  	s23 =	sadd.s32 $0x4, s23;
	v27 =	vand.u32 $0xFFFFFC00, v27;
	v31 =	vor.u32 v31, v34;
	v37 =	vld [tilespmem:s24+$0xFFFFFFD0];
	v25 =	vadd.f32 v35, v25  }
0x192: {  	p0 =	slt.u32 s23, $0x24;
	v39 =	vadd.s32 v18, v31;
	v31 =	vmul.f32 $1.442695020e+00, v29;
	v35 =	vld [tilespmem:s24+$0xFFFFFFE0];
	(erf) = vpow2.f32 v40;
	v30 =	vpop (erf)  }
0x193: {  	v26 =	vor.u32 v26, v27;
	v40 =	vld.idx.msk [tilespmem:v33+s0+$0x0], $0xffff;
	v25 =	vadd.f32 v30, v25  }
0x194: {  	v41 =	vadd.s32 v18, v26;
	v32 =	vmul.f32 $1.442695020e+00, v32;
	(erf) = vpow2.f32 v31;
	v29 =	vpop (erf)  }
.Ltmp4:
0x195: {  	v26 =	vand.u32 $0x7F, v38;
	v27 =	vshll.u32 v38, $0x3;
	v30 =	vld.idx.msk [tilespmem:v36+s0+$0x0], $0xffff;
	v25 =	vadd.f32 v29, v25;
	(pc) =	sbr.rel @p0 .LBB2_10-.Ltmp4, $4  }
0x196: {  	v31 =	vand.u32 $0x7F, v28;
	v29 =	vshll.u32 v37, $0x3;
	(erf) = vpow2.f32 v32  }
0x197: {  	v34 =	vshll.u32 v28, $0x3;
	v32 =	vand.u32 $0x7F, v37;
	v33 =	vand.u32 $0xFFFFFC00, v29;
	v29 =	vld.idx.msk [tilespmem:v39+s0+$0x0], $0xffff  }
0x198: {  	v36 =	vand.u32 $0x7F, v35;
	v38 =	vor.u32 v32, v33;
	v32 =	vshll.u32 v35, $0x3  }
0x199: {  	s24 =	sadd.s32 $0x40, s24;
	v35 =	vmul.f32 $1.442695020e+00, v40;
	v33 =	vadd.s32 v18, v38;
	v37 =	vand.u32 $0xFFFFFC00, v32;
	v32 =	vld.idx.msk [tilespmem:v41+s0+$0x0], $0xffff;
	v28 =	vpop (erf)  }
0x19a: {  	v36 =	vor.u32 v36, v37;
	v34 =	vand.u32 $0xFFFFFC00, v34  }
0x19b: {  	v36 =	vadd.s32 v18, v36;
	v31 =	vor.u32 v31, v34  }
0x19c: {  	v31 =	vadd.s32 v18, v31  }
0x19d: {  	v27 =	vand.u32 $0xFFFFFC00, v27  }
0x19e: {  	v26 =	vor.u32 v26, v27  }
0x19f: {  	v27 =	vld.idx.msk [tilespmem:v33+s0+$0x0], $0xffff;
	v26 =	vadd.s32 v18, v26  }
0x1a0: {  	v38 =	vld.idx.msk [tilespmem:v36+s0+$0x0], $0xffff  }
0x1a1: {  	v30 =	vmul.f32 $1.442695020e+00, v30;
	v31 =	vld.idx.msk [tilespmem:v31+s0+$0x0], $0xffff  }
0x1a2: {  	(erf) = vpow2.f32 v35;
	v29 =	vmul.f32 $1.442695020e+00, v29  }
0x1a3: {  	v39 =	vld [tilespmem:$0xD20];
	(erf) = vpow2.f32 v30;
	v30 =	vmul.f32 $1.442695020e+00, v32  }
0x1a4: {  	(erf) = vpow2.f32 v29;
	v27 =	vmul.f32 $1.442695020e+00, v27;
	v26 =	vld.idx.msk [tilespmem:v26+s0+$0x0], $0xffff  }
0x1a5: {  	(erf) = vpow2.f32 v30;
	v29 =	vmul.f32 $1.442695020e+00, v38  }
0x1a6: {  	v30 =	vld [tilespmem:$0xD30];
	(erf) = vpow2.f32 v27;
	v27 =	vmul.f32 $1.442695020e+00, v31  }
0x1a7: {  	(erf) = vpow2.f32 v29  }
0x1a8: {  	v31 =	vadd.s32 $0xFFFFD800, v20;
	(erf) = vpow2.f32 v27;
	v27 =	vshll.u32 v39, $0x3  }
0x1a9: {  	v26 =	vmul.f32 $1.442695020e+00, v26;
	vm4 =	vlt.u32 v31, $0xA00;
	v27 =	vand.u32 $0xFFFFFC00, v27  }
0x1aa: {  	v29 =	vand.u32 $0x7F, v39;
	v31 =	vsel vm4, v31, v19  }
0x1ab: {  	v40 =	vpop (erf);
	(erf) = vpow2.f32 v26;
	v26 =	vor.u32 v29, v27;
	v29 =	vshll.u32 v30, $0x3  }
0x1ac: {  	v42 =	vshll.u32 v31, $0x3;
	v30 =	vand.u32 $0x7F, v30;
	v29 =	vand.u32 $0xFFFFFC00, v29;
	v27 =	vpop (erf)  }
0x1ad: {  	v29 =	vor.u32 v30, v29;
	v30 =	vand.u32 $0x7F, v31;
	v31 =	vand.u32 $0xFFFFFC00, v42;
	v41 =	vpop (erf)  }
0x1ae: {  	v30 =	vor.u32 v30, v31;
	v35 =	vpop (erf)  }
0x1af: {  	v25 =	vadd.f32 v28, v25;
	v26 =	vadd.s32 v18, v26;
	v43 =	vpop (erf)  }
0x1b0: {  	v29 =	vadd.s32 v18, v29;
	v31 =	vpop (erf)  }
0x1b1: {  	v25 =	vadd.f32 v40, v25;
	v28 =	vadd.s32 v18, v30;
	v30 =	vpop (erf)  }
0x1b2: {  	v44 =	vpop (erf)  }
0x1b3: {  	v27 =	vadd.f32 v27, v25;
	v45 =	vpop (erf)  }
0x1b4: {  	v26 =	vld.idx.msk [tilespmem:v26+s0+$0x0], $0xffff;
	v46 =	vpop (erf)  }
0x1b5: {  	v27 =	vadd.f32 v41, v27;
	v29 =	vld.idx.msk [tilespmem:v29+s0+$0x0], $0xffff;
	v38 =	vpop (erf)  }
0x1b6: {  	v25 =	vld.idx.msk [tilespmem:v28+s0+$0x0], $0xffff;
	_ =	swait.ge [sflag:s1], $0xA000  }
0x1b7: {  	v27 =	vadd.f32 v35, v27;
	[sflag:s1] =	ssyncset.done $0x0  }
0x1b8: {  	[sflag:s1] =	ssyncadd.s32 $0xFFFF6000  }
0x1b9: {  	v27 =	vadd.f32 v43, v27;
	[tilespmem:s0], [sflag:$0x1] =	stream.linear.gather [hbm4b:s11+s2], $0x5000, $0x38;
	[tilespmem:$0x19A80] =	vst v63  }
0x1ba: {  	s6 =	sadd.s32 $0x18700, s11;
	s23 =	simm.s32 $0xD70  }
0x1bb: {  	v27 =	vadd.f32 v31, v27;
	[tilespmem:s30], [sflag:$0x1] =	stream.linear.gather [hbm4b:s6+s2], $0x5000, $0x38;
	[tilespmem:$0x19A80] =	vst v63  }
0x1bc: {  	v28 =	vld [tilespmem:s23+$0xFFFFFFD0]  }
0x1bd: {  	v26 =	vmul.f32 $1.442695020e+00, v26;
	v27 =	vadd.f32 v30, v27;
	v30 =	vld [tilespmem:s23+$0x0]  }
0x1be: {  	v31 =	vld [tilespmem:s23+$0xFFFFFFE0]  }
0x1bf: {  	(erf) = vpow2.f32 v26;
	v26 =	vmul.f32 $1.442695020e+00, v29  }
0x1c0: {  	v29 =	vld [tilespmem:s23+$0xFFFFFFF0]  }
0x1c1: {  	(erf) = vpow2.f32 v26;
	v47 =	vshll.u32 v28, $0x3  }
0x1c2: {  	v26 =	vand.u32 $0x7F, v28;
	v48 =	vand.u32 $0x7F, v30;
	v28 =	vand.u32 $0xFFFFFC00, v47  }
0x1c3: {  	v26 =	vor.u32 v26, v28;
	v28 =	vshll.u32 v30, $0x3;
	v30 =	vshll.u32 v31, $0x3  }
0x1c4: {  	s24 =	simm.s32 $0xDB0;
	v31 =	vand.u32 $0x7F, v31;
	v26 =	vadd.s32 v18, v26;
	v30 =	vand.u32 $0xFFFFFC00, v30  }
0x1c5: {  	v27 =	vadd.f32 v44, v27;
	v51 =	vld [tilespmem:s24+$0xFFFFFFD0];
	v49 =	vshll.u32 v29, $0x3;
	v30 =	vor.u32 v31, v30  }
0x1c6: {  	v50 =	vld [tilespmem:s24+$0x0];
	v29 =	vand.u32 $0x7F, v29;
	v31 =	vand.u32 $0xFFFFFC00, v49;
	v30 =	vadd.s32 v18, v30  }
0x1c7: {  	v27 =	vadd.f32 v45, v27;
	v54 =	vld [tilespmem:s24+$0xFFFFFFF0];
	v28 =	vand.u32 $0xFFFFFC00, v28;
	v29 =	vor.u32 v29, v31  }
0x1c8: {  	v28 =	vor.u32 v48, v28;
	v31 =	vld [tilespmem:s24+$0xFFFFFFE0];
	v29 =	vadd.s32 v18, v29  }
0x1c9: {  	v27 =	vadd.f32 v46, v27;
	v28 =	vadd.s32 v18, v28;
	v53 =	vld.idx.msk [tilespmem:v26+s29+$0x0], $0xffff  }
0x1ca: {  	v55 =	vshll.u32 v51, $0x3  }
0x1cb: {  	v27 =	vadd.f32 v38, v27;
	v33 =	vand.u32 $0x7F, v51;
	v36 =	vand.u32 $0xFFFFFC00, v55;
	v30 =	vld.idx.msk [tilespmem:v30+s29+$0x0], $0xffff  }
0x1cc: {  	v34 =	vshll.u32 v50, $0x3;
	v58 =	vshll.u32 v54, $0x3;
	v33 =	vor.u32 v33, v36  }
0x1cd: {  	v32 =	vand.u32 $0x7F, v54;
	v33 =	vadd.s32 v18, v33;
	v56 =	vshll.u32 v31, $0x3;
	v29 =	vld.idx.msk [tilespmem:v29+s29+$0x0], $0xffff  }
0x1ce: {  	s25 =	simm.s32 $0xDF0;
	v52 =	vpop (erf);
	v28 =	vld.idx.msk [tilespmem:v28+s29+$0x0], $0xffff;
	v31 =	vand.u32 $0x7F, v31;
	v36 =	vand.u32 $0xFFFFFC00, v56;
	v35 =	vmul.f32 $1.442695020e+00, v53  }
0x1cf: {  	v61 =	vld [tilespmem:s25+$0xFFFFFFD0];
	v60 =	vand.u32 $0xFFFFFC00, v58;
	v26 =	vadd.f32 v52, v27;
	v31 =	vor.u32 v31, v36  }
0x1d0: {  	v57 =	vld [tilespmem:s25+$0x0];
	v27 =	vpop (erf);
	v31 =	vadd.s32 v18, v31;
	(erf) = vpow2.f32 v35;
	v30 =	vmul.f32 $1.442695020e+00, v30  }
0x1d1: {  	v39 =	vld [tilespmem:s25+$0xFFFFFFE0];
	v34 =	vand.u32 $0xFFFFFC00, v34;
	v32 =	vor.u32 v32, v60;
	v26 =	vadd.f32 v27, v26  }
0x1d2: {  	v59 =	vld [tilespmem:s25+$0xFFFFFFF0];
	v27 =	vand.u32 $0x7F, v50;
	v29 =	vmul.f32 $1.442695020e+00, v29;
	(erf) = vpow2.f32 v30  }
0x1d3: {  	v40 =	vadd.s32 v18, v32;
	v33 =	vld.idx.msk [tilespmem:v33+s29+$0x0], $0xffff;
	v27 =	vor.u32 v27, v34;
	v30 =	vmul.f32 $1.442695020e+00, v28  }
0x1d4: {  	v41 =	vadd.s32 v18, v27;
	(erf) = vpow2.f32 v29;
	v29 =	vshll.u32 v61, $0x3  }
0x1d5: {  	(erf) = vpow2.f32 v30;
	v30 =	vld.idx.msk [tilespmem:v31+s29+$0x0], $0xffff;
	v31 =	vand.u32 $0x7F, v61;
	v62 =	vand.u32 $0xFFFFFC00, v29  }
0x1d6: {  	v63 =	vshll.u32 v39, $0x3;
	v31 =	vor.u32 v31, v62  }
0x1d7: {  	v37 =	vand.u32 $0x7F, v39;
	v38 =	vand.u32 $0xFFFFFC00, v63  }
0x1d8: {  	v32 =	vand.u32 $0x7F, v59;
	v27 =	vand.u32 $0x7F, v57;
	v36 =	vmul.f32 $1.442695020e+00, v33;
	v29 =	vld.idx.msk [tilespmem:v40+s29+$0x0], $0xffff  }
0x1d9: {  	s23 =	simm.s32 $0x8;
	s24 =	simm.s32 $0xE30;
	v35 =	vshll.u32 v59, $0x3;
	v28 =	vshll.u32 v57, $0x3;
	v33 =	vld.idx.msk [tilespmem:v41+s29+$0x0], $0xffff;
	v34 =	vadd.s32 v18, v31;
	v31 =	vpop (erf)  }
.LBB2_12:
0x1da: {  	v39 =	vld [tilespmem:s24+$0x0];
	v37 =	vor.u32 v37, v38;
	v35 =	vand.u32 $0xFFFFFC00, v35;
	v26 =	vadd.f32 v31, v26  }
0x1db: {  	v41 =	vmul.f32 $1.442695020e+00, v30;
	v31 =	vld [tilespmem:s24+$0xFFFFFFF0];
	v37 =	vadd.s32 v18, v37;
	(erf) = vpow2.f32 v36;
	v36 =	vpop (erf)  }
0x1dc: {  	s23 =	sadd.s32 $0x4, s23;
	v28 =	vand.u32 $0xFFFFFC00, v28;
	v32 =	vor.u32 v32, v35;
	v38 =	vld [tilespmem:s24+$0xFFFFFFD0];
	v26 =	vadd.f32 v36, v26  }
0x1dd: {  	p0 =	slt.u32 s23, $0x24;
	v40 =	vadd.s32 v18, v32;
	v32 =	vmul.f32 $1.442695020e+00, v29;
	v36 =	vld [tilespmem:s24+$0xFFFFFFE0];
	(erf) = vpow2.f32 v41;
	v30 =	vpop (erf)  }
0x1de: {  	v27 =	vor.u32 v27, v28;
	v41 =	vld.idx.msk [tilespmem:v34+s29+$0x0], $0xffff;
	v26 =	vadd.f32 v30, v26  }
0x1df: {  	v42 =	vadd.s32 v18, v27;
	v33 =	vmul.f32 $1.442695020e+00, v33;
	(erf) = vpow2.f32 v32;
	v29 =	vpop (erf)  }
.Ltmp5:
0x1e0: {  	v27 =	vand.u32 $0x7F, v39;
	v28 =	vshll.u32 v39, $0x3;
	v30 =	vld.idx.msk [tilespmem:v37+s29+$0x0], $0xffff;
	v26 =	vadd.f32 v29, v26;
	(pc) =	sbr.rel @p0 .LBB2_12-.Ltmp5, $4  }
0x1e1: {  	v32 =	vand.u32 $0x7F, v31;
	v29 =	vshll.u32 v38, $0x3;
	(erf) = vpow2.f32 v33  }
0x1e2: {  	v35 =	vshll.u32 v31, $0x3;
	v33 =	vand.u32 $0x7F, v38;
	v34 =	vand.u32 $0xFFFFFC00, v29;
	v29 =	vld.idx.msk [tilespmem:v40+s29+$0x0], $0xffff  }
0x1e3: {  	v37 =	vand.u32 $0x7F, v36;
	v39 =	vor.u32 v33, v34;
	v33 =	vshll.u32 v36, $0x3  }
0x1e4: {  	s24 =	sadd.s32 $0x40, s24;
	v36 =	vmul.f32 $1.442695020e+00, v41;
	v34 =	vadd.s32 v18, v39;
	v38 =	vand.u32 $0xFFFFFC00, v33;
	v33 =	vld.idx.msk [tilespmem:v42+s29+$0x0], $0xffff;
	v31 =	vpop (erf)  }
0x1e5: {  	v37 =	vor.u32 v37, v38;
	v35 =	vand.u32 $0xFFFFFC00, v35  }
0x1e6: {  	v37 =	vadd.s32 v18, v37;
	v32 =	vor.u32 v32, v35  }
0x1e7: {  	v28 =	vand.u32 $0xFFFFFC00, v28;
	v32 =	vadd.s32 v18, v32  }
0x1e8: {  	v27 =	vor.u32 v27, v28  }
0x1e9: {  	v28 =	vld.idx.msk [tilespmem:v34+s29+$0x0], $0xffff;
	v27 =	vadd.s32 v18, v27;
	_ =	sdelay $0x1  }
0x1ea: {  	v30 =	vmul.f32 $1.442695020e+00, v30;
	v59 =	vld.idx.msk [tilespmem:v37+s29+$0x0], $0xffff  }
0x1eb: {  	(erf) = vpow2.f32 v36;
	v29 =	vmul.f32 $1.442695020e+00, v29;
	v32 =	vld.idx.msk [tilespmem:v32+s29+$0x0], $0xffff  }
0x1ec: {  	(erf) = vpow2.f32 v30;
	v30 =	vmul.f32 $1.442695020e+00, v33  }
0x1ed: {  	(erf) = vpow2.f32 v29;
	v28 =	vmul.f32 $1.442695020e+00, v28;
	v27 =	vld.idx.msk [tilespmem:v27+s29+$0x0], $0xffff  }
0x1ee: {  	(erf) = vpow2.f32 v30  }
0x1ef: {  	v29 =	vld [tilespmem:$0xFC0];
	(erf) = vpow2.f32 v28  }
0x1f0: {  	v30 =	vmul.f32 $1.442695020e+00, v59;
	v28 =	vmul.f32 $1.442695020e+00, v32;
	_ =	sdelay $0x1  }
0x1f1: {  	v27 =	vmul.f32 $1.442695020e+00, v27;
	(erf) = vpow2.f32 v30;
	v30 =	vadd.s32 $0xFFFFCE00, v20  }
0x1f2: {  	v60 =	vpop (erf);
	(erf) = vpow2.f32 v28;
	vm5 =	vlt.u32 v30, $0xA00  }
0x1f3: {  	v30 =	vsel vm5, v30, v19;
	v28 =	vpop (erf);
	(erf) = vpow2.f32 v27;
	v27 =	vshll.u32 v29, $0x3  }
0x1f4: {  	v29 =	vand.u32 $0x7F, v29;
	v62 =	vshll.u32 v30, $0x3;
	v27 =	vand.u32 $0xFFFFFC00, v27  }
0x1f5: {  	v61 =	vpop (erf);
	v27 =	vor.u32 v29, v27;
	v29 =	vand.u32 $0x7F, v30;
	v30 =	vand.u32 $0xFFFFFC00, v62  }
0x1f6: {  	v63 =	vpop (erf)  }
0x1f7: {  	v42 =	vpop (erf)  }
0x1f8: {  	v27 =	vadd.s32 v18, v27;
	v29 =	vor.u32 v29, v30;
	v30 =	vpop (erf)  }
0x1f9: {  	v26 =	vadd.f32 v31, v26;
	v29 =	vadd.s32 v18, v29;
	v43 =	vpop (erf)  }
0x1fa: {  	v31 =	vpop (erf)  }
0x1fb: {  	v32 =	vadd.f32 v60, v26;
	v44 =	vpop (erf)  }
0x1fc: {  	v45 =	vpop (erf)  }
0x1fd: {  	v28 =	vadd.f32 v28, v32;
	v27 =	vld.idx.msk [tilespmem:v27+s29+$0x0], $0xffff;
	v39 =	vpop (erf)  }
0x1fe: {  	v26 =	vld.idx.msk [tilespmem:v29+s29+$0x0], $0xffff;
	_ =	swait.ge [sflag:s1], $0xA000  }
0x1ff: {  	v28 =	vadd.f32 v61, v28;
	[sflag:s1] =	ssyncset.done $0x0  }
0x200: {  	s6 =	simm.s32 $0x0;
	[sflag:s1] =	ssyncadd.s32 $0xFFFF6000  }
0x201: {  	v28 =	vadd.f32 v63, v28;
	[tilespmem:s29], [sflag:$0x1] =	stream.linear.gather [hbm4b:s12+s6], $0x5000, $0x38;
	[tilespmem:$0x19A80] =	vst v63  }
0x202: {  	s23 =	sadd.s32 $0x18700, s12;
	s24 =	simm.s32 $0xFF0  }
0x203: {  	v28 =	vadd.f32 v42, v28;
	[tilespmem:s4], [sflag:$0x1] =	stream.linear.gather [hbm4b:s23+s6], $0x5000, $0x38;
	[tilespmem:$0x19A80] =	vst v63  }
0x204: {  	v29 =	vld [tilespmem:s24+$0xFFFFFFE0]  }
0x205: {  	v28 =	vadd.f32 v30, v28;
	v30 =	vld [tilespmem:s24+$0x0]  }
0x206: {  	v46 =	vld [tilespmem:s24+$0xFFFFFFF0]  }
0x207: {  	v28 =	vadd.f32 v43, v28;
	v27 =	vmul.f32 $1.442695020e+00, v27;
	_ =	sdelay $0x1  }
0x208: {  	v28 =	vadd.f32 v31, v28;
	(erf) = vpow2.f32 v27;
	s6 =	sand.u32 $0x3C0, s6;
	v31 =	vshll.u32 v29, $0x3  }
0x209: {  	v47 =	vld [tilespmem:s6+$0x1000];
	v27 =	vand.u32 $0x7F, v29;
	v29 =	vand.u32 $0xFFFFFC00, v31;
	v31 =	vand.u32 $0x7F, v30  }
0x20a: {  	s25 =	simm.s32 $0x1030;
	v27 =	vor.u32 v27, v29;
	v29 =	vshll.u32 v30, $0x3;
	v30 =	vshll.u32 v46, $0x3  }
0x20b: {  	v49 =	vld [tilespmem:s25+$0x0];
	v32 =	vand.u32 $0x7F, v46;
	v27 =	vadd.s32 v18, v27;
	v30 =	vand.u32 $0xFFFFFC00, v30  }
0x20c: {  	s23 =	simm.s32 $0x40;
	v50 =	vld [tilespmem:s25+$0xFFFFFFE0];
	v30 =	vor.u32 v32, v30  }
0x20d: {  	v51 =	vld [tilespmem:s25+$0xFFFFFFF0];
	s6 =	sand.u32 $0x3C0, s23;
	v29 =	vand.u32 $0xFFFFFC00, v29;
	v30 =	vadd.s32 v18, v30  }
0x20e: {  	v28 =	vadd.f32 v44, v28;
	v53 =	vld [tilespmem:s6+$0x1000];
	v33 =	vshll.u32 v47, $0x3;
	v29 =	vor.u32 v31, v29  }
0x20f: {  	v48 =	vand.u32 $0x7F, v47;
	v31 =	vand.u32 $0xFFFFFC00, v33;
	v29 =	vadd.s32 v18, v29  }
0x210: {  	v31 =	vor.u32 v48, v31;
	v52 =	vld.idx.msk [tilespmem:v27+s0+$0x0], $0xffff  }
0x211: {  	v28 =	vadd.f32 v45, v28;
	v54 =	vshll.u32 v50, $0x3;
	v31 =	vadd.s32 v18, v31  }
0x212: {  	v35 =	vshll.u32 v49, $0x3;
	v55 =	vshll.u32 v51, $0x3;
	v37 =	vand.u32 $0xFFFFFC00, v54;
	v30 =	vld.idx.msk [tilespmem:v30+s0+$0x0], $0xffff  }
0x213: {  	v56 =	vand.u32 $0xFFFFFC00, v55;
	v58 =	vand.u32 $0x7F, v53;
	v35 =	vand.u32 $0xFFFFFC00, v35  }
0x214: {  	s24 =	simm.s32 $0x1070;
	v32 =	vand.u32 $0x7F, v50;
	v33 =	vand.u32 $0x7F, v51;
	v27 =	vadd.f32 v39, v28;
	v29 =	vld.idx.msk [tilespmem:v29+s0+$0x0], $0xffff  }
0x215: {  	v59 =	vld [tilespmem:s24+$0xFFFFFFF0];
	v32 =	vor.u32 v32, v37;
	v33 =	vor.u32 v33, v56;
	v28 =	vpop (erf);
	v34 =	vmul.f32 $1.442695020e+00, v52  }
0x216: {  	v32 =	vadd.s32 v18, v32;
	v27 =	vadd.f32 v28, v27;
	v28 =	vand.u32 $0x7F, v49;
	v31 =	vld.idx.msk [tilespmem:v31+s0+$0x0], $0xffff  }
0x217: {  	s23 =	simm.s32 $0x80;
	v40 =	vld [tilespmem:s24+$0xFFFFFFE0];
	v28 =	vor.u32 v28, v35;
	(erf) = vpow2.f32 v34;
	v30 =	vmul.f32 $1.442695020e+00, v30  }
0x218: {  	s25 =	sand.u32 $0x3C0, s23;
	v60 =	vshll.u32 v53, $0x3;
	v33 =	vadd.s32 v18, v33;
	v42 =	vadd.s32 v18, v28  }
0x219: {  	v41 =	vld [tilespmem:s25+$0x1000];
	v34 =	vand.u32 $0xFFFFFC00, v60;
	v28 =	vmul.f32 $1.442695020e+00, v29;
	(erf) = vpow2.f32 v30  }
0x21a: {  	v57 =	vld [tilespmem:s24+$0x0];
	v29 =	vor.u32 v58, v34  }
0x21b: {  	v30 =	vld.idx.msk [tilespmem:v32+s0+$0x0], $0xffff;
	v43 =	vadd.s32 v18, v29;
	v29 =	vmul.f32 $1.442695020e+00, v31;
	(erf) = vpow2.f32 v28  }
0x21c: {  	v61 =	vshll.u32 v40, $0x3;
	v36 =	vand.u32 $0x7F, v59  }
0x21d: {  	v62 =	vand.u32 $0x7F, v40;
	v63 =	vshll.u32 v59, $0x3;
	v31 =	vld.idx.msk [tilespmem:v33+s0+$0x0], $0xffff;
	(erf) = vpow2.f32 v29  }
0x21e: {  	v37 =	vshll.u32 v41, $0x3;
	v39 =	vand.u32 $0xFFFFFC00, v63;
	v32 =	vand.u32 $0xFFFFFC00, v61  }
0x21f: {  	v35 =	vshll.u32 v57, $0x3;
	v28 =	vand.u32 $0x7F, v57;
	v33 =	vor.u32 v62, v32;
	v29 =	vld.idx.msk [tilespmem:v42+s0+$0x0], $0xffff  }
0x220: {  	s24 =	simm.s32 $0x8;
	s25 =	simm.s32 $0x10B0;
	v32 =	vand.u32 $0x7F, v41;
	v34 =	vadd.s32 v18, v33;
	v38 =	vmul.f32 $1.442695020e+00, v30;
	v33 =	vld.idx.msk [tilespmem:v43+s0+$0x0], $0xffff;
	v30 =	vpop (erf)  }
.LBB2_14:
0x221: {  	v40 =	vld [tilespmem:s25+$0x0];
	v36 =	vor.u32 v36, v39;
	v35 =	vand.u32 $0xFFFFFC00, v35;
	v27 =	vadd.f32 v30, v27  }
0x222: {  	s23 =	sadd.s32 $0x40, s23;
	v31 =	vmul.f32 $1.442695020e+00, v31;
	v30 =	vld [tilespmem:s25+$0xFFFFFFF0];
	v36 =	vadd.s32 v18, v36;
	(erf) = vpow2.f32 v38;
	v38 =	vpop (erf)  }
0x223: {  	s24 =	sadd.s32 $0x4, s24;
	s6 =	sand.u32 $0x3C0, s23;
	v28 =	vor.u32 v28, v35;
	v35 =	vand.u32 $0xFFFFFC00, v37;
	v39 =	vld [tilespmem:s25+$0xFFFFFFE0];
	v27 =	vadd.f32 v38, v27  }
0x224: {  	p0 =	slt.u32 s24, $0x28;
	v38 =	vadd.s32 v18, v28;
	v28 =	vmul.f32 $1.442695020e+00, v29;
	v37 =	vld [tilespmem:s6+$0x1000];
	(erf) = vpow2.f32 v31;
	v29 =	vpop (erf)  }
0x225: {  	v31 =	vor.u32 v32, v35;
	v41 =	vld.idx.msk [tilespmem:v34+s0+$0x0], $0xffff;
	v27 =	vadd.f32 v29, v27  }
0x226: {  	v42 =	vadd.s32 v18, v31;
	v29 =	vmul.f32 $1.442695020e+00, v33;
	(erf) = vpow2.f32 v28;
	v32 =	vpop (erf)  }
.Ltmp6:
0x227: {  	v28 =	vand.u32 $0x7F, v40;
	v35 =	vshll.u32 v40, $0x3;
	v31 =	vld.idx.msk [tilespmem:v36+s0+$0x0], $0xffff;
	v27 =	vadd.f32 v32, v27;
	(pc) =	sbr.rel @p0 .LBB2_14-.Ltmp6, $4  }
0x228: {  	v36 =	vand.u32 $0x7F, v30;
	v32 =	vshll.u32 v39, $0x3;
	(erf) = vpow2.f32 v29  }
0x229: {  	v40 =	vshll.u32 v30, $0x3;
	v33 =	vand.u32 $0x7F, v39;
	v32 =	vand.u32 $0xFFFFFC00, v32;
	v29 =	vld.idx.msk [tilespmem:v38+s0+$0x0], $0xffff  }
0x22a: {  	v33 =	vor.u32 v33, v32;
	v32 =	vand.u32 $0x7F, v37;
	v37 =	vshll.u32 v37, $0x3  }
0x22b: {  	s25 =	sadd.s32 $0x40, s25;
	v39 =	vand.u32 $0xFFFFFC00, v40;
	v38 =	vmul.f32 $1.442695020e+00, v41;
	v34 =	vadd.s32 v18, v33;
	v33 =	vld.idx.msk [tilespmem:v42+s0+$0x0], $0xffff;
	v30 =	vpop (erf)  }
0x22c: {  	v36 =	vor.u32 v36, v39  }
0x22d: {  	v46 =	vand.u32 $0xFFFFFC00, v37;
	v36 =	vadd.s32 v18, v36  }
0x22e: {  	v35 =	vand.u32 $0xFFFFFC00, v35;
	v32 =	vor.u32 v32, v46  }
0x22f: {  	v28 =	vor.u32 v28, v35;
	v32 =	vadd.s32 v18, v32  }
0x230: {  	v28 =	vadd.s32 v18, v28  }
0x231: {  	v34 =	vld.idx.msk [tilespmem:v34+s0+$0x0], $0xffff  }
0x232: {  	v47 =	vld.idx.msk [tilespmem:v36+s0+$0x0], $0xffff  }
0x233: {  	v31 =	vmul.f32 $1.442695020e+00, v31  }
0x234: {  	(erf) = vpow2.f32 v38;
	v29 =	vmul.f32 $1.442695020e+00, v29;
	v32 =	vld.idx.msk [tilespmem:v32+s0+$0x0], $0xffff  }
0x235: {  	(erf) = vpow2.f32 v31;
	v31 =	vmul.f32 $1.442695020e+00, v33;
	v28 =	vld.idx.msk [tilespmem:v28+s0+$0x0], $0xffff  }
0x236: {  	(erf) = vpow2.f32 v29;
	v29 =	vmul.f32 $1.442695020e+00, v34  }
0x237: {  	v48 =	vld [tilespmem:$0x1290];
	(erf) = vpow2.f32 v31;
	v31 =	vmul.f32 $1.442695020e+00, v47  }
0x238: {  	(erf) = vpow2.f32 v29;
	v29 =	vld [tilespmem:$0x12A0]  }
0x239: {  	(erf) = vpow2.f32 v31;
	v31 =	vmul.f32 $1.442695020e+00, v32  }
0x23a: {  	v50 =	vadd.s32 $0xFFFFC400, v20;
	v28 =	vmul.f32 $1.442695020e+00, v28  }
0x23b: {  	vm6 =	vlt.u32 v50, $0xA00  }
0x23c: {  	v51 =	vpop (erf);
	v33 =	vsel vm6, v50, v19;
	v49 =	vand.u32 $0x7F, v48;
	(erf) = vpow2.f32 v28  }
0x23d: {  	v54 =	vshll.u32 v33, $0x3;
	v52 =	vshll.u32 v29, $0x3;
	(erf) = vpow2.f32 v31;
	v31 =	vpop (erf)  }
0x23e: {  	v56 =	vand.u32 $0x7F, v33;
	v29 =	vand.u32 $0x7F, v29;
	v32 =	vand.u32 $0xFFFFFC00, v52;
	v53 =	vpop (erf)  }
0x23f: {  	v57 =	vand.u32 $0xFFFFFC00, v54;
	v28 =	vshll.u32 v48, $0x3;
	v29 =	vor.u32 v29, v32;
	v55 =	vpop (erf)  }
0x240: {  	v32 =	vor.u32 v56, v57;
	v28 =	vand.u32 $0xFFFFFC00, v28;
	v29 =	vadd.s32 v18, v29;
	v58 =	vpop (erf)  }
0x241: {  	v27 =	vadd.f32 v30, v27;
	v30 =	vadd.s32 v18, v32;
	v28 =	vor.u32 v49, v28;
	v59 =	vpop (erf)  }
0x242: {  	v28 =	vadd.s32 v18, v28;
	v60 =	vpop (erf)  }
0x243: {  	v61 =	vpop (erf)  }
0x244: {  	v27 =	vadd.f32 v51, v27;
	v62 =	vpop (erf)  }
0x245: {  	v29 =	vld.idx.msk [tilespmem:v29+s0+$0x0], $0xffff;
	v63 =	vpop (erf)  }
0x246: {  	v31 =	vadd.f32 v31, v27;
	v27 =	vld.idx.msk [tilespmem:v30+s0+$0x0], $0xffff;
	v40 =	vpop (erf)  }
0x247: {  	v28 =	vld.idx.msk [tilespmem:v28+s0+$0x0], $0xffff;
	_ =	swait.ge [sflag:s1], $0xA000  }
0x248: {  	v30 =	vadd.f32 v53, v31;
	[sflag:s1] =	ssyncset.done $0x0  }
0x249: {  	[sflag:s1] =	ssyncadd.s32 $0xFFFF6000  }
0x24a: {  	v30 =	vadd.f32 v55, v30;
	[tilespmem:s0], [sflag:$0x1] =	stream.linear.gather [hbm4b:s13+s2], $0x5000, $0x38;
	[tilespmem:$0x19A80] =	vst v63  }
0x24b: {  	s6 =	sadd.s32 $0x18700, s13;
	s23 =	simm.s32 $0x12E0  }
0x24c: {  	v30 =	vadd.f32 v58, v30;
	[tilespmem:s30], [sflag:$0x1] =	stream.linear.gather [hbm4b:s6+s2], $0x5000, $0x38;
	[tilespmem:$0x19A80] =	vst v63  }
0x24d: {  	v31 =	vld [tilespmem:s23+$0xFFFFFFD0]  }
0x24e: {  	v30 =	vadd.f32 v59, v30  }
0x24f: {  	v28 =	vmul.f32 $1.442695020e+00, v28;
	v42 =	vld [tilespmem:s23+$0xFFFFFFE0]  }
0x250: {  	v30 =	vadd.f32 v60, v30  }
0x251: {  	(erf) = vpow2.f32 v28;
	v28 =	vmul.f32 $1.442695020e+00, v29;
	v29 =	vld [tilespmem:s23+$0xFFFFFFF0]  }
0x252: {  	v30 =	vadd.f32 v61, v30;
	v41 =	vld [tilespmem:s23+$0x0];
	v43 =	vshll.u32 v31, $0x3  }
0x253: {  	(erf) = vpow2.f32 v28;
	v28 =	vand.u32 $0x7F, v31;
	v31 =	vand.u32 $0xFFFFFC00, v43  }
0x254: {  	s24 =	simm.s32 $0x1320;
	v30 =	vadd.f32 v62, v30;
	v45 =	vshll.u32 v42, $0x3;
	v28 =	vor.u32 v28, v31  }
0x255: {  	v47 =	vld [tilespmem:s24+$0x0];
	v33 =	vand.u32 $0x7F, v42;
	v32 =	vand.u32 $0xFFFFFC00, v45;
	v28 =	vadd.s32 v18, v28  }
0x256: {  	v49 =	vld [tilespmem:s24+$0xFFFFFFD0];
	v46 =	vshll.u32 v29, $0x3;
	v29 =	vand.u32 $0x7F, v29;
	v32 =	vor.u32 v33, v32  }
0x257: {  	v50 =	vld [tilespmem:s24+$0xFFFFFFE0];
	v48 =	vand.u32 $0xFFFFFC00, v46;
	v31 =	vshll.u32 v41, $0x3;
	v32 =	vadd.s32 v18, v32  }
0x258: {  	v53 =	vld [tilespmem:s24+$0xFFFFFFF0];
	v44 =	vand.u32 $0x7F, v41;
	v29 =	vor.u32 v29, v48;
	v31 =	vand.u32 $0xFFFFFC00, v31  }
0x259: {  	v30 =	vadd.f32 v63, v30;
	v29 =	vadd.s32 v18, v29;
	v31 =	vor.u32 v44, v31  }
0x25a: {  	v31 =	vadd.s32 v18, v31;
	v52 =	vld.idx.msk [tilespmem:v28+s29+$0x0], $0xffff  }
0x25b: {  	v30 =	vadd.f32 v40, v30  }
0x25c: {  	v54 =	vshll.u32 v49, $0x3;
	v36 =	vshll.u32 v47, $0x3;
	v35 =	vand.u32 $0x7F, v49;
	v32 =	vld.idx.msk [tilespmem:v32+s29+$0x0], $0xffff  }
0x25d: {  	v55 =	vshll.u32 v50, $0x3;
	v57 =	vshll.u32 v53, $0x3;
	v38 =	vand.u32 $0xFFFFFC00, v54  }
0x25e: {  	v34 =	vand.u32 $0x7F, v53;
	v59 =	vand.u32 $0xFFFFFC00, v57;
	v35 =	vor.u32 v35, v38;
	v29 =	vld.idx.msk [tilespmem:v29+s29+$0x0], $0xffff  }
0x25f: {  	s25 =	simm.s32 $0x1360;
	v51 =	vpop (erf);
	v36 =	vand.u32 $0xFFFFFC00, v36;
	v35 =	vadd.s32 v18, v35;
	v31 =	vld.idx.msk [tilespmem:v31+s29+$0x0], $0xffff;
	v37 =	vmul.f32 $1.442695020e+00, v52  }
0x260: {  	v60 =	vld [tilespmem:s25+$0xFFFFFFD0];
	v33 =	vand.u32 $0x7F, v50;
	v38 =	vand.u32 $0xFFFFFC00, v55;
	v28 =	vadd.f32 v51, v30  }
0x261: {  	v56 =	vld [tilespmem:s25+$0x0];
	v33 =	vor.u32 v33, v38;
	v30 =	vpop (erf);
	v32 =	vmul.f32 $1.442695020e+00, v32;
	(erf) = vpow2.f32 v37  }
0x262: {  	v58 =	vld [tilespmem:s25+$0xFFFFFFF0];
	v34 =	vor.u32 v34, v59;
	v33 =	vadd.s32 v18, v33;
	v28 =	vadd.f32 v30, v28  }
0x263: {  	v41 =	vld [tilespmem:s25+$0xFFFFFFE0];
	v30 =	vand.u32 $0x7F, v47;
	v29 =	vmul.f32 $1.442695020e+00, v29;
	(erf) = vpow2.f32 v32  }
0x264: {  	v42 =	vadd.s32 v18, v34;
	v35 =	vld.idx.msk [tilespmem:v35+s29+$0x0], $0xffff;
	v30 =	vor.u32 v30, v36;
	v31 =	vmul.f32 $1.442695020e+00, v31  }
0x265: {  	v61 =	vshll.u32 v60, $0x3;
	v43 =	vadd.s32 v18, v30;
	(erf) = vpow2.f32 v29  }
0x266: {  	v62 =	vand.u32 $0xFFFFFC00, v61;
	(erf) = vpow2.f32 v31;
	v31 =	vand.u32 $0x7F, v60  }
0x267: {  	v33 =	vld.idx.msk [tilespmem:v33+s29+$0x0], $0xffff;
	v31 =	vor.u32 v31, v62  }
0x268: {  	v34 =	vand.u32 $0x7F, v58;
	v39 =	vand.u32 $0x7F, v41;
	v63 =	vshll.u32 v41, $0x3  }
0x269: {  	v40 =	vand.u32 $0xFFFFFC00, v63;
	v30 =	vshll.u32 v56, $0x3;
	v38 =	vmul.f32 $1.442695020e+00, v35;
	v32 =	vld.idx.msk [tilespmem:v42+s29+$0x0], $0xffff  }
0x26a: {  	s23 =	simm.s32 $0x8;
	s24 =	simm.s32 $0x13A0;
	v37 =	vshll.u32 v58, $0x3;
	v29 =	vand.u32 $0x7F, v56;
	v35 =	vld.idx.msk [tilespmem:v43+s29+$0x0], $0xffff;
	v36 =	vadd.s32 v18, v31;
	v31 =	vpop (erf)  }
.LBB2_16:
0x26b: {  	v41 =	vld [tilespmem:s24+$0x0];
	v39 =	vor.u32 v39, v40;
	v37 =	vand.u32 $0xFFFFFC00, v37;
	v28 =	vadd.f32 v31, v28  }
0x26c: {  	v43 =	vmul.f32 $1.442695020e+00, v33;
	v31 =	vld [tilespmem:s24+$0xFFFFFFF0];
	v39 =	vadd.s32 v18, v39;
	(erf) = vpow2.f32 v38;
	v38 =	vpop (erf)  }
0x26d: {  	s23 =	sadd.s32 $0x4, s23;
	v30 =	vand.u32 $0xFFFFFC00, v30;
	v34 =	vor.u32 v34, v37;
	v40 =	vld [tilespmem:s24+$0xFFFFFFD0];
	v28 =	vadd.f32 v38, v28  }
0x26e: {  	p0 =	slt.u32 s23, $0x24;
	v42 =	vadd.s32 v18, v34;
	v34 =	vmul.f32 $1.442695020e+00, v32;
	v38 =	vld [tilespmem:s24+$0xFFFFFFE0];
	(erf) = vpow2.f32 v43;
	v33 =	vpop (erf)  }
0x26f: {  	v29 =	vor.u32 v29, v30;
	v43 =	vld.idx.msk [tilespmem:v36+s29+$0x0], $0xffff;
	v28 =	vadd.f32 v33, v28  }
0x270: {  	v44 =	vadd.s32 v18, v29;
	v35 =	vmul.f32 $1.442695020e+00, v35;
	(erf) = vpow2.f32 v34;
	v32 =	vpop (erf)  }
.Ltmp7:
0x271: {  	v29 =	vand.u32 $0x7F, v41;
	v30 =	vshll.u32 v41, $0x3;
	v33 =	vld.idx.msk [tilespmem:v39+s29+$0x0], $0xffff;
	v28 =	vadd.f32 v32, v28;
	(pc) =	sbr.rel @p0 .LBB2_16-.Ltmp7, $4  }
0x272: {  	v34 =	vand.u32 $0x7F, v31;
	v32 =	vshll.u32 v40, $0x3;
	(erf) = vpow2.f32 v35  }
0x273: {  	v37 =	vshll.u32 v31, $0x3;
	v35 =	vand.u32 $0x7F, v40;
	v36 =	vand.u32 $0xFFFFFC00, v32;
	v32 =	vld.idx.msk [tilespmem:v42+s29+$0x0], $0xffff  }
0x274: {  	v39 =	vand.u32 $0x7F, v38;
	v41 =	vor.u32 v35, v36;
	v35 =	vshll.u32 v38, $0x3  }
0x275: {  	s24 =	sadd.s32 $0x40, s24;
	v38 =	vmul.f32 $1.442695020e+00, v43;
	v36 =	vadd.s32 v18, v41;
	v40 =	vand.u32 $0xFFFFFC00, v35;
	v35 =	vld.idx.msk [tilespmem:v44+s29+$0x0], $0xffff;
	v31 =	vpop (erf)  }
0x276: {  	v39 =	vor.u32 v39, v40;
	v37 =	vand.u32 $0xFFFFFC00, v37  }
0x277: {  	v39 =	vadd.s32 v18, v39;
	v34 =	vor.u32 v34, v37  }
0x278: {  	v34 =	vadd.s32 v18, v34;
	_ =	sdelay $0x1  }
0x279: {  	v30 =	vand.u32 $0xFFFFFC00, v30  }
0x27a: {  	v29 =	vor.u32 v29, v30;
	v30 =	vld.idx.msk [tilespmem:v36+s29+$0x0], $0xffff  }
0x27b: {  	v29 =	vadd.s32 v18, v29;
	v45 =	vld.idx.msk [tilespmem:v39+s29+$0x0], $0xffff  }
0x27c: {  	v33 =	vmul.f32 $1.442695020e+00, v33;
	v34 =	vld.idx.msk [tilespmem:v34+s29+$0x0], $0xffff  }
0x27d: {  	(erf) = vpow2.f32 v38;
	v32 =	vmul.f32 $1.442695020e+00, v32  }
0x27e: {  	v47 =	vld [tilespmem:$0x1530];
	(erf) = vpow2.f32 v33;
	v46 =	vmul.f32 $1.442695020e+00, v35  }
0x27f: {  	(erf) = vpow2.f32 v32;
	v30 =	vmul.f32 $1.442695020e+00, v30  }
0x280: {  	(erf) = vpow2.f32 v46;
	v29 =	vld.idx.msk [tilespmem:v29+s29+$0x0], $0xffff;
	v48 =	vmul.f32 $1.442695020e+00, v45  }
0x281: {  	v49 =	vld [tilespmem:$0x1540];
	(erf) = vpow2.f32 v30;
	v30 =	vmul.f32 $1.442695020e+00, v34  }
0x282: {  	(erf) = vpow2.f32 v48  }
0x283: {  	(erf) = vpow2.f32 v30;
	v30 =	vshll.u32 v47, $0x3  }
0x284: {  	v30 =	vand.u32 $0xFFFFFC00, v30  }
0x285: {  	v51 =	vadd.s32 $0xFFFFBA00, v20;
	v29 =	vmul.f32 $1.442695020e+00, v29  }
0x286: {  	v52 =	vpop (erf);
	vm7 =	vlt.u32 v51, $0xA00;
	v50 =	vand.u32 $0x7F, v47;
	v53 =	vshll.u32 v49, $0x3  }
0x287: {  	v34 =	vsel vm7, v51, v19;
	(erf) = vpow2.f32 v29;
	v29 =	vor.u32 v50, v30;
	v30 =	vpop (erf)  }
0x288: {  	v33 =	vand.u32 $0x7F, v49;
	v32 =	vand.u32 $0xFFFFFC00, v53;
	v55 =	vshll.u32 v34, $0x3;
	v54 =	vpop (erf)  }
0x289: {  	v32 =	vor.u32 v33, v32;
	v56 =	vand.u32 $0x7F, v34;
	v57 =	vand.u32 $0xFFFFFC00, v55;
	v38 =	vpop (erf)  }
0x28a: {  	v32 =	vadd.s32 v18, v32;
	v33 =	vor.u32 v56, v57;
	v58 =	vpop (erf)  }
0x28b: {  	v28 =	vadd.f32 v31, v28;
	v31 =	vadd.s32 v18, v33;
	v59 =	vpop (erf)  }
0x28c: {  	v29 =	vadd.s32 v18, v29;
	v60 =	vpop (erf)  }
0x28d: {  	v61 =	vpop (erf)  }
0x28e: {  	v28 =	vadd.f32 v52, v28;
	v62 =	vpop (erf)  }
0x28f: {  	v32 =	vld.idx.msk [tilespmem:v32+s29+$0x0], $0xffff;
	v63 =	vpop (erf)  }
0x290: {  	v30 =	vadd.f32 v30, v28;
	v28 =	vld.idx.msk [tilespmem:v31+s29+$0x0], $0xffff;
	v41 =	vpop (erf)  }
0x291: {  	v29 =	vld.idx.msk [tilespmem:v29+s29+$0x0], $0xffff;
	_ =	swait.ge [sflag:s1], $0xA000  }
0x292: {  	[sflag:s1] =	ssyncset.done $0x0  }
0x293: {  	s6 =	simm.s32 $0x0;
	[sflag:s1] =	ssyncadd.s32 $0xFFFF6000  }
0x294: {  	v30 =	vadd.f32 v54, v30;
	[tilespmem:s29], [sflag:$0x1] =	stream.linear.gather [hbm4b:s14+s6], $0x5000, $0x38;
	[tilespmem:$0x19A80] =	vst v63  }
0x295: {  	s23 =	sadd.s32 $0x18700, s14;
	s24 =	simm.s32 $0x1570  }
0x296: {  	v30 =	vadd.f32 v38, v30;
	[tilespmem:s4], [sflag:$0x1] =	stream.linear.gather [hbm4b:s23+s6], $0x5000, $0x38;
	[tilespmem:$0x19A80] =	vst v63  }
0x297: {  	v31 =	vld [tilespmem:s24+$0xFFFFFFE0]  }
0x298: {  	v30 =	vadd.f32 v58, v30  }
0x299: {  	v29 =	vmul.f32 $1.442695020e+00, v29;
	v43 =	vld [tilespmem:s24+$0xFFFFFFF0]  }
0x29a: {  	v30 =	vadd.f32 v59, v30  }
0x29b: {  	(erf) = vpow2.f32 v29;
	v29 =	vmul.f32 $1.442695020e+00, v32;
	v42 =	vld [tilespmem:s24+$0x0]  }
0x29c: {  	v30 =	vadd.f32 v60, v30;
	s6 =	sand.u32 $0x3C0, s6;
	v45 =	vshll.u32 v31, $0x3  }
0x29d: {  	(erf) = vpow2.f32 v29;
	v44 =	vld [tilespmem:s6+$0x1580];
	v29 =	vand.u32 $0x7F, v31;
	v31 =	vand.u32 $0xFFFFFC00, v45  }
0x29e: {  	s25 =	simm.s32 $0x15B0;
	v30 =	vadd.f32 v61, v30;
	v47 =	vshll.u32 v43, $0x3;
	v29 =	vor.u32 v29, v31  }
0x29f: {  	v49 =	vld [tilespmem:s25+$0x0];
	v34 =	vand.u32 $0x7F, v43;
	v33 =	vand.u32 $0xFFFFFC00, v47;
	v29 =	vadd.s32 v18, v29  }
0x2a0: {  	v30 =	vadd.f32 v62, v30;
	v50 =	vld [tilespmem:s25+$0xFFFFFFE0];
	v31 =	vshll.u32 v42, $0x3;
	v33 =	vor.u32 v34, v33  }
0x2a1: {  	s23 =	simm.s32 $0x40;
	v51 =	vld [tilespmem:s25+$0xFFFFFFF0];
	v46 =	vand.u32 $0x7F, v42;
	v31 =	vand.u32 $0xFFFFFC00, v31;
	v33 =	vadd.s32 v18, v33  }
0x2a2: {  	s6 =	sand.u32 $0x3C0, s23;
	v30 =	vadd.f32 v63, v30;
	v32 =	vshll.u32 v44, $0x3;
	v31 =	vor.u32 v46, v31  }
0x2a3: {  	v54 =	vld [tilespmem:s6+$0x1580];
	v48 =	vand.u32 $0x7F, v44;
	v32 =	vand.u32 $0xFFFFFC00, v32;
	v31 =	vadd.s32 v18, v31  }
0x2a4: {  	v32 =	vor.u32 v48, v32;
	v53 =	vld.idx.msk [tilespmem:v29+s0+$0x0], $0xffff  }
0x2a5: {  	v30 =	vadd.f32 v41, v30;
	v55 =	vshll.u32 v50, $0x3;
	v32 =	vadd.s32 v18, v32  }
0x2a6: {  	v37 =	vshll.u32 v49, $0x3;
	v56 =	vshll.u32 v51, $0x3;
	v35 =	vand.u32 $0x7F, v51;
	v33 =	vld.idx.msk [tilespmem:v33+s0+$0x0], $0xffff  }
0x2a7: {  	v52 =	vpop (erf);
	v39 =	vand.u32 $0xFFFFFC00, v55;
	v57 =	vand.u32 $0xFFFFFC00, v56;
	v34 =	vand.u32 $0x7F, v50  }
0x2a8: {  	s24 =	simm.s32 $0x15F0;
	v59 =	vand.u32 $0x7F, v54;
	v34 =	vor.u32 v34, v39;
	v29 =	vadd.f32 v52, v30;
	v31 =	vld.idx.msk [tilespmem:v31+s0+$0x0], $0xffff  }
0x2a9: {  	v36 =	vshll.u32 v54, $0x3;
	v42 =	vld [tilespmem:s24+$0xFFFFFFE0];
	v34 =	vadd.s32 v18, v34;
	v30 =	vpop (erf);
	v38 =	vmul.f32 $1.442695020e+00, v53  }
0x2aa: {  	v37 =	vand.u32 $0xFFFFFC00, v37;
	v35 =	vor.u32 v35, v57;
	v32 =	vld.idx.msk [tilespmem:v32+s0+$0x0], $0xffff;
	v29 =	vadd.f32 v30, v29  }
0x2ab: {  	s23 =	simm.s32 $0x80;
	v58 =	vld [tilespmem:s24+$0x0];
	v30 =	vand.u32 $0x7F, v49;
	v33 =	vmul.f32 $1.442695020e+00, v33;
	(erf) = vpow2.f32 v38  }
0x2ac: {  	v60 =	vld [tilespmem:s24+$0xFFFFFFF0];
	s25 =	sand.u32 $0x3C0, s23;
	v36 =	vand.u32 $0xFFFFFC00, v36;
	v35 =	vadd.s32 v18, v35;
	v30 =	vor.u32 v30, v37  }
0x2ad: {  	v43 =	vld [tilespmem:s25+$0x1580];
	v44 =	vadd.s32 v18, v30;
	v30 =	vmul.f32 $1.442695020e+00, v31;
	(erf) = vpow2.f32 v33  }
0x2ae: {  	v61 =	vshll.u32 v42, $0x3;
	v45 =	vld.idx.msk [tilespmem:v34+s0+$0x0], $0xffff;
	v31 =	vor.u32 v59, v36  }
0x2af: {  	v46 =	vadd.s32 v18, v31;
	v31 =	vmul.f32 $1.442695020e+00, v32;
	(erf) = vpow2.f32 v30  }
0x2b0: {  	v62 =	vand.u32 $0x7F, v42;
	v32 =	vand.u32 $0xFFFFFC00, v61  }
0x2b1: {  	v63 =	vshll.u32 v60, $0x3;
	v33 =	vld.idx.msk [tilespmem:v35+s0+$0x0], $0xffff;
	v32 =	vor.u32 v62, v32;
	(erf) = vpow2.f32 v31  }
0x2b2: {  	v41 =	vand.u32 $0xFFFFFC00, v63;
	v39 =	vshll.u32 v43, $0x3  }
0x2b3: {  	v34 =	vand.u32 $0x7F, v43;
	v37 =	vshll.u32 v58, $0x3;
	v40 =	vmul.f32 $1.442695020e+00, v45;
	v31 =	vld.idx.msk [tilespmem:v44+s0+$0x0], $0xffff  }
0x2b4: {  	s25 =	simm.s32 $0x1630;
	s24 =	simm.s32 $0x8;
	v38 =	vand.u32 $0x7F, v60;
	v30 =	vand.u32 $0x7F, v58;
	v36 =	vadd.s32 v18, v32;
	v35 =	vld.idx.msk [tilespmem:v46+s0+$0x0], $0xffff;
	v32 =	vpop (erf)  }
.LBB2_18:
0x2b5: {  	v42 =	vld [tilespmem:s25+$0x0];
	v38 =	vor.u32 v38, v41;
	v37 =	vand.u32 $0xFFFFFC00, v37;
	v29 =	vadd.f32 v32, v29  }
0x2b6: {  	s23 =	sadd.s32 $0x40, s23;
	v33 =	vmul.f32 $1.442695020e+00, v33;
	v32 =	vld [tilespmem:s25+$0xFFFFFFF0];
	v38 =	vadd.s32 v18, v38;
	(erf) = vpow2.f32 v40;
	v40 =	vpop (erf)  }
0x2b7: {  	s24 =	sadd.s32 $0x4, s24;
	s6 =	sand.u32 $0x3C0, s23;
	v30 =	vor.u32 v30, v37;
	v37 =	vand.u32 $0xFFFFFC00, v39;
	v41 =	vld [tilespmem:s25+$0xFFFFFFE0];
	v29 =	vadd.f32 v40, v29  }
0x2b8: {  	p0 =	slt.u32 s24, $0x24;
	v40 =	vadd.s32 v18, v30;
	v30 =	vmul.f32 $1.442695020e+00, v31;
	v39 =	vld [tilespmem:s6+$0x1580];
	(erf) = vpow2.f32 v33;
	v31 =	vpop (erf)  }
0x2b9: {  	v33 =	vor.u32 v34, v37;
	v43 =	vld.idx.msk [tilespmem:v36+s0+$0x0], $0xffff;
	v29 =	vadd.f32 v31, v29  }
0x2ba: {  	v44 =	vadd.s32 v18, v33;
	v31 =	vmul.f32 $1.442695020e+00, v35;
	(erf) = vpow2.f32 v30;
	v34 =	vpop (erf)  }
.Ltmp8:
0x2bb: {  	v30 =	vand.u32 $0x7F, v42;
	v37 =	vshll.u32 v42, $0x3;
	v33 =	vld.idx.msk [tilespmem:v38+s0+$0x0], $0xffff;
	v29 =	vadd.f32 v34, v29;
	(pc) =	sbr.rel @p0 .LBB2_18-.Ltmp8, $4  }
0x2bc: {  	v38 =	vand.u32 $0x7F, v32;
	v34 =	vshll.u32 v41, $0x3;
	(erf) = vpow2.f32 v31  }
0x2bd: {  	v42 =	vshll.u32 v32, $0x3;
	v35 =	vand.u32 $0x7F, v41;
	v34 =	vand.u32 $0xFFFFFC00, v34;
	v31 =	vld.idx.msk [tilespmem:v40+s0+$0x0], $0xffff  }
0x2be: {  	v35 =	vor.u32 v35, v34;
	v34 =	vand.u32 $0x7F, v39;
	v39 =	vshll.u32 v39, $0x3  }
0x2bf: {  	s25 =	sadd.s32 $0x40, s25;
	v41 =	vand.u32 $0xFFFFFC00, v42;
	v40 =	vmul.f32 $1.442695020e+00, v43;
	v36 =	vadd.s32 v18, v35;
	v35 =	vld.idx.msk [tilespmem:v44+s0+$0x0], $0xffff;
	v32 =	vpop (erf)  }
0x2c0: {  	_ = 	snop  }
0x2c1: {  	v38 =	vor.u32 v38, v41;
	v37 =	vand.u32 $0xFFFFFC00, v37  }
0x2c2: {  	v61 =	vand.u32 $0xFFFFFC00, v39;
	v38 =	vadd.s32 v18, v38;
	v30 =	vor.u32 v30, v37  }
0x2c3: {  	v34 =	vor.u32 v34, v61;
	v30 =	vadd.s32 v18, v30  }
0x2c4: {  	v36 =	vld.idx.msk [tilespmem:v36+s0+$0x0], $0xffff;
	v34 =	vadd.s32 v18, v34;
	_ =	sdelay $0x1  }
0x2c5: {  	v33 =	vmul.f32 $1.442695020e+00, v33  }
0x2c6: {  	(erf) = vpow2.f32 v40;
	v31 =	vmul.f32 $1.442695020e+00, v31;
	v62 =	vld.idx.msk [tilespmem:v38+s0+$0x0], $0xffff  }
0x2c7: {  	(erf) = vpow2.f32 v33;
	v63 =	vmul.f32 $1.442695020e+00, v35;
	v30 =	vld.idx.msk [tilespmem:v30+s0+$0x0], $0xffff  }
0x2c8: {  	(erf) = vpow2.f32 v31;
	v31 =	vmul.f32 $1.442695020e+00, v36;
	v34 =	vld.idx.msk [tilespmem:v34+s0+$0x0], $0xffff  }
0x2c9: {  	(erf) = vpow2.f32 v63  }
0x2ca: {  	(erf) = vpow2.f32 v31;
	v31 =	vld [tilespmem:$0x17E0]  }
0x2cb: {  	v42 =	vadd.s32 $0xFFFFB000, v20;
	v39 =	vmul.f32 $1.442695020e+00, v62  }
0x2cc: {  	vm8 =	vlt.u32 v42, $0xA00;
	v38 =	vld [tilespmem:$0x17D0];
	v30 =	vmul.f32 $1.442695020e+00, v30  }
0x2cd: {  	v35 =	vsel vm8, v42, v19;
	v40 =	vmul.f32 $1.442695020e+00, v34;
	(erf) = vpow2.f32 v39  }
0x2ce: {  	v43 =	vpop (erf);
	v47 =	vshll.u32 v35, $0x3;
	(erf) = vpow2.f32 v30  }
0x2cf: {  	v44 =	vpop (erf);
	v49 =	vand.u32 $0x7F, v35;
	v45 =	vshll.u32 v31, $0x3;
	(erf) = vpow2.f32 v40  }
0x2d0: {  	v46 =	vpop (erf);
	v50 =	vand.u32 $0xFFFFFC00, v47;
	v31 =	vand.u32 $0x7F, v31;
	v34 =	vand.u32 $0xFFFFFC00, v45  }
0x2d1: {  	v48 =	vpop (erf);
	v41 =	vand.u32 $0x7F, v38;
	v30 =	vshll.u32 v38, $0x3;
	v31 =	vor.u32 v31, v34  }
0x2d2: {  	v51 =	vpop (erf);
	v34 =	vor.u32 v49, v50;
	v30 =	vand.u32 $0xFFFFFC00, v30;
	v31 =	vadd.s32 v18, v31  }
0x2d3: {  	v52 =	vpop (erf);
	v53 =	vadd.s32 v18, v34;
	v30 =	vor.u32 v41, v30  }
0x2d4: {  	v29 =	vadd.f32 v32, v29;
	v54 =	vpop (erf);
	v30 =	vadd.s32 v18, v30  }
0x2d5: {  	v55 =	vpop (erf)  }
0x2d6: {  	v29 =	vadd.f32 v43, v29;
	v56 =	vpop (erf)  }
0x2d7: {  	v31 =	vld.idx.msk [tilespmem:v31+s0+$0x0], $0xffff;
	v57 =	vpop (erf)  }
0x2d8: {  	v33 =	vadd.f32 v44, v29;
	v29 =	vld.idx.msk [tilespmem:v53+s0+$0x0], $0xffff;
	v42 =	vpop (erf)  }
0x2d9: {  	v30 =	vld.idx.msk [tilespmem:v30+s0+$0x0], $0xffff;
	_ =	swait.ge [sflag:s1], $0xA000  }
0x2da: {  	[sflag:s1] =	ssyncset.done $0x0  }
0x2db: {  	s6 =	simm.s32 $0x0;
	[sflag:s1] =	ssyncadd.s32 $0xFFFF6000  }
0x2dc: {  	[tilespmem:s0], [sflag:$0x1] =	stream.linear.gather [hbm4b:s15+s6], $0x5000, $0x38;
	[tilespmem:$0x19A80] =	vst v63  }
0x2dd: {  	s23 =	sadd.s32 $0x18700, s15;
	s25 =	simm.s32 $0x1820  }
0x2de: {  	v58 =	vadd.f32 v46, v33;
	[tilespmem:s30], [sflag:$0x1] =	stream.linear.gather [hbm4b:s23+s6], $0x5000, $0x38;
	[tilespmem:$0x19A80] =	vst v63  }
0x2df: {  	v59 =	vld [tilespmem:s25+$0xFFFFFFD0]  }
0x2e0: {  	v32 =	vadd.f32 v48, v58;
	s6 =	sand.u32 $0x3C0, s6  }
0x2e1: {  	v30 =	vmul.f32 $1.442695020e+00, v30;
	v61 =	vld [tilespmem:s6+$0x1800]  }
0x2e2: {  	v32 =	vadd.f32 v51, v32  }
0x2e3: {  	(erf) = vpow2.f32 v30;
	v30 =	vmul.f32 $1.442695020e+00, v31;
	v31 =	vld [tilespmem:s25+$0xFFFFFFF0]  }
0x2e4: {  	v32 =	vadd.f32 v52, v32;
	v62 =	vshll.u32 v59, $0x3  }
0x2e5: {  	v60 =	vld [tilespmem:s25+$0x0];
	(erf) = vpow2.f32 v30;
	v30 =	vand.u32 $0x7F, v59;
	v63 =	vand.u32 $0xFFFFFC00, v62  }
0x2e6: {  	v32 =	vadd.f32 v54, v32;
	v43 =	vshll.u32 v61, $0x3;
	v30 =	vor.u32 v30, v63  }
0x2e7: {  	s24 =	simm.s32 $0x1860;
	v35 =	vand.u32 $0x7F, v61;
	v34 =	vand.u32 $0xFFFFFC00, v43;
	v30 =	vadd.s32 v18, v30  }
0x2e8: {  	v32 =	vadd.f32 v55, v32;
	v45 =	vld [tilespmem:s24+$0x0];
	v44 =	vshll.u32 v31, $0x3;
	v34 =	vor.u32 v35, v34  }
0x2e9: {  	s25 =	simm.s32 $0x40;
	v47 =	vld [tilespmem:s24+$0xFFFFFFD0];
	v31 =	vand.u32 $0x7F, v31;
	v46 =	vand.u32 $0xFFFFFC00, v44;
	v34 =	vadd.s32 v18, v34  }
0x2ea: {  	v32 =	vadd.f32 v56, v32;
	v52 =	vld [tilespmem:s24+$0xFFFFFFF0];
	s23 =	sand.u32 $0x3C0, s25;
	v41 =	vshll.u32 v60, $0x3;
	v31 =	vor.u32 v31, v46  }
0x2eb: {  	v48 =	vld [tilespmem:s23+$0x1800];
	v40 =	vand.u32 $0x7F, v60;
	v33 =	vand.u32 $0xFFFFFC00, v41;
	v31 =	vadd.s32 v18, v31  }
0x2ec: {  	v32 =	vadd.f32 v57, v32;
	v33 =	vor.u32 v40, v33;
	v50 =	vld.idx.msk [tilespmem:v30+s29+$0x0], $0xffff  }
0x2ed: {  	v33 =	vadd.s32 v18, v33  }
0x2ee: {  	v32 =	vadd.f32 v42, v32;
	v53 =	vand.u32 $0x7F, v45;
	v54 =	vshll.u32 v47, $0x3;
	v34 =	vld.idx.msk [tilespmem:v34+s29+$0x0], $0xffff  }
0x2ef: {  	v38 =	vshll.u32 v45, $0x3;
	v37 =	vand.u32 $0x7F, v47;
	v40 =	vand.u32 $0xFFFFFC00, v54  }
0x2f0: {  	s24 =	simm.s32 $0x18A0;
	v57 =	vshll.u32 v52, $0x3;
	v36 =	vand.u32 $0x7F, v52;
	v37 =	vor.u32 v37, v40;
	v31 =	vld.idx.msk [tilespmem:v31+s29+$0x0], $0xffff  }
0x2f1: {  	v60 =	vld [tilespmem:s24+$0xFFFFFFD0];
	v55 =	vshll.u32 v48, $0x3;
	v37 =	vadd.s32 v18, v37;
	v39 =	vmul.f32 $1.442695020e+00, v50  }
0x2f2: {  	s23 =	simm.s32 $0x80;
	v59 =	vand.u32 $0xFFFFFC00, v57;
	v49 =	vpop (erf);
	v35 =	vand.u32 $0x7F, v48;
	v40 =	vand.u32 $0xFFFFFC00, v55;
	v33 =	vld.idx.msk [tilespmem:v33+s29+$0x0], $0xffff  }
0x2f3: {  	v56 =	vld [tilespmem:s24+$0x0];
	s25 =	sand.u32 $0x3C0, s23;
	v51 =	vpop (erf);
	v35 =	vor.u32 v35, v40;
	v34 =	vmul.f32 $1.442695020e+00, v34;
	(erf) = vpow2.f32 v39  }
0x2f4: {  	v38 =	vand.u32 $0xFFFFFC00, v38;
	v43 =	vld [tilespmem:s25+$0x1800];
	v36 =	vor.u32 v36, v59;
	v35 =	vadd.s32 v18, v35  }
0x2f5: {  	v58 =	vld [tilespmem:s24+$0xFFFFFFF0];
	v44 =	vadd.s32 v18, v36;
	v31 =	vmul.f32 $1.442695020e+00, v31;
	(erf) = vpow2.f32 v34  }
0x2f6: {  	v61 =	vshll.u32 v60, $0x3;
	v30 =	vadd.f32 v49, v32;
	v32 =	vor.u32 v53, v38;
	v37 =	vld.idx.msk [tilespmem:v37+s29+$0x0], $0xffff  }
0x2f7: {  	v45 =	vadd.s32 v18, v32;
	v33 =	vmul.f32 $1.442695020e+00, v33;
	(erf) = vpow2.f32 v31  }
0x2f8: {  	v62 =	vand.u32 $0x7F, v60;
	v38 =	vand.u32 $0xFFFFFC00, v61  }
0x2f9: {  	v63 =	vshll.u32 v43, $0x3;
	v34 =	vld.idx.msk [tilespmem:v35+s29+$0x0], $0xffff;
	v35 =	vor.u32 v62, v38;
	(erf) = vpow2.f32 v33  }
0x2fa: {  	v36 =	vand.u32 $0x7F, v58;
	v41 =	vand.u32 $0x7F, v43;
	v42 =	vand.u32 $0xFFFFFC00, v63  }
0x2fb: {  	v32 =	vshll.u32 v56, $0x3;
	v30 =	vadd.f32 v51, v30;
	v40 =	vmul.f32 $1.442695020e+00, v37;
	v33 =	vld.idx.msk [tilespmem:v44+s29+$0x0], $0xffff  }
0x2fc: {  	s24 =	simm.s32 $0x8;
	s25 =	simm.s32 $0x18E0;
	v37 =	vld.idx.msk [tilespmem:v45+s29+$0x0], $0xffff;
	v39 =	vshll.u32 v58, $0x3;
	v31 =	vand.u32 $0x7F, v56;
	v38 =	vadd.s32 v18, v35;
	v35 =	vpop (erf)  }
.LBB2_20:
0x2fd: {  	v43 =	vld [tilespmem:s25+$0x0];
	v41 =	vor.u32 v41, v42;
	v39 =	vand.u32 $0xFFFFFC00, v39;
	v30 =	vadd.f32 v35, v30  }
0x2fe: {  	s23 =	sadd.s32 $0x40, s23;
	v45 =	vmul.f32 $1.442695020e+00, v34;
	v35 =	vld [tilespmem:s25+$0xFFFFFFF0];
	v41 =	vadd.s32 v18, v41;
	(erf) = vpow2.f32 v40;
	v40 =	vpop (erf)  }
0x2ff: {  	s24 =	sadd.s32 $0x4, s24;
	v32 =	vand.u32 $0xFFFFFC00, v32;
	s6 =	sand.u32 $0x3C0, s23;
	v36 =	vor.u32 v36, v39;
	v42 =	vld [tilespmem:s25+$0xFFFFFFD0];
	v30 =	vadd.f32 v40, v30  }
0x300: {  	p0 =	slt.u32 s24, $0x28;
	v44 =	vadd.s32 v18, v36;
	v36 =	vmul.f32 $1.442695020e+00, v33;
	v40 =	vld [tilespmem:s6+$0x1800];
	(erf) = vpow2.f32 v45;
	v34 =	vpop (erf)  }
0x301: {  	v31 =	vor.u32 v31, v32;
	v45 =	vld.idx.msk [tilespmem:v38+s29+$0x0], $0xffff;
	v30 =	vadd.f32 v34, v30  }
0x302: {  	v46 =	vadd.s32 v18, v31;
	v37 =	vmul.f32 $1.442695020e+00, v37;
	(erf) = vpow2.f32 v36;
	v33 =	vpop (erf)  }
.Ltmp9:
0x303: {  	v31 =	vand.u32 $0x7F, v43;
	v32 =	vshll.u32 v43, $0x3;
	v34 =	vld.idx.msk [tilespmem:v41+s29+$0x0], $0xffff;
	v30 =	vadd.f32 v33, v30;
	(pc) =	sbr.rel @p0 .LBB2_20-.Ltmp9, $4  }
0x304: {  	v36 =	vand.u32 $0x7F, v35;
	v33 =	vshll.u32 v42, $0x3;
	(erf) = vpow2.f32 v37  }
0x305: {  	v39 =	vshll.u32 v35, $0x3;
	v37 =	vand.u32 $0x7F, v42;
	v38 =	vand.u32 $0xFFFFFC00, v33;
	v33 =	vld.idx.msk [tilespmem:v44+s29+$0x0], $0xffff  }
0x306: {  	v41 =	vand.u32 $0x7F, v40;
	v43 =	vor.u32 v37, v38;
	v37 =	vshll.u32 v40, $0x3  }
0x307: {  	s25 =	sadd.s32 $0x40, s25;
	v40 =	vmul.f32 $1.442695020e+00, v45;
	v38 =	vadd.s32 v18, v43;
	v42 =	vand.u32 $0xFFFFFC00, v37;
	v37 =	vld.idx.msk [tilespmem:v46+s29+$0x0], $0xffff;
	v35 =	vpop (erf)  }
0x308: {  	v41 =	vor.u32 v41, v42;
	v39 =	vand.u32 $0xFFFFFC00, v39  }
0x309: {  	v32 =	vand.u32 $0xFFFFFC00, v32;
	v41 =	vadd.s32 v18, v41;
	v36 =	vor.u32 v36, v39  }
0x30a: {  	v31 =	vor.u32 v31, v32;
	v36 =	vadd.s32 v18, v36  }
0x30b: {  	v31 =	vadd.s32 v18, v31;
	_ =	sdelay $0x1  }
0x30c: {  	v45 =	vld.idx.msk [tilespmem:v38+s29+$0x0], $0xffff  }
0x30d: {  	v46 =	vld.idx.msk [tilespmem:v41+s29+$0x0], $0xffff  }
0x30e: {  	v34 =	vmul.f32 $1.442695020e+00, v34;
	v36 =	vld.idx.msk [tilespmem:v36+s29+$0x0], $0xffff  }
0x30f: {  	(erf) = vpow2.f32 v40;
	v33 =	vmul.f32 $1.442695020e+00, v33;
	v31 =	vld.idx.msk [tilespmem:v31+s29+$0x0], $0xffff  }
0x310: {  	(erf) = vpow2.f32 v34;
	v47 =	vmul.f32 $1.442695020e+00, v37  }
0x311: {  	(erf) = vpow2.f32 v33;
	v32 =	vmul.f32 $1.442695020e+00, v45  }
0x312: {  	v48 =	vld [tilespmem:$0x1AB0];
	(erf) = vpow2.f32 v47;
	v49 =	vmul.f32 $1.442695020e+00, v46  }
0x313: {  	(erf) = vpow2.f32 v32;
	v50 =	vmul.f32 $1.442695020e+00, v36  }
0x314: {  	v31 =	vmul.f32 $1.442695020e+00, v31;
	(erf) = vpow2.f32 v49  }
0x315: {  	v51 =	vadd.s32 $0xFFFFA600, v20;
	v52 =	vpop (erf);
	(erf) = vpow2.f32 v50  }
0x316: {  	vm9 =	vlt.u32 v51, $0xA00;
	v53 =	vpop (erf);
	(erf) = vpow2.f32 v31  }
0x317: {  	v34 =	vsel vm9, v51, v19;
	v54 =	vpop (erf);
	v31 =	vshll.u32 v48, $0x3  }
0x318: {  	v55 =	vshll.u32 v34, $0x3;
	v33 =	vand.u32 $0x7F, v48;
	v56 =	vpop (erf);
	v31 =	vand.u32 $0xFFFFFC00, v31  }
0x319: {  	v57 =	vand.u32 $0x7F, v34;
	v58 =	vand.u32 $0xFFFFFC00, v55;
	v59 =	vpop (erf);
	v31 =	vor.u32 v33, v31  }
0x31a: {  	v60 =	vpop (erf);
	v33 =	vor.u32 v57, v58;
	v31 =	vadd.s32 v18, v31  }
0x31b: {  	v61 =	vpop (erf);
	v33 =	vadd.s32 v18, v33  }
0x31c: {  	v62 =	vpop (erf)  }
0x31d: {  	v63 =	vpop (erf)  }
0x31e: {  	v30 =	vadd.f32 v35, v30;
	v45 =	vpop (erf)  }
0x31f: {  	v31 =	vld.idx.msk [tilespmem:v31+s29+$0x0], $0xffff;
	v43 =	vpop (erf)  }
0x320: {  	v36 =	vadd.f32 v52, v30;
	v30 =	vld.idx.msk [tilespmem:v33+s29+$0x0], $0xffff;
	_ =	swait.ge [sflag:s1], $0xA000  }
0x321: {  	[sflag:s1] =	ssyncset.done $0x0  }
0x322: {  	[sflag:s1] =	ssyncadd.s32 $0xFFFF6000  }
0x323: {  	[tilespmem:s29], [sflag:$0x1] =	stream.linear.gather [hbm4b:s16+s2], $0x5000, $0x38;
	[tilespmem:$0x19A80] =	vst v63  }
0x324: {  	s6 =	sadd.s32 $0x18700, s16;
	s23 =	simm.s32 $0x1AF0  }
0x325: {  	v32 =	vadd.f32 v53, v36;
	[tilespmem:s4], [sflag:$0x1] =	stream.linear.gather [hbm4b:s6+s2], $0x5000, $0x38;
	[tilespmem:$0x19A80] =	vst v63  }
0x326: {  	v46 =	vld [tilespmem:s23+$0xFFFFFFD0]  }
0x327: {  	v32 =	vadd.f32 v54, v32  }
0x328: {  	v48 =	vld [tilespmem:s23+$0xFFFFFFE0]  }
0x329: {  	v32 =	vadd.f32 v56, v32  }
0x32a: {  	v31 =	vmul.f32 $1.442695020e+00, v31;
	v49 =	vld [tilespmem:s23+$0xFFFFFFF0]  }
0x32b: {  	v32 =	vadd.f32 v59, v32;
	v50 =	vshll.u32 v46, $0x3  }
0x32c: {  	(erf) = vpow2.f32 v31;
	v47 =	vld [tilespmem:s23+$0x0];
	v31 =	vand.u32 $0x7F, v46;
	v51 =	vand.u32 $0xFFFFFC00, v50  }
0x32d: {  	v32 =	vadd.f32 v60, v32;
	v54 =	vshll.u32 v48, $0x3;
	v31 =	vor.u32 v31, v51  }
0x32e: {  	s24 =	simm.s32 $0x1B30;
	v36 =	vand.u32 $0x7F, v48;
	v34 =	vand.u32 $0xFFFFFC00, v54;
	v31 =	vadd.s32 v18, v31  }
0x32f: {  	v32 =	vadd.f32 v61, v32;
	v56 =	vld [tilespmem:s24+$0x0];
	v55 =	vshll.u32 v49, $0x3;
	v34 =	vor.u32 v36, v34  }
0x330: {  	v58 =	vld [tilespmem:s24+$0xFFFFFFD0];
	v37 =	vand.u32 $0x7F, v49;
	v57 =	vand.u32 $0xFFFFFC00, v55;
	v34 =	vadd.s32 v18, v34  }
0x331: {  	v32 =	vadd.f32 v62, v32;
	v59 =	vld [tilespmem:s24+$0xFFFFFFE0];
	v53 =	vshll.u32 v47, $0x3;
	v36 =	vor.u32 v37, v57  }
0x332: {  	v62 =	vld [tilespmem:s24+$0xFFFFFFF0];
	v52 =	vand.u32 $0x7F, v47;
	v33 =	vand.u32 $0xFFFFFC00, v53;
	v36 =	vadd.s32 v18, v36  }
0x333: {  	v32 =	vadd.f32 v63, v32;
	v33 =	vor.u32 v52, v33;
	v60 =	vld.idx.msk [tilespmem:v31+s0+$0x0], $0xffff  }
0x334: {  	v33 =	vadd.s32 v18, v33  }
0x335: {  	s25 =	simm.s32 $0x1B70;
	v32 =	vadd.f32 v45, v32;
	v63 =	vand.u32 $0x7F, v56;
	v34 =	vld.idx.msk [tilespmem:v34+s0+$0x0], $0xffff  }
0x336: {  	v44 =	vld [tilespmem:s25+$0xFFFFFFD0];
	v47 =	vshll.u32 v58, $0x3;
	v39 =	vshll.u32 v56, $0x3;
	v38 =	vand.u32 $0x7F, v58  }
0x337: {  	v48 =	vshll.u32 v59, $0x3;
	v41 =	vand.u32 $0xFFFFFC00, v47;
	v50 =	vshll.u32 v62, $0x3;
	v36 =	vld.idx.msk [tilespmem:v36+s0+$0x0], $0xffff  }
0x338: {  	v56 =	vld [tilespmem:s25+$0xFFFFFFE0];
	v55 =	vand.u32 $0xFFFFFC00, v39;
	v38 =	vor.u32 v38, v41;
	v35 =	vmul.f32 $1.442695020e+00, v60  }
0x339: {  	v37 =	vand.u32 $0x7F, v59;
	v41 =	vand.u32 $0xFFFFFC00, v48;
	v38 =	vadd.s32 v18, v38;
	v33 =	vld.idx.msk [tilespmem:v33+s0+$0x0], $0xffff  }
0x33a: {  	v51 =	vld [tilespmem:s25+$0xFFFFFFF0];
	v61 =	vpop (erf);
	v37 =	vor.u32 v37, v41;
	v34 =	vmul.f32 $1.442695020e+00, v34;
	(erf) = vpow2.f32 v35  }
0x33b: {  	v49 =	vld [tilespmem:s25+$0x0];
	v52 =	vand.u32 $0x7F, v62;
	v53 =	vand.u32 $0xFFFFFC00, v50;
	v54 =	vadd.s32 v18, v37  }
0x33c: {  	v36 =	vmul.f32 $1.442695020e+00, v36;
	v35 =	vor.u32 v52, v53;
	(erf) = vpow2.f32 v34  }
0x33d: {  	v31 =	vadd.f32 v43, v32;
	v32 =	vor.u32 v63, v55;
	v35 =	vadd.s32 v18, v35  }
0x33e: {  	v57 =	vld.idx.msk [tilespmem:v38+s0+$0x0], $0xffff;
	v58 =	vadd.s32 v18, v32;
	v59 =	vmul.f32 $1.442695020e+00, v33;
	(erf) = vpow2.f32 v36  }
0x33f: {  	v37 =	vand.u32 $0x7F, v51;
	v40 =	vshll.u32 v51, $0x3;
	v63 =	vshll.u32 v56, $0x3  }
0x340: {  	v32 =	vand.u32 $0x7F, v49;
	v60 =	vshll.u32 v44, $0x3;
	v36 =	vld.idx.msk [tilespmem:v54+s0+$0x0], $0xffff;
	(erf) = vpow2.f32 v59  }
0x341: {  	v31 =	vadd.f32 v61, v31;
	v61 =	vand.u32 $0x7F, v44;
	v42 =	vand.u32 $0xFFFFFC00, v60  }
0x342: {  	v43 =	vand.u32 $0xFFFFFC00, v63;
	v33 =	vshll.u32 v49, $0x3;
	v62 =	vor.u32 v61, v42;
	v35 =	vld.idx.msk [tilespmem:v35+s0+$0x0], $0xffff  }
0x343: {  	s23 =	simm.s32 $0x8;
	s24 =	simm.s32 $0x1BB0;
	v41 =	vmul.f32 $1.442695020e+00, v57;
	v38 =	vld.idx.msk [tilespmem:v58+s0+$0x0], $0xffff;
	v42 =	vand.u32 $0x7F, v56;
	v39 =	vadd.s32 v18, v62;
	v34 =	vpop (erf)  }
.LBB2_22:
0x344: {  	v44 =	vld [tilespmem:s24+$0x0];
	v42 =	vor.u32 v42, v43;
	v40 =	vand.u32 $0xFFFFFC00, v40;
	v31 =	vadd.f32 v34, v31  }
0x345: {  	v46 =	vmul.f32 $1.442695020e+00, v36;
	v34 =	vld [tilespmem:s24+$0xFFFFFFF0];
	v42 =	vadd.s32 v18, v42;
	(erf) = vpow2.f32 v41;
	v41 =	vpop (erf)  }
0x346: {  	s23 =	sadd.s32 $0x4, s23;
	v33 =	vand.u32 $0xFFFFFC00, v33;
	v37 =	vor.u32 v37, v40;
	v43 =	vld [tilespmem:s24+$0xFFFFFFD0];
	v31 =	vadd.f32 v41, v31  }
0x347: {  	p0 =	slt.u32 s23, $0x24;
	v45 =	vadd.s32 v18, v37;
	v37 =	vmul.f32 $1.442695020e+00, v35;
	v41 =	vld [tilespmem:s24+$0xFFFFFFE0];
	(erf) = vpow2.f32 v46;
	v36 =	vpop (erf)  }
0x348: {  	v32 =	vor.u32 v32, v33;
	v46 =	vld.idx.msk [tilespmem:v39+s0+$0x0], $0xffff;
	v31 =	vadd.f32 v36, v31  }
0x349: {  	v47 =	vadd.s32 v18, v32;
	v38 =	vmul.f32 $1.442695020e+00, v38;
	(erf) = vpow2.f32 v37;
	v35 =	vpop (erf)  }
.Ltmp10:
0x34a: {  	v32 =	vand.u32 $0x7F, v44;
	v33 =	vshll.u32 v44, $0x3;
	v36 =	vld.idx.msk [tilespmem:v42+s0+$0x0], $0xffff;
	v31 =	vadd.f32 v35, v31;
	(pc) =	sbr.rel @p0 .LBB2_22-.Ltmp10, $4  }
0x34b: {  	v37 =	vand.u32 $0x7F, v34;
	v35 =	vshll.u32 v43, $0x3;
	(erf) = vpow2.f32 v38  }
0x34c: {  	v40 =	vshll.u32 v34, $0x3;
	v38 =	vand.u32 $0x7F, v43;
	v39 =	vand.u32 $0xFFFFFC00, v35;
	v35 =	vld.idx.msk [tilespmem:v45+s0+$0x0], $0xffff  }
0x34d: {  	v42 =	vand.u32 $0x7F, v41;
	v44 =	vor.u32 v38, v39;
	v38 =	vshll.u32 v41, $0x3  }
0x34e: {  	s24 =	sadd.s32 $0x40, s24;
	v41 =	vmul.f32 $1.442695020e+00, v46;
	v39 =	vadd.s32 v18, v44;
	v43 =	vand.u32 $0xFFFFFC00, v38;
	v38 =	vld.idx.msk [tilespmem:v47+s0+$0x0], $0xffff;
	v34 =	vpop (erf)  }
0x34f: {  	v42 =	vor.u32 v42, v43;
	v40 =	vand.u32 $0xFFFFFC00, v40  }
0x350: {  	v33 =	vand.u32 $0xFFFFFC00, v33;
	v42 =	vadd.s32 v18, v42;
	v37 =	vor.u32 v37, v40  }
0x351: {  	v32 =	vor.u32 v32, v33;
	v37 =	vadd.s32 v18, v37  }
0x352: {  	v32 =	vadd.s32 v18, v32  }
0x353: {  	v62 =	vld.idx.msk [tilespmem:v39+s0+$0x0], $0xffff  }
0x354: {  	v43 =	vld [tilespmem:$0x1D40]  }
0x355: {  	v63 =	vld.idx.msk [tilespmem:v42+s0+$0x0], $0xffff  }
0x356: {  	v36 =	vmul.f32 $1.442695020e+00, v36;
	v37 =	vld.idx.msk [tilespmem:v37+s0+$0x0], $0xffff  }
0x357: {  	(erf) = vpow2.f32 v41;
	v35 =	vmul.f32 $1.442695020e+00, v35;
	v32 =	vld.idx.msk [tilespmem:v32+s0+$0x0], $0xffff  }
0x358: {  	v46 =	vld [tilespmem:$0x1D50];
	(erf) = vpow2.f32 v36;
	v42 =	vmul.f32 $1.442695020e+00, v38  }
0x359: {  	(erf) = vpow2.f32 v35;
	v33 =	vmul.f32 $1.442695020e+00, v62  }
0x35a: {  	(erf) = vpow2.f32 v42;
	v44 =	vmul.f32 $1.442695020e+00, v63  }
0x35b: {  	v49 =	vadd.s32 $0xFFFF9C00, v20;
	(erf) = vpow2.f32 v33;
	v45 =	vmul.f32 $1.442695020e+00, v37  }
0x35c: {  	vm10 =	vlt.u32 v49, $0xA00;
	v32 =	vmul.f32 $1.442695020e+00, v32;
	(erf) = vpow2.f32 v44  }
0x35d: {  	v50 =	vpop (erf);
	v47 =	vshll.u32 v43, $0x3;
	v53 =	vshll.u32 v46, $0x3;
	(erf) = vpow2.f32 v45  }
0x35e: {  	v52 =	vpop (erf);
	v36 =	vand.u32 $0x7F, v46;
	v35 =	vand.u32 $0xFFFFFC00, v53;
	(erf) = vpow2.f32 v32  }
0x35f: {  	v48 =	vand.u32 $0x7F, v43;
	v54 =	vpop (erf);
	v35 =	vor.u32 v36, v35;
	v37 =	vsel vm10, v49, v19  }
0x360: {  	v35 =	vadd.s32 v18, v35;
	v33 =	vand.u32 $0xFFFFFC00, v47;
	v41 =	vpop (erf);
	v55 =	vshll.u32 v37, $0x3  }
0x361: {  	v51 =	vor.u32 v48, v33;
	v58 =	vpop (erf);
	v56 =	vand.u32 $0x7F, v37;
	v57 =	vand.u32 $0xFFFFFC00, v55  }
0x362: {  	v59 =	vpop (erf);
	v32 =	vadd.s32 v18, v51;
	v36 =	vor.u32 v56, v57  }
0x363: {  	v60 =	vadd.s32 v18, v36;
	v61 =	vpop (erf)  }
0x364: {  	v31 =	vadd.f32 v34, v31;
	v62 =	vpop (erf)  }
0x365: {  	v63 =	vpop (erf)  }
0x366: {  	v31 =	vadd.f32 v50, v31;
	v35 =	vld.idx.msk [tilespmem:v35+s0+$0x0], $0xffff;
	v48 =	vpop (erf)  }
0x367: {  	v32 =	vld.idx.msk [tilespmem:v32+s0+$0x0], $0xffff;
	v44 =	vpop (erf)  }
0x368: {  	v33 =	vadd.f32 v52, v31;
	v31 =	vld.idx.msk [tilespmem:v60+s0+$0x0], $0xffff;
	_ =	swait.ge [sflag:s1], $0xA000  }
0x369: {  	[sflag:s1] =	ssyncset.done $0x0  }
0x36a: {  	s6 =	simm.s32 $0x0;
	v33 =	vadd.f32 v54, v33;
	[sflag:s1] =	ssyncadd.s32 $0xFFFF6000  }
0x36b: {  	[tilespmem:s0], [sflag:$0x1] =	stream.linear.gather [hbm4b:s17+s6], $0x5000, $0x38;
	[tilespmem:$0x19A80] =	vst v63  }
0x36c: {  	s23 =	sadd.s32 $0x18700, s17;
	s24 =	simm.s32 $0x1D90;
	v33 =	vadd.f32 v41, v33  }
0x36d: {  	[tilespmem:s30], [sflag:$0x1] =	stream.linear.gather [hbm4b:s23+s6], $0x5000, $0x38;
	[tilespmem:$0x19A80] =	vst v63  }
0x36e: {  	v33 =	vadd.f32 v58, v33;
	v49 =	vld [tilespmem:s24+$0xFFFFFFD0];
	_ =	sdelay $0x1  }
0x36f: {  	v33 =	vadd.f32 v59, v33;
	v51 =	vld [tilespmem:s24+$0xFFFFFFE0]  }
0x370: {  	s6 =	sand.u32 $0x3C0, s6  }
0x371: {  	v33 =	vadd.f32 v61, v33;
	v53 =	vld [tilespmem:s6+$0x1D80]  }
0x372: {  	v52 =	vmul.f32 $1.442695020e+00, v35;
	v32 =	vmul.f32 $1.442695020e+00, v32;
	v54 =	vshll.u32 v49, $0x3  }
0x373: {  	v33 =	vadd.f32 v62, v33;
	v50 =	vld [tilespmem:s24+$0x0];
	v55 =	vand.u32 $0x7F, v49;
	v56 =	vand.u32 $0xFFFFFC00, v54  }
0x374: {  	(erf) = vpow2.f32 v32;
	v59 =	vshll.u32 v51, $0x3;
	v32 =	vor.u32 v55, v56  }
0x375: {  	s25 =	simm.s32 $0x1DD0;
	v37 =	vand.u32 $0x7F, v51;
	v36 =	vand.u32 $0xFFFFFC00, v59;
	v32 =	vadd.s32 v18, v32  }
0x376: {  	v33 =	vadd.f32 v63, v33;
	v61 =	vld [tilespmem:s25+$0x0];
	v60 =	vshll.u32 v53, $0x3;
	v36 =	vor.u32 v37, v36  }
0x377: {  	v63 =	vld [tilespmem:s25+$0xFFFFFFD0];
	v35 =	vand.u32 $0x7F, v53;
	v62 =	vand.u32 $0xFFFFFC00, v60;
	v36 =	vadd.s32 v18, v36  }
0x378: {  	(erf) = vpow2.f32 v52;
	v45 =	vld [tilespmem:s25+$0xFFFFFFE0];
	v58 =	vshll.u32 v50, $0x3;
	v35 =	vor.u32 v35, v62  }
0x379: {  	s23 =	simm.s32 $0x40;
	v57 =	vand.u32 $0x7F, v50;
	v34 =	vand.u32 $0xFFFFFC00, v58;
	v35 =	vadd.s32 v18, v35  }
0x37a: {  	v33 =	vadd.f32 v48, v33;
	s6 =	sand.u32 $0x3C0, s23;
	v34 =	vor.u32 v57, v34;
	v47 =	vld.idx.msk [tilespmem:v32+s29+$0x0], $0xffff  }
0x37b: {  	v50 =	vld [tilespmem:s6+$0x1D80];
	v34 =	vadd.s32 v18, v34  }
0x37c: {  	v33 =	vadd.f32 v44, v33;
	v51 =	vand.u32 $0x7F, v61;
	v36 =	vld.idx.msk [tilespmem:v36+s29+$0x0], $0xffff  }
0x37d: {  	v52 =	vshll.u32 v63, $0x3;
	v40 =	vshll.u32 v61, $0x3;
	v53 =	vshll.u32 v45, $0x3  }
0x37e: {  	s24 =	simm.s32 $0x1E10;
	v39 =	vand.u32 $0x7F, v63;
	v42 =	vand.u32 $0xFFFFFC00, v52;
	v54 =	vand.u32 $0xFFFFFC00, v53;
	v35 =	vld.idx.msk [tilespmem:v35+s29+$0x0], $0xffff  }
0x37f: {  	v59 =	vld [tilespmem:s24+$0xFFFFFFD0];
	v39 =	vor.u32 v39, v42;
	v37 =	vand.u32 $0x7F, v45;
	v41 =	vmul.f32 $1.442695020e+00, v47  }
0x380: {  	v46 =	vpop (erf);
	v40 =	vand.u32 $0xFFFFFC00, v40;
	v39 =	vadd.s32 v18, v39;
	v37 =	vor.u32 v37, v54;
	v34 =	vld.idx.msk [tilespmem:v34+s29+$0x0], $0xffff  }
0x381: {  	s23 =	simm.s32 $0x80;
	v49 =	vpop (erf);
	v57 =	vld [tilespmem:s24+$0xFFFFFFE0];
	v56 =	vshll.u32 v50, $0x3;
	v36 =	vmul.f32 $1.442695020e+00, v36;
	(erf) = vpow2.f32 v41  }
0x382: {  	s25 =	sand.u32 $0x3C0, s23;
	v37 =	vadd.s32 v18, v37;
	v38 =	vand.u32 $0x7F, v50;
	v58 =	vand.u32 $0xFFFFFC00, v56  }
0x383: {  	v45 =	vld [tilespmem:s25+$0x1D80];
	v38 =	vor.u32 v38, v58;
	v35 =	vmul.f32 $1.442695020e+00, v35;
	(erf) = vpow2.f32 v36  }
0x384: {  	v48 =	vadd.f32 v46, v33;
	v55 =	vld [tilespmem:s24+$0x0];
	v33 =	vor.u32 v51, v40;
	v38 =	vadd.s32 v18, v38  }
0x385: {  	v46 =	vld.idx.msk [tilespmem:v39+s29+$0x0], $0xffff;
	v47 =	vadd.s32 v18, v33;
	v60 =	vmul.f32 $1.442695020e+00, v34;
	(erf) = vpow2.f32 v35  }
0x386: {  	v61 =	vshll.u32 v59, $0x3;
	v62 =	vand.u32 $0x7F, v59;
	v40 =	vand.u32 $0x7F, v57  }
0x387: {  	v63 =	vand.u32 $0xFFFFFC00, v61;
	v42 =	vshll.u32 v57, $0x3;
	v36 =	vld.idx.msk [tilespmem:v37+s29+$0x0], $0xffff;
	(erf) = vpow2.f32 v60  }
0x388: {  	v43 =	vshll.u32 v45, $0x3;
	v32 =	vadd.f32 v49, v48;
	v44 =	vand.u32 $0xFFFFFC00, v42  }
0x389: {  	v33 =	vand.u32 $0x7F, v55;
	v34 =	vshll.u32 v55, $0x3;
	v37 =	vor.u32 v62, v63;
	v35 =	vld.idx.msk [tilespmem:v38+s29+$0x0], $0xffff  }
0x38a: {  	s24 =	simm.s32 $0x8;
	s25 =	simm.s32 $0x1E50;
	v42 =	vmul.f32 $1.442695020e+00, v46;
	v41 =	vand.u32 $0x7F, v45;
	v39 =	vadd.s32 v18, v37;
	v37 =	vld.idx.msk [tilespmem:v47+s29+$0x0], $0xffff;
	v38 =	vpop (erf)  }
.LBB2_24:
0x38b: {  	v45 =	vld [tilespmem:s25+$0x0];
	v40 =	vor.u32 v40, v44;
	v43 =	vand.u32 $0xFFFFFC00, v43;
	v32 =	vadd.f32 v38, v32  }
0x38c: {  	s23 =	sadd.s32 $0x40, s23;
	v46 =	vmul.f32 $1.442695020e+00, v36;
	v38 =	vld [tilespmem:s25+$0xFFFFFFE0];
	v40 =	vadd.s32 v18, v40;
	(erf) = vpow2.f32 v42;
	v42 =	vpop (erf)  }
0x38d: {  	s24 =	sadd.s32 $0x4, s24;
	v34 =	vand.u32 $0xFFFFFC00, v34;
	s6 =	sand.u32 $0x3C0, s23;
	v41 =	vor.u32 v41, v43;
	v44 =	vld [tilespmem:s25+$0xFFFFFFD0];
	v32 =	vadd.f32 v42, v32  }
0x38e: {  	p0 =	slt.u32 s24, $0x28;
	v41 =	vadd.s32 v18, v41;
	v43 =	vmul.f32 $1.442695020e+00, v35;
	v42 =	vld [tilespmem:s6+$0x1D80];
	(erf) = vpow2.f32 v46;
	v36 =	vpop (erf)  }
0x38f: {  	v33 =	vor.u32 v33, v34;
	v46 =	vld.idx.msk [tilespmem:v39+s29+$0x0], $0xffff;
	v32 =	vadd.f32 v36, v32  }
0x390: {  	v47 =	vadd.s32 v18, v33;
	v37 =	vmul.f32 $1.442695020e+00, v37;
	(erf) = vpow2.f32 v43;
	v35 =	vpop (erf)  }
.Ltmp11:
0x391: {  	v33 =	vand.u32 $0x7F, v45;
	v34 =	vshll.u32 v45, $0x3;
	v36 =	vld.idx.msk [tilespmem:v40+s29+$0x0], $0xffff;
	v32 =	vadd.f32 v35, v32;
	(pc) =	sbr.rel @p0 .LBB2_24-.Ltmp11, $4  }
0x392: {  	v40 =	vand.u32 $0x7F, v38;
	v35 =	vshll.u32 v44, $0x3;
	(erf) = vpow2.f32 v37  }
0x393: {  	v45 =	vshll.u32 v38, $0x3;
	v37 =	vand.u32 $0x7F, v44;
	v39 =	vand.u32 $0xFFFFFC00, v35;
	v35 =	vld.idx.msk [tilespmem:v41+s29+$0x0], $0xffff  }
0x394: {  	v41 =	vand.u32 $0x7F, v42;
	v43 =	vshll.u32 v42, $0x3;
	v37 =	vor.u32 v37, v39  }
0x395: {  	s25 =	sadd.s32 $0x40, s25;
	v44 =	vand.u32 $0xFFFFFC00, v45;
	v42 =	vmul.f32 $1.442695020e+00, v46;
	v39 =	vadd.s32 v18, v37;
	v37 =	vld.idx.msk [tilespmem:v47+s29+$0x0], $0xffff;
	v38 =	vpop (erf)  }
0x396: {  	v40 =	vor.u32 v40, v44;
	v43 =	vand.u32 $0xFFFFFC00, v43  }
0x397: {  	v34 =	vand.u32 $0xFFFFFC00, v34;
	v40 =	vadd.s32 v18, v40;
	v41 =	vor.u32 v41, v43  }
0x398: {  	v33 =	vor.u32 v33, v34;
	v41 =	vadd.s32 v18, v41  }
0x399: {  	v33 =	vadd.s32 v18, v33;
	_ =	sdelay $0x1  }
0x39a: {  	v45 =	vld.idx.msk [tilespmem:v39+s29+$0x0], $0xffff  }
0x39b: {  	v46 =	vld.idx.msk [tilespmem:v40+s29+$0x0], $0xffff  }
0x39c: {  	v36 =	vmul.f32 $1.442695020e+00, v36;
	v47 =	vld.idx.msk [tilespmem:v41+s29+$0x0], $0xffff  }
0x39d: {  	(erf) = vpow2.f32 v42;
	v35 =	vmul.f32 $1.442695020e+00, v35;
	v33 =	vld.idx.msk [tilespmem:v33+s29+$0x0], $0xffff  }
0x39e: {  	(erf) = vpow2.f32 v36;
	v48 =	vmul.f32 $1.442695020e+00, v37  }
0x39f: {  	(erf) = vpow2.f32 v35;
	v34 =	vmul.f32 $1.442695020e+00, v45  }
0x3a0: {  	(erf) = vpow2.f32 v48;
	v49 =	vmul.f32 $1.442695020e+00, v46  }
0x3a1: {  	(erf) = vpow2.f32 v34;
	v50 =	vmul.f32 $1.442695020e+00, v47  }
0x3a2: {  	v33 =	vmul.f32 $1.442695020e+00, v33;
	(erf) = vpow2.f32 v49  }
0x3a3: {  	v51 =	vadd.s32 $0xFFFF9200, v20;
	v52 =	vpop (erf);
	(erf) = vpow2.f32 v50  }
0x3a4: {  	vm11 =	vlt.u32 v51, $0xA00;
	v53 =	vpop (erf);
	(erf) = vpow2.f32 v33  }
0x3a5: {  	v54 =	vsel vm11, v51, v19;
	v55 =	vpop (erf)  }
0x3a6: {  	v56 =	vshll.u32 v54, $0x3;
	v57 =	vpop (erf)  }
0x3a7: {  	v37 =	vand.u32 $0xFFFFFC00, v56;
	v58 =	vpop (erf);
	v33 =	vand.u32 $0x7F, v54  }
0x3a8: {  	v59 =	vpop (erf);
	v33 =	vor.u32 v33, v37  }
0x3a9: {  	v60 =	vpop (erf);
	v33 =	vadd.s32 v18, v33  }
0x3aa: {  	v61 =	vpop (erf)  }
0x3ab: {  	v62 =	vpop (erf)  }
0x3ac: {  	v63 =	vpop (erf)  }
0x3ad: {  	v45 =	vpop (erf)  }
0x3ae: {  	v38 =	vadd.f32 v38, v32;
	v32 =	vld.idx.msk [tilespmem:v33+s29+$0x0], $0xffff;
	_ =	swait.ge [sflag:s1], $0xA000  }
0x3af: {  	[sflag:s1] =	ssyncset.done $0x0  }
0x3b0: {  	[sflag:s1] =	ssyncadd.s32 $0xFFFF6000  }
0x3b1: {  	[tilespmem:s29], [sflag:$0x1] =	stream.linear.gather [hbm4b:s18+s2], $0x5000, $0x38;
	[tilespmem:$0x19A80] =	vst v63  }
0x3b2: {  	s6 =	sadd.s32 $0x18700, s18;
	s23 =	simm.s32 $0x2050  }
0x3b3: {  	v46 =	vadd.f32 v52, v38;
	[tilespmem:s4], [sflag:$0x1] =	stream.linear.gather [hbm4b:s6+s2], $0x5000, $0x38;
	[tilespmem:$0x19A80] =	vst v63  }
0x3b4: {  	v47 =	vld [tilespmem:s23+$0xFFFFFFD0]  }
0x3b5: {  	v33 =	vadd.f32 v53, v46  }
0x3b6: {  	v49 =	vld [tilespmem:s23+$0xFFFFFFE0]  }
0x3b7: {  	v33 =	vadd.f32 v55, v33  }
0x3b8: {  	v50 =	vld [tilespmem:s23+$0xFFFFFFF0]  }
0x3b9: {  	v33 =	vadd.f32 v57, v33;
	v51 =	vshll.u32 v47, $0x3  }
0x3ba: {  	v48 =	vld [tilespmem:s23+$0x0];
	v34 =	vand.u32 $0x7F, v47;
	v38 =	vand.u32 $0xFFFFFC00, v51  }
0x3bb: {  	v33 =	vadd.f32 v58, v33;
	v53 =	vshll.u32 v49, $0x3;
	v34 =	vor.u32 v34, v38  }
0x3bc: {  	s24 =	simm.s32 $0x2090;
	v36 =	vand.u32 $0x7F, v49;
	v38 =	vand.u32 $0xFFFFFC00, v53;
	v34 =	vadd.s32 v18, v34  }
0x3bd: {  	v33 =	vadd.f32 v59, v33;
	v55 =	vld [tilespmem:s24+$0x0];
	v54 =	vshll.u32 v50, $0x3;
	v36 =	vor.u32 v36, v38  }
0x3be: {  	v57 =	vld [tilespmem:s24+$0xFFFFFFD0];
	v37 =	vand.u32 $0x7F, v50;
	v56 =	vand.u32 $0xFFFFFC00, v54;
	v36 =	vadd.s32 v18, v36  }
0x3bf: {  	v58 =	vld [tilespmem:s24+$0xFFFFFFE0];
	v33 =	vadd.f32 v60, v33;
	v35 =	vshll.u32 v48, $0x3;
	v37 =	vor.u32 v37, v56  }
0x3c0: {  	v59 =	vld [tilespmem:s24+$0xFFFFFFF0];
	v52 =	vand.u32 $0x7F, v48;
	v35 =	vand.u32 $0xFFFFFC00, v35;
	v37 =	vadd.s32 v18, v37  }
0x3c1: {  	v33 =	vadd.f32 v61, v33;
	v35 =	vor.u32 v52, v35;
	v34 =	vld.idx.msk [tilespmem:v34+s0+$0x0], $0xffff  }
0x3c2: {  	v35 =	vadd.s32 v18, v35  }
0x3c3: {  	v33 =	vadd.f32 v62, v33;
	v60 =	vand.u32 $0x7F, v55;
	v61 =	vshll.u32 v57, $0x3;
	v36 =	vld.idx.msk [tilespmem:v36+s0+$0x0], $0xffff  }
0x3c4: {  	v41 =	vshll.u32 v55, $0x3;
	v40 =	vand.u32 $0x7F, v57;
	v62 =	vshll.u32 v58, $0x3  }
0x3c5: {  	s25 =	simm.s32 $0x20D0;
	v43 =	vand.u32 $0xFFFFFC00, v61;
	v51 =	vshll.u32 v59, $0x3;
	v33 =	vadd.f32 v63, v33;
	v37 =	vld.idx.msk [tilespmem:v37+s0+$0x0], $0xffff  }
0x3c6: {  	v46 =	vld [tilespmem:s25+$0xFFFFFFD0];
	v40 =	vor.u32 v40, v43;
	v43 =	vand.u32 $0xFFFFFC00, v62;
	v34 =	vmul.f32 $1.442695020e+00, v34  }
0x3c7: {  	v53 =	vand.u32 $0x7F, v59;
	v38 =	vand.u32 $0x7F, v58;
	v40 =	vadd.s32 v18, v40;
	v35 =	vld.idx.msk [tilespmem:v35+s0+$0x0], $0xffff  }
0x3c8: {  	v57 =	vld [tilespmem:s25+$0xFFFFFFE0];
	v38 =	vor.u32 v38, v43;
	v36 =	vmul.f32 $1.442695020e+00, v36;
	(erf) = vpow2.f32 v34  }
0x3c9: {  	v54 =	vand.u32 $0xFFFFFC00, v51;
	v56 =	vand.u32 $0xFFFFFC00, v41;
	v55 =	vadd.s32 v18, v38  }
0x3ca: {  	v63 =	vld [tilespmem:s25+$0x0];
	v58 =	vmul.f32 $1.442695020e+00, v37;
	v34 =	vor.u32 v53, v54;
	(erf) = vpow2.f32 v36  }
0x3cb: {  	v52 =	vld [tilespmem:s25+$0xFFFFFFF0];
	v59 =	vor.u32 v60, v56;
	v47 =	vadd.s32 v18, v34  }
0x3cc: {  	v48 =	vadd.s32 v18, v59;
	v60 =	vld.idx.msk [tilespmem:v40+s0+$0x0], $0xffff;
	v61 =	vmul.f32 $1.442695020e+00, v35;
	(erf) = vpow2.f32 v58  }
0x3cd: {  	v62 =	vshll.u32 v46, $0x3;
	v33 =	vadd.f32 v45, v33;
	v44 =	vand.u32 $0x7F, v57  }
0x3ce: {  	v39 =	vshll.u32 v57, $0x3;
	v40 =	vand.u32 $0xFFFFFC00, v62;
	v37 =	vld.idx.msk [tilespmem:v55+s0+$0x0], $0xffff;
	(erf) = vpow2.f32 v61  }
0x3cf: {  	v35 =	vshll.u32 v63, $0x3;
	v34 =	vand.u32 $0x7F, v63;
	v63 =	vand.u32 $0x7F, v46  }
0x3d0: {  	v45 =	vand.u32 $0xFFFFFC00, v39;
	v38 =	vand.u32 $0x7F, v52;
	v40 =	vor.u32 v63, v40;
	v36 =	vld.idx.msk [tilespmem:v47+s0+$0x0], $0xffff  }
0x3d1: {  	s23 =	simm.s32 $0x8;
	s24 =	simm.s32 $0x2110;
	v41 =	vshll.u32 v52, $0x3;
	v39 =	vld.idx.msk [tilespmem:v48+s0+$0x0], $0xffff;
	v43 =	vmul.f32 $1.442695020e+00, v60;
	v40 =	vadd.s32 v18, v40;
	v42 =	vpop (erf)  }
.LBB2_26:
0x3d2: {  	v46 =	vld [tilespmem:s24+$0x0];
	v44 =	vor.u32 v44, v45;
	v41 =	vand.u32 $0xFFFFFC00, v41;
	v33 =	vadd.f32 v42, v33  }
0x3d3: {  	v48 =	vmul.f32 $1.442695020e+00, v37;
	v42 =	vld [tilespmem:s24+$0xFFFFFFF0];
	v44 =	vadd.s32 v18, v44;
	(erf) = vpow2.f32 v43;
	v43 =	vpop (erf)  }
0x3d4: {  	s23 =	sadd.s32 $0x4, s23;
	v35 =	vand.u32 $0xFFFFFC00, v35;
	v38 =	vor.u32 v38, v41;
	v45 =	vld [tilespmem:s24+$0xFFFFFFD0];
	v33 =	vadd.f32 v43, v33  }
0x3d5: {  	p0 =	slt.u32 s23, $0x24;
	v47 =	vadd.s32 v18, v38;
	v38 =	vmul.f32 $1.442695020e+00, v36;
	v43 =	vld [tilespmem:s24+$0xFFFFFFE0];
	(erf) = vpow2.f32 v48;
	v37 =	vpop (erf)  }
0x3d6: {  	v34 =	vor.u32 v34, v35;
	v48 =	vld.idx.msk [tilespmem:v40+s0+$0x0], $0xffff;
	v33 =	vadd.f32 v37, v33  }
0x3d7: {  	v49 =	vadd.s32 v18, v34;
	v39 =	vmul.f32 $1.442695020e+00, v39;
	(erf) = vpow2.f32 v38;
	v36 =	vpop (erf)  }
.Ltmp12:
0x3d8: {  	v34 =	vand.u32 $0x7F, v46;
	v35 =	vshll.u32 v46, $0x3;
	v37 =	vld.idx.msk [tilespmem:v44+s0+$0x0], $0xffff;
	v33 =	vadd.f32 v36, v33;
	(pc) =	sbr.rel @p0 .LBB2_26-.Ltmp12, $4  }
0x3d9: {  	v38 =	vand.u32 $0x7F, v42;
	v36 =	vshll.u32 v45, $0x3;
	(erf) = vpow2.f32 v39  }
0x3da: {  	v41 =	vshll.u32 v42, $0x3;
	v39 =	vand.u32 $0x7F, v45;
	v40 =	vand.u32 $0xFFFFFC00, v36;
	v36 =	vld.idx.msk [tilespmem:v47+s0+$0x0], $0xffff  }
0x3db: {  	v44 =	vand.u32 $0x7F, v43;
	v46 =	vshll.u32 v43, $0x3;
	v39 =	vor.u32 v39, v40  }
0x3dc: {  	s24 =	sadd.s32 $0x40, s24;
	v45 =	vand.u32 $0xFFFFFC00, v46;
	v43 =	vmul.f32 $1.442695020e+00, v48;
	v40 =	vadd.s32 v18, v39;
	v39 =	vld.idx.msk [tilespmem:v49+s0+$0x0], $0xffff;
	v42 =	vpop (erf)  }
0x3dd: {  	_ = 	snop  }
0x3de: {  	v44 =	vor.u32 v44, v45;
	v41 =	vand.u32 $0xFFFFFC00, v41  }
0x3df: {  	v35 =	vand.u32 $0xFFFFFC00, v35;
	v44 =	vadd.s32 v18, v44;
	v38 =	vor.u32 v38, v41  }
0x3e0: {  	v34 =	vor.u32 v34, v35;
	v38 =	vadd.s32 v18, v38  }
0x3e1: {  	v59 =	vld.idx.msk [tilespmem:v40+s0+$0x0], $0xffff;
	v34 =	vadd.s32 v18, v34  }
0x3e2: {  	v61 =	vld [tilespmem:$0x22A0]  }
0x3e3: {  	v63 =	vld [tilespmem:$0x22B0]  }
0x3e4: {  	v37 =	vmul.f32 $1.442695020e+00, v37;
	v60 =	vld.idx.msk [tilespmem:v44+s0+$0x0], $0xffff  }
0x3e5: {  	(erf) = vpow2.f32 v43;
	v36 =	vmul.f32 $1.442695020e+00, v36;
	v38 =	vld.idx.msk [tilespmem:v38+s0+$0x0], $0xffff  }
0x3e6: {  	v33 =	vadd.f32 v42, v33;
	v49 =	vadd.s32 $0xFFFF8800, v20;
	(erf) = vpow2.f32 v37;
	v34 =	vld.idx.msk [tilespmem:v34+s0+$0x0], $0xffff  }
0x3e7: {  	vm12 =	vlt.u32 v49, $0xA00;
	v62 =	vmul.f32 $1.442695020e+00, v39;
	(erf) = vpow2.f32 v36  }
0x3e8: {  	v35 =	vmul.f32 $1.442695020e+00, v59;
	v46 =	vand.u32 $0x7F, v61;
	v48 =	vshll.u32 v63, $0x3  }
0x3e9: {  	v36 =	vand.u32 $0x7F, v63;
	(erf) = vpow2.f32 v62;
	v40 =	vmul.f32 $1.442695020e+00, v60  }
0x3ea: {  	v45 =	vld [tilespmem:$0x22C0];
	v44 =	vshll.u32 v61, $0x3;
	(erf) = vpow2.f32 v35;
	v43 =	vmul.f32 $1.442695020e+00, v38  }
0x3eb: {  	v37 =	vand.u32 $0xFFFFFC00, v44;
	v34 =	vmul.f32 $1.442695020e+00, v34;
	(erf) = vpow2.f32 v40  }
0x3ec: {  	v50 =	vpop (erf);
	v47 =	vor.u32 v46, v37;
	v37 =	vsel vm12, v49, v19;
	(erf) = vpow2.f32 v43  }
0x3ed: {  	v51 =	vpop (erf);
	v35 =	vand.u32 $0xFFFFFC00, v48;
	v54 =	vshll.u32 v37, $0x3;
	(erf) = vpow2.f32 v34  }
0x3ee: {  	v53 =	vpop (erf);
	v35 =	vor.u32 v36, v35;
	v37 =	vand.u32 $0x7F, v37;
	v55 =	vand.u32 $0xFFFFFC00, v54  }
0x3ef: {  	v52 =	vshll.u32 v45, $0x3;
	v35 =	vadd.s32 v18, v35;
	v37 =	vor.u32 v37, v55;
	v43 =	vpop (erf)  }
0x3f0: {  	v38 =	vand.u32 $0x7F, v45;
	v37 =	vadd.s32 v18, v37;
	v40 =	vand.u32 $0xFFFFFC00, v52;
	v56 =	vpop (erf)  }
0x3f1: {  	v33 =	vadd.f32 v50, v33;
	v38 =	vor.u32 v38, v40;
	v34 =	vadd.s32 v18, v47;
	v57 =	vpop (erf)  }
0x3f2: {  	v38 =	vadd.s32 v18, v38;
	v58 =	vpop (erf)  }
0x3f3: {  	v33 =	vadd.f32 v51, v33;
	v59 =	vpop (erf)  }
0x3f4: {  	v35 =	vld.idx.msk [tilespmem:v35+s0+$0x0], $0xffff;
	v60 =	vpop (erf)  }
0x3f5: {  	v41 =	vadd.f32 v53, v33;
	v33 =	vld.idx.msk [tilespmem:v37+s0+$0x0], $0xffff;
	v61 =	vpop (erf)  }
0x3f6: {  	v34 =	vld.idx.msk [tilespmem:v34+s0+$0x0], $0xffff;
	v46 =	vpop (erf)  }
0x3f7: {  	v38 =	vld.idx.msk [tilespmem:v38+s0+$0x0], $0xffff;
	_ =	swait.ge [sflag:s1], $0xA000  }
0x3f8: {  	[sflag:s1] =	ssyncset.done $0x0  }
0x3f9: {  	s6 =	simm.s32 $0x0;
	v62 =	vadd.f32 v43, v41;
	[sflag:s1] =	ssyncadd.s32 $0xFFFF6000  }
0x3fa: {  	[tilespmem:s0], [sflag:$0x1] =	stream.linear.gather [hbm4b:s19+s6], $0x5000, $0x38;
	[tilespmem:$0x19A80] =	vst v63  }
0x3fb: {  	s23 =	sadd.s32 $0x18700, s19;
	s24 =	simm.s32 $0x22F0;
	v37 =	vadd.f32 v56, v62  }
0x3fc: {  	[tilespmem:s30], [sflag:$0x1] =	stream.linear.gather [hbm4b:s23+s6], $0x5000, $0x38;
	[tilespmem:$0x19A80] =	vst v63  }
0x3fd: {  	v37 =	vadd.f32 v57, v37;
	v63 =	vld [tilespmem:s24+$0xFFFFFFE0];
	_ =	sdelay $0x1  }
0x3fe: {  	v37 =	vadd.f32 v58, v37;
	v49 =	vld [tilespmem:s24+$0xFFFFFFF0]  }
0x3ff: {  	v34 =	vmul.f32 $1.442695020e+00, v34  }
0x400: {  	v47 =	vmul.f32 $1.442695020e+00, v35;
	v36 =	vadd.f32 v59, v37;
	v48 =	vld [tilespmem:s24+$0x0]  }
0x401: {  	v50 =	vmul.f32 $1.442695020e+00, v38;
	(erf) = vpow2.f32 v34;
	s6 =	sand.u32 $0x3C0, s6;
	v52 =	vshll.u32 v63, $0x3  }
0x402: {  	v36 =	vadd.f32 v60, v36;
	v51 =	vld [tilespmem:s6+$0x2300];
	v53 =	vand.u32 $0x7F, v63;
	v54 =	vand.u32 $0xFFFFFC00, v52  }
0x403: {  	(erf) = vpow2.f32 v47;
	v56 =	vshll.u32 v49, $0x3;
	v34 =	vor.u32 v53, v54  }
0x404: {  	s25 =	simm.s32 $0x2330;
	v37 =	vand.u32 $0x7F, v49;
	v39 =	vand.u32 $0xFFFFFC00, v56;
	v34 =	vadd.s32 v18, v34  }
0x405: {  	v36 =	vadd.f32 v61, v36;
	s23 =	simm.s32 $0x40;
	v58 =	vld [tilespmem:s25+$0x0];
	v35 =	vshll.u32 v48, $0x3;
	v37 =	vor.u32 v37, v39  }
0x406: {  	v60 =	vld [tilespmem:s25+$0xFFFFFFE0];
	s6 =	sand.u32 $0x3C0, s23;
	v55 =	vand.u32 $0x7F, v48;
	v35 =	vand.u32 $0xFFFFFC00, v35;
	v37 =	vadd.s32 v18, v37  }
0x407: {  	(erf) = vpow2.f32 v50;
	v50 =	vld [tilespmem:s6+$0x2300];
	v38 =	vshll.u32 v51, $0x3;
	v35 =	vor.u32 v55, v35  }
0x408: {  	v61 =	vld [tilespmem:s25+$0xFFFFFFF0];
	v57 =	vand.u32 $0x7F, v51;
	v38 =	vand.u32 $0xFFFFFC00, v38;
	v35 =	vadd.s32 v18, v35  }
0x409: {  	v38 =	vor.u32 v57, v38;
	v63 =	vld.idx.msk [tilespmem:v34+s29+$0x0], $0xffff  }
0x40a: {  	v36 =	vadd.f32 v46, v36;
	v51 =	vand.u32 $0x7F, v58;
	v38 =	vadd.s32 v18, v38  }
0x40b: {  	s24 =	simm.s32 $0x2370;
	v59 =	vpop (erf);
	v42 =	vshll.u32 v58, $0x3;
	v43 =	vand.u32 $0x7F, v60;
	v52 =	vshll.u32 v60, $0x3;
	v37 =	vld.idx.msk [tilespmem:v37+s29+$0x0], $0xffff  }
0x40c: {  	v47 =	vld [tilespmem:s24+$0xFFFFFFE0];
	v36 =	vadd.f32 v59, v36;
	v56 =	vand.u32 $0x7F, v50;
	v44 =	vand.u32 $0xFFFFFC00, v52  }
0x40d: {  	v40 =	vshll.u32 v50, $0x3;
	v58 =	vand.u32 $0xFFFFFC00, v42;
	v43 =	vor.u32 v43, v44;
	v35 =	vld.idx.msk [tilespmem:v35+s29+$0x0], $0xffff  }
0x40e: {  	s23 =	simm.s32 $0x80;
	v53 =	vshll.u32 v61, $0x3;
	v43 =	vadd.s32 v18, v43;
	v41 =	vmul.f32 $1.442695020e+00, v63  }
0x40f: {  	s25 =	sand.u32 $0x3C0, s23;
	v62 =	vpop (erf);
	v39 =	vand.u32 $0x7F, v61;
	v40 =	vand.u32 $0xFFFFFC00, v40;
	v54 =	vand.u32 $0xFFFFFC00, v53;
	v38 =	vld.idx.msk [tilespmem:v38+s29+$0x0], $0xffff  }
0x410: {  	v59 =	vld [tilespmem:s25+$0x2300];
	v49 =	vpop (erf);
	v39 =	vor.u32 v39, v54;
	v37 =	vmul.f32 $1.442695020e+00, v37;
	(erf) = vpow2.f32 v41  }
0x411: {  	v55 =	vld [tilespmem:s24+$0x0];
	v61 =	vshll.u32 v47, $0x3;
	v48 =	vadd.f32 v62, v36;
	v39 =	vadd.s32 v18, v39  }
0x412: {  	v57 =	vld [tilespmem:s24+$0xFFFFFFF0];
	v36 =	vor.u32 v51, v58;
	v35 =	vmul.f32 $1.442695020e+00, v35;
	(erf) = vpow2.f32 v37  }
0x413: {  	v40 =	vor.u32 v56, v40;
	v36 =	vadd.s32 v18, v36;
	v34 =	vadd.f32 v49, v48;
	v48 =	vld.idx.msk [tilespmem:v43+s29+$0x0], $0xffff  }
0x414: {  	v40 =	vadd.s32 v18, v40;
	v60 =	vmul.f32 $1.442695020e+00, v38;
	(erf) = vpow2.f32 v35  }
0x415: {  	v62 =	vand.u32 $0x7F, v47;
	v38 =	vand.u32 $0xFFFFFC00, v61  }
0x416: {  	v38 =	vor.u32 v62, v38;
	v37 =	vld.idx.msk [tilespmem:v39+s29+$0x0], $0xffff;
	(erf) = vpow2.f32 v60  }
0x417: {  	v44 =	vshll.u32 v59, $0x3;
	v42 =	vshll.u32 v55, $0x3;
	v63 =	vshll.u32 v57, $0x3  }
0x418: {  	v43 =	vand.u32 $0x7F, v57;
	v36 =	vld.idx.msk [tilespmem:v36+s29+$0x0], $0xffff;
	v46 =	vand.u32 $0xFFFFFC00, v63;
	v45 =	vmul.f32 $1.442695020e+00, v48  }
0x419: {  	s25 =	simm.s32 $0x23B0;
	s24 =	simm.s32 $0x8;
	v40 =	vld.idx.msk [tilespmem:v40+s29+$0x0], $0xffff;
	v41 =	vadd.s32 v18, v38;
	v39 =	vand.u32 $0x7F, v59;
	v35 =	vand.u32 $0x7F, v55;
	v38 =	vpop (erf)  }
.LBB2_28:
0x41a: {  	v47 =	vld [tilespmem:s25+$0x0];
	v43 =	vor.u32 v43, v46;
	v42 =	vand.u32 $0xFFFFFC00, v42;
	v34 =	vadd.f32 v38, v34  }
0x41b: {  	s23 =	sadd.s32 $0x40, s23;
	v37 =	vmul.f32 $1.442695020e+00, v37;
	v38 =	vld [tilespmem:s25+$0xFFFFFFF0];
	v43 =	vadd.s32 v18, v43;
	(erf) = vpow2.f32 v45;
	v45 =	vpop (erf)  }
0x41c: {  	s24 =	sadd.s32 $0x4, s24;
	s6 =	sand.u32 $0x3C0, s23;
	v35 =	vor.u32 v35, v42;
	v42 =	vand.u32 $0xFFFFFC00, v44;
	v46 =	vld [tilespmem:s25+$0xFFFFFFE0];
	v34 =	vadd.f32 v45, v34  }
0x41d: {  	p0 =	slt.u32 s24, $0x24;
	v45 =	vadd.s32 v18, v35;
	v35 =	vmul.f32 $1.442695020e+00, v36;
	v44 =	vld [tilespmem:s6+$0x2300];
	(erf) = vpow2.f32 v37;
	v36 =	vpop (erf)  }
0x41e: {  	v37 =	vor.u32 v39, v42;
	v48 =	vld.idx.msk [tilespmem:v41+s29+$0x0], $0xffff;
	v34 =	vadd.f32 v36, v34  }
0x41f: {  	v49 =	vadd.s32 v18, v37;
	v36 =	vmul.f32 $1.442695020e+00, v40;
	(erf) = vpow2.f32 v35;
	v39 =	vpop (erf)  }
.Ltmp13:
0x420: {  	v35 =	vand.u32 $0x7F, v47;
	v42 =	vshll.u32 v47, $0x3;
	v37 =	vld.idx.msk [tilespmem:v43+s29+$0x0], $0xffff;
	v34 =	vadd.f32 v39, v34;
	(pc) =	sbr.rel @p0 .LBB2_28-.Ltmp13, $4  }
0x421: {  	v43 =	vand.u32 $0x7F, v38;
	v39 =	vshll.u32 v46, $0x3;
	(erf) = vpow2.f32 v36  }
0x422: {  	v47 =	vshll.u32 v38, $0x3;
	v40 =	vand.u32 $0x7F, v46;
	v39 =	vand.u32 $0xFFFFFC00, v39;
	v36 =	vld.idx.msk [tilespmem:v45+s29+$0x0], $0xffff  }
0x423: {  	v40 =	vor.u32 v40, v39;
	v39 =	vand.u32 $0x7F, v44;
	v44 =	vshll.u32 v44, $0x3  }
0x424: {  	s25 =	sadd.s32 $0x40, s25;
	v46 =	vand.u32 $0xFFFFFC00, v47;
	v45 =	vmul.f32 $1.442695020e+00, v48;
	v41 =	vadd.s32 v18, v40;
	v40 =	vld.idx.msk [tilespmem:v49+s29+$0x0], $0xffff;
	v38 =	vpop (erf)  }
0x425: {  	v43 =	vor.u32 v43, v46;
	v42 =	vand.u32 $0xFFFFFC00, v42  }
0x426: {  	v61 =	vand.u32 $0xFFFFFC00, v44;
	v43 =	vadd.s32 v18, v43;
	v35 =	vor.u32 v35, v42  }
0x427: {  	v39 =	vor.u32 v39, v61;
	v35 =	vadd.s32 v18, v35  }
0x428: {  	v39 =	vadd.s32 v18, v39;
	_ =	sdelay $0x1  }
0x429: {  	v41 =	vld.idx.msk [tilespmem:v41+s29+$0x0], $0xffff  }
0x42a: {  	v62 =	vld.idx.msk [tilespmem:v43+s29+$0x0], $0xffff  }
0x42b: {  	v37 =	vmul.f32 $1.442695020e+00, v37;
	v35 =	vld.idx.msk [tilespmem:v35+s29+$0x0], $0xffff  }
0x42c: {  	(erf) = vpow2.f32 v45;
	v36 =	vmul.f32 $1.442695020e+00, v36;
	v39 =	vld.idx.msk [tilespmem:v39+s29+$0x0], $0xffff  }
0x42d: {  	(erf) = vpow2.f32 v37;
	v63 =	vmul.f32 $1.442695020e+00, v40  }
0x42e: {  	(erf) = vpow2.f32 v36;
	v44 =	vmul.f32 $1.442695020e+00, v41  }
0x42f: {  	(erf) = vpow2.f32 v63;
	v46 =	vmul.f32 $1.442695020e+00, v62  }
0x430: {  	v45 =	vld [tilespmem:$0x2550];
	(erf) = vpow2.f32 v44;
	v35 =	vmul.f32 $1.442695020e+00, v35  }
0x431: {  	v48 =	vadd.s32 $0xFFFF7E00, v20;
	v47 =	vmul.f32 $1.442695020e+00, v39;
	(erf) = vpow2.f32 v46  }
0x432: {  	v49 =	vpop (erf);
	vm13 =	vlt.u32 v48, $0xA00;
	(erf) = vpow2.f32 v35  }
0x433: {  	v37 =	vsel vm13, v48, v19;
	v50 =	vpop (erf);
	(erf) = vpow2.f32 v47  }
0x434: {  	v53 =	vshll.u32 v37, $0x3;
	v52 =	vpop (erf)  }
0x435: {  	v37 =	vand.u32 $0x7F, v37;
	v55 =	vand.u32 $0xFFFFFC00, v53;
	v51 =	vshll.u32 v45, $0x3;
	v54 =	vpop (erf)  }
0x436: {  	v37 =	vor.u32 v37, v55;
	v40 =	vand.u32 $0x7F, v45;
	v36 =	vand.u32 $0xFFFFFC00, v51;
	v56 =	vpop (erf)  }
0x437: {  	v37 =	vadd.s32 v18, v37;
	v36 =	vor.u32 v40, v36;
	v57 =	vpop (erf)  }
0x438: {  	v36 =	vadd.s32 v18, v36;
	v58 =	vpop (erf)  }
0x439: {  	v59 =	vpop (erf)  }
0x43a: {  	v34 =	vadd.f32 v38, v34;
	v60 =	vpop (erf)  }
0x43b: {  	v61 =	vpop (erf)  }
0x43c: {  	v39 =	vadd.f32 v49, v34;
	v34 =	vld.idx.msk [tilespmem:v37+s29+$0x0], $0xffff;
	v47 =	vpop (erf)  }
0x43d: {  	v36 =	vld.idx.msk [tilespmem:v36+s29+$0x0], $0xffff;
	_ =	swait.ge [sflag:s1], $0xA000  }
0x43e: {  	[sflag:s1] =	ssyncset.done $0x0  }
0x43f: {  	s6 =	simm.s32 $0x0;
	v35 =	vadd.f32 v50, v39;
	[sflag:s1] =	ssyncadd.s32 $0xFFFF6000  }
0x440: {  	[tilespmem:s29], [sflag:$0x1] =	stream.linear.gather [hbm4b:s20+s6], $0x5000, $0x38;
	[tilespmem:$0x19A80] =	vst v63  }
0x441: {  	s23 =	sadd.s32 $0x18700, s20;
	s24 =	simm.s32 $0x2590;
	v35 =	vadd.f32 v52, v35  }
0x442: {  	[tilespmem:s4], [sflag:$0x1] =	stream.linear.gather [hbm4b:s23+s6], $0x5000, $0x38;
	[tilespmem:$0x19A80] =	vst v63  }
0x443: {  	v35 =	vadd.f32 v54, v35;
	v62 =	vld [tilespmem:s24+$0xFFFFFFD0];
	_ =	sdelay $0x1  }
0x444: {  	v35 =	vadd.f32 v56, v35;
	v48 =	vld [tilespmem:s24+$0xFFFFFFE0]  }
0x445: {  	s6 =	sand.u32 $0x3C0, s6  }
0x446: {  	v35 =	vadd.f32 v57, v35;
	v49 =	vld [tilespmem:s6+$0x2580]  }
0x447: {  	v36 =	vmul.f32 $1.442695020e+00, v36;
	v50 =	vshll.u32 v62, $0x3  }
0x448: {  	v35 =	vadd.f32 v58, v35;
	v63 =	vld [tilespmem:s24+$0x0];
	v51 =	vand.u32 $0x7F, v62;
	v52 =	vand.u32 $0xFFFFFC00, v50  }
0x449: {  	(erf) = vpow2.f32 v36;
	v55 =	vshll.u32 v48, $0x3;
	v36 =	vor.u32 v51, v52  }
0x44a: {  	s25 =	simm.s32 $0x25D0;
	v40 =	vand.u32 $0x7F, v48;
	v39 =	vand.u32 $0xFFFFFC00, v55;
	v36 =	vadd.s32 v18, v36  }
0x44b: {  	v35 =	vadd.f32 v59, v35;
	v57 =	vld [tilespmem:s25+$0x0];
	v56 =	vshll.u32 v49, $0x3;
	v39 =	vor.u32 v40, v39  }
0x44c: {  	v59 =	vld [tilespmem:s25+$0xFFFFFFD0];
	v41 =	vand.u32 $0x7F, v49;
	v58 =	vand.u32 $0xFFFFFC00, v56;
	v39 =	vadd.s32 v18, v39  }
0x44d: {  	v35 =	vadd.f32 v60, v35;
	v54 =	vshll.u32 v63, $0x3;
	v40 =	vor.u32 v41, v58  }
0x44e: {  	s23 =	simm.s32 $0x40;
	v60 =	vld [tilespmem:s25+$0xFFFFFFE0];
	v53 =	vand.u32 $0x7F, v63;
	v37 =	vand.u32 $0xFFFFFC00, v54;
	v40 =	vadd.s32 v18, v40  }
0x44f: {  	s6 =	sand.u32 $0x3C0, s23;
	v37 =	vor.u32 v53, v37;
	v36 =	vld.idx.msk [tilespmem:v36+s0+$0x0], $0xffff  }
0x450: {  	v35 =	vadd.f32 v61, v35;
	v62 =	vld [tilespmem:s6+$0x2580];
	v37 =	vadd.s32 v18, v37  }
0x451: {  	v63 =	vand.u32 $0x7F, v57;
	v43 =	vshll.u32 v57, $0x3;
	v50 =	vshll.u32 v59, $0x3;
	v39 =	vld.idx.msk [tilespmem:v39+s0+$0x0], $0xffff  }
0x452: {  	v42 =	vand.u32 $0x7F, v59;
	v43 =	vand.u32 $0xFFFFFC00, v43;
	v45 =	vand.u32 $0xFFFFFC00, v50  }
0x453: {  	s24 =	simm.s32 $0x2610;
	v51 =	vshll.u32 v60, $0x3;
	v41 =	vand.u32 $0x7F, v60;
	v42 =	vor.u32 v42, v45;
	v40 =	vld.idx.msk [tilespmem:v40+s0+$0x0], $0xffff  }
0x454: {  	s23 =	simm.s32 $0x80;
	v58 =	vld [tilespmem:s24+$0xFFFFFFD0];
	v52 =	vand.u32 $0xFFFFFC00, v51;
	v42 =	vadd.s32 v18, v42;
	v36 =	vmul.f32 $1.442695020e+00, v36  }
0x455: {  	v35 =	vadd.f32 v47, v35;
	s25 =	sand.u32 $0x3C0, s23;
	v38 =	vor.u32 v63, v43;
	v41 =	vor.u32 v41, v52;
	v37 =	vld.idx.msk [tilespmem:v37+s0+$0x0], $0xffff  }
0x456: {  	v61 =	vpop (erf);
	v48 =	vld [tilespmem:s25+$0x2580];
	v54 =	vshll.u32 v62, $0x3;
	v39 =	vmul.f32 $1.442695020e+00, v39;
	(erf) = vpow2.f32 v36  }
0x457: {  	v55 =	vld [tilespmem:s24+$0xFFFFFFE0];
	v56 =	vand.u32 $0x7F, v62;
	v41 =	vadd.s32 v18, v41;
	v57 =	vand.u32 $0xFFFFFC00, v54  }
0x458: {  	v53 =	vld [tilespmem:s24+$0x0];
	v59 =	vmul.f32 $1.442695020e+00, v40;
	v36 =	vor.u32 v56, v57;
	(erf) = vpow2.f32 v39  }
0x459: {  	v35 =	vadd.f32 v61, v35;
	v49 =	vadd.s32 v18, v38;
	v60 =	vld.idx.msk [tilespmem:v42+s0+$0x0], $0xffff;
	v44 =	vadd.s32 v18, v36  }
0x45a: {  	v62 =	vshll.u32 v58, $0x3;
	v61 =	vmul.f32 $1.442695020e+00, v37;
	(erf) = vpow2.f32 v59  }
0x45b: {  	v63 =	vand.u32 $0x7F, v58;
	v42 =	vand.u32 $0xFFFFFC00, v62  }
0x45c: {  	v39 =	vld.idx.msk [tilespmem:v41+s0+$0x0], $0xffff;
	v41 =	vor.u32 v63, v42;
	(erf) = vpow2.f32 v61  }
0x45d: {  	v46 =	vshll.u32 v48, $0x3;
	v43 =	vand.u32 $0x7F, v55;
	v45 =	vshll.u32 v55, $0x3  }
0x45e: {  	v47 =	vand.u32 $0xFFFFFC00, v45;
	v37 =	vshll.u32 v53, $0x3;
	v45 =	vmul.f32 $1.442695020e+00, v60;
	v38 =	vld.idx.msk [tilespmem:v44+s0+$0x0], $0xffff  }
0x45f: {  	s25 =	simm.s32 $0x2650;
	s24 =	simm.s32 $0x8;
	v40 =	vld.idx.msk [tilespmem:v49+s0+$0x0], $0xffff;
	v36 =	vand.u32 $0x7F, v53;
	v42 =	vadd.s32 v18, v41;
	v44 =	vand.u32 $0x7F, v48;
	v41 =	vpop (erf)  }
.LBB2_30:
0x460: {  	v48 =	vld [tilespmem:s25+$0x0];
	v43 =	vor.u32 v43, v47;
	v46 =	vand.u32 $0xFFFFFC00, v46;
	v35 =	vadd.f32 v41, v35  }
0x461: {  	s23 =	sadd.s32 $0x40, s23;
	v49 =	vmul.f32 $1.442695020e+00, v39;
	v41 =	vld [tilespmem:s25+$0xFFFFFFE0];
	v43 =	vadd.s32 v18, v43;
	(erf) = vpow2.f32 v45;
	v45 =	vpop (erf)  }
0x462: {  	s24 =	sadd.s32 $0x4, s24;
	v37 =	vand.u32 $0xFFFFFC00, v37;
	s6 =	sand.u32 $0x3C0, s23;
	v44 =	vor.u32 v44, v46;
	v47 =	vld [tilespmem:s25+$0xFFFFFFD0];
	v35 =	vadd.f32 v45, v35  }
0x463: {  	p0 =	slt.u32 s24, $0x24;
	v44 =	vadd.s32 v18, v44;
	v46 =	vmul.f32 $1.442695020e+00, v38;
	v45 =	vld [tilespmem:s6+$0x2580];
	(erf) = vpow2.f32 v49;
	v39 =	vpop (erf)  }
0x464: {  	v36 =	vor.u32 v36, v37;
	v49 =	vld.idx.msk [tilespmem:v42+s0+$0x0], $0xffff;
	v35 =	vadd.f32 v39, v35  }
0x465: {  	v50 =	vadd.s32 v18, v36;
	v40 =	vmul.f32 $1.442695020e+00, v40;
	(erf) = vpow2.f32 v46;
	v38 =	vpop (erf)  }
.Ltmp14:
0x466: {  	v36 =	vand.u32 $0x7F, v48;
	v37 =	vshll.u32 v48, $0x3;
	v39 =	vld.idx.msk [tilespmem:v43+s0+$0x0], $0xffff;
	v35 =	vadd.f32 v38, v35;
	(pc) =	sbr.rel @p0 .LBB2_30-.Ltmp14, $4  }
0x467: {  	v43 =	vand.u32 $0x7F, v41;
	v38 =	vshll.u32 v47, $0x3;
	(erf) = vpow2.f32 v40  }
0x468: {  	v48 =	vshll.u32 v41, $0x3;
	v40 =	vand.u32 $0x7F, v47;
	v42 =	vand.u32 $0xFFFFFC00, v38;
	v38 =	vld.idx.msk [tilespmem:v44+s0+$0x0], $0xffff  }
0x469: {  	v44 =	vand.u32 $0x7F, v45;
	v46 =	vshll.u32 v45, $0x3;
	v40 =	vor.u32 v40, v42  }
0x46a: {  	s25 =	sadd.s32 $0x40, s25;
	v47 =	vand.u32 $0xFFFFFC00, v48;
	v45 =	vmul.f32 $1.442695020e+00, v49;
	v42 =	vadd.s32 v18, v40;
	v40 =	vld.idx.msk [tilespmem:v50+s0+$0x0], $0xffff;
	v41 =	vpop (erf)  }
0x46b: {  	v43 =	vor.u32 v43, v47;
	v46 =	vand.u32 $0xFFFFFC00, v46  }
0x46c: {  	v37 =	vand.u32 $0xFFFFFC00, v37;
	v43 =	vadd.s32 v18, v43;
	v44 =	vor.u32 v44, v46  }
0x46d: {  	v36 =	vor.u32 v36, v37;
	v44 =	vadd.s32 v18, v44  }
0x46e: {  	v36 =	vadd.s32 v18, v36;
	_ =	sdelay $0x1  }
0x46f: {  	v53 =	vld.idx.msk [tilespmem:v42+s0+$0x0], $0xffff  }
0x470: {  	v54 =	vld.idx.msk [tilespmem:v43+s0+$0x0], $0xffff  }
0x471: {  	v39 =	vmul.f32 $1.442695020e+00, v39;
	v55 =	vld.idx.msk [tilespmem:v44+s0+$0x0], $0xffff  }
0x472: {  	(erf) = vpow2.f32 v45;
	v38 =	vmul.f32 $1.442695020e+00, v38;
	v36 =	vld.idx.msk [tilespmem:v36+s0+$0x0], $0xffff  }
0x473: {  	(erf) = vpow2.f32 v39;
	v56 =	vmul.f32 $1.442695020e+00, v40  }
0x474: {  	(erf) = vpow2.f32 v38;
	v37 =	vmul.f32 $1.442695020e+00, v53  }
0x475: {  	(erf) = vpow2.f32 v56;
	v57 =	vmul.f32 $1.442695020e+00, v54  }
0x476: {  	(erf) = vpow2.f32 v37;
	v58 =	vmul.f32 $1.442695020e+00, v55  }
0x477: {  	v36 =	vmul.f32 $1.442695020e+00, v36;
	(erf) = vpow2.f32 v57  }
0x478: {  	v59 =	vadd.s32 $0xFFFF7400, v20;
	v60 =	vpop (erf);
	(erf) = vpow2.f32 v58  }
0x479: {  	vm14 =	vlt.u32 v59, $0xA00;
	v61 =	vpop (erf);
	(erf) = vpow2.f32 v36  }
0x47a: {  	v62 =	vsel vm14, v59, v19;
	v63 =	vpop (erf)  }
0x47b: {  	v52 =	vshll.u32 v62, $0x3;
	v53 =	vpop (erf)  }
0x47c: {  	v40 =	vand.u32 $0xFFFFFC00, v52;
	v54 =	vpop (erf);
	v36 =	vand.u32 $0x7F, v62  }
0x47d: {  	v55 =	vpop (erf);
	v36 =	vor.u32 v36, v40  }
0x47e: {  	v56 =	vpop (erf);
	v36 =	vadd.s32 v18, v36  }
0x47f: {  	v57 =	vpop (erf)  }
0x480: {  	v58 =	vpop (erf)  }
0x481: {  	v59 =	vpop (erf)  }
0x482: {  	v48 =	vpop (erf)  }
0x483: {  	v41 =	vadd.f32 v41, v35;
	v35 =	vld.idx.msk [tilespmem:v36+s0+$0x0], $0xffff;
	_ =	swait.ge [sflag:s1], $0xA000  }
0x484: {  	[sflag:s1] =	ssyncset.done $0x0  }
0x485: {  	s6 =	simm.s32 $0x0;
	[sflag:s1] =	ssyncadd.s32 $0xFFFF6000  }
0x486: {  	v60 =	vadd.f32 v60, v41;
	[tilespmem:s0], [sflag:$0x1] =	stream.linear.gather [hbm4b:s21+s6], $0x5000, $0x38;
	[tilespmem:$0x19A80] =	vst v63  }
0x487: {  	s23 =	sadd.s32 $0x18700, s21;
	s24 =	simm.s32 $0x2810  }
0x488: {  	v36 =	vadd.f32 v61, v60;
	[tilespmem:s30], [sflag:$0x1] =	stream.linear.gather [hbm4b:s23+s6], $0x5000, $0x38;
	[tilespmem:$0x19A80] =	vst v63  }
0x489: {  	v61 =	vld [tilespmem:s24+$0xFFFFFFD0]  }
0x48a: {  	v36 =	vadd.f32 v63, v36  }
0x48b: {  	v63 =	vld [tilespmem:s24+$0xFFFFFFE0]  }
0x48c: {  	v36 =	vadd.f32 v53, v36;
	s6 =	sand.u32 $0x3C0, s6  }
0x48d: {  	v49 =	vld [tilespmem:s6+$0x2800]  }
0x48e: {  	v36 =	vadd.f32 v54, v36;
	v50 =	vshll.u32 v61, $0x3  }
0x48f: {  	v62 =	vld [tilespmem:s24+$0x0];
	v37 =	vand.u32 $0x7F, v61;
	v41 =	vand.u32 $0xFFFFFC00, v50  }
0x490: {  	v36 =	vadd.f32 v55, v36;
	v52 =	vshll.u32 v63, $0x3;
	v37 =	vor.u32 v37, v41  }
0x491: {  	s25 =	simm.s32 $0x2850;
	v39 =	vand.u32 $0x7F, v63;
	v41 =	vand.u32 $0xFFFFFC00, v52;
	v37 =	vadd.s32 v18, v37  }
0x492: {  	v54 =	vld [tilespmem:s25+$0x0];
	v36 =	vadd.f32 v56, v36;
	v53 =	vshll.u32 v49, $0x3;
	v39 =	vor.u32 v39, v41  }
0x493: {  	v56 =	vld [tilespmem:s25+$0xFFFFFFD0];
	v40 =	vand.u32 $0x7F, v49;
	v55 =	vand.u32 $0xFFFFFC00, v53;
	v39 =	vadd.s32 v18, v39  }
0x494: {  	v36 =	vadd.f32 v57, v36;
	v38 =	vshll.u32 v62, $0x3;
	v40 =	vor.u32 v40, v55  }
0x495: {  	s23 =	simm.s32 $0x40;
	v57 =	vld [tilespmem:s25+$0xFFFFFFE0];
	v51 =	vand.u32 $0x7F, v62;
	v38 =	vand.u32 $0xFFFFFC00, v38;
	v40 =	vadd.s32 v18, v40  }
0x496: {  	s6 =	sand.u32 $0x3C0, s23;
	v38 =	vor.u32 v51, v38;
	v37 =	vld.idx.msk [tilespmem:v37+s29+$0x0], $0xffff  }
0x497: {  	v36 =	vadd.f32 v58, v36;
	v58 =	vld [tilespmem:s6+$0x2800];
	v38 =	vadd.s32 v18, v38  }
0x498: {  	v44 =	vshll.u32 v54, $0x3;
	v60 =	vshll.u32 v56, $0x3;
	v39 =	vld.idx.msk [tilespmem:v39+s29+$0x0], $0xffff  }
0x499: {  	s23 =	simm.s32 $0x80;
	v43 =	vand.u32 $0x7F, v56;
	v36 =	vadd.f32 v59, v36;
	v46 =	vand.u32 $0xFFFFFC00, v60  }
0x49a: {  	s25 =	sand.u32 $0x3C0, s23;
	v59 =	vand.u32 $0x7F, v54;
	v61 =	vshll.u32 v57, $0x3;
	v43 =	vor.u32 v43, v46;
	v40 =	vld.idx.msk [tilespmem:v40+s29+$0x0], $0xffff  }
0x49b: {  	v49 =	vld [tilespmem:s25+$0x2800];
	v41 =	vand.u32 $0x7F, v57;
	v57 =	vand.u32 $0xFFFFFC00, v44;
	v37 =	vmul.f32 $1.442695020e+00, v37  }
0x49c: {  	s24 =	simm.s32 $0x2890;
	v43 =	vadd.s32 v18, v43;
	v62 =	vand.u32 $0xFFFFFC00, v61;
	v53 =	vshll.u32 v58, $0x3;
	v38 =	vld.idx.msk [tilespmem:v38+s29+$0x0], $0xffff  }
0x49d: {  	v56 =	vld [tilespmem:s24+$0xFFFFFFD0];
	v41 =	vor.u32 v41, v62;
	v39 =	vmul.f32 $1.442695020e+00, v39;
	(erf) = vpow2.f32 v37  }
0x49e: {  	v54 =	vand.u32 $0x7F, v58;
	v55 =	vand.u32 $0xFFFFFC00, v53;
	v41 =	vadd.s32 v18, v41  }
0x49f: {  	v63 =	vld [tilespmem:s24+$0x0];
	v58 =	vmul.f32 $1.442695020e+00, v40;
	v37 =	vor.u32 v54, v55;
	(erf) = vpow2.f32 v39  }
0x4a0: {  	v46 =	vld [tilespmem:s24+$0xFFFFFFE0];
	v59 =	vor.u32 v59, v57;
	v50 =	vadd.s32 v18, v37  }
0x4a1: {  	v51 =	vadd.s32 v18, v59;
	v60 =	vld.idx.msk [tilespmem:v43+s29+$0x0], $0xffff;
	v61 =	vmul.f32 $1.442695020e+00, v38;
	(erf) = vpow2.f32 v58  }
0x4a2: {  	v36 =	vadd.f32 v48, v36;
	v45 =	vand.u32 $0x7F, v49;
	v62 =	vshll.u32 v56, $0x3  }
0x4a3: {  	v47 =	vshll.u32 v49, $0x3;
	v43 =	vand.u32 $0xFFFFFC00, v62;
	v40 =	vld.idx.msk [tilespmem:v41+s29+$0x0], $0xffff;
	(erf) = vpow2.f32 v61  }
0x4a4: {  	v38 =	vshll.u32 v63, $0x3;
	v37 =	vand.u32 $0x7F, v63;
	v63 =	vand.u32 $0x7F, v56  }
0x4a5: {  	v44 =	vand.u32 $0x7F, v46;
	v46 =	vshll.u32 v46, $0x3;
	v41 =	vor.u32 v63, v43;
	v39 =	vld.idx.msk [tilespmem:v50+s29+$0x0], $0xffff  }
0x4a6: {  	s25 =	simm.s32 $0x28D0;
	s24 =	simm.s32 $0x8;
	v48 =	vand.u32 $0xFFFFFC00, v46;
	v46 =	vmul.f32 $1.442695020e+00, v60;
	v43 =	vadd.s32 v18, v41;
	v41 =	vld.idx.msk [tilespmem:v51+s29+$0x0], $0xffff;
	v42 =	vpop (erf)  }
.LBB2_32:
0x4a7: {  	v49 =	vld [tilespmem:s25+$0x0];
	v44 =	vor.u32 v44, v48;
	v47 =	vand.u32 $0xFFFFFC00, v47;
	v36 =	vadd.f32 v42, v36  }
0x4a8: {  	s23 =	sadd.s32 $0x40, s23;
	v50 =	vmul.f32 $1.442695020e+00, v40;
	v42 =	vld [tilespmem:s25+$0xFFFFFFE0];
	v44 =	vadd.s32 v18, v44;
	(erf) = vpow2.f32 v46;
	v46 =	vpop (erf)  }
0x4a9: {  	s24 =	sadd.s32 $0x4, s24;
	v38 =	vand.u32 $0xFFFFFC00, v38;
	s6 =	sand.u32 $0x3C0, s23;
	v45 =	vor.u32 v45, v47;
	v48 =	vld [tilespmem:s25+$0xFFFFFFD0];
	v36 =	vadd.f32 v46, v36  }
0x4aa: {  	p0 =	slt.u32 s24, $0x24;
	v45 =	vadd.s32 v18, v45;
	v47 =	vmul.f32 $1.442695020e+00, v39;
	v46 =	vld [tilespmem:s6+$0x2800];
	(erf) = vpow2.f32 v50;
	v40 =	vpop (erf)  }
0x4ab: {  	v37 =	vor.u32 v37, v38;
	v50 =	vld.idx.msk [tilespmem:v43+s29+$0x0], $0xffff;
	v36 =	vadd.f32 v40, v36  }
0x4ac: {  	v51 =	vadd.s32 v18, v37;
	v41 =	vmul.f32 $1.442695020e+00, v41;
	(erf) = vpow2.f32 v47;
	v39 =	vpop (erf)  }
.Ltmp15:
0x4ad: {  	v37 =	vand.u32 $0x7F, v49;
	v38 =	vshll.u32 v49, $0x3;
	v40 =	vld.idx.msk [tilespmem:v44+s29+$0x0], $0xffff;
	v36 =	vadd.f32 v39, v36;
	(pc) =	sbr.rel @p0 .LBB2_32-.Ltmp15, $4  }
0x4ae: {  	v44 =	vand.u32 $0x7F, v42;
	v39 =	vshll.u32 v48, $0x3;
	(erf) = vpow2.f32 v41  }
0x4af: {  	v49 =	vshll.u32 v42, $0x3;
	v41 =	vand.u32 $0x7F, v48;
	v43 =	vand.u32 $0xFFFFFC00, v39;
	v39 =	vld.idx.msk [tilespmem:v45+s29+$0x0], $0xffff  }
0x4b0: {  	v45 =	vand.u32 $0x7F, v46;
	v47 =	vshll.u32 v46, $0x3;
	v41 =	vor.u32 v41, v43  }
0x4b1: {  	s25 =	sadd.s32 $0x40, s25;
	v48 =	vand.u32 $0xFFFFFC00, v49;
	v46 =	vmul.f32 $1.442695020e+00, v50;
	v43 =	vadd.s32 v18, v41;
	v41 =	vld.idx.msk [tilespmem:v51+s29+$0x0], $0xffff;
	v42 =	vpop (erf)  }
0x4b2: {  	v44 =	vor.u32 v44, v48;
	v47 =	vand.u32 $0xFFFFFC00, v47  }
0x4b3: {  	v38 =	vand.u32 $0xFFFFFC00, v38;
	v44 =	vadd.s32 v18, v44;
	v45 =	vor.u32 v45, v47  }
0x4b4: {  	v37 =	vor.u32 v37, v38;
	v45 =	vadd.s32 v18, v45  }
0x4b5: {  	v37 =	vadd.s32 v18, v37;
	_ =	sdelay $0x1  }
0x4b6: {  	v53 =	vld.idx.msk [tilespmem:v43+s29+$0x0], $0xffff  }
0x4b7: {  	v54 =	vld.idx.msk [tilespmem:v44+s29+$0x0], $0xffff  }
0x4b8: {  	v40 =	vmul.f32 $1.442695020e+00, v40;
	v55 =	vld.idx.msk [tilespmem:v45+s29+$0x0], $0xffff  }
0x4b9: {  	(erf) = vpow2.f32 v46;
	v39 =	vmul.f32 $1.442695020e+00, v39;
	v37 =	vld.idx.msk [tilespmem:v37+s29+$0x0], $0xffff  }
0x4ba: {  	(erf) = vpow2.f32 v40;
	v56 =	vmul.f32 $1.442695020e+00, v41  }
0x4bb: {  	(erf) = vpow2.f32 v39;
	v38 =	vmul.f32 $1.442695020e+00, v53  }
0x4bc: {  	(erf) = vpow2.f32 v56;
	v57 =	vmul.f32 $1.442695020e+00, v54  }
0x4bd: {  	(erf) = vpow2.f32 v38;
	v58 =	vmul.f32 $1.442695020e+00, v55  }
0x4be: {  	v37 =	vmul.f32 $1.442695020e+00, v37;
	(erf) = vpow2.f32 v57  }
0x4bf: {  	v59 =	vadd.s32 $0xFFFF6A00, v20;
	v60 =	vpop (erf);
	(erf) = vpow2.f32 v58  }
0x4c0: {  	vm15 =	vlt.u32 v59, $0xA00;
	v61 =	vpop (erf);
	(erf) = vpow2.f32 v37  }
0x4c1: {  	v62 =	vsel vm15, v59, v19;
	v63 =	vpop (erf)  }
0x4c2: {  	v51 =	vshll.u32 v62, $0x3;
	v52 =	vpop (erf)  }
0x4c3: {  	v41 =	vand.u32 $0xFFFFFC00, v51;
	v53 =	vpop (erf);
	v37 =	vand.u32 $0x7F, v62  }
0x4c4: {  	v54 =	vpop (erf);
	v37 =	vor.u32 v37, v41  }
0x4c5: {  	v55 =	vpop (erf);
	v37 =	vadd.s32 v18, v37  }
0x4c6: {  	v56 =	vpop (erf)  }
0x4c7: {  	v57 =	vpop (erf)  }
0x4c8: {  	v58 =	vpop (erf)  }
0x4c9: {  	v42 =	vadd.f32 v42, v36;
	v49 =	vpop (erf)  }
0x4ca: {  	v36 =	vld.idx.msk [tilespmem:v37+s29+$0x0], $0xffff;
	_ =	swait.ge [sflag:s1], $0xA000  }
0x4cb: {  	v59 =	vadd.f32 v60, v42;
	[sflag:s1] =	ssyncset.done $0x0  }
0x4cc: {  	s6 =	simm.s32 $0x0;
	[sflag:s1] =	ssyncadd.s32 $0xFFFF6000  }
0x4cd: {  	v37 =	vadd.f32 v61, v59;
	[tilespmem:s29], [sflag:$0x1] =	stream.linear.gather [hbm4b:s22+s6], $0x5000, $0x38;
	[tilespmem:$0x19A80] =	vst v63  }
0x4ce: {  	s23 =	sadd.s32 $0x18700, s22;
	s24 =	simm.s32 $0x2A90  }
0x4cf: {  	v37 =	vadd.f32 v63, v37;
	[tilespmem:s4], [sflag:$0x1] =	stream.linear.gather [hbm4b:s23+s6], $0x5000, $0x38;
	[tilespmem:$0x19A80] =	vst v63  }
0x4d0: {  	v60 =	vld [tilespmem:s24+$0xFFFFFFD0]  }
0x4d1: {  	v37 =	vadd.f32 v52, v37  }
0x4d2: {  	v62 =	vld [tilespmem:s24+$0xFFFFFFE0]  }
0x4d3: {  	v37 =	vadd.f32 v53, v37;
	s6 =	sand.u32 $0x3C0, s6  }
0x4d4: {  	v63 =	vld [tilespmem:s6+$0x2A80]  }
0x4d5: {  	v37 =	vadd.f32 v54, v37;
	v50 =	vshll.u32 v60, $0x3  }
0x4d6: {  	v61 =	vld [tilespmem:s24+$0x0];
	v38 =	vand.u32 $0x7F, v60;
	v42 =	vand.u32 $0xFFFFFC00, v50  }
0x4d7: {  	v37 =	vadd.f32 v55, v37;
	v52 =	vshll.u32 v62, $0x3;
	v38 =	vor.u32 v38, v42  }
0x4d8: {  	v40 =	vand.u32 $0x7F, v62;
	v42 =	vand.u32 $0xFFFFFC00, v52;
	v38 =	vadd.s32 v18, v38  }
0x4d9: {  	s25 =	simm.s32 $0x2AD0;
	v37 =	vadd.f32 v56, v37;
	v53 =	vshll.u32 v63, $0x3;
	v40 =	vor.u32 v40, v42  }
0x4da: {  	v54 =	vld [tilespmem:s25+$0x0];
	v41 =	vand.u32 $0x7F, v63;
	v55 =	vand.u32 $0xFFFFFC00, v53;
	v40 =	vadd.s32 v18, v40  }
0x4db: {  	v56 =	vld [tilespmem:s25+$0xFFFFFFD0];
	v51 =	vand.u32 $0x7F, v61;
	v39 =	vshll.u32 v61, $0x3;
	v41 =	vor.u32 v41, v55  }
0x4dc: {  	s23 =	simm.s32 $0x40;
	v37 =	vadd.f32 v57, v37;
	v57 =	vld [tilespmem:s25+$0xFFFFFFE0];
	v39 =	vand.u32 $0xFFFFFC00, v39;
	v41 =	vadd.s32 v18, v41  }
0x4dd: {  	s6 =	sand.u32 $0x3C0, s23;
	v39 =	vor.u32 v51, v39;
	v38 =	vld.idx.msk [tilespmem:v38+s0+$0x0], $0xffff  }
0x4de: {  	v37 =	vadd.f32 v58, v37;
	v58 =	vld [tilespmem:s6+$0x2A80];
	v39 =	vadd.s32 v18, v39  }
0x4df: {  	v59 =	vand.u32 $0x7F, v54;
	v40 =	vld.idx.msk [tilespmem:v40+s0+$0x0], $0xffff  }
0x4e0: {  	s23 =	simm.s32 $0x80;
	v45 =	vshll.u32 v54, $0x3;
	v60 =	vshll.u32 v56, $0x3;
	v44 =	vand.u32 $0x7F, v56  }
0x4e1: {  	s25 =	sand.u32 $0x3C0, s23;
	v56 =	vand.u32 $0xFFFFFC00, v45;
	v47 =	vand.u32 $0xFFFFFC00, v60;
	v61 =	vshll.u32 v57, $0x3;
	v41 =	vld.idx.msk [tilespmem:v41+s0+$0x0], $0xffff  }
0x4e2: {  	v50 =	vld [tilespmem:s25+$0x2A80];
	v44 =	vor.u32 v44, v47;
	v42 =	vand.u32 $0x7F, v57;
	v38 =	vmul.f32 $1.442695020e+00, v38  }
0x4e3: {  	s24 =	simm.s32 $0x2B10;
	v44 =	vadd.s32 v18, v44;
	v62 =	vand.u32 $0xFFFFFC00, v61;
	v52 =	vshll.u32 v58, $0x3;
	v39 =	vld.idx.msk [tilespmem:v39+s0+$0x0], $0xffff  }
0x4e4: {  	v55 =	vld [tilespmem:s24+$0xFFFFFFD0];
	v42 =	vor.u32 v42, v62;
	v40 =	vmul.f32 $1.442695020e+00, v40;
	(erf) = vpow2.f32 v38  }
0x4e5: {  	v53 =	vand.u32 $0x7F, v58;
	v54 =	vand.u32 $0xFFFFFC00, v52;
	v42 =	vadd.s32 v18, v42  }
0x4e6: {  	v63 =	vld [tilespmem:s24+$0x0];
	v58 =	vmul.f32 $1.442695020e+00, v41;
	v38 =	vor.u32 v53, v54;
	(erf) = vpow2.f32 v40  }
0x4e7: {  	v59 =	vor.u32 v59, v56;
	v47 =	vld [tilespmem:s24+$0xFFFFFFE0];
	v57 =	vadd.s32 v18, v38  }
0x4e8: {  	v51 =	vadd.s32 v18, v59;
	v60 =	vld.idx.msk [tilespmem:v44+s0+$0x0], $0xffff;
	v61 =	vmul.f32 $1.442695020e+00, v39;
	(erf) = vpow2.f32 v58  }
0x4e9: {  	v37 =	vadd.f32 v49, v37;
	v45 =	vand.u32 $0x7F, v50;
	v62 =	vshll.u32 v55, $0x3  }
0x4ea: {  	v48 =	vshll.u32 v50, $0x3;
	v43 =	vand.u32 $0xFFFFFC00, v62;
	v41 =	vld.idx.msk [tilespmem:v42+s0+$0x0], $0xffff;
	(erf) = vpow2.f32 v61  }
0x4eb: {  	v39 =	vshll.u32 v63, $0x3;
	v38 =	vand.u32 $0x7F, v63;
	v63 =	vand.u32 $0x7F, v55  }
0x4ec: {  	v44 =	vand.u32 $0x7F, v47;
	v47 =	vshll.u32 v47, $0x3;
	v42 =	vor.u32 v63, v43;
	v40 =	vld.idx.msk [tilespmem:v57+s0+$0x0], $0xffff  }
0x4ed: {  	s25 =	simm.s32 $0x2B50;
	s24 =	simm.s32 $0x8;
	v49 =	vand.u32 $0xFFFFFC00, v47;
	v47 =	vmul.f32 $1.442695020e+00, v60;
	v43 =	vadd.s32 v18, v42;
	v42 =	vld.idx.msk [tilespmem:v51+s0+$0x0], $0xffff;
	v46 =	vpop (erf)  }
.LBB2_34:
0x4ee: {  	v50 =	vld [tilespmem:s25+$0x0];
	v44 =	vor.u32 v44, v49;
	v48 =	vand.u32 $0xFFFFFC00, v48;
	v37 =	vadd.f32 v46, v37  }
0x4ef: {  	s23 =	sadd.s32 $0x40, s23;
	v51 =	vmul.f32 $1.442695020e+00, v41;
	v46 =	vld [tilespmem:s25+$0xFFFFFFE0];
	v44 =	vadd.s32 v18, v44;
	(erf) = vpow2.f32 v47;
	v47 =	vpop (erf)  }
0x4f0: {  	s24 =	sadd.s32 $0x4, s24;
	v39 =	vand.u32 $0xFFFFFC00, v39;
	s6 =	sand.u32 $0x3C0, s23;
	v45 =	vor.u32 v45, v48;
	v49 =	vld [tilespmem:s25+$0xFFFFFFD0];
	v37 =	vadd.f32 v47, v37  }
0x4f1: {  	p0 =	slt.u32 s24, $0x24;
	v45 =	vadd.s32 v18, v45;
	v48 =	vmul.f32 $1.442695020e+00, v40;
	v47 =	vld [tilespmem:s6+$0x2A80];
	(erf) = vpow2.f32 v51;
	v41 =	vpop (erf)  }
0x4f2: {  	v38 =	vor.u32 v38, v39;
	v51 =	vld.idx.msk [tilespmem:v43+s0+$0x0], $0xffff;
	v37 =	vadd.f32 v41, v37  }
0x4f3: {  	v52 =	vadd.s32 v18, v38;
	v42 =	vmul.f32 $1.442695020e+00, v42;
	(erf) = vpow2.f32 v48;
	v40 =	vpop (erf)  }
.Ltmp16:
0x4f4: {  	v38 =	vand.u32 $0x7F, v50;
	v39 =	vshll.u32 v50, $0x3;
	v41 =	vld.idx.msk [tilespmem:v44+s0+$0x0], $0xffff;
	v37 =	vadd.f32 v40, v37;
	(pc) =	sbr.rel @p0 .LBB2_34-.Ltmp16, $4  }
0x4f5: {  	v44 =	vand.u32 $0x7F, v46;
	v40 =	vshll.u32 v49, $0x3;
	(erf) = vpow2.f32 v42  }
0x4f6: {  	v50 =	vshll.u32 v46, $0x3;
	v42 =	vand.u32 $0x7F, v49;
	v43 =	vand.u32 $0xFFFFFC00, v40;
	v40 =	vld.idx.msk [tilespmem:v45+s0+$0x0], $0xffff  }
0x4f7: {  	v45 =	vand.u32 $0x7F, v47;
	v48 =	vshll.u32 v47, $0x3;
	v42 =	vor.u32 v42, v43  }
0x4f8: {  	s25 =	sadd.s32 $0x40, s25;
	v49 =	vand.u32 $0xFFFFFC00, v50;
	v47 =	vmul.f32 $1.442695020e+00, v51;
	v43 =	vadd.s32 v18, v42;
	v42 =	vld.idx.msk [tilespmem:v52+s0+$0x0], $0xffff;
	v46 =	vpop (erf)  }
0x4f9: {  	_ =	sdelay $0x1  }
0x4fa: {  	v44 =	vor.u32 v44, v49;
	v48 =	vand.u32 $0xFFFFFC00, v48  }
0x4fb: {  	v39 =	vand.u32 $0xFFFFFC00, v39;
	v44 =	vadd.s32 v18, v44;
	v45 =	vor.u32 v45, v48  }
0x4fc: {  	v62 =	vld.idx.msk [tilespmem:v43+s0+$0x0], $0xffff;
	v38 =	vor.u32 v38, v39;
	v45 =	vadd.s32 v18, v45  }
0x4fd: {  	v49 =	vld [tilespmem:$0x2CE0];
	v38 =	vadd.s32 v18, v38  }
0x4fe: {  	v51 =	vld [tilespmem:$0x2CF0]  }
0x4ff: {  	v55 =	vld [tilespmem:$0x2D00]  }
0x500: {  	v41 =	vmul.f32 $1.442695020e+00, v41;
	v63 =	vld.idx.msk [tilespmem:v44+s0+$0x0], $0xffff  }
0x501: {  	(erf) = vpow2.f32 v47;
	v40 =	vmul.f32 $1.442695020e+00, v40;
	v48 =	vld.idx.msk [tilespmem:v45+s0+$0x0], $0xffff  }
0x502: {  	v59 =	vadd.s32 $0xFFFF6000, v20;
	(erf) = vpow2.f32 v41;
	v38 =	vld.idx.msk [tilespmem:v38+s0+$0x0], $0xffff  }
0x503: {  	vm0 =	vlt.u32 v59, $0xA00;
	v50 =	vmul.f32 $1.442695020e+00, v42;
	(erf) = vpow2.f32 v40  }
0x504: {  	v39 =	vmul.f32 $1.442695020e+00, v62;
	v54 =	vshll.u32 v49, $0x3;
	v56 =	vand.u32 $0x7F, v49  }
0x505: {  	v58 =	vshll.u32 v51, $0x3;
	(erf) = vpow2.f32 v50;
	v52 =	vmul.f32 $1.442695020e+00, v63  }
0x506: {  	v40 =	vand.u32 $0x7F, v51;
	(erf) = vpow2.f32 v39;
	v53 =	vmul.f32 $1.442695020e+00, v48  }
0x507: {  	v62 =	vshll.u32 v55, $0x3;
	v38 =	vmul.f32 $1.442695020e+00, v38;
	(erf) = vpow2.f32 v52  }
0x508: {  	v60 =	vpop (erf);
	v42 =	vand.u32 $0x7F, v55;
	v41 =	vand.u32 $0xFFFFFC00, v54;
	(erf) = vpow2.f32 v53  }
0x509: {  	v61 =	vpop (erf);
	v44 =	vand.u32 $0xFFFFFC00, v62;
	v57 =	vor.u32 v56, v41;
	(erf) = vpow2.f32 v38  }
0x50a: {  	v39 =	vand.u32 $0xFFFFFC00, v58;
	v41 =	vsel vm0, v59, v19;
	v42 =	vor.u32 v42, v44;
	v63 =	vpop (erf)  }
0x50b: {  	v39 =	vor.u32 v40, v39;
	v42 =	vadd.s32 v18, v42;
	v47 =	vpop (erf);
	v52 =	vshll.u32 v41, $0x3  }
0x50c: {  	v39 =	vadd.s32 v18, v39;
	v41 =	vand.u32 $0x7F, v41;
	v54 =	vpop (erf);
	v53 =	vand.u32 $0xFFFFFC00, v52  }
0x50d: {  	v37 =	vadd.f32 v46, v37;
	v55 =	vpop (erf);
	v38 =	vadd.s32 v18, v57;
	v41 =	vor.u32 v41, v53  }
0x50e: {  	v56 =	vpop (erf);
	v41 =	vadd.s32 v18, v41  }
0x50f: {  	v37 =	vadd.f32 v60, v37;
	v57 =	vpop (erf)  }
0x510: {  	v42 =	vld.idx.msk [tilespmem:v42+s0+$0x0], $0xffff;
	v58 =	vpop (erf)  }
0x511: {  	v37 =	vadd.f32 v61, v37;
	v39 =	vld.idx.msk [tilespmem:v39+s0+$0x0], $0xffff;
	v59 =	vpop (erf)  }
0x512: {  	v38 =	vld.idx.msk [tilespmem:v38+s0+$0x0], $0xffff;
	v50 =	vpop (erf)  }
0x513: {  	v45 =	vadd.f32 v63, v37;
	v37 =	vld.idx.msk [tilespmem:v41+s0+$0x0], $0xffff;
	_ =	swait.ge [sflag:s1], $0xA000  }
0x514: {  	[sflag:s1] =	ssyncset.done $0x0  }
0x515: {  	[sflag:s1] =	ssyncadd.s32 $0xFFFF6000  }
0x516: {  	v60 =	vadd.f32 v47, v45;
	[tilespmem:s0], [sflag:$0x1] =	stream.linear.gather [hbm4b:s26+s2], $0x5000, $0x38;
	[tilespmem:$0x19A80] =	vst v63  }
0x517: {  	s6 =	sadd.s32 $0x18700, s26;
	s23 =	simm.s32 $0x2D40  }
0x518: {  	v41 =	vadd.f32 v54, v60;
	[tilespmem:s30], [sflag:$0x1] =	stream.linear.gather [hbm4b:s6+s2], $0x5000, $0x38;
	[tilespmem:$0x19A80] =	vst v63  }
0x519: {  	v61 =	vld [tilespmem:s23+$0xFFFFFFD0]  }
0x51a: {  	v41 =	vadd.f32 v55, v41  }
0x51b: {  	v48 =	vld [tilespmem:s23+$0xFFFFFFE0]  }
0x51c: {  	v41 =	vadd.f32 v56, v41;
	v38 =	vmul.f32 $1.442695020e+00, v38  }
0x51d: {  	v51 =	vmul.f32 $1.442695020e+00, v42;
	v62 =	vmul.f32 $1.442695020e+00, v39;
	v52 =	vld [tilespmem:s23+$0xFFFFFFF0]  }
0x51e: {  	v40 =	vadd.f32 v57, v41;
	(erf) = vpow2.f32 v38;
	v53 =	vshll.u32 v61, $0x3  }
0x51f: {  	(erf) = vpow2.f32 v62;
	v63 =	vld [tilespmem:s23+$0x0];
	v54 =	vand.u32 $0x7F, v61;
	v55 =	vand.u32 $0xFFFFFC00, v53  }
0x520: {  	v40 =	vadd.f32 v58, v40;
	v57 =	vshll.u32 v48, $0x3;
	v38 =	vor.u32 v54, v55  }
0x521: {  	s24 =	simm.s32 $0x2D80;
	v41 =	vand.u32 $0x7F, v48;
	v43 =	vand.u32 $0xFFFFFC00, v57;
	v38 =	vadd.s32 v18, v38  }
0x522: {  	v40 =	vadd.f32 v59, v40;
	v59 =	vld [tilespmem:s24+$0x0];
	v58 =	vshll.u32 v52, $0x3;
	v41 =	vor.u32 v41, v43  }
0x523: {  	v62 =	vld [tilespmem:s24+$0xFFFFFFD0];
	v42 =	vand.u32 $0x7F, v52;
	v60 =	vand.u32 $0xFFFFFC00, v58;
	v41 =	vadd.s32 v18, v41  }
0x524: {  	(erf) = vpow2.f32 v51;
	v39 =	vshll.u32 v63, $0x3;
	v42 =	vor.u32 v42, v60  }
0x525: {  	v56 =	vand.u32 $0x7F, v63;
	v63 =	vld [tilespmem:s24+$0xFFFFFFE0];
	v39 =	vand.u32 $0xFFFFFC00, v39;
	v42 =	vadd.s32 v18, v42  }
0x526: {  	v40 =	vadd.f32 v50, v40;
	v39 =	vor.u32 v56, v39;
	v52 =	vld.idx.msk [tilespmem:v38+s29+$0x0], $0xffff  }
0x527: {  	v61 =	vpop (erf);
	v55 =	vld [tilespmem:s24+$0xFFFFFFF0];
	v39 =	vadd.s32 v18, v39  }
0x528: {  	v46 =	vshll.u32 v59, $0x3;
	v40 =	vadd.f32 v61, v40;
	v56 =	vshll.u32 v62, $0x3;
	v41 =	vld.idx.msk [tilespmem:v41+s29+$0x0], $0xffff  }
0x529: {  	v47 =	vand.u32 $0x7F, v62;
	v51 =	vpop (erf);
	v62 =	vand.u32 $0xFFFFFC00, v46;
	v48 =	vand.u32 $0xFFFFFC00, v56  }
0x52a: {  	s25 =	simm.s32 $0x2DC0;
	v53 =	vadd.f32 v51, v40;
	v40 =	vand.u32 $0x7F, v59;
	v47 =	vor.u32 v47, v48;
	v42 =	vld.idx.msk [tilespmem:v42+s29+$0x0], $0xffff  }
0x52b: {  	v49 =	vld [tilespmem:s25+$0x0];
	v57 =	vshll.u32 v63, $0x3;
	v43 =	vand.u32 $0x7F, v63;
	v45 =	vmul.f32 $1.442695020e+00, v52  }
0x52c: {  	v47 =	vadd.s32 v18, v47;
	v48 =	vand.u32 $0xFFFFFC00, v57;
	v58 =	vshll.u32 v55, $0x3;
	v39 =	vld.idx.msk [tilespmem:v39+s29+$0x0], $0xffff  }
0x52d: {  	v54 =	vpop (erf);
	v51 =	vld [tilespmem:s25+$0xFFFFFFD0];
	v43 =	vor.u32 v43, v48;
	v41 =	vmul.f32 $1.442695020e+00, v41;
	(erf) = vpow2.f32 v45  }
0x52e: {  	v48 =	vld [tilespmem:s25+$0xFFFFFFF0];
	v44 =	vand.u32 $0x7F, v55;
	v59 =	vand.u32 $0xFFFFFC00, v58;
	v60 =	vadd.s32 v18, v43  }
0x52f: {  	v61 =	vor.u32 v44, v59;
	v42 =	vmul.f32 $1.442695020e+00, v42;
	(erf) = vpow2.f32 v41  }
0x530: {  	v40 =	vor.u32 v40, v62;
	v63 =	vld [tilespmem:s25+$0xFFFFFFE0];
	v52 =	vadd.s32 v18, v61  }
0x531: {  	v57 =	vadd.s32 v18, v40;
	v56 =	vld.idx.msk [tilespmem:v47+s29+$0x0], $0xffff;
	v58 =	vmul.f32 $1.442695020e+00, v39;
	(erf) = vpow2.f32 v42  }
0x532: {  	v40 =	vshll.u32 v49, $0x3;
	v38 =	vadd.f32 v54, v53;
	v59 =	vshll.u32 v51, $0x3  }
0x533: {  	v43 =	vand.u32 $0x7F, v48;
	v46 =	vshll.u32 v48, $0x3;
	v42 =	vld.idx.msk [tilespmem:v60+s29+$0x0], $0xffff;
	(erf) = vpow2.f32 v58  }
0x534: {  	v39 =	vand.u32 $0x7F, v49;
	v61 =	vand.u32 $0xFFFFFC00, v59;
	v60 =	vand.u32 $0x7F, v51  }
0x535: {  	v49 =	vand.u32 $0x7F, v63;
	v63 =	vshll.u32 v63, $0x3;
	v41 =	vld.idx.msk [tilespmem:v52+s29+$0x0], $0xffff;
	v62 =	vor.u32 v60, v61  }
0x536: {  	s23 =	simm.s32 $0x8;
	s24 =	simm.s32 $0x2E00;
	v44 =	vld.idx.msk [tilespmem:v57+s29+$0x0], $0xffff;
	v50 =	vand.u32 $0xFFFFFC00, v63;
	v48 =	vmul.f32 $1.442695020e+00, v56;
	v45 =	vadd.s32 v18, v62;
	v47 =	vpop (erf)  }
.LBB2_36:
0x537: {  	v51 =	vld [tilespmem:s24+$0x0];
	v49 =	vor.u32 v49, v50;
	v46 =	vand.u32 $0xFFFFFC00, v46;
	v38 =	vadd.f32 v47, v38  }
0x538: {  	v53 =	vmul.f32 $1.442695020e+00, v42;
	v47 =	vld [tilespmem:s24+$0xFFFFFFF0];
	v49 =	vadd.s32 v18, v49;
	(erf) = vpow2.f32 v48;
	v48 =	vpop (erf)  }
0x539: {  	s23 =	sadd.s32 $0x4, s23;
	v40 =	vand.u32 $0xFFFFFC00, v40;
	v43 =	vor.u32 v43, v46;
	v50 =	vld [tilespmem:s24+$0xFFFFFFD0];
	v38 =	vadd.f32 v48, v38  }
0x53a: {  	p0 =	slt.u32 s23, $0x20;
	v52 =	vadd.s32 v18, v43;
	v43 =	vmul.f32 $1.442695020e+00, v41;
	v48 =	vld [tilespmem:s24+$0xFFFFFFE0];
	(erf) = vpow2.f32 v53;
	v42 =	vpop (erf)  }
0x53b: {  	v39 =	vor.u32 v39, v40;
	v53 =	vld.idx.msk [tilespmem:v45+s29+$0x0], $0xffff;
	v38 =	vadd.f32 v42, v38  }
0x53c: {  	v54 =	vadd.s32 v18, v39;
	v44 =	vmul.f32 $1.442695020e+00, v44;
	(erf) = vpow2.f32 v43;
	v41 =	vpop (erf)  }
.Ltmp17:
0x53d: {  	v39 =	vand.u32 $0x7F, v51;
	v40 =	vshll.u32 v51, $0x3;
	v42 =	vld.idx.msk [tilespmem:v49+s29+$0x0], $0xffff;
	v38 =	vadd.f32 v41, v38;
	(pc) =	sbr.rel @p0 .LBB2_36-.Ltmp17, $4  }
0x53e: {  	v43 =	vand.u32 $0x7F, v47;
	v41 =	vshll.u32 v50, $0x3;
	(erf) = vpow2.f32 v44  }
0x53f: {  	v46 =	vshll.u32 v47, $0x3;
	v44 =	vand.u32 $0x7F, v50;
	v45 =	vand.u32 $0xFFFFFC00, v41;
	v41 =	vld.idx.msk [tilespmem:v52+s29+$0x0], $0xffff  }
0x540: {  	v49 =	vand.u32 $0x7F, v48;
	v51 =	vshll.u32 v48, $0x3;
	v44 =	vor.u32 v44, v45  }
0x541: {  	s24 =	sadd.s32 $0x40, s24;
	v50 =	vand.u32 $0xFFFFFC00, v51;
	v48 =	vmul.f32 $1.442695020e+00, v53;
	v45 =	vadd.s32 v18, v44;
	v44 =	vld.idx.msk [tilespmem:v54+s29+$0x0], $0xffff;
	v47 =	vpop (erf)  }
0x542: {  	_ = 	snop  }
0x543: {  	v49 =	vor.u32 v49, v50;
	v46 =	vand.u32 $0xFFFFFC00, v46  }
0x544: {  	v40 =	vand.u32 $0xFFFFFC00, v40;
	v49 =	vadd.s32 v18, v49;
	v43 =	vor.u32 v43, v46  }
0x545: {  	v39 =	vor.u32 v39, v40;
	v43 =	vadd.s32 v18, v43  }
0x546: {  	v63 =	vld.idx.msk [tilespmem:v45+s29+$0x0], $0xffff;
	v39 =	vadd.s32 v18, v39  }
0x547: {  	v51 =	vld [tilespmem:$0x2F50]  }
0x548: {  	v53 =	vld [tilespmem:$0x2F60]  }
0x549: {  	v42 =	vmul.f32 $1.442695020e+00, v42;
	v50 =	vld.idx.msk [tilespmem:v49+s29+$0x0], $0xffff  }
0x54a: {  	(erf) = vpow2.f32 v48;
	v41 =	vmul.f32 $1.442695020e+00, v41;
	v43 =	vld.idx.msk [tilespmem:v43+s29+$0x0], $0xffff  }
0x54b: {  	v61 =	vadd.s32 $0xFFFF5600, v20;
	(erf) = vpow2.f32 v42;
	v39 =	vld.idx.msk [tilespmem:v39+s29+$0x0], $0xffff  }
0x54c: {  	v57 =	vld [tilespmem:$0x2F70];
	vm1 =	vlt.u32 v61, $0xA00;
	v52 =	vmul.f32 $1.442695020e+00, v44;
	(erf) = vpow2.f32 v41  }
0x54d: {  	v40 =	vmul.f32 $1.442695020e+00, v63;
	v56 =	vshll.u32 v51, $0x3;
	v58 =	vand.u32 $0x7F, v51  }
0x54e: {  	v60 =	vshll.u32 v53, $0x3;
	(erf) = vpow2.f32 v52;
	v54 =	vmul.f32 $1.442695020e+00, v50  }
0x54f: {  	v41 =	vand.u32 $0x7F, v53;
	(erf) = vpow2.f32 v40;
	v55 =	vmul.f32 $1.442695020e+00, v43  }
0x550: {  	v42 =	vand.u32 $0xFFFFFC00, v56;
	v39 =	vmul.f32 $1.442695020e+00, v39;
	(erf) = vpow2.f32 v54  }
0x551: {  	v62 =	vpop (erf);
	v52 =	vshll.u32 v57, $0x3;
	v59 =	vor.u32 v58, v42;
	(erf) = vpow2.f32 v55  }
0x552: {  	v63 =	vpop (erf);
	v40 =	vand.u32 $0xFFFFFC00, v60;
	v42 =	vsel vm1, v61, v19;
	(erf) = vpow2.f32 v39  }
0x553: {  	v53 =	vpop (erf);
	v45 =	vand.u32 $0xFFFFFC00, v52;
	v40 =	vor.u32 v41, v40;
	v43 =	vand.u32 $0x7F, v57  }
0x554: {  	v40 =	vadd.s32 v18, v40;
	v48 =	vpop (erf);
	v54 =	vshll.u32 v42, $0x3;
	v43 =	vor.u32 v43, v45  }
0x555: {  	v56 =	vpop (erf);
	v42 =	vand.u32 $0x7F, v42;
	v55 =	vand.u32 $0xFFFFFC00, v54;
	v43 =	vadd.s32 v18, v43  }
0x556: {  	v38 =	vadd.f32 v47, v38;
	v57 =	vpop (erf);
	v39 =	vadd.s32 v18, v59;
	v42 =	vor.u32 v42, v55  }
0x557: {  	v58 =	vpop (erf);
	v42 =	vadd.s32 v18, v42  }
0x558: {  	v38 =	vadd.f32 v62, v38;
	v59 =	vpop (erf)  }
0x559: {  	v40 =	vld.idx.msk [tilespmem:v40+s29+$0x0], $0xffff;
	v60 =	vpop (erf)  }
0x55a: {  	v38 =	vadd.f32 v63, v38;
	v43 =	vld.idx.msk [tilespmem:v43+s29+$0x0], $0xffff;
	v61 =	vpop (erf)  }
0x55b: {  	v39 =	vld.idx.msk [tilespmem:v39+s29+$0x0], $0xffff;
	v51 =	vpop (erf)  }
0x55c: {  	v46 =	vadd.f32 v53, v38;
	v38 =	vld.idx.msk [tilespmem:v42+s29+$0x0], $0xffff;
	_ =	swait.ge [sflag:s1], $0xA000  }
0x55d: {  	[sflag:s1] =	ssyncset.done $0x0  }
0x55e: {  	s6 =	simm.s32 $0x0;
	v62 =	vadd.f32 v48, v46;
	[sflag:s1] =	ssyncadd.s32 $0xFFFF6000  }
0x55f: {  	[tilespmem:s29], [sflag:$0x1] =	stream.linear.gather [hbm4b:s28+s6], $0x400, $0x38;
	[tilespmem:$0x19A80] =	vst v63  }
0x560: {  	s23 =	sadd.s32 $0x18700, s28;
	v42 =	vadd.f32 v56, v62  }
0x561: {  	[tilespmem:s4], [sflag:$0x1] =	stream.linear.gather [hbm4b:s23+s6], $0x400, $0x38;
	[tilespmem:$0x19A80] =	vst v63  }
0x562: {  	v42 =	vadd.f32 v57, v42;
	s6 =	sand.u32 $0x3C0, s6  }
0x563: {  	v63 =	vld [tilespmem:s6+$0x2F80]  }
0x564: {  	s24 =	simm.s32 $0x2FB0;
	v42 =	vadd.f32 v58, v42  }
0x565: {  	v39 =	vmul.f32 $1.442695020e+00, v39;
	v52 =	vld [tilespmem:s24+$0xFFFFFFE0]  }
0x566: {  	v47 =	vmul.f32 $1.442695020e+00, v40;
	v41 =	vadd.f32 v59, v42;
	v48 =	vld [tilespmem:s24+$0x0]  }
0x567: {  	v53 =	vmul.f32 $1.442695020e+00, v43;
	(erf) = vpow2.f32 v39;
	v54 =	vld [tilespmem:s24+$0xFFFFFFF0]  }
0x568: {  	(erf) = vpow2.f32 v47;
	v41 =	vadd.f32 v60, v41;
	v55 =	vshll.u32 v63, $0x3  }
0x569: {  	(erf) = vpow2.f32 v53;
	v56 =	vand.u32 $0x7F, v63;
	v57 =	vand.u32 $0xFFFFFC00, v55  }
0x56a: {  	s25 =	simm.s32 $0x2FF0;
	v41 =	vadd.f32 v61, v41;
	v59 =	vshll.u32 v52, $0x3;
	v39 =	vor.u32 v56, v57  }
0x56b: {  	s24 =	simm.s32 $0x40;
	v61 =	vld [tilespmem:s25+$0x0];
	v42 =	vand.u32 $0x7F, v52;
	v44 =	vand.u32 $0xFFFFFC00, v59;
	v39 =	vadd.s32 v18, v39  }
0x56c: {  	v53 =	vld [tilespmem:s25+$0xFFFFFFE0];
	s23 =	sand.u32 $0x3C0, s24;
	v40 =	vshll.u32 v48, $0x3;
	v60 =	vshll.u32 v54, $0x3;
	v42 =	vor.u32 v42, v44  }
0x56d: {  	v43 =	vand.u32 $0x7F, v54;
	v52 =	vld [tilespmem:s23+$0x2F80];
	v62 =	vand.u32 $0xFFFFFC00, v60;
	v42 =	vadd.s32 v18, v42  }
0x56e: {  	v58 =	vand.u32 $0x7F, v48;
	v40 =	vand.u32 $0xFFFFFC00, v40;
	v43 =	vor.u32 v43, v62  }
0x56f: {  	v40 =	vor.u32 v58, v40;
	v58 =	vld [tilespmem:s25+$0xFFFFFFF0];
	v43 =	vadd.s32 v18, v43  }
0x570: {  	v41 =	vadd.f32 v51, v41;
	v55 =	vld.idx.msk [tilespmem:v39+s0+$0x0], $0xffff  }
0x571: {  	v63 =	vpop (erf);
	v47 =	vshll.u32 v61, $0x3;
	v40 =	vadd.s32 v18, v40  }
0x572: {  	v41 =	vadd.f32 v63, v41;
	v60 =	vshll.u32 v53, $0x3;
	v59 =	vshll.u32 v52, $0x3;
	v42 =	vld.idx.msk [tilespmem:v42+s0+$0x0], $0xffff  }
0x573: {  	v54 =	vpop (erf);
	v44 =	vand.u32 $0x7F, v53;
	v48 =	vand.u32 $0x7F, v52;
	v49 =	vand.u32 $0xFFFFFC00, v59  }
0x574: {  	s25 =	simm.s32 $0x3030;
	v56 =	vadd.f32 v54, v41;
	v41 =	vand.u32 $0x7F, v61;
	v48 =	vor.u32 v48, v49;
	v43 =	vld.idx.msk [tilespmem:v43+s0+$0x0], $0xffff  }
0x575: {  	s23 =	simm.s32 $0x80;
	v50 =	vld [tilespmem:s25+$0x0];
	v57 =	vpop (erf);
	v49 =	vand.u32 $0xFFFFFC00, v60;
	v61 =	vshll.u32 v58, $0x3;
	v46 =	vmul.f32 $1.442695020e+00, v55  }
0x576: {  	s24 =	sand.u32 $0x3C0, s23;
	v45 =	vand.u32 $0x7F, v58;
	v39 =	vadd.f32 v57, v56;
	v40 =	vld.idx.msk [tilespmem:v40+s0+$0x0], $0xffff;
	v48 =	vadd.s32 v18, v48  }
0x577: {  	v52 =	vld [tilespmem:s24+$0x2F80];
	v44 =	vor.u32 v44, v49;
	v42 =	vmul.f32 $1.442695020e+00, v42;
	(erf) = vpow2.f32 v46  }
0x578: {  	v62 =	vand.u32 $0xFFFFFC00, v61;
	v57 =	vand.u32 $0xFFFFFC00, v47;
	v63 =	vadd.s32 v18, v44  }
0x579: {  	v58 =	vld [tilespmem:s25+$0xFFFFFFE0];
	v56 =	vor.u32 v45, v62;
	v43 =	vmul.f32 $1.442695020e+00, v43;
	(erf) = vpow2.f32 v42  }
0x57a: {  	v49 =	vld [tilespmem:s25+$0xFFFFFFF0];
	v41 =	vor.u32 v41, v57;
	v53 =	vadd.s32 v18, v56  }
0x57b: {  	v41 =	vadd.s32 v18, v41;
	v59 =	vld.idx.msk [tilespmem:v48+s0+$0x0], $0xffff;
	v60 =	vmul.f32 $1.442695020e+00, v40;
	(erf) = vpow2.f32 v43  }
0x57c: {  	v44 =	vshll.u32 v50, $0x3;
	v61 =	vshll.u32 v52, $0x3  }
0x57d: {  	v62 =	vand.u32 $0x7F, v52;
	v48 =	vand.u32 $0xFFFFFC00, v61;
	v43 =	vld.idx.msk [tilespmem:v63+s0+$0x0], $0xffff;
	(erf) = vpow2.f32 v60  }
0x57e: {  	v40 =	vand.u32 $0x7F, v50;
	v50 =	vand.u32 $0x7F, v58;
	v48 =	vor.u32 v62, v48  }
0x57f: {  	v46 =	vand.u32 $0x7F, v49;
	v49 =	vshll.u32 v49, $0x3;
	v42 =	vld.idx.msk [tilespmem:v53+s0+$0x0], $0xffff;
	v63 =	vshll.u32 v58, $0x3  }
0x580: {  	s24 =	simm.s32 $0x8;
	s25 =	simm.s32 $0x3070;
	v47 =	vadd.s32 v18, v48;
	v45 =	vld.idx.msk [tilespmem:v41+s0+$0x0], $0xffff;
	v51 =	vand.u32 $0xFFFFFC00, v63;
	v48 =	vmul.f32 $1.442695020e+00, v59;
	v41 =	vpop (erf)  }
.LBB2_38:
0x581: {  	v52 =	vld [tilespmem:s25+$0x0];
	v50 =	vor.u32 v50, v51;
	v49 =	vand.u32 $0xFFFFFC00, v49;
	s23 =	sadd.s32 $0x40, s23;
	v39 =	vadd.f32 v41, v39  }
0x582: {  	s24 =	sadd.s32 $0x4, s24;
	v54 =	vmul.f32 $1.442695020e+00, v43;
	s6 =	sand.u32 $0x3C0, s23;
	v41 =	vld [tilespmem:s25+$0xFFFFFFF0];
	v50 =	vadd.s32 v18, v50;
	(erf) = vpow2.f32 v48;
	v48 =	vpop (erf)  }
0x583: {  	v44 =	vand.u32 $0xFFFFFC00, v44;
	p0 =	slt.u32 s24, $0x24;
	v46 =	vor.u32 v46, v49;
	v51 =	vld [tilespmem:s6+$0x2F80];
	v39 =	vadd.f32 v48, v39  }
0x584: {  	v53 =	vadd.s32 v18, v46;
	v46 =	vmul.f32 $1.442695020e+00, v42;
	v48 =	vld [tilespmem:s25+$0xFFFFFFE0];
	(erf) = vpow2.f32 v54;
	v43 =	vpop (erf)  }
0x585: {  	v40 =	vor.u32 v40, v44;
	v54 =	vld.idx.msk [tilespmem:v47+s0+$0x0], $0xffff;
	v39 =	vadd.f32 v43, v39  }
0x586: {  	v55 =	vadd.s32 v18, v40;
	v45 =	vmul.f32 $1.442695020e+00, v45;
	(erf) = vpow2.f32 v46;
	v42 =	vpop (erf)  }
.Ltmp18:
0x587: {  	v40 =	vand.u32 $0x7F, v52;
	v44 =	vshll.u32 v52, $0x3;
	v43 =	vld.idx.msk [tilespmem:v50+s0+$0x0], $0xffff;
	v39 =	vadd.f32 v42, v39;
	(pc) =	sbr.rel @p0 .LBB2_38-.Ltmp18, $4  }
0x588: {  	v46 =	vand.u32 $0x7F, v41;
	v42 =	vshll.u32 v51, $0x3;
	(erf) = vpow2.f32 v45  }
0x589: {  	v49 =	vshll.u32 v41, $0x3;
	v45 =	vand.u32 $0x7F, v51;
	v47 =	vand.u32 $0xFFFFFC00, v42;
	v42 =	vld.idx.msk [tilespmem:v53+s0+$0x0], $0xffff  }
0x58a: {  	v50 =	vand.u32 $0x7F, v48;
	v52 =	vor.u32 v45, v47;
	v45 =	vshll.u32 v48, $0x3  }
0x58b: {  	s25 =	sadd.s32 $0x40, s25;
	v48 =	vmul.f32 $1.442695020e+00, v54;
	v47 =	vadd.s32 v18, v52;
	v51 =	vand.u32 $0xFFFFFC00, v45;
	v45 =	vld.idx.msk [tilespmem:v55+s0+$0x0], $0xffff;
	v41 =	vpop (erf)  }
0x58c: {  	v52 =	vld [tilespmem:$0x3200]  }
0x58d: {  	v53 =	vld [tilespmem:$0x3210];
	_ =	sdelay $0x1  }
0x58e: {  	v50 =	vor.u32 v50, v51;
	v49 =	vand.u32 $0xFFFFFC00, v49;
	v44 =	vand.u32 $0xFFFFFC00, v44  }
0x58f: {  	v50 =	vadd.s32 v18, v50;
	v46 =	vor.u32 v46, v49;
	v40 =	vor.u32 v40, v44  }
0x590: {  	v62 =	vadd.s32 v18, v46;
	v40 =	vadd.s32 v18, v40;
	v63 =	vshll.u32 v52, $0x3  }
0x591: {  	v54 =	vand.u32 $0x7F, v52;
	v55 =	vshll.u32 v53, $0x3;
	v46 =	vand.u32 $0xFFFFFC00, v63  }
0x592: {  	v56 =	vand.u32 $0x7F, v53;
	v51 =	vand.u32 $0xFFFFFC00, v55;
	v46 =	vor.u32 v54, v46  }
0x593: {  	v49 =	vor.u32 v56, v51;
	v46 =	vadd.s32 v18, v46  }
0x594: {  	v47 =	vld.idx.msk [tilespmem:v47+s0+$0x0], $0xffff;
	v49 =	vadd.s32 v18, v49  }
0x595: {  	v50 =	vld.idx.msk [tilespmem:v50+s0+$0x0], $0xffff  }
0x596: {  	v43 =	vmul.f32 $1.442695020e+00, v43;
	v44 =	vld.idx.msk [tilespmem:v62+s0+$0x0], $0xffff  }
0x597: {  	(erf) = vpow2.f32 v48;
	v42 =	vmul.f32 $1.442695020e+00, v42;
	v40 =	vld.idx.msk [tilespmem:v40+s0+$0x0], $0xffff  }
0x598: {  	(erf) = vpow2.f32 v43;
	v57 =	vmul.f32 $1.442695020e+00, v45;
	v58 =	vld.idx.msk [tilespmem:v46+s0+$0x0], $0xffff  }
0x599: {  	(erf) = vpow2.f32 v42;
	v59 =	vmul.f32 $1.442695020e+00, v47;
	v60 =	vld.idx.msk [tilespmem:v49+s0+$0x0], $0xffff  }
0x59a: {  	(erf) = vpow2.f32 v57;
	v61 =	vmul.f32 $1.442695020e+00, v50  }
0x59b: {  	(erf) = vpow2.f32 v59;
	v62 =	vmul.f32 $1.442695020e+00, v44  }
0x59c: {  	v40 =	vmul.f32 $1.442695020e+00, v40;
	(erf) = vpow2.f32 v61  }
0x59d: {  	v59 =	vadd.s32 $0xFFFE8400, v20;
	v63 =	vpop (erf);
	(erf) = vpow2.f32 v62;
	v57 =	vmul.f32 $1.442695020e+00, v58  }
0x59e: {  	vm2 =	vlt.u32 v59, $0xA00;
	v44 =	vpop (erf);
	(erf) = vpow2.f32 v40;
	v58 =	vmul.f32 $1.442695020e+00, v60  }
0x59f: {  	v46 =	vpop (erf);
	v60 =	vsel vm2, v59, v19;
	(erf) = vpow2.f32 v57  }
0x5a0: {  	v42 =	vpop (erf);
	v61 =	vshll.u32 v60, $0x3;
	(erf) = vpow2.f32 v58  }
0x5a1: {  	v45 =	vpop (erf);
	v47 =	vand.u32 $0xFFFFFC00, v61  }
0x5a2: {  	v48 =	vpop (erf)  }
0x5a3: {  	v49 =	vpop (erf);
	v40 =	vand.u32 $0x7F, v60  }
0x5a4: {  	v40 =	vor.u32 v40, v47;
	v47 =	vpop (erf)  }
0x5a5: {  	v40 =	vadd.s32 v18, v40;
	v50 =	vpop (erf)  }
0x5a6: {  	v51 =	vpop (erf)  }
0x5a7: {  	v52 =	vpop (erf)  }
0x5a8: {  	v53 =	vpop (erf)  }
0x5a9: {  	v54 =	vpop (erf)  }
0x5aa: {  	v40 =	vld.idx.msk [tilespmem:v40+s0+$0x0], $0xffff;
	_ =	swait.ge [sflag:s1], $0x800  }
0x5ab: {  	[sflag:s1] =	ssyncset.done $0x0  }
0x5ac: {  	v39 =	vadd.f32 v41, v39;
	[sflag:s1] =	ssyncadd.s32 $0xFFFFF800  }
0x5ad: {  	v55 =	vld [tilespmem:$0x3220]  }
0x5ae: {  	v39 =	vadd.f32 v63, v39  }
0x5af: {  	v62 =	vld [tilespmem:$0x3230]  }
0x5b0: {  	v39 =	vadd.f32 v44, v39  }
0x5b1: {  	v56 =	vld [tilespmem:$0x3240]  }
0x5b2: {  	v39 =	vadd.f32 v46, v39;
	v63 =	vshll.u32 v55, $0x3  }
0x5b3: {  	v44 =	vld [tilespmem:$0x3250];
	v58 =	vand.u32 $0x7F, v55;
	v43 =	vand.u32 $0xFFFFFC00, v63  }
0x5b4: {  	v39 =	vadd.f32 v42, v39;
	v59 =	vshll.u32 v62, $0x3;
	v43 =	vor.u32 v58, v43  }
0x5b5: {  	v41 =	vand.u32 $0x7F, v62;
	v55 =	vld [tilespmem:$0x3260];
	v46 =	vand.u32 $0xFFFFFC00, v59;
	v43 =	vadd.s32 v18, v43  }
0x5b6: {  	v39 =	vadd.f32 v45, v39;
	v60 =	vshll.u32 v56, $0x3;
	v41 =	vor.u32 v41, v46  }
0x5b7: {  	v61 =	vand.u32 $0x7F, v56;
	v62 =	vld [tilespmem:$0x3270];
	v42 =	vand.u32 $0xFFFFFC00, v60;
	v41 =	vadd.s32 v18, v41  }
0x5b8: {  	v39 =	vadd.f32 v48, v39;
	v63 =	vshll.u32 v44, $0x3;
	v59 =	vld [tilespmem:$0x1FFF0];
	v42 =	vor.u32 v61, v42  }
0x5b9: {  	v44 =	vand.u32 $0x7F, v44;
	v45 =	vand.u32 $0xFFFFFC00, v63;
	v61 =	vld [tilespmem:$0x1FFE0];
	v42 =	vadd.s32 v18, v42  }
0x5ba: {  	v39 =	vadd.f32 v49, v39;
	v44 =	vor.u32 v44, v45;
	v48 =	vshll.u32 v55, $0x3;
	v43 =	vld.idx.msk [tilespmem:v43+s29+$0x0], $0xffff  }
0x5bb: {  	v63 =	vld [tilespmem:$0x1FFD0];
	v44 =	vadd.s32 v18, v44;
	v55 =	vand.u32 $0x7F, v55;
	v45 =	vand.u32 $0xFFFFFC00, v48  }
0x5bc: {  	v57 =	vshll.u32 v62, $0x3;
	v58 =	vand.u32 $0x7F, v62;
	v45 =	vor.u32 v55, v45;
	v41 =	vld.idx.msk [tilespmem:v41+s29+$0x0], $0xffff  }
0x5bd: {  	v46 =	vand.u32 $0xFFFFFC00, v57;
	vm3 =	vnez.u8 v59;
	v48 =	vld [tilespmem:$0x1FFC0];
	v45 =	vadd.s32 v18, v45  }
0x5be: {  	v39 =	vadd.f32 v47, v39;
	v46 =	vor.u32 v58, v46;
	v21 =	vnsel vm3, $0x0, v21;
	v42 =	vld.idx.msk [tilespmem:v42+s29+$0x0], $0xffff  }
0x5bf: {  	vm3 =	vnez.u8 v61;
	v46 =	vadd.s32 v18, v46;
	v43 =	vmul.f32 $1.442695020e+00, v43  }
0x5c0: {  	v39 =	vadd.f32 v50, v39;
	v21 =	vsel vm3, v22, v21;
	v60 =	vld.idx.msk [tilespmem:v44+s29+$0x0], $0xffff  }
0x5c1: {  	vm3 =	vnez.u8 v63;
	v62 =	vmul.f32 $1.442695020e+00, v41;
	(erf) = vpow2.f32 v43  }
0x5c2: {  	v21 =	vsel vm3, v23, v21;
	v44 =	vadd.f32 v51, v39;
	v47 =	vld.idx.msk [tilespmem:v45+s29+$0x0], $0xffff  }
0x5c3: {  	vm3 =	vnez.u8 v48;
	v49 =	vmul.f32 $1.442695020e+00, v42;
	(erf) = vpow2.f32 v62  }
0x5c4: {  	v23 =	vadd.f32 v52, v44;
	v21 =	vsel vm3, v24, v21;
	v50 =	vld.idx.msk [tilespmem:v46+s29+$0x0], $0xffff  }
0x5c5: {  	v21 =	vsel vm4, v25, v21;
	v51 =	vmul.f32 $1.442695020e+00, v60;
	(erf) = vpow2.f32 v49  }
0x5c6: {  	v23 =	vadd.f32 v53, v23;
	v53 =	vand.u32 $0xFFFFFF80, v20;
	v20 =	vadd.s32 $0xFFFE7A00, v20  }
0x5c7: {  	v21 =	vsel vm5, v26, v21;
	(erf) = vpow2.f32 v51;
	v52 =	vmul.f32 $1.442695020e+00, v47  }
0x5c8: {  	v21 =	vsel vm6, v27, v21;
	v23 =	vadd.f32 v54, v23;
	vm6 =	veq.s32 v53, $0x18600  }
0x5c9: {  	v20 =	vsel vm6, v20, v19;
	v55 =	vmul.f32 $1.442695020e+00, v50;
	(erf) = vpow2.f32 v52  }
0x5ca: {  	v21 =	vsel vm7, v28, v21;
	v56 =	vshll.u32 v20, $0x3;
	v20 =	vand.u32 $0x7F, v20;
	v54 =	vpop (erf)  }
0x5cb: {  	v57 =	vand.u32 $0xFFFFFC00, v56;
	(erf) = vpow2.f32 v55;
	v23 =	vadd.f32 v54, v23  }
0x5cc: {  	v21 =	vsel vm8, v29, v21;
	v20 =	vor.u32 v20, v57;
	v58 =	vpop (erf)  }
0x5cd: {  	v21 =	vsel vm9, v30, v21;
	v20 =	vadd.s32 v18, v20;
	v59 =	vadd.f32 v58, v23  }
0x5ce: {  	v21 =	vsel vm10, v31, v21;
	v60 =	vpop (erf)  }
0x5cf: {  	v21 =	vsel vm11, v32, v21;
	v22 =	vadd.f32 v60, v59  }
0x5d0: {  	v21 =	vsel vm12, v33, v21;
	v61 =	vpop (erf)  }
0x5d1: {  	v21 =	vsel vm13, v34, v21;
	v22 =	vadd.f32 v61, v22  }
0x5d2: {  	v21 =	vsel vm14, v35, v21;
	v20 =	vld.idx.msk [tilespmem:v20+s29+$0x0], $0xffff;
	v62 =	vpop (erf)  }
0x5d3: {  	v21 =	vsel vm15, v36, v21;
	v22 =	vadd.f32 v62, v22  }
0x5d4: {  	v21 =	vsel vm0, v37, v21;
	v63 =	vpop (erf)  }
0x5d5: {  	v21 =	vsel vm1, v38, v21;
	v22 =	vadd.f32 v63, v22  }
0x5d6: {  	s23 =	simm.s32 $0x18A80;
	v21 =	vsel vm2, v40, v21  }
0x5d7: {  	s24 =	simm.s32 $0x19280;
	v20 =	vsel vm6, v20, v21;
	[tilespmem:v17+s23+$0x0] =	vst.idx.msk $0xffff, v22  }
0x5d8: {  	s6 =	rddreg [dreg:$0x6];
	[tilespmem:v17+s24+$0x0] =	vst.idx.msk $0xffff, v20  }
0x5d9: {  	[hbm4b:s6+s2] =	stream.linear.scatter [tilespmem:s23], [sflag:$0x2], $0x800, $0x38;
	[tilespmem:$0x19A80] =	vst v63  }
0x5da: {  	_ =	swait.ge [sflag:s31], $0x800  }
0x5db: {  	[sflag:s31] =	ssyncset.done $0x0  }
0x5dc: {  	s23 =	rddreg [dreg:$0x7];
	[sflag:s31] =	ssyncadd.s32 $0xFFFFF800  }
0x5dd: {  	[hbm4b:s23+s2] =	stream.linear.scatter [tilespmem:s24], [sflag:$0x2], $0x800, $0x38;
	[tilespmem:$0x19A80] =	vst v63  }
0x5de: {  	_ =	swait.ge [sflag:s31], $0x800  }
0x5df: {  	s5 =	sadd.s32 $0x1, s5;
	s25 =	rddreg [dreg:$0x8]  }
0x5e0: {  	p0 =	sne.s32 s5, s25  }
.Ltmp19:
0x5e1: {  	_ = 	snop;
	(pc) =	sbr.rel @p0 .LBB2_1-.Ltmp19, $3  }
0x5e2: {  	_ =	sdelay $0x1  }
0x5e3: {  	[sflag:s31] =	ssyncset.done $0x0  }
0x5e4: {  	[sflag:s31] =	ssyncadd.s32 $0xFFFFF800  }
0x5e5: {  	_ =	sfence.sel $0x180000  }
0x5e6: {  	[bflag:$0x0] =	sbarrier.arrive $0xFFFF  }
0x5e7: {  	_ =	strace $0x90000047  }
0x5e8: {  	s0 =	stileid.u32;
	[bflag:$0x2] =	sbarrier.arrive $0xFFFF  }
0x5e9: {  	p0 =	sne.s32 s0, $0x0;
	s0 =	rddreg [dreg:$0x2]  }
0x5ea: {  	s0 =	sadd.s32 @!p0 $0x100000, s0  }
0x5eb: {  	[sflag:s0] =	ssyncadd.tile.s32 @!p0 $0x1;
	_ =	shalt  }
.Lfunc_end2:
_tile_overlayer_lowered:
.L_overlay_start_2:
0x5ec: {  	(tag) =	ssettag $0x2  }
0x5ed: {  	s0 =	rddreg [dreg:$0x0];
	s2 =	stileid.u32  }
0x5ee: {  	s1 =	rddreg [dreg:$0x1];
	p0 =	sne.s32 s2, $0x0  }
0x5ef: {  	s3 =	rddreg [dreg:$0x2];
	[bflag:$0x3] =	sbarrier.arrive $0xFFFF;
	s2 =	simm.s32 @!p0 $0x1C02  }
0x5f0: {  	[timem:s3], [sflag:s2] =	dma.local @!p0 [hbm:s0], s1  }
0x5f1: {  	s0 =	simm.s32 @!p0 $0x2  }
0x5f2: {  	_ =	swait.ge @!p0 [sflag:s0], s1  }
0x5f3: {  	s1 =	ssub.s32 @!p0 $0x0, s1;
	[sflag:s0] =	ssyncset.done @!p0 $0x0  }
0x5f4: {  	[sflag:s0] =	ssyncadd.s32 @!p0 s1  }
0x5f5: {  	[bflag:$0x3] =	sbarrier.arrive $0xFFFF  }
0x5f6: {  	_ =	shalt  }

</sc_bundles>
